<compile_context>
chip_gen: v7x
topology: tpu7x:2x2x1
jax: 0.10.2.dev20260603
libtpu: 0.0.44.dev20260713+nightly
codegen_flags: <defaults>
</compile_context>

<pallas_src>
import functools

import jax
import jax.numpy as jnp
from jax import lax
from jax.experimental import pallas as pl
from jax.experimental.pallas import tpu as pltpu
from jax.experimental.pallas import tpu_sc as plsc

N = 10000
E = 320000
D_IN = 128
HID = 8
HEADS = 8
D_OUT = 64

NC = 2
NS = 16
LANES = 16
NW = NC * NS

CEDGE = 128
NCHUNK = E // CEDGE
NPAD = 10240
ROWS_PER_TILE = NPAD // NS

_f32 = jnp.float32
_i32 = jnp.int32


_GATHER_DNUMS = lax.GatherDimensionNumbers(
    offset_dims=(), collapsed_slice_dims=(0,), start_index_map=(0,))


def _vgather(v, idx):
    return lax.gather(v, idx.reshape(LANES, 1), _GATHER_DNUMS,
                      slice_sizes=(1,),
                      mode=lax.GatherScatterMode.PROMISE_IN_BOUNDS)


def _leaky(t):
    return jnp.maximum(t, 0.2 * t)


def _tc_prep1(x_ref, w1_ref, a1s_ref, a1d_ref, h_ref, nsrc_ref, ndst_ref):
    h = jnp.dot(x_ref[...], w1_ref[...], preferred_element_type=_f32)
    sel = (lax.broadcasted_iota(_i32, (HEADS * HID, HEADS), 0) // HID
           == lax.broadcasted_iota(_i32, (HEADS * HID, HEADS), 1)).astype(_f32)
    asrc = jnp.dot(h * a1s_ref[...], sel, preferred_element_type=_f32)
    adst = jnp.dot(h * a1d_ref[...], sel, preferred_element_type=_f32)
    amax = jnp.max(asrc, axis=0, keepdims=True)
    ub = _leaky(amax + adst)
    h_ref[...] = h
    nsrc_ref[...] = jnp.concatenate([asrc, jnp.zeros_like(asrc)], axis=1)
    ndst_ref[...] = jnp.concatenate([adst, ub], axis=1)


def _sc_edges1(ei_hbm, nsrc_hbm, ndst_hbm, h_hbm,
               da_out,
               src_v, dst_v, vs_v, vd_v, em_v, hr_v, da_s, sem0, sem1):
    c = lax.axis_index("c")
    s = lax.axis_index("s")
    w = s * NC + c

    @plsc.parallel_loop(0, CEDGE, unroll=8)
    def zero_body(i):
        for j in range(5):
            em_v[0, i, pl.ds(16 * j, 16)] = jnp.zeros((LANES,), _f32)

    base_r = s * ROWS_PER_TILE
    for r in range(5):
        pltpu.sync_copy(em_v.at[0], da_s.at[pl.ds(base_r + r * 128, 128)])
    plsc.subcore_barrier()

    lanes = lax.broadcasted_iota(_i32, (LANES,), 0)
    idx_ub = (lanes % HEADS) + HEADS
    idx_head_base = lax.shift_right_logical(lanes, 3)
    sems = (sem0, sem1)

    niter = (NCHUNK + NW - 1) // NW

    def fire(k, b):
        ch = k * NW + w

        @pl.when(ch < NCHUNK)
        def _():
            base = ch * CEDGE
            pltpu.sync_copy(ei_hbm.at[0, pl.ds(base, CEDGE)], src_v.at[b])
            pltpu.sync_copy(ei_hbm.at[1, pl.ds(base, CEDGE)], dst_v.at[b])
            pltpu.async_copy(nsrc_hbm.at[src_v.at[b]], vs_v.at[b], sems[b])
            pltpu.async_copy(ndst_hbm.at[dst_v.at[b]], vd_v.at[b], sems[b])
            pltpu.async_copy(h_hbm.at[src_v.at[b]], hr_v.at[b], sems[b])

    def consume(k, b):
        ch = k * NW + w

        @pl.when(ch < NCHUNK)
        def _():
            pltpu.make_async_copy(nsrc_hbm.at[src_v.at[b]], vs_v.at[b], sems[b]).wait()
            pltpu.make_async_copy(ndst_hbm.at[dst_v.at[b]], vd_v.at[b], sems[b]).wait()
            pltpu.make_async_copy(h_hbm.at[src_v.at[b]], hr_v.at[b], sems[b]).wait()

            @plsc.parallel_loop(0, CEDGE, unroll=4)
            def edge_body(e):
                vs = vs_v[b, e, :]
                vd = vd_v[b, e, :]
                t = vs + vd
                el = _leaky(t)
                ub = _vgather(vd, idx_ub)
                exv = jnp.exp(el - ub)
                em_v[b, e, pl.ds(0, 16)] = exv
                for j in range(4):
                    hv = hr_v[b, e, pl.ds(16 * j, 16)]
                    pat = _vgather(exv, 2 * j + idx_head_base)
                    em_v[b, e, pl.ds(16 + 16 * j, 16)] = hv * pat

            pltpu.sync_copy(em_v.at[b], da_s.at[dst_v.at[b]], add=True)

    fire(0, 0)

    def pair_body(p, carry):
        k0 = 2 * p
        fire(k0 + 1, 1)
        consume(k0, 0)
        fire(k0 + 2, 0)
        consume(k0 + 1, 1)
        return carry

    lax.fori_loop(0, (niter + 1) // 2, pair_body, 0)
    plsc.subcore_barrier()

    pltpu.sync_copy(da_s.at[pl.ds(base_r, ROWS_PER_TILE)],
                    da_out.at[c, pl.ds(base_r, ROWS_PER_TILE)])


def _tc_mid(da_ref, h_ref, nsrc_ref, ndst_ref, b1_ref, w2_ref,
            a2s_ref, a2d_ref, h2ex_ref, nd2_ref):
    nsrc = nsrc_ref[...]
    ndst = ndst_ref[...]
    asrc = nsrc[:, :HEADS]
    adst = ndst[:, :HEADS]
    ub = ndst[:, HEADS:]
    ex_self = jnp.exp(_leaky(asrc + adst) - ub)
    den = (da_ref[0, :N, :HEADS] + da_ref[1, :N, :HEADS]
           + ex_self)
    sel = (lax.broadcasted_iota(_i32, (HEADS, HEADS * HID), 0)
           == lax.broadcasted_iota(_i32, (HEADS, HEADS * HID), 1) // HID
           ).astype(_f32)
    ex_self_x = jnp.dot(ex_self, sel, preferred_element_type=_f32)
    den_x = jnp.dot(den, sel, preferred_element_type=_f32)
    h = h_ref[...]
    acc = da_ref[0, :N, 16:] + da_ref[1, :N, 16:] + h * ex_self_x
    h1 = acc / den_x + b1_ref[...]
    h1 = jnp.where(h1 > 0, h1, jnp.exp(jnp.minimum(h1, 0.0)) - 1.0)
    h2 = jnp.dot(h1, w2_ref[...], preferred_element_type=_f32)
    as2 = jnp.dot(h2, a2s_ref[...], preferred_element_type=_f32)
    ad2 = jnp.dot(h2, a2d_ref[...], preferred_element_type=_f32)
    m2 = jnp.max(as2, axis=0, keepdims=True)
    ub2 = _leaky(m2 + ad2)
    zpad = jnp.zeros((N, 15), _f32)
    h2ex_ref[...] = jnp.concatenate([h2, as2, zpad], axis=1)
    nd2_ref[...] = jnp.concatenate([ad2, ub2, zpad[:, :14]], axis=1)


def _sc_edges2(ei_hbm, h2ex_hbm, nd2_hbm,
               da_out,
               src_v, dst_v, hs_v, vd_v, em_v, da_s, sem0, sem1):
    c = lax.axis_index("c")
    s = lax.axis_index("s")
    w = s * NC + c

    @plsc.parallel_loop(0, CEDGE, unroll=8)
    def zero_body(i):
        for j in range(5):
            em_v[0, i, pl.ds(16 * j, 16)] = jnp.zeros((LANES,), _f32)

    base_r = s * ROWS_PER_TILE
    for r in range(5):
        pltpu.sync_copy(em_v.at[0], da_s.at[pl.ds(base_r + r * 128, 128)])
    plsc.subcore_barrier()

    lanes = lax.broadcasted_iota(_i32, (LANES,), 0)
    zeros16 = jnp.zeros((LANES,), _i32)
    ones16 = zeros16 + 1
    msk0 = lanes < 1
    sems = (sem0, sem1)

    niter = (NCHUNK + NW - 1) // NW

    def fire(k, b):
        ch = k * NW + w

        @pl.when(ch < NCHUNK)
        def _():
            base = ch * CEDGE
            pltpu.sync_copy(ei_hbm.at[0, pl.ds(base, CEDGE)], src_v.at[b])
            pltpu.sync_copy(ei_hbm.at[1, pl.ds(base, CEDGE)], dst_v.at[b])
            pltpu.async_copy(h2ex_hbm.at[src_v.at[b]], hs_v.at[b], sems[b])
            pltpu.async_copy(nd2_hbm.at[dst_v.at[b]], vd_v.at[b], sems[b])

    def consume(k, b):
        ch = k * NW + w

        @pl.when(ch < NCHUNK)
        def _():
            pltpu.make_async_copy(h2ex_hbm.at[src_v.at[b]], hs_v.at[b], sems[b]).wait()
            pltpu.make_async_copy(nd2_hbm.at[dst_v.at[b]], vd_v.at[b], sems[b]).wait()

            @plsc.parallel_loop(0, CEDGE, unroll=4)
            def edge_body(e):
                va = hs_v[b, e, pl.ds(64, 16)]
                vd = vd_v[b, e, :]
                t = _vgather(va, zeros16) + _vgather(vd, zeros16)
                el = _leaky(t)
                ubs = _vgather(vd, ones16)
                exs = jnp.exp(el - ubs)
                em_v[b, e, pl.ds(0, 16)] = jnp.where(msk0, exs, 0.0)
                for j in range(4):
                    em_v[b, e, pl.ds(16 + 16 * j, 16)] = hs_v[b, e, pl.ds(16 * j, 16)] * exs

            pltpu.sync_copy(em_v.at[b], da_s.at[dst_v.at[b]], add=True)

    fire(0, 0)

    def pair_body(p, carry):
        k0 = 2 * p
        fire(k0 + 1, 1)
        consume(k0, 0)
        fire(k0 + 2, 0)
        consume(k0 + 1, 1)
        return carry

    lax.fori_loop(0, (niter + 1) // 2, pair_body, 0)
    plsc.subcore_barrier()

    pltpu.sync_copy(da_s.at[pl.ds(base_r, ROWS_PER_TILE)],
                    da_out.at[c, pl.ds(base_r, ROWS_PER_TILE)])


def _tc_final(da_ref, h2ex_ref, nd2_ref, b2_ref, out_ref):
    h2ex = h2ex_ref[...]
    nd2 = nd2_ref[...]
    h2 = h2ex[:, :D_OUT]
    as2 = h2ex[:, D_OUT:D_OUT + 1]
    ad2 = nd2[:, :1]
    ub2 = nd2[:, 1:2]
    ex2 = jnp.exp(_leaky(as2 + ad2) - ub2)
    den = da_ref[0, :N, :1] + da_ref[1, :N, :1] + ex2
    acc = da_ref[0, :N, 16:] + da_ref[1, :N, 16:] + h2 * ex2
    o = acc / den + b2_ref[...]
    o = o - jnp.max(o, axis=1, keepdims=True)
    out_ref[...] = o - jnp.log(jnp.sum(jnp.exp(o), axis=1, keepdims=True))


_SC_MESH = plsc.VectorSubcoreMesh(core_axis_name="c", subcore_axis_name="s",
                                  num_cores=NC, num_subcores=NS)

_sc_layer1 = functools.partial(
    pl.kernel,
    out_type=jax.ShapeDtypeStruct((NC, NPAD, 80), _f32),
    mesh=_SC_MESH,
    compiler_params=pltpu.CompilerParams(use_tc_tiling_on_sc=False),
    scratch_types=[
        pltpu.VMEM((2, CEDGE), _i32),
        pltpu.VMEM((2, CEDGE), _i32),
        pltpu.VMEM((2, CEDGE, 16), _f32),
        pltpu.VMEM((2, CEDGE, 16), _f32),
        pltpu.VMEM((2, CEDGE, 80), _f32),
        pltpu.VMEM((2, CEDGE, 64), _f32),
        pltpu.VMEM_SHARED((NPAD, 80), _f32),
        pltpu.SemaphoreType.DMA,
        pltpu.SemaphoreType.DMA,
    ],
)(_sc_edges1)

_sc_layer2 = functools.partial(
    pl.kernel,
    out_type=jax.ShapeDtypeStruct((NC, NPAD, 80), _f32),
    mesh=_SC_MESH,
    compiler_params=pltpu.CompilerParams(use_tc_tiling_on_sc=False),
    scratch_types=[
        pltpu.VMEM((2, CEDGE), _i32),
        pltpu.VMEM((2, CEDGE), _i32),
        pltpu.VMEM((2, CEDGE, 80), _f32),
        pltpu.VMEM((2, CEDGE, 16), _f32),
        pltpu.VMEM((2, CEDGE, 80), _f32),
        pltpu.VMEM_SHARED((NPAD, 80), _f32),
        pltpu.SemaphoreType.DMA,
        pltpu.SemaphoreType.DMA,
    ],
)(_sc_edges2)


def kernel(x, edge_index, W1, att_src1, att_dst1, b1, W2, att_src2, att_dst2, b2):
    a1s = att_src1.reshape(1, HEADS * HID)
    a1d = att_dst1.reshape(1, HEADS * HID)
    a2s = att_src2.reshape(D_OUT, 1)
    a2d = att_dst2.reshape(D_OUT, 1)

    h, nsrc, ndst = pl.pallas_call(
        _tc_prep1,
        out_shape=[jax.ShapeDtypeStruct((N, HEADS * HID), _f32),
                   jax.ShapeDtypeStruct((N, 16), _f32),
                   jax.ShapeDtypeStruct((N, 16), _f32)],
    )(x, W1, a1s, a1d)

    da1 = _sc_layer1(edge_index, nsrc, ndst, h)

    h2ex, nd2 = pl.pallas_call(
        _tc_mid,
        out_shape=[jax.ShapeDtypeStruct((N, 80), _f32),
                   jax.ShapeDtypeStruct((N, 16), _f32)],
    )(da1, h, nsrc, ndst, b1.reshape(1, HEADS * HID), W2, a2s, a2d)

    da2 = _sc_layer2(edge_index, h2ex, nd2)

    out = pl.pallas_call(
        _tc_final,
        out_shape=jax.ShapeDtypeStruct((N, D_OUT), _f32),
    )(da2, h2ex, nd2, b2.reshape(1, D_OUT))
    return out

# --- scband reference (transcript-rebuilt; emitter-appended) ---
"""Pipeline reference for scband-gat-8916352106937 (READ-ONLY COPY).

The authoritative reference and input builder live on the scoring server;
editing this copy changes nothing except your own understanding.
"""

import jax, jax.numpy as jnp
import numpy as np

N = 10000
E = 320000
D_IN = 128
HID = 8
HEADS = 8
D_OUT = 64


def setup_inputs(seed: int = 0) -> dict:
    key = jax.random.key(seed)
    ks = jax.random.split(key, 12)
    x = jax.random.normal(ks[0], (N, D_IN), dtype=jnp.float32)
    edge_index = jax.random.randint(ks[1], (2, E), 0, N, dtype=jnp.int32)
    s1 = 1.0 / np.sqrt(D_IN)
    W1 = jax.random.normal(ks[2], (D_IN, HEADS * HID), dtype=jnp.float32) * s1
    att_src1 = jax.random.normal(ks[3], (HEADS, HID), dtype=jnp.float32) * 0.1
    att_dst1 = jax.random.normal(ks[4], (HEADS, HID), dtype=jnp.float32) * 0.1
    b1 = jnp.zeros((HEADS * HID,), dtype=jnp.float32)
    s2 = 1.0 / np.sqrt(HEADS * HID)
    W2 = jax.random.normal(ks[5], (HEADS * HID, D_OUT), dtype=jnp.float32) * s2
    att_src2 = jax.random.normal(ks[6], (1, D_OUT), dtype=jnp.float32) * 0.1
    att_dst2 = jax.random.normal(ks[7], (1, D_OUT), dtype=jnp.float32) * 0.1
    b2 = jnp.zeros((D_OUT,), dtype=jnp.float32)
    return {"x": x, "edge_index": edge_index, "W1": W1, "att_src1": att_src1,
            "att_dst1": att_dst1, "b1": b1, "W2": W2, "att_src2": att_src2,
            "att_dst2": att_dst2, "b2": b2}


def _gat_conv(x, edge_index, W, a_src, a_dst, b, heads, ch):
    # PyG-style GATConv with add_self_loops=True, concat heads, leaky_relu(0.2)
    n = x.shape[0]
    loops = jnp.arange(n, dtype=edge_index.dtype)
    src = jnp.concatenate([edge_index[0], loops])
    dst = jnp.concatenate([edge_index[1], loops])
    h = (x @ W).reshape(n, heads, ch)                      # [N, H, C]
    alpha_src = jnp.sum(h * a_src[None, :, :], axis=-1)    # [N, H]
    alpha_dst = jnp.sum(h * a_dst[None, :, :], axis=-1)    # [N, H]
    e = jax.nn.leaky_relu(alpha_src[src] + alpha_dst[dst], negative_slope=0.2)  # [Etot, H]
    e_max = jax.ops.segment_max(e, dst, num_segments=n)
    e_max = jax.lax.stop_gradient(jnp.where(jnp.isfinite(e_max), e_max, 0.0))
    ex = jnp.exp(e - e_max[dst])
    denom = jax.ops.segment_sum(ex, dst, num_segments=n)
    alpha = ex / (denom[dst] + 1e-16)                      # softmax over incoming edges
    msg = h[src] * alpha[:, :, None]                       # [Etot, H, C]
    out = jax.ops.segment_sum(msg, dst, num_segments=n)    # [N, H, C]
    return out.reshape(n, heads * ch) + b


def reference(x, edge_index, W1, att_src1, att_dst1, b1, W2, att_src2, att_dst2, b2):
    # dropout is inactive in eval mode -> identity
    h1 = jax.nn.elu(_gat_conv(x, edge_index, W1, att_src1, att_dst1, b1, HEADS, HID))
    out = _gat_conv(h1, edge_index, W2, att_src2, att_dst2, b2, 1, D_OUT)
    return jax.nn.log_softmax(out, axis=1)

if __name__ == "__main__":
    import jax
    _d = setup_inputs()
    print(jax.jit(kernel)(*tuple(_d.values())))

</pallas_src>

<mosaic_0001>
#map = affine_map<(d0, d1) -> (0, 0)>
#map1 = affine_map<(d0, d1) -> (0, 0, 0)>
module attributes {stable_mosaic.version = 14 : i64} {
  func.func @_sc_edges1(%arg0: i32, %arg1: i32, %arg2: memref<2x320000xi32, #tpu.memory_space<hbm>>, %arg3: memref<10000x16xf32, #tpu.memory_space<hbm>>, %arg4: memref<10000x16xf32, #tpu.memory_space<hbm>>, %arg5: memref<10000x64xf32, #tpu.memory_space<hbm>>, %arg6: memref<2x10240x80xf32, #tpu.memory_space<hbm>>, %arg7: memref<2x128xi32, #tpu.memory_space<vmem>>, %arg8: memref<2x128xi32, #tpu.memory_space<vmem>>, %arg9: memref<2x128x16xf32, #tpu.memory_space<vmem>>, %arg10: memref<2x128x16xf32, #tpu.memory_space<vmem>>, %arg11: memref<2x128x80xf32, #tpu.memory_space<vmem>>, %arg12: memref<2x128x64xf32, #tpu.memory_space<vmem>>, %arg13: memref<10240x80xf32, #tpu.memory_space<vmem_shared>>, %arg14: memref<!tpu.dma_semaphore, #tpu.memory_space<semaphore_mem>>, %arg15: memref<!tpu.dma_semaphore, #tpu.memory_space<semaphore_mem>>) attributes {dimension_semantics = [#tpu.dimension_semantics<core_parallel>, #tpu.dimension_semantics<subcore_parallel>], iteration_bounds = array<i64: 2, 16>, scalar_prefetch = 0 : i64, scratch_operands = 9 : i64, tpu.core_type = #tpu.core_type<sc_vector_subcore>, window_params = [{transform_indices = #map}, {transform_indices = #map}, {transform_indices = #map}, {transform_indices = #map}, {transform_indices = #map1}]} {
    %mul3A = arith.constant 2 : i32
    %mul3A_0 = arith.muli %arg1, %mul3A : i32
    %add3A = arith.addi %mul3A_0, %arg0 : i32
    %parallel_loop3A = arith.constant 0 : i32
    %parallel_loop3A_1 = arith.constant 128 : i32
    %parallel_loop3A_2 = arith.constant 1 : i32
    scf.for %parallel_loop3A_50 = %parallel_loop3A to %parallel_loop3A_1 step %parallel_loop3A_2  : i32 {
      %parallel_loop3A_51 = arith.constant 0.000000e+00 : f32
      %parallel_loop3A_52 = vector.broadcast %parallel_loop3A_51 : f32 to vector<16xf32>
      %parallel_loop3A_53 = arith.constant 0 : i32
      %parallel_loop3A_54 = arith.index_cast %parallel_loop3A_53 : i32 to index
      %parallel_loop3A_55 = arith.index_cast %parallel_loop3A_50 : i32 to index
      %parallel_loop3A_56 = arith.constant 0 : index
      %parallel_loop3A_57 = tpu.vector_load %arg11[%parallel_loop3A_54, %parallel_loop3A_55, %parallel_loop3A_56] {strides = array<i32>} : memref<2x128x80xf32, #tpu.memory_space<vmem>>, vector<1x1x16xf32>,
      %parallel_loop3A_58 = vector.shape_cast %parallel_loop3A_57 : vector<1x1x16xf32> to vector<16xf32>
      %parallel_loop3A_59 = vector.shape_cast %parallel_loop3A_52 : vector<16xf32> to vector<1x1x16xf32>
      tpu.vector_store %arg11[%parallel_loop3A_54, %parallel_loop3A_55, %parallel_loop3A_56], %parallel_loop3A_59 {strides = array<i32>} : memref<2x128x80xf32, #tpu.memory_space<vmem>>, vector<1x1x16xf32>,
      %parallel_loop3A_60 = arith.constant 0.000000e+00 : f32
      %parallel_loop3A_61 = vector.broadcast %parallel_loop3A_60 : f32 to vector<16xf32>
      %parallel_loop3A_62 = arith.constant 0 : i32
      %parallel_loop3A_63 = arith.index_cast %parallel_loop3A_62 : i32 to index
      %parallel_loop3A_64 = arith.index_cast %parallel_loop3A_50 : i32 to index
      %parallel_loop3A_65 = arith.constant 16 : index
      %parallel_loop3A_66 = tpu.vector_load %arg11[%parallel_loop3A_63, %parallel_loop3A_64, %parallel_loop3A_65] {strides = array<i32>} : memref<2x128x80xf32, #tpu.memory_space<vmem>>, vector<1x1x16xf32>,
      %parallel_loop3A_67 = vector.shape_cast %parallel_loop3A_66 : vector<1x1x16xf32> to vector<16xf32>
      %parallel_loop3A_68 = vector.shape_cast %parallel_loop3A_61 : vector<16xf32> to vector<1x1x16xf32>
      tpu.vector_store %arg11[%parallel_loop3A_63, %parallel_loop3A_64, %parallel_loop3A_65], %parallel_loop3A_68 {strides = array<i32>} : memref<2x128x80xf32, #tpu.memory_space<vmem>>, vector<1x1x16xf32>,
      %parallel_loop3A_69 = arith.constant 0.000000e+00 : f32
      %parallel_loop3A_70 = vector.broadcast %parallel_loop3A_69 : f32 to vector<16xf32>
      %parallel_loop3A_71 = arith.constant 0 : i32
      %parallel_loop3A_72 = arith.index_cast %parallel_loop3A_71 : i32 to index
      %parallel_loop3A_73 = arith.index_cast %parallel_loop3A_50 : i32 to index
      %parallel_loop3A_74 = arith.constant 32 : index
      %parallel_loop3A_75 = tpu.vector_load %arg11[%parallel_loop3A_72, %parallel_loop3A_73, %parallel_loop3A_74] {strides = array<i32>} : memref<2x128x80xf32, #tpu.memory_space<vmem>>, vector<1x1x16xf32>,
      %parallel_loop3A_76 = vector.shape_cast %parallel_loop3A_75 : vector<1x1x16xf32> to vector<16xf32>
      %parallel_loop3A_77 = vector.shape_cast %parallel_loop3A_70 : vector<16xf32> to vector<1x1x16xf32>
      tpu.vector_store %arg11[%parallel_loop3A_72, %parallel_loop3A_73, %parallel_loop3A_74], %parallel_loop3A_77 {strides = array<i32>} : memref<2x128x80xf32, #tpu.memory_space<vmem>>, vector<1x1x16xf32>,
      %parallel_loop3A_78 = arith.constant 0.000000e+00 : f32
      %parallel_loop3A_79 = vector.broadcast %parallel_loop3A_78 : f32 to vector<16xf32>
      %parallel_loop3A_80 = arith.constant 0 : i32
      %parallel_loop3A_81 = arith.index_cast %parallel_loop3A_80 : i32 to index
      %parallel_loop3A_82 = arith.index_cast %parallel_loop3A_50 : i32 to index
      %parallel_loop3A_83 = arith.constant 48 : index
      %parallel_loop3A_84 = tpu.vector_load %arg11[%parallel_loop3A_81, %parallel_loop3A_82, %parallel_loop3A_83] {strides = array<i32>} : memref<2x128x80xf32, #tpu.memory_space<vmem>>, vector<1x1x16xf32>,
      %parallel_loop3A_85 = vector.shape_cast %parallel_loop3A_84 : vector<1x1x16xf32> to vector<16xf32>
      %parallel_loop3A_86 = vector.shape_cast %parallel_loop3A_79 : vector<16xf32> to vector<1x1x16xf32>
      tpu.vector_store %arg11[%parallel_loop3A_81, %parallel_loop3A_82, %parallel_loop3A_83], %parallel_loop3A_86 {strides = array<i32>} : memref<2x128x80xf32, #tpu.memory_space<vmem>>, vector<1x1x16xf32>,
      %parallel_loop3A_87 = arith.constant 0.000000e+00 : f32
      %parallel_loop3A_88 = vector.broadcast %parallel_loop3A_87 : f32 to vector<16xf32>
      %parallel_loop3A_89 = arith.constant 0 : i32
      %parallel_loop3A_90 = arith.index_cast %parallel_loop3A_89 : i32 to index
      %parallel_loop3A_91 = arith.index_cast %parallel_loop3A_50 : i32 to index
      %parallel_loop3A_92 = arith.constant 64 : index
      %parallel_loop3A_93 = tpu.vector_load %arg11[%parallel_loop3A_90, %parallel_loop3A_91, %parallel_loop3A_92] {strides = array<i32>} : memref<2x128x80xf32, #tpu.memory_space<vmem>>, vector<1x1x16xf32>,
      %parallel_loop3A_94 = vector.shape_cast %parallel_loop3A_93 : vector<1x1x16xf32> to vector<16xf32>
      %parallel_loop3A_95 = vector.shape_cast %parallel_loop3A_88 : vector<16xf32> to vector<1x1x16xf32>
      tpu.vector_store %arg11[%parallel_loop3A_90, %parallel_loop3A_91, %parallel_loop3A_92], %parallel_loop3A_95 {strides = array<i32>} : memref<2x128x80xf32, #tpu.memory_space<vmem>>, vector<1x1x16xf32>,
    } {sc.loop_unroll_factor = 8 : i64, sc.parallel_access}
    %mul3A_3 = arith.constant 640 : i32
    %mul3A_4 = arith.muli %arg1, %mul3A_3 : i32
    %add3A_5 = arith.constant 0 : i32
    %add3A_6 = arith.addi %mul3A_4, %add3A_5 : i32
    %run_scoped3A = arith.constant 0 : i32
    "tpu.region"() ({
      %run_scoped3A_50 = tpu.sem_alloc : memref<!tpu.dma_semaphore, #tpu.memory_space<semaphore_mem>>
      %dma_start3A = arith.constant 0 : i32
      %dma_start3A_51 = arith.constant 0 : i32
      %dma_start3A_52 = tpu.memref_slice %arg11[%run_scoped3A, %dma_start3A, %dma_start3A_51] : memref<2x128x80xf32, #tpu.memory_space<vmem>> -> memref<1x128x80xf32, #tpu.memory_space<vmem>>
      %dma_start3A_53 = tpu.memref_squeeze %dma_start3A_52 : memref<1x128x80xf32, #tpu.memory_space<vmem>> -> memref<128x80xf32, #tpu.memory_space<vmem>>
      %dma_start3A_54 = arith.constant 0 : i32
      %dma_start3A_55 = tpu.memref_slice %arg13[%add3A_6, %dma_start3A_54] : memref<10240x80xf32, #tpu.memory_space<vmem_shared>> -> memref<128x80xf32, #tpu.memory_space<vmem_shared>>
      %dma_start3A_56 = arith.constant 0 : i32
      %dma_start3A_57 = tpu.memref_slice %arg13[%add3A_6, %dma_start3A_56] : memref<10240x80xf32, #tpu.memory_space<vmem_shared>> -> memref<128x80xf32, #tpu.memory_space<vmem_shared>>
      %dma_start3A_58 = arith.constant 0 : i32
      %dma_start3A_59 = arith.constant 0 : i32
      %dma_start3A_60 = tpu.memref_slice %arg11[%run_scoped3A, %dma_start3A_58, %dma_start3A_59] : memref<2x128x80xf32, #tpu.memory_space<vmem>> -> memref<1x128x80xf32, #tpu.memory_space<vmem>>
      %dma_start3A_61 = tpu.memref_squeeze %dma_start3A_60 : memref<1x128x80xf32, #tpu.memory_space<vmem>> -> memref<128x80xf32, #tpu.memory_space<vmem>>
      tpu.enqueue_dma source(%dma_start3A_61 : memref<128x80xf32, #tpu.memory_space<vmem>>) target(%dma_start3A_57 : memref<128x80xf32, #tpu.memory_space<vmem_shared>>) target_semaphore(%run_scoped3A_50 : memref<!tpu.dma_semaphore, #tpu.memory_space<semaphore_mem>>)
      %dma_wait3A = arith.constant 0 : i32
      %dma_wait3A_62 = arith.constant 0 : i32
      %dma_wait3A_63 = tpu.memref_slice %arg11[%run_scoped3A, %dma_wait3A, %dma_wait3A_62] : memref<2x128x80xf32, #tpu.memory_space<vmem>> -> memref<1x128x80xf32, #tpu.memory_space<vmem>>
      %dma_wait3A_64 = tpu.memref_squeeze %dma_wait3A_63 : memref<1x128x80xf32, #tpu.memory_space<vmem>> -> memref<128x80xf32, #tpu.memory_space<vmem>>
      %dma_wait3A_65 = arith.constant 0 : i32
      %dma_wait3A_66 = tpu.memref_slice %arg13[%add3A_6, %dma_wait3A_65] : memref<10240x80xf32, #tpu.memory_space<vmem_shared>> -> memref<128x80xf32, #tpu.memory_space<vmem_shared>>
      %dma_wait3A_67 = arith.constant 0 : i32
      %dma_wait3A_68 = tpu.memref_slice %arg13[%add3A_6, %dma_wait3A_67] : memref<10240x80xf32, #tpu.memory_space<vmem_shared>> -> memref<128x80xf32, #tpu.memory_space<vmem_shared>>
      %dma_wait3A_69 = arith.constant 0 : i32
      %dma_wait3A_70 = arith.constant 0 : i32
      %dma_wait3A_71 = tpu.memref_slice %arg11[%run_scoped3A, %dma_wait3A_69, %dma_wait3A_70] : memref<2x128x80xf32, #tpu.memory_space<vmem>> -> memref<1x128x80xf32, #tpu.memory_space<vmem>>
      %dma_wait3A_72 = tpu.memref_squeeze %dma_wait3A_71 : memref<1x128x80xf32, #tpu.memory_space<vmem>> -> memref<128x80xf32, #tpu.memory_space<vmem>>
      tpu.wait_dma2 semaphore(%run_scoped3A_50 : memref<!tpu.dma_semaphore, #tpu.memory_space<semaphore_mem>>) src(%dma_wait3A_72 : memref<128x80xf32, #tpu.memory_space<vmem>>) dst(%dma_wait3A_68 : memref<128x80xf32, #tpu.memory_space<vmem_shared>>)
      tpu.yield
    }) : () -> ()
    %add3A_7 = arith.constant 128 : i32
    %add3A_8 = arith.addi %mul3A_4, %add3A_7 : i32
    %run_scoped3A_9 = arith.constant 0 : i32
    "tpu.region"() ({
      %run_scoped3A_50 = tpu.sem_alloc : memref<!tpu.dma_semaphore, #tpu.memory_space<semaphore_mem>>
      %dma_start3A = arith.constant 0 : i32
      %dma_start3A_51 = arith.constant 0 : i32
      %dma_start3A_52 = tpu.memref_slice %arg11[%run_scoped3A_9, %dma_start3A, %dma_start3A_51] : memref<2x128x80xf32, #tpu.memory_space<vmem>> -> memref<1x128x80xf32, #tpu.memory_space<vmem>>
      %dma_start3A_53 = tpu.memref_squeeze %dma_start3A_52 : memref<1x128x80xf32, #tpu.memory_space<vmem>> -> memref<128x80xf32, #tpu.memory_space<vmem>>
      %dma_start3A_54 = arith.constant 0 : i32
      %dma_start3A_55 = tpu.memref_slice %arg13[%add3A_8, %dma_start3A_54] : memref<10240x80xf32, #tpu.memory_space<vmem_shared>> -> memref<128x80xf32, #tpu.memory_space<vmem_shared>>
      %dma_start3A_56 = arith.constant 0 : i32
      %dma_start3A_57 = tpu.memref_slice %arg13[%add3A_8, %dma_start3A_56] : memref<10240x80xf32, #tpu.memory_space<vmem_shared>> -> memref<128x80xf32, #tpu.memory_space<vmem_shared>>
      %dma_start3A_58 = arith.constant 0 : i32
      %dma_start3A_59 = arith.constant 0 : i32
      %dma_start3A_60 = tpu.memref_slice %arg11[%run_scoped3A_9, %dma_start3A_58, %dma_start3A_59] : memref<2x128x80xf32, #tpu.memory_space<vmem>> -> memref<1x128x80xf32, #tpu.memory_space<vmem>>
      %dma_start3A_61 = tpu.memref_squeeze %dma_start3A_60 : memref<1x128x80xf32, #tpu.memory_space<vmem>> -> memref<128x80xf32, #tpu.memory_space<vmem>>
      tpu.enqueue_dma source(%dma_start3A_61 : memref<128x80xf32, #tpu.memory_space<vmem>>) target(%dma_start3A_57 : memref<128x80xf32, #tpu.memory_space<vmem_shared>>) target_semaphore(%run_scoped3A_50 : memref<!tpu.dma_semaphore, #tpu.memory_space<semaphore_mem>>)
      %dma_wait3A = arith.constant 0 : i32
      %dma_wait3A_62 = arith.constant 0 : i32
      %dma_wait3A_63 = tpu.memref_slice %arg11[%run_scoped3A_9, %dma_wait3A, %dma_wait3A_62] : memref<2x128x80xf32, #tpu.memory_space<vmem>> -> memref<1x128x80xf32, #tpu.memory_space<vmem>>
      %dma_wait3A_64 = tpu.memref_squeeze %dma_wait3A_63 : memref<1x128x80xf32, #tpu.memory_space<vmem>> -> memref<128x80xf32, #tpu.memory_space<vmem>>
      %dma_wait3A_65 = arith.constant 0 : i32
      %dma_wait3A_66 = tpu.memref_slice %arg13[%add3A_8, %dma_wait3A_65] : memref<10240x80xf32, #tpu.memory_space<vmem_shared>> -> memref<128x80xf32, #tpu.memory_space<vmem_shared>>
      %dma_wait3A_67 = arith.constant 0 : i32
      %dma_wait3A_68 = tpu.memref_slice %arg13[%add3A_8, %dma_wait3A_67] : memref<10240x80xf32, #tpu.memory_space<vmem_shared>> -> memref<128x80xf32, #tpu.memory_space<vmem_shared>>
      %dma_wait3A_69 = arith.constant 0 : i32
      %dma_wait3A_70 = arith.constant 0 : i32
      %dma_wait3A_71 = tpu.memref_slice %arg11[%run_scoped3A_9, %dma_wait3A_69, %dma_wait3A_70] : memref<2x128x80xf32, #tpu.memory_space<vmem>> -> memref<1x128x80xf32, #tpu.memory_space<vmem>>
      %dma_wait3A_72 = tpu.memref_squeeze %dma_wait3A_71 : memref<1x128x80xf32, #tpu.memory_space<vmem>> -> memref<128x80xf32, #tpu.memory_space<vmem>>
      tpu.wait_dma2 semaphore(%run_scoped3A_50 : memref<!tpu.dma_semaphore, #tpu.memory_space<semaphore_mem>>) src(%dma_wait3A_72 : memref<128x80xf32, #tpu.memory_space<vmem>>) dst(%dma_wait3A_68 : memref<128x80xf32, #tpu.memory_space<vmem_shared>>)
      tpu.yield
    }) : () -> ()
    %add3A_10 = arith.constant 256 : i32
    %add3A_11 = arith.addi %mul3A_4, %add3A_10 : i32
    %run_scoped3A_12 = arith.constant 0 : i32
    "tpu.region"() ({
      %run_scoped3A_50 = tpu.sem_alloc : memref<!tpu.dma_semaphore, #tpu.memory_space<semaphore_mem>>
      %dma_start3A = arith.constant 0 : i32
      %dma_start3A_51 = arith.constant 0 : i32
      %dma_start3A_52 = tpu.memref_slice %arg11[%run_scoped3A_12, %dma_start3A, %dma_start3A_51] : memref<2x128x80xf32, #tpu.memory_space<vmem>> -> memref<1x128x80xf32, #tpu.memory_space<vmem>>
      %dma_start3A_53 = tpu.memref_squeeze %dma_start3A_52 : memref<1x128x80xf32, #tpu.memory_space<vmem>> -> memref<128x80xf32, #tpu.memory_space<vmem>>
      %dma_start3A_54 = arith.constant 0 : i32
      %dma_start3A_55 = tpu.memref_slice %arg13[%add3A_11, %dma_start3A_54] : memref<10240x80xf32, #tpu.memory_space<vmem_shared>> -> memref<128x80xf32, #tpu.memory_space<vmem_shared>>
      %dma_start3A_56 = arith.constant 0 : i32
      %dma_start3A_57 = tpu.memref_slice %arg13[%add3A_11, %dma_start3A_56] : memref<10240x80xf32, #tpu.memory_space<vmem_shared>> -> memref<128x80xf32, #tpu.memory_space<vmem_shared>>
      %dma_start3A_58 = arith.constant 0 : i32
      %dma_start3A_59 = arith.constant 0 : i32
      %dma_start3A_60 = tpu.memref_slice %arg11[%run_scoped3A_12, %dma_start3A_58, %dma_start3A_59] : memref<2x128x80xf32, #tpu.memory_space<vmem>> -> memref<1x128x80xf32, #tpu.memory_space<vmem>>
      %dma_start3A_61 = tpu.memref_squeeze %dma_start3A_60 : memref<1x128x80xf32, #tpu.memory_space<vmem>> -> memref<128x80xf32, #tpu.memory_space<vmem>>
      tpu.enqueue_dma source(%dma_start3A_61 : memref<128x80xf32, #tpu.memory_space<vmem>>) target(%dma_start3A_57 : memref<128x80xf32, #tpu.memory_space<vmem_shared>>) target_semaphore(%run_scoped3A_50 : memref<!tpu.dma_semaphore, #tpu.memory_space<semaphore_mem>>)
      %dma_wait3A = arith.constant 0 : i32
      %dma_wait3A_62 = arith.constant 0 : i32
      %dma_wait3A_63 = tpu.memref_slice %arg11[%run_scoped3A_12, %dma_wait3A, %dma_wait3A_62] : memref<2x128x80xf32, #tpu.memory_space<vmem>> -> memref<1x128x80xf32, #tpu.memory_space<vmem>>
      %dma_wait3A_64 = tpu.memref_squeeze %dma_wait3A_63 : memref<1x128x80xf32, #tpu.memory_space<vmem>> -> memref<128x80xf32, #tpu.memory_space<vmem>>
      %dma_wait3A_65 = arith.constant 0 : i32
      %dma_wait3A_66 = tpu.memref_slice %arg13[%add3A_11, %dma_wait3A_65] : memref<10240x80xf32, #tpu.memory_space<vmem_shared>> -> memref<128x80xf32, #tpu.memory_space<vmem_shared>>
      %dma_wait3A_67 = arith.constant 0 : i32
      %dma_wait3A_68 = tpu.memref_slice %arg13[%add3A_11, %dma_wait3A_67] : memref<10240x80xf32, #tpu.memory_space<vmem_shared>> -> memref<128x80xf32, #tpu.memory_space<vmem_shared>>
      %dma_wait3A_69 = arith.constant 0 : i32
      %dma_wait3A_70 = arith.constant 0 : i32
      %dma_wait3A_71 = tpu.memref_slice %arg11[%run_scoped3A_12, %dma_wait3A_69, %dma_wait3A_70] : memref<2x128x80xf32, #tpu.memory_space<vmem>> -> memref<1x128x80xf32, #tpu.memory_space<vmem>>
      %dma_wait3A_72 = tpu.memref_squeeze %dma_wait3A_71 : memref<1x128x80xf32, #tpu.memory_space<vmem>> -> memref<128x80xf32, #tpu.memory_space<vmem>>
      tpu.wait_dma2 semaphore(%run_scoped3A_50 : memref<!tpu.dma_semaphore, #tpu.memory_space<semaphore_mem>>) src(%dma_wait3A_72 : memref<128x80xf32, #tpu.memory_space<vmem>>) dst(%dma_wait3A_68 : memref<128x80xf32, #tpu.memory_space<vmem_shared>>)
      tpu.yield
    }) : () -> ()
    %add3A_13 = arith.constant 384 : i32
    %add3A_14 = arith.addi %mul3A_4, %add3A_13 : i32
    %run_scoped3A_15 = arith.constant 0 : i32
    "tpu.region"() ({
      %run_scoped3A_50 = tpu.sem_alloc : memref<!tpu.dma_semaphore, #tpu.memory_space<semaphore_mem>>
      %dma_start3A = arith.constant 0 : i32
      %dma_start3A_51 = arith.constant 0 : i32
      %dma_start3A_52 = tpu.memref_slice %arg11[%run_scoped3A_15, %dma_start3A, %dma_start3A_51] : memref<2x128x80xf32, #tpu.memory_space<vmem>> -> memref<1x128x80xf32, #tpu.memory_space<vmem>>
      %dma_start3A_53 = tpu.memref_squeeze %dma_start3A_52 : memref<1x128x80xf32, #tpu.memory_space<vmem>> -> memref<128x80xf32, #tpu.memory_space<vmem>>
      %dma_start3A_54 = arith.constant 0 : i32
      %dma_start3A_55 = tpu.memref_slice %arg13[%add3A_14, %dma_start3A_54] : memref<10240x80xf32, #tpu.memory_space<vmem_shared>> -> memref<128x80xf32, #tpu.memory_space<vmem_shared>>
      %dma_start3A_56 = arith.constant 0 : i32
      %dma_start3A_57 = tpu.memref_slice %arg13[%add3A_14, %dma_start3A_56] : memref<10240x80xf32, #tpu.memory_space<vmem_shared>> -> memref<128x80xf32, #tpu.memory_space<vmem_shared>>
      %dma_start3A_58 = arith.constant 0 : i32
      %dma_start3A_59 = arith.constant 0 : i32
      %dma_start3A_60 = tpu.memref_slice %arg11[%run_scoped3A_15, %dma_start3A_58, %dma_start3A_59] : memref<2x128x80xf32, #tpu.memory_space<vmem>> -> memref<1x128x80xf32, #tpu.memory_space<vmem>>
      %dma_start3A_61 = tpu.memref_squeeze %dma_start3A_60 : memref<1x128x80xf32, #tpu.memory_space<vmem>> -> memref<128x80xf32, #tpu.memory_space<vmem>>
      tpu.enqueue_dma source(%dma_start3A_61 : memref<128x80xf32, #tpu.memory_space<vmem>>) target(%dma_start3A_57 : memref<128x80xf32, #tpu.memory_space<vmem_shared>>) target_semaphore(%run_scoped3A_50 : memref<!tpu.dma_semaphore, #tpu.memory_space<semaphore_mem>>)
      %dma_wait3A = arith.constant 0 : i32
      %dma_wait3A_62 = arith.constant 0 : i32
      %dma_wait3A_63 = tpu.memref_slice %arg11[%run_scoped3A_15, %dma_wait3A, %dma_wait3A_62] : memref<2x128x80xf32, #tpu.memory_space<vmem>> -> memref<1x128x80xf32, #tpu.memory_space<vmem>>
      %dma_wait3A_64 = tpu.memref_squeeze %dma_wait3A_63 : memref<1x128x80xf32, #tpu.memory_space<vmem>> -> memref<128x80xf32, #tpu.memory_space<vmem>>
      %dma_wait3A_65 = arith.constant 0 : i32
      %dma_wait3A_66 = tpu.memref_slice %arg13[%add3A_14, %dma_wait3A_65] : memref<10240x80xf32, #tpu.memory_space<vmem_shared>> -> memref<128x80xf32, #tpu.memory_space<vmem_shared>>
      %dma_wait3A_67 = arith.constant 0 : i32
      %dma_wait3A_68 = tpu.memref_slice %arg13[%add3A_14, %dma_wait3A_67] : memref<10240x80xf32, #tpu.memory_space<vmem_shared>> -> memref<128x80xf32, #tpu.memory_space<vmem_shared>>
      %dma_wait3A_69 = arith.constant 0 : i32
      %dma_wait3A_70 = arith.constant 0 : i32
      %dma_wait3A_71 = tpu.memref_slice %arg11[%run_scoped3A_15, %dma_wait3A_69, %dma_wait3A_70] : memref<2x128x80xf32, #tpu.memory_space<vmem>> -> memref<1x128x80xf32, #tpu.memory_space<vmem>>
      %dma_wait3A_72 = tpu.memref_squeeze %dma_wait3A_71 : memref<1x128x80xf32, #tpu.memory_space<vmem>> -> memref<128x80xf32, #tpu.memory_space<vmem>>
      tpu.wait_dma2 semaphore(%run_scoped3A_50 : memref<!tpu.dma_semaphore, #tpu.memory_space<semaphore_mem>>) src(%dma_wait3A_72 : memref<128x80xf32, #tpu.memory_space<vmem>>) dst(%dma_wait3A_68 : memref<128x80xf32, #tpu.memory_space<vmem_shared>>)
      tpu.yield
    }) : () -> ()
    %add3A_16 = arith.constant 512 : i32
    %add3A_17 = arith.addi %mul3A_4, %add3A_16 : i32
    %run_scoped3A_18 = arith.constant 0 : i32
    "tpu.region"() ({
      %run_scoped3A_50 = tpu.sem_alloc : memref<!tpu.dma_semaphore, #tpu.memory_space<semaphore_mem>>
      %dma_start3A = arith.constant 0 : i32
      %dma_start3A_51 = arith.constant 0 : i32
      %dma_start3A_52 = tpu.memref_slice %arg11[%run_scoped3A_18, %dma_start3A, %dma_start3A_51] : memref<2x128x80xf32, #tpu.memory_space<vmem>> -> memref<1x128x80xf32, #tpu.memory_space<vmem>>
      %dma_start3A_53 = tpu.memref_squeeze %dma_start3A_52 : memref<1x128x80xf32, #tpu.memory_space<vmem>> -> memref<128x80xf32, #tpu.memory_space<vmem>>
      %dma_start3A_54 = arith.constant 0 : i32
      %dma_start3A_55 = tpu.memref_slice %arg13[%add3A_17, %dma_start3A_54] : memref<10240x80xf32, #tpu.memory_space<vmem_shared>> -> memref<128x80xf32, #tpu.memory_space<vmem_shared>>
      %dma_start3A_56 = arith.constant 0 : i32
      %dma_start3A_57 = tpu.memref_slice %arg13[%add3A_17, %dma_start3A_56] : memref<10240x80xf32, #tpu.memory_space<vmem_shared>> -> memref<128x80xf32, #tpu.memory_space<vmem_shared>>
      %dma_start3A_58 = arith.constant 0 : i32
      %dma_start3A_59 = arith.constant 0 : i32
      %dma_start3A_60 = tpu.memref_slice %arg11[%run_scoped3A_18, %dma_start3A_58, %dma_start3A_59] : memref<2x128x80xf32, #tpu.memory_space<vmem>> -> memref<1x128x80xf32, #tpu.memory_space<vmem>>
      %dma_start3A_61 = tpu.memref_squeeze %dma_start3A_60 : memref<1x128x80xf32, #tpu.memory_space<vmem>> -> memref<128x80xf32, #tpu.memory_space<vmem>>
      tpu.enqueue_dma source(%dma_start3A_61 : memref<128x80xf32, #tpu.memory_space<vmem>>) target(%dma_start3A_57 : memref<128x80xf32, #tpu.memory_space<vmem_shared>>) target_semaphore(%run_scoped3A_50 : memref<!tpu.dma_semaphore, #tpu.memory_space<semaphore_mem>>)
      %dma_wait3A = arith.constant 0 : i32
      %dma_wait3A_62 = arith.constant 0 : i32
      %dma_wait3A_63 = tpu.memref_slice %arg11[%run_scoped3A_18, %dma_wait3A, %dma_wait3A_62] : memref<2x128x80xf32, #tpu.memory_space<vmem>> -> memref<1x128x80xf32, #tpu.memory_space<vmem>>
      %dma_wait3A_64 = tpu.memref_squeeze %dma_wait3A_63 : memref<1x128x80xf32, #tpu.memory_space<vmem>> -> memref<128x80xf32, #tpu.memory_space<vmem>>
      %dma_wait3A_65 = arith.constant 0 : i32
      %dma_wait3A_66 = tpu.memref_slice %arg13[%add3A_17, %dma_wait3A_65] : memref<10240x80xf32, #tpu.memory_space<vmem_shared>> -> memref<128x80xf32, #tpu.memory_space<vmem_shared>>
      %dma_wait3A_67 = arith.constant 0 : i32
      %dma_wait3A_68 = tpu.memref_slice %arg13[%add3A_17, %dma_wait3A_67] : memref<10240x80xf32, #tpu.memory_space<vmem_shared>> -> memref<128x80xf32, #tpu.memory_space<vmem_shared>>
      %dma_wait3A_69 = arith.constant 0 : i32
      %dma_wait3A_70 = arith.constant 0 : i32
      %dma_wait3A_71 = tpu.memref_slice %arg11[%run_scoped3A_18, %dma_wait3A_69, %dma_wait3A_70] : memref<2x128x80xf32, #tpu.memory_space<vmem>> -> memref<1x128x80xf32, #tpu.memory_space<vmem>>
      %dma_wait3A_72 = tpu.memref_squeeze %dma_wait3A_71 : memref<1x128x80xf32, #tpu.memory_space<vmem>> -> memref<128x80xf32, #tpu.memory_space<vmem>>
      tpu.wait_dma2 semaphore(%run_scoped3A_50 : memref<!tpu.dma_semaphore, #tpu.memory_space<semaphore_mem>>) src(%dma_wait3A_72 : memref<128x80xf32, #tpu.memory_space<vmem>>) dst(%dma_wait3A_68 : memref<128x80xf32, #tpu.memory_space<vmem_shared>>)
      tpu.yield
    }) : () -> ()
    %barrier3A = arith.constant 0 : index
    tpu.barrier barrier_id(%barrier3A)
    %iota3A = tpu.iota {dimensions = array<i32: 0>} : vector<16xi32>
    %jit3A = arith.constant 8 : i32
    %eq3A = arith.constant 0 : i32
    %eq3A_19 = arith.cmpi eq, %jit3A, %eq3A : i32
    %jit3A_20 = arith.constant 1 : i32
    %select_n3A = arith.select %eq3A_19, %jit3A_20, %jit3A : i32
    %rem3A = vector.broadcast %select_n3A : i32 to vector<16xi32>
    %rem3A_21 = arith.remsi %iota3A, %rem3A : vector<16xi32>
    %ne3A = arith.constant 0 : i32
    %ne3A_22 = vector.broadcast %ne3A : i32 to vector<16xi32>
    %ne3A_23 = arith.cmpi ne, %rem3A_21, %ne3A_22 : vector<16xi32>
    %lt3A = arith.constant 0 : i32
    %lt3A_24 = vector.broadcast %lt3A : i32 to vector<16xi32>
    %lt3A_25 = arith.cmpi slt, %rem3A_21, %lt3A_24 : vector<16xi32>
    %lt3A_26 = arith.constant 0 : i32
    %lt3A_27 = arith.cmpi slt, %select_n3A, %lt3A_26 : i32
    %ne3A_28 = vector.broadcast %lt3A_27 : i1 to vector<16xi1>
    %ne3A_29 = vector.broadcast %ne3A_28 : vector<16xi1> to vector<16xi1>
    %ne3A_30 = arith.xori %lt3A_25, %ne3A_29 : vector<16xi1>
    %and3A = arith.andi %ne3A_30, %ne3A_23 : vector<16xi1>
    %add3A_31 = vector.broadcast %select_n3A : i32 to vector<16xi32>
    %add3A_32 = arith.addi %rem3A_21, %add3A_31 : vector<16xi32>
    %select_n3A_33 = arith.select %and3A, %add3A_32, %rem3A_21 : vector<16xi1>, vector<16xi32>
    %add3A_34 = arith.constant 8 : i32
    %add3A_35 = vector.broadcast %add3A_34 : i32 to vector<16xi32>
    %add3A_36 = arith.addi %select_n3A_33, %add3A_35 : vector<16xi32>
    %shift_right_logical3A = arith.constant 3 : i32
    %shift_right_logical3A_37 = vector.broadcast %shift_right_logical3A : i32 to vector<16xi32>
    %shift_right_logical3A_38 = arith.shrui %iota3A, %shift_right_logical3A_37 : vector<16xi32>
    %add3A_39 = arith.constant 0 : i32
    %add3A_40 = arith.addi %add3A_39, %add3A : i32
    %lt3A_41 = arith.constant 2500 : i32
    %lt3A_42 = arith.cmpi slt, %add3A_40, %lt3A_41 : i32
    %convert_element_type3A = arith.extui %lt3A_42 : i1 to i32
    %cond3A = arith.constant 0 : i32
    %cond3A_43 = arith.cmpi ne, %convert_element_type3A, %cond3A : i32
    scf.if %cond3A_43 {
      %mul3A_50 = arith.constant 128 : i32
      %mul3A_51 = arith.muli %add3A_40, %mul3A_50 : i32
      %run_scoped3A_52 = arith.constant 0 : i32
      %run_scoped3A_53 = arith.constant 0 : i32
      "tpu.region"() ({
        %run_scoped3A_91 = tpu.sem_alloc : memref<!tpu.dma_semaphore, #tpu.memory_space<semaphore_mem>>
        %dma_start3A_92 = arith.constant 0 : i32
        %dma_start3A_93 = tpu.memref_slice %arg7[%run_scoped3A_53, %dma_start3A_92] : memref<2x128xi32, #tpu.memory_space<vmem>> -> memref<1x128xi32, #tpu.memory_space<vmem>>
        %dma_start3A_94 = tpu.memref_squeeze %dma_start3A_93 : memref<1x128xi32, #tpu.memory_space<vmem>> -> memref<128xi32, #tpu.memory_space<vmem>>
        %dma_start3A_95 = tpu.memref_slice %arg2[%run_scoped3A_52, %mul3A_51] : memref<2x320000xi32, #tpu.memory_space<hbm>> -> memref<1x128xi32, #tpu.memory_space<hbm>>
        %dma_start3A_96 = tpu.memref_squeeze %dma_start3A_95 : memref<1x128xi32, #tpu.memory_space<hbm>> -> memref<128xi32, #tpu.memory_space<hbm>>
        %dma_start3A_97 = arith.constant 0 : i32
        %dma_start3A_98 = tpu.memref_slice %arg7[%run_scoped3A_53, %dma_start3A_97] : memref<2x128xi32, #tpu.memory_space<vmem>> -> memref<1x128xi32, #tpu.memory_space<vmem>>
        %dma_start3A_99 = tpu.memref_squeeze %dma_start3A_98 : memref<1x128xi32, #tpu.memory_space<vmem>> -> memref<128xi32, #tpu.memory_space<vmem>>
        %dma_start3A_100 = tpu.memref_slice %arg2[%run_scoped3A_52, %mul3A_51] : memref<2x320000xi32, #tpu.memory_space<hbm>> -> memref<1x128xi32, #tpu.memory_space<hbm>>
        %dma_start3A_101 = tpu.memref_squeeze %dma_start3A_100 : memref<1x128xi32, #tpu.memory_space<hbm>> -> memref<128xi32, #tpu.memory_space<hbm>>
        tpu.enqueue_dma source(%dma_start3A_101 : memref<128xi32, #tpu.memory_space<hbm>>) target(%dma_start3A_99 : memref<128xi32, #tpu.memory_space<vmem>>) target_semaphore(%run_scoped3A_91 : memref<!tpu.dma_semaphore, #tpu.memory_space<semaphore_mem>>)
        %dma_wait3A = arith.constant 0 : i32
        %dma_wait3A_102 = tpu.memref_slice %arg7[%run_scoped3A_53, %dma_wait3A] : memref<2x128xi32, #tpu.memory_space<vmem>> -> memref<1x128xi32, #tpu.memory_space<vmem>>
        %dma_wait3A_103 = tpu.memref_squeeze %dma_wait3A_102 : memref<1x128xi32, #tpu.memory_space<vmem>> -> memref<128xi32, #tpu.memory_space<vmem>>
        %dma_wait3A_104 = tpu.memref_slice %arg2[%run_scoped3A_52, %mul3A_51] : memref<2x320000xi32, #tpu.memory_space<hbm>> -> memref<1x128xi32, #tpu.memory_space<hbm>>
        %dma_wait3A_105 = tpu.memref_squeeze %dma_wait3A_104 : memref<1x128xi32, #tpu.memory_space<hbm>> -> memref<128xi32, #tpu.memory_space<hbm>>
        %dma_wait3A_106 = arith.constant 0 : i32
        %dma_wait3A_107 = tpu.memref_slice %arg7[%run_scoped3A_53, %dma_wait3A_106] : memref<2x128xi32, #tpu.memory_space<vmem>> -> memref<1x128xi32, #tpu.memory_space<vmem>>
        %dma_wait3A_108 = tpu.memref_squeeze %dma_wait3A_107 : memref<1x128xi32, #tpu.memory_space<vmem>> -> memref<128xi32, #tpu.memory_space<vmem>>
        %dma_wait3A_109 = tpu.memref_slice %arg2[%run_scoped3A_52, %mul3A_51] : memref<2x320000xi32, #tpu.memory_space<hbm>> -> memref<1x128xi32, #tpu.memory_space<hbm>>
        %dma_wait3A_110 = tpu.memref_squeeze %dma_wait3A_109 : memref<1x128xi32, #tpu.memory_space<hbm>> -> memref<128xi32, #tpu.memory_space<hbm>>
        tpu.wait_dma2 semaphore(%run_scoped3A_91 : memref<!tpu.dma_semaphore, #tpu.memory_space<semaphore_mem>>) src(%dma_wait3A_110 : memref<128xi32, #tpu.memory_space<hbm>>) dst(%dma_wait3A_108 : memref<128xi32, #tpu.memory_space<vmem>>)
        tpu.yield
      }) : () -> ()
      %run_scoped3A_54 = arith.constant 1 : i32
      %run_scoped3A_55 = arith.constant 0 : i32
      "tpu.region"() ({
        %run_scoped3A_91 = tpu.sem_alloc : memref<!tpu.dma_semaphore, #tpu.memory_space<semaphore_mem>>
        %dma_start3A_92 = arith.constant 0 : i32
        %dma_start3A_93 = tpu.memref_slice %arg8[%run_scoped3A_55, %dma_start3A_92] : memref<2x128xi32, #tpu.memory_space<vmem>> -> memref<1x128xi32, #tpu.memory_space<vmem>>
        %dma_start3A_94 = tpu.memref_squeeze %dma_start3A_93 : memref<1x128xi32, #tpu.memory_space<vmem>> -> memref<128xi32, #tpu.memory_space<vmem>>
        %dma_start3A_95 = tpu.memref_slice %arg2[%run_scoped3A_54, %mul3A_51] : memref<2x320000xi32, #tpu.memory_space<hbm>> -> memref<1x128xi32, #tpu.memory_space<hbm>>
        %dma_start3A_96 = tpu.memref_squeeze %dma_start3A_95 : memref<1x128xi32, #tpu.memory_space<hbm>> -> memref<128xi32, #tpu.memory_space<hbm>>
        %dma_start3A_97 = arith.constant 0 : i32
        %dma_start3A_98 = tpu.memref_slice %arg8[%run_scoped3A_55, %dma_start3A_97] : memref<2x128xi32, #tpu.memory_space<vmem>> -> memref<1x128xi32, #tpu.memory_space<vmem>>
        %dma_start3A_99 = tpu.memref_squeeze %dma_start3A_98 : memref<1x128xi32, #tpu.memory_space<vmem>> -> memref<128xi32, #tpu.memory_space<vmem>>
        %dma_start3A_100 = tpu.memref_slice %arg2[%run_scoped3A_54, %mul3A_51] : memref<2x320000xi32, #tpu.memory_space<hbm>> -> memref<1x128xi32, #tpu.memory_space<hbm>>
        %dma_start3A_101 = tpu.memref_squeeze %dma_start3A_100 : memref<1x128xi32, #tpu.memory_space<hbm>> -> memref<128xi32, #tpu.memory_space<hbm>>
        tpu.enqueue_dma source(%dma_start3A_101 : memref<128xi32, #tpu.memory_space<hbm>>) target(%dma_start3A_99 : memref<128xi32, #tpu.memory_space<vmem>>) target_semaphore(%run_scoped3A_91 : memref<!tpu.dma_semaphore, #tpu.memory_space<semaphore_mem>>)
        %dma_wait3A = arith.constant 0 : i32
        %dma_wait3A_102 = tpu.memref_slice %arg8[%run_scoped3A_55, %dma_wait3A] : memref<2x128xi32, #tpu.memory_space<vmem>> -> memref<1x128xi32, #tpu.memory_space<vmem>>
        %dma_wait3A_103 = tpu.memref_squeeze %dma_wait3A_102 : memref<1x128xi32, #tpu.memory_space<vmem>> -> memref<128xi32, #tpu.memory_space<vmem>>
        %dma_wait3A_104 = tpu.memref_slice %arg2[%run_scoped3A_54, %mul3A_51] : memref<2x320000xi32, #tpu.memory_space<hbm>> -> memref<1x128xi32, #tpu.memory_space<hbm>>
        %dma_wait3A_105 = tpu.memref_squeeze %dma_wait3A_104 : memref<1x128xi32, #tpu.memory_space<hbm>> -> memref<128xi32, #tpu.memory_space<hbm>>
        %dma_wait3A_106 = arith.constant 0 : i32
        %dma_wait3A_107 = tpu.memref_slice %arg8[%run_scoped3A_55, %dma_wait3A_106] : memref<2x128xi32, #tpu.memory_space<vmem>> -> memref<1x128xi32, #tpu.memory_space<vmem>>
        %dma_wait3A_108 = tpu.memref_squeeze %dma_wait3A_107 : memref<1x128xi32, #tpu.memory_space<vmem>> -> memref<128xi32, #tpu.memory_space<vmem>>
        %dma_wait3A_109 = tpu.memref_slice %arg2[%run_scoped3A_54, %mul3A_51] : memref<2x320000xi32, #tpu.memory_space<hbm>> -> memref<1x128xi32, #tpu.memory_space<hbm>>
        %dma_wait3A_110 = tpu.memref_squeeze %dma_wait3A_109 : memref<1x128xi32, #tpu.memory_space<hbm>> -> memref<128xi32, #tpu.memory_space<hbm>>
        tpu.wait_dma2 semaphore(%run_scoped3A_91 : memref<!tpu.dma_semaphore, #tpu.memory_space<semaphore_mem>>) src(%dma_wait3A_110 : memref<128xi32, #tpu.memory_space<hbm>>) dst(%dma_wait3A_108 : memref<128xi32, #tpu.memory_space<vmem>>)
        tpu.yield
      }) : () -> ()
      %dma_start3A = arith.constant 0 : i32
      %dma_start3A_56 = arith.constant 0 : i32
      %dma_start3A_57 = arith.constant 0 : i32
      %dma_start3A_58 = arith.constant 0 : i32
      %dma_start3A_59 = tpu.memref_slice %arg9[%dma_start3A_56, %dma_start3A_57, %dma_start3A_58] : memref<2x128x16xf32, #tpu.memory_space<vmem>> -> memref<1x128x16xf32, #tpu.memory_space<vmem>>
      %dma_start3A_60 = tpu.memref_squeeze %dma_start3A_59 : memref<1x128x16xf32, #tpu.memory_space<vmem>> -> memref<128x16xf32, #tpu.memory_space<vmem>>
      %dma_start3A_61 = arith.constant 0 : i32
      %dma_start3A_62 = tpu.memref_slice %arg7[%dma_start3A, %dma_start3A_61] : memref<2x128xi32, #tpu.memory_space<vmem>> -> memref<1x128xi32, #tpu.memory_space<vmem>>
      %dma_start3A_63 = tpu.memref_squeeze %dma_start3A_62 : memref<1x128xi32, #tpu.memory_space<vmem>> -> memref<128xi32, #tpu.memory_space<vmem>>
      %dma_start3A_64 = arith.constant 0 : i32
      %dma_start3A_65 = arith.constant 0 : i32
      %dma_start3A_66 = tpu.memref_slice %arg3[%dma_start3A_64, %dma_start3A_65] : memref<10000x16xf32, #tpu.memory_space<hbm>> -> memref<10000x16xf32, #tpu.memory_space<hbm>>
      tpu.enqueue_indirect_dma source(%dma_start3A_66 : memref<10000x16xf32, #tpu.memory_space<hbm>>) target(%dma_start3A_60 : memref<128x16xf32, #tpu.memory_space<vmem>>) offsets(%dma_start3A_63 : memref<128xi32, #tpu.memory_space<vmem>>) semaphore(%arg14 : memref<!tpu.dma_semaphore, #tpu.memory_space<semaphore_mem>>)
      %dma_start3A_67 = arith.constant 0 : i32
      %dma_start3A_68 = arith.constant 0 : i32
      %dma_start3A_69 = arith.constant 0 : i32
      %dma_start3A_70 = arith.constant 0 : i32
      %dma_start3A_71 = tpu.memref_slice %arg10[%dma_start3A_68, %dma_start3A_69, %dma_start3A_70] : memref<2x128x16xf32, #tpu.memory_space<vmem>> -> memref<1x128x16xf32, #tpu.memory_space<vmem>>
      %dma_start3A_72 = tpu.memref_squeeze %dma_start3A_71 : memref<1x128x16xf32, #tpu.memory_space<vmem>> -> memref<128x16xf32, #tpu.memory_space<vmem>>
      %dma_start3A_73 = arith.constant 0 : i32
      %dma_start3A_74 = tpu.memref_slice %arg8[%dma_start3A_67, %dma_start3A_73] : memref<2x128xi32, #tpu.memory_space<vmem>> -> memref<1x128xi32, #tpu.memory_space<vmem>>
      %dma_start3A_75 = tpu.memref_squeeze %dma_start3A_74 : memref<1x128xi32, #tpu.memory_space<vmem>> -> memref<128xi32, #tpu.memory_space<vmem>>
      %dma_start3A_76 = arith.constant 0 : i32
      %dma_start3A_77 = arith.constant 0 : i32
      %dma_start3A_78 = tpu.memref_slice %arg4[%dma_start3A_76, %dma_start3A_77] : memref<10000x16xf32, #tpu.memory_space<hbm>> -> memref<10000x16xf32, #tpu.memory_space<hbm>>
      tpu.enqueue_indirect_dma source(%dma_start3A_78 : memref<10000x16xf32, #tpu.memory_space<hbm>>) target(%dma_start3A_72 : memref<128x16xf32, #tpu.memory_space<vmem>>) offsets(%dma_start3A_75 : memref<128xi32, #tpu.memory_space<vmem>>) semaphore(%arg14 : memref<!tpu.dma_semaphore, #tpu.memory_space<semaphore_mem>>)
      %dma_start3A_79 = arith.constant 0 : i32
      %dma_start3A_80 = arith.constant 0 : i32
      %dma_start3A_81 = arith.constant 0 : i32
      %dma_start3A_82 = arith.constant 0 : i32
      %dma_start3A_83 = tpu.memref_slice %arg12[%dma_start3A_80, %dma_start3A_81, %dma_start3A_82] : memref<2x128x64xf32, #tpu.memory_space<vmem>> -> memref<1x128x64xf32, #tpu.memory_space<vmem>>
      %dma_start3A_84 = tpu.memref_squeeze %dma_start3A_83 : memref<1x128x64xf32, #tpu.memory_space<vmem>> -> memref<128x64xf32, #tpu.memory_space<vmem>>
      %dma_start3A_85 = arith.constant 0 : i32
      %dma_start3A_86 = tpu.memref_slice %arg7[%dma_start3A_79, %dma_start3A_85] : memref<2x128xi32, #tpu.memory_space<vmem>> -> memref<1x128xi32, #tpu.memory_space<vmem>>
      %dma_start3A_87 = tpu.memref_squeeze %dma_start3A_86 : memref<1x128xi32, #tpu.memory_space<vmem>> -> memref<128xi32, #tpu.memory_space<vmem>>
      %dma_start3A_88 = arith.constant 0 : i32
      %dma_start3A_89 = arith.constant 0 : i32
      %dma_start3A_90 = tpu.memref_slice %arg5[%dma_start3A_88, %dma_start3A_89] : memref<10000x64xf32, #tpu.memory_space<hbm>> -> memref<10000x64xf32, #tpu.memory_space<hbm>>
      tpu.enqueue_indirect_dma source(%dma_start3A_90 : memref<10000x64xf32, #tpu.memory_space<hbm>>) target(%dma_start3A_84 : memref<128x64xf32, #tpu.memory_space<vmem>>) offsets(%dma_start3A_87 : memref<128xi32, #tpu.memory_space<vmem>>) semaphore(%arg14 : memref<!tpu.dma_semaphore, #tpu.memory_space<semaphore_mem>>)
    } else {
    }
    %scan3A = arith.constant 0 : i32
    %scan3A_44 = arith.constant 0 : i32
    %scan3A_45 = arith.constant 40 : i32
    %scan3A_46 = arith.addi %scan3A_44, %scan3A_45 : i32
    %scan3A_47 = arith.constant 1 : i32
    scf.for %scan3A_50 = %scan3A_44 to %scan3A_46 step %scan3A_47  : i32 {
      %mul3A_51 = arith.constant 2 : i32
      %mul3A_52 = arith.muli %mul3A_51, %scan3A_50 : i32
      %add3A_53 = arith.constant 1 : i32
      %add3A_54 = arith.addi %mul3A_52, %add3A_53 : i32
      %mul3A_55 = arith.constant 32 : i32
      %mul3A_56 = arith.muli %add3A_54, %mul3A_55 : i32
      %add3A_57 = arith.addi %mul3A_56, %add3A : i32
      %lt3A_58 = arith.constant 2500 : i32
      %lt3A_59 = arith.cmpi slt, %add3A_57, %lt3A_58 : i32
      %convert_element_type3A_60 = arith.extui %lt3A_59 : i1 to i32
      %cond3A_61 = arith.constant 0 : i32
      %cond3A_62 = arith.cmpi ne, %convert_element_type3A_60, %cond3A_61 : i32
      scf.if %cond3A_62 {
        %mul3A_91 = arith.constant 128 : i32
        %mul3A_92 = arith.muli %add3A_57, %mul3A_91 : i32
        %run_scoped3A_93 = arith.constant 0 : i32
        %run_scoped3A_94 = arith.constant 1 : i32
        "tpu.region"() ({
          %run_scoped3A_132 = tpu.sem_alloc : memref<!tpu.dma_semaphore, #tpu.memory_space<semaphore_mem>>
          %dma_start3A_133 = arith.constant 0 : i32
          %dma_start3A_134 = tpu.memref_slice %arg7[%run_scoped3A_94, %dma_start3A_133] : memref<2x128xi32, #tpu.memory_space<vmem>> -> memref<1x128xi32, #tpu.memory_space<vmem>>
          %dma_start3A_135 = tpu.memref_squeeze %dma_start3A_134 : memref<1x128xi32, #tpu.memory_space<vmem>> -> memref<128xi32, #tpu.memory_space<vmem>>
          %dma_start3A_136 = tpu.memref_slice %arg2[%run_scoped3A_93, %mul3A_92] : memref<2x320000xi32, #tpu.memory_space<hbm>> -> memref<1x128xi32, #tpu.memory_space<hbm>>
          %dma_start3A_137 = tpu.memref_squeeze %dma_start3A_136 : memref<1x128xi32, #tpu.memory_space<hbm>> -> memref<128xi32, #tpu.memory_space<hbm>>
          %dma_start3A_138 = arith.constant 0 : i32
          %dma_start3A_139 = tpu.memref_slice %arg7[%run_scoped3A_94, %dma_start3A_138] : memref<2x128xi32, #tpu.memory_space<vmem>> -> memref<1x128xi32, #tpu.memory_space<vmem>>
          %dma_start3A_140 = tpu.memref_squeeze %dma_start3A_139 : memref<1x128xi32, #tpu.memory_space<vmem>> -> memref<128xi32, #tpu.memory_space<vmem>>
          %dma_start3A_141 = tpu.memref_slice %arg2[%run_scoped3A_93, %mul3A_92] : memref<2x320000xi32, #tpu.memory_space<hbm>> -> memref<1x128xi32, #tpu.memory_space<hbm>>
          %dma_start3A_142 = tpu.memref_squeeze %dma_start3A_141 : memref<1x128xi32, #tpu.memory_space<hbm>> -> memref<128xi32, #tpu.memory_space<hbm>>
          tpu.enqueue_dma source(%dma_start3A_142 : memref<128xi32, #tpu.memory_space<hbm>>) target(%dma_start3A_140 : memref<128xi32, #tpu.memory_space<vmem>>) target_semaphore(%run_scoped3A_132 : memref<!tpu.dma_semaphore, #tpu.memory_space<semaphore_mem>>)
          %dma_wait3A = arith.constant 0 : i32
          %dma_wait3A_143 = tpu.memref_slice %arg7[%run_scoped3A_94, %dma_wait3A] : memref<2x128xi32, #tpu.memory_space<vmem>> -> memref<1x128xi32, #tpu.memory_space<vmem>>
          %dma_wait3A_144 = tpu.memref_squeeze %dma_wait3A_143 : memref<1x128xi32, #tpu.memory_space<vmem>> -> memref<128xi32, #tpu.memory_space<vmem>>
          %dma_wait3A_145 = tpu.memref_slice %arg2[%run_scoped3A_93, %mul3A_92] : memref<2x320000xi32, #tpu.memory_space<hbm>> -> memref<1x128xi32, #tpu.memory_space<hbm>>
          %dma_wait3A_146 = tpu.memref_squeeze %dma_wait3A_145 : memref<1x128xi32, #tpu.memory_space<hbm>> -> memref<128xi32, #tpu.memory_space<hbm>>
          %dma_wait3A_147 = arith.constant 0 : i32
          %dma_wait3A_148 = tpu.memref_slice %arg7[%run_scoped3A_94, %dma_wait3A_147] : memref<2x128xi32, #tpu.memory_space<vmem>> -> memref<1x128xi32, #tpu.memory_space<vmem>>
          %dma_wait3A_149 = tpu.memref_squeeze %dma_wait3A_148 : memref<1x128xi32, #tpu.memory_space<vmem>> -> memref<128xi32, #tpu.memory_space<vmem>>
          %dma_wait3A_150 = tpu.memref_slice %arg2[%run_scoped3A_93, %mul3A_92] : memref<2x320000xi32, #tpu.memory_space<hbm>> -> memref<1x128xi32, #tpu.memory_space<hbm>>
          %dma_wait3A_151 = tpu.memref_squeeze %dma_wait3A_150 : memref<1x128xi32, #tpu.memory_space<hbm>> -> memref<128xi32, #tpu.memory_space<hbm>>
          tpu.wait_dma2 semaphore(%run_scoped3A_132 : memref<!tpu.dma_semaphore, #tpu.memory_space<semaphore_mem>>) src(%dma_wait3A_151 : memref<128xi32, #tpu.memory_space<hbm>>) dst(%dma_wait3A_149 : memref<128xi32, #tpu.memory_space<vmem>>)
          tpu.yield
        }) : () -> ()
        %run_scoped3A_95 = arith.constant 1 : i32
        %run_scoped3A_96 = arith.constant 1 : i32
        "tpu.region"() ({
          %run_scoped3A_132 = tpu.sem_alloc : memref<!tpu.dma_semaphore, #tpu.memory_space<semaphore_mem>>
          %dma_start3A_133 = arith.constant 0 : i32
          %dma_start3A_134 = tpu.memref_slice %arg8[%run_scoped3A_96, %dma_start3A_133] : memref<2x128xi32, #tpu.memory_space<vmem>> -> memref<1x128xi32, #tpu.memory_space<vmem>>
          %dma_start3A_135 = tpu.memref_squeeze %dma_start3A_134 : memref<1x128xi32, #tpu.memory_space<vmem>> -> memref<128xi32, #tpu.memory_space<vmem>>
          %dma_start3A_136 = tpu.memref_slice %arg2[%run_scoped3A_95, %mul3A_92] : memref<2x320000xi32, #tpu.memory_space<hbm>> -> memref<1x128xi32, #tpu.memory_space<hbm>>
          %dma_start3A_137 = tpu.memref_squeeze %dma_start3A_136 : memref<1x128xi32, #tpu.memory_space<hbm>> -> memref<128xi32, #tpu.memory_space<hbm>>
          %dma_start3A_138 = arith.constant 0 : i32
          %dma_start3A_139 = tpu.memref_slice %arg8[%run_scoped3A_96, %dma_start3A_138] : memref<2x128xi32, #tpu.memory_space<vmem>> -> memref<1x128xi32, #tpu.memory_space<vmem>>
          %dma_start3A_140 = tpu.memref_squeeze %dma_start3A_139 : memref<1x128xi32, #tpu.memory_space<vmem>> -> memref<128xi32, #tpu.memory_space<vmem>>
          %dma_start3A_141 = tpu.memref_slice %arg2[%run_scoped3A_95, %mul3A_92] : memref<2x320000xi32, #tpu.memory_space<hbm>> -> memref<1x128xi32, #tpu.memory_space<hbm>>
          %dma_start3A_142 = tpu.memref_squeeze %dma_start3A_141 : memref<1x128xi32, #tpu.memory_space<hbm>> -> memref<128xi32, #tpu.memory_space<hbm>>
          tpu.enqueue_dma source(%dma_start3A_142 : memref<128xi32, #tpu.memory_space<hbm>>) target(%dma_start3A_140 : memref<128xi32, #tpu.memory_space<vmem>>) target_semaphore(%run_scoped3A_132 : memref<!tpu.dma_semaphore, #tpu.memory_space<semaphore_mem>>)
          %dma_wait3A = arith.constant 0 : i32
          %dma_wait3A_143 = tpu.memref_slice %arg8[%run_scoped3A_96, %dma_wait3A] : memref<2x128xi32, #tpu.memory_space<vmem>> -> memref<1x128xi32, #tpu.memory_space<vmem>>
          %dma_wait3A_144 = tpu.memref_squeeze %dma_wait3A_143 : memref<1x128xi32, #tpu.memory_space<vmem>> -> memref<128xi32, #tpu.memory_space<vmem>>
          %dma_wait3A_145 = tpu.memref_slice %arg2[%run_scoped3A_95, %mul3A_92] : memref<2x320000xi32, #tpu.memory_space<hbm>> -> memref<1x128xi32, #tpu.memory_space<hbm>>
          %dma_wait3A_146 = tpu.memref_squeeze %dma_wait3A_145 : memref<1x128xi32, #tpu.memory_space<hbm>> -> memref<128xi32, #tpu.memory_space<hbm>>
          %dma_wait3A_147 = arith.constant 0 : i32
          %dma_wait3A_148 = tpu.memref_slice %arg8[%run_scoped3A_96, %dma_wait3A_147] : memref<2x128xi32, #tpu.memory_space<vmem>> -> memref<1x128xi32, #tpu.memory_space<vmem>>
          %dma_wait3A_149 = tpu.memref_squeeze %dma_wait3A_148 : memref<1x128xi32, #tpu.memory_space<vmem>> -> memref<128xi32, #tpu.memory_space<vmem>>
          %dma_wait3A_150 = tpu.memref_slice %arg2[%run_scoped3A_95, %mul3A_92] : memref<2x320000xi32, #tpu.memory_space<hbm>> -> memref<1x128xi32, #tpu.memory_space<hbm>>
          %dma_wait3A_151 = tpu.memref_squeeze %dma_wait3A_150 : memref<1x128xi32, #tpu.memory_space<hbm>> -> memref<128xi32, #tpu.memory_space<hbm>>
          tpu.wait_dma2 semaphore(%run_scoped3A_132 : memref<!tpu.dma_semaphore, #tpu.memory_space<semaphore_mem>>) src(%dma_wait3A_151 : memref<128xi32, #tpu.memory_space<hbm>>) dst(%dma_wait3A_149 : memref<128xi32, #tpu.memory_space<vmem>>)
          tpu.yield
        }) : () -> ()
        %dma_start3A = arith.constant 1 : i32
        %dma_start3A_97 = arith.constant 1 : i32
        %dma_start3A_98 = arith.constant 0 : i32
        %dma_start3A_99 = arith.constant 0 : i32
        %dma_start3A_100 = tpu.memref_slice %arg9[%dma_start3A_97, %dma_start3A_98, %dma_start3A_99] : memref<2x128x16xf32, #tpu.memory_space<vmem>> -> memref<1x128x16xf32, #tpu.memory_space<vmem>>
        %dma_start3A_101 = tpu.memref_squeeze %dma_start3A_100 : memref<1x128x16xf32, #tpu.memory_space<vmem>> -> memref<128x16xf32, #tpu.memory_space<vmem>>
        %dma_start3A_102 = arith.constant 0 : i32
        %dma_start3A_103 = tpu.memref_slice %arg7[%dma_start3A, %dma_start3A_102] : memref<2x128xi32, #tpu.memory_space<vmem>> -> memref<1x128xi32, #tpu.memory_space<vmem>>
        %dma_start3A_104 = tpu.memref_squeeze %dma_start3A_103 : memref<1x128xi32, #tpu.memory_space<vmem>> -> memref<128xi32, #tpu.memory_space<vmem>>
        %dma_start3A_105 = arith.constant 0 : i32
        %dma_start3A_106 = arith.constant 0 : i32
        %dma_start3A_107 = tpu.memref_slice %arg3[%dma_start3A_105, %dma_start3A_106] : memref<10000x16xf32, #tpu.memory_space<hbm>> -> memref<10000x16xf32, #tpu.memory_space<hbm>>
        tpu.enqueue_indirect_dma source(%dma_start3A_107 : memref<10000x16xf32, #tpu.memory_space<hbm>>) target(%dma_start3A_101 : memref<128x16xf32, #tpu.memory_space<vmem>>) offsets(%dma_start3A_104 : memref<128xi32, #tpu.memory_space<vmem>>) semaphore(%arg15 : memref<!tpu.dma_semaphore, #tpu.memory_space<semaphore_mem>>)
        %dma_start3A_108 = arith.constant 1 : i32
        %dma_start3A_109 = arith.constant 1 : i32
        %dma_start3A_110 = arith.constant 0 : i32
        %dma_start3A_111 = arith.constant 0 : i32
        %dma_start3A_112 = tpu.memref_slice %arg10[%dma_start3A_109, %dma_start3A_110, %dma_start3A_111] : memref<2x128x16xf32, #tpu.memory_space<vmem>> -> memref<1x128x16xf32, #tpu.memory_space<vmem>>
        %dma_start3A_113 = tpu.memref_squeeze %dma_start3A_112 : memref<1x128x16xf32, #tpu.memory_space<vmem>> -> memref<128x16xf32, #tpu.memory_space<vmem>>
        %dma_start3A_114 = arith.constant 0 : i32
        %dma_start3A_115 = tpu.memref_slice %arg8[%dma_start3A_108, %dma_start3A_114] : memref<2x128xi32, #tpu.memory_space<vmem>> -> memref<1x128xi32, #tpu.memory_space<vmem>>
        %dma_start3A_116 = tpu.memref_squeeze %dma_start3A_115 : memref<1x128xi32, #tpu.memory_space<vmem>> -> memref<128xi32, #tpu.memory_space<vmem>>
        %dma_start3A_117 = arith.constant 0 : i32
        %dma_start3A_118 = arith.constant 0 : i32
        %dma_start3A_119 = tpu.memref_slice %arg4[%dma_start3A_117, %dma_start3A_118] : memref<10000x16xf32, #tpu.memory_space<hbm>> -> memref<10000x16xf32, #tpu.memory_space<hbm>>
        tpu.enqueue_indirect_dma source(%dma_start3A_119 : memref<10000x16xf32, #tpu.memory_space<hbm>>) target(%dma_start3A_113 : memref<128x16xf32, #tpu.memory_space<vmem>>) offsets(%dma_start3A_116 : memref<128xi32, #tpu.memory_space<vmem>>) semaphore(%arg15 : memref<!tpu.dma_semaphore, #tpu.memory_space<semaphore_mem>>)
        %dma_start3A_120 = arith.constant 1 : i32
        %dma_start3A_121 = arith.constant 1 : i32
        %dma_start3A_122 = arith.constant 0 : i32
        %dma_start3A_123 = arith.constant 0 : i32
        %dma_start3A_124 = tpu.memref_slice %arg12[%dma_start3A_121, %dma_start3A_122, %dma_start3A_123] : memref<2x128x64xf32, #tpu.memory_space<vmem>> -> memref<1x128x64xf32, #tpu.memory_space<vmem>>
        %dma_start3A_125 = tpu.memref_squeeze %dma_start3A_124 : memref<1x128x64xf32, #tpu.memory_space<vmem>> -> memref<128x64xf32, #tpu.memory_space<vmem>>
        %dma_start3A_126 = arith.constant 0 : i32
        %dma_start3A_127 = tpu.memref_slice %arg7[%dma_start3A_120, %dma_start3A_126] : memref<2x128xi32, #tpu.memory_space<vmem>> -> memref<1x128xi32, #tpu.memory_space<vmem>>
        %dma_start3A_128 = tpu.memref_squeeze %dma_start3A_127 : memref<1x128xi32, #tpu.memory_space<vmem>> -> memref<128xi32, #tpu.memory_space<vmem>>
        %dma_start3A_129 = arith.constant 0 : i32
        %dma_start3A_130 = arith.constant 0 : i32
        %dma_start3A_131 = tpu.memref_slice %arg5[%dma_start3A_129, %dma_start3A_130] : memref<10000x64xf32, #tpu.memory_space<hbm>> -> memref<10000x64xf32, #tpu.memory_space<hbm>>
        tpu.enqueue_indirect_dma source(%dma_start3A_131 : memref<10000x64xf32, #tpu.memory_space<hbm>>) target(%dma_start3A_125 : memref<128x64xf32, #tpu.memory_space<vmem>>) offsets(%dma_start3A_128 : memref<128xi32, #tpu.memory_space<vmem>>) semaphore(%arg15 : memref<!tpu.dma_semaphore, #tpu.memory_space<semaphore_mem>>)
      } else {
      }
      %mul3A_63 = arith.constant 32 : i32
      %mul3A_64 = arith.muli %mul3A_52, %mul3A_63 : i32
      %add3A_65 = arith.addi %mul3A_64, %add3A : i32
      %lt3A_66 = arith.constant 2500 : i32
      %lt3A_67 = arith.cmpi slt, %add3A_65, %lt3A_66 : i32
      %convert_element_type3A_68 = arith.extui %lt3A_67 : i1 to i32
      %cond3A_69 = arith.constant 0 : i32
      %cond3A_70 = arith.cmpi ne, %convert_element_type3A_68, %cond3A_69 : i32
      scf.if %cond3A_70 {
        %dma_wait3A = arith.constant 0 : i32
        %dma_wait3A_91 = arith.constant 0 : i32
        %dma_wait3A_92 = arith.constant 0 : i32
        %dma_wait3A_93 = arith.constant 0 : i32
        %dma_wait3A_94 = tpu.memref_slice %arg9[%dma_wait3A_91, %dma_wait3A_92, %dma_wait3A_93] : memref<2x128x16xf32, #tpu.memory_space<vmem>> -> memref<1x128x16xf32, #tpu.memory_space<vmem>>
        %dma_wait3A_95 = tpu.memref_squeeze %dma_wait3A_94 : memref<1x128x16xf32, #tpu.memory_space<vmem>> -> memref<128x16xf32, #tpu.memory_space<vmem>>
        %dma_wait3A_96 = arith.constant 0 : i32
        %dma_wait3A_97 = tpu.memref_slice %arg7[%dma_wait3A, %dma_wait3A_96] : memref<2x128xi32, #tpu.memory_space<vmem>> -> memref<1x128xi32, #tpu.memory_space<vmem>>
        %dma_wait3A_98 = tpu.memref_squeeze %dma_wait3A_97 : memref<1x128xi32, #tpu.memory_space<vmem>> -> memref<128xi32, #tpu.memory_space<vmem>>
        %dma_wait3A_99 = arith.constant 0 : i32
        %dma_wait3A_100 = arith.constant 0 : i32
        %dma_wait3A_101 = tpu.memref_slice %arg3[%dma_wait3A_99, %dma_wait3A_100] : memref<10000x16xf32, #tpu.memory_space<hbm>> -> memref<10000x16xf32, #tpu.memory_space<hbm>>
        tpu.wait_indirect_dma semaphore(%arg14 : memref<!tpu.dma_semaphore, #tpu.memory_space<semaphore_mem>>) src(%dma_wait3A_101 : memref<10000x16xf32, #tpu.memory_space<hbm>>) dst(%dma_wait3A_95 : memref<128x16xf32, #tpu.memory_space<vmem>>)
        %dma_wait3A_102 = arith.constant 0 : i32
        %dma_wait3A_103 = arith.constant 0 : i32
        %dma_wait3A_104 = arith.constant 0 : i32
        %dma_wait3A_105 = arith.constant 0 : i32
        %dma_wait3A_106 = tpu.memref_slice %arg10[%dma_wait3A_103, %dma_wait3A_104, %dma_wait3A_105] : memref<2x128x16xf32, #tpu.memory_space<vmem>> -> memref<1x128x16xf32, #tpu.memory_space<vmem>>
        %dma_wait3A_107 = tpu.memref_squeeze %dma_wait3A_106 : memref<1x128x16xf32, #tpu.memory_space<vmem>> -> memref<128x16xf32, #tpu.memory_space<vmem>>
        %dma_wait3A_108 = arith.constant 0 : i32
        %dma_wait3A_109 = tpu.memref_slice %arg8[%dma_wait3A_102, %dma_wait3A_108] : memref<2x128xi32, #tpu.memory_space<vmem>> -> memref<1x128xi32, #tpu.memory_space<vmem>>
        %dma_wait3A_110 = tpu.memref_squeeze %dma_wait3A_109 : memref<1x128xi32, #tpu.memory_space<vmem>> -> memref<128xi32, #tpu.memory_space<vmem>>
        %dma_wait3A_111 = arith.constant 0 : i32
        %dma_wait3A_112 = arith.constant 0 : i32
        %dma_wait3A_113 = tpu.memref_slice %arg4[%dma_wait3A_111, %dma_wait3A_112] : memref<10000x16xf32, #tpu.memory_space<hbm>> -> memref<10000x16xf32, #tpu.memory_space<hbm>>
        tpu.wait_indirect_dma semaphore(%arg14 : memref<!tpu.dma_semaphore, #tpu.memory_space<semaphore_mem>>) src(%dma_wait3A_113 : memref<10000x16xf32, #tpu.memory_space<hbm>>) dst(%dma_wait3A_107 : memref<128x16xf32, #tpu.memory_space<vmem>>)
        %dma_wait3A_114 = arith.constant 0 : i32
        %dma_wait3A_115 = arith.constant 0 : i32
        %dma_wait3A_116 = arith.constant 0 : i32
        %dma_wait3A_117 = arith.constant 0 : i32
        %dma_wait3A_118 = tpu.memref_slice %arg12[%dma_wait3A_115, %dma_wait3A_116, %dma_wait3A_117] : memref<2x128x64xf32, #tpu.memory_space<vmem>> -> memref<1x128x64xf32, #tpu.memory_space<vmem>>
        %dma_wait3A_119 = tpu.memref_squeeze %dma_wait3A_118 : memref<1x128x64xf32, #tpu.memory_space<vmem>> -> memref<128x64xf32, #tpu.memory_space<vmem>>
        %dma_wait3A_120 = arith.constant 0 : i32
        %dma_wait3A_121 = tpu.memref_slice %arg7[%dma_wait3A_114, %dma_wait3A_120] : memref<2x128xi32, #tpu.memory_space<vmem>> -> memref<1x128xi32, #tpu.memory_space<vmem>>
        %dma_wait3A_122 = tpu.memref_squeeze %dma_wait3A_121 : memref<1x128xi32, #tpu.memory_space<vmem>> -> memref<128xi32, #tpu.memory_space<vmem>>
        %dma_wait3A_123 = arith.constant 0 : i32
        %dma_wait3A_124 = arith.constant 0 : i32
        %dma_wait3A_125 = tpu.memref_slice %arg5[%dma_wait3A_123, %dma_wait3A_124] : memref<10000x64xf32, #tpu.memory_space<hbm>> -> memref<10000x64xf32, #tpu.memory_space<hbm>>
        tpu.wait_indirect_dma semaphore(%arg14 : memref<!tpu.dma_semaphore, #tpu.memory_space<semaphore_mem>>) src(%dma_wait3A_125 : memref<10000x64xf32, #tpu.memory_space<hbm>>) dst(%dma_wait3A_119 : memref<128x64xf32, #tpu.memory_space<vmem>>)
        %parallel_loop3A_126 = arith.constant 0 : i32
        %parallel_loop3A_127 = arith.constant 128 : i32
        %parallel_loop3A_128 = arith.constant 1 : i32
        scf.for %parallel_loop3A_131 = %parallel_loop3A_126 to %parallel_loop3A_127 step %parallel_loop3A_128  : i32 {
          %parallel_loop3A_132 = arith.constant 0 : i32
          %parallel_loop3A_133 = arith.index_cast %parallel_loop3A_132 : i32 to index
          %parallel_loop3A_134 = arith.index_cast %parallel_loop3A_131 : i32 to index
          %parallel_loop3A_135 = arith.constant 0 : index
          %parallel_loop3A_136 = tpu.vector_load %arg9[%parallel_loop3A_133, %parallel_loop3A_134, %parallel_loop3A_135] {strides = array<i32>} : memref<2x128x16xf32, #tpu.memory_space<vmem>>, vector<1x1x16xf32>,
          %parallel_loop3A_137 = vector.shape_cast %parallel_loop3A_136 : vector<1x1x16xf32> to vector<16xf32>
          %parallel_loop3A_138 = arith.constant 0 : i32
          %parallel_loop3A_139 = arith.index_cast %parallel_loop3A_138 : i32 to index
          %parallel_loop3A_140 = arith.index_cast %parallel_loop3A_131 : i32 to index
          %parallel_loop3A_141 = arith.constant 0 : index
          %parallel_loop3A_142 = tpu.vector_load %arg10[%parallel_loop3A_139, %parallel_loop3A_140, %parallel_loop3A_141] {strides = array<i32>} : memref<2x128x16xf32, #tpu.memory_space<vmem>>, vector<1x1x16xf32>,
          %parallel_loop3A_143 = vector.shape_cast %parallel_loop3A_142 : vector<1x1x16xf32> to vector<16xf32>
          %parallel_loop3A_144 = arith.addf %parallel_loop3A_137, %parallel_loop3A_143 : vector<16xf32>
          %parallel_loop3A_145 = arith.constant 2.000000e-01 : f32
          %parallel_loop3A_146 = vector.broadcast %parallel_loop3A_145 : f32 to vector<16xf32>
          %parallel_loop3A_147 = arith.mulf %parallel_loop3A_146, %parallel_loop3A_144 : vector<16xf32>
          %parallel_loop3A_148 = arith.maximumf %parallel_loop3A_144, %parallel_loop3A_147 : vector<16xf32>
          %parallel_loop3A_149 = vector.shape_cast %add3A_36 : vector<16xi32> to vector<16x1xi32>
          %parallel_loop3A_150 = vector.shape_cast %parallel_loop3A_149 : vector<16x1xi32> to vector<16xi32>
          %parallel_loop3A_151 = tpu.dynamic_gather %parallel_loop3A_143[%parallel_loop3A_150] in [0] : vector<16xf32>, vector<16xi32> -> vector<16xf32>
          %parallel_loop3A_152 = arith.subf %parallel_loop3A_148, %parallel_loop3A_151 : vector<16xf32>
          %parallel_loop3A_153 = math.exp %parallel_loop3A_152 : vector<16xf32>
          %parallel_loop3A_154 = arith.constant 0 : i32
          %parallel_loop3A_155 = arith.index_cast %parallel_loop3A_154 : i32 to index
          %parallel_loop3A_156 = arith.index_cast %parallel_loop3A_131 : i32 to index
          %parallel_loop3A_157 = arith.constant 0 : index
          %parallel_loop3A_158 = tpu.vector_load %arg11[%parallel_loop3A_155, %parallel_loop3A_156, %parallel_loop3A_157] {strides = array<i32>} : memref<2x128x80xf32, #tpu.memory_space<vmem>>, vector<1x1x16xf32>,
          %parallel_loop3A_159 = vector.shape_cast %parallel_loop3A_158 : vector<1x1x16xf32> to vector<16xf32>
          %parallel_loop3A_160 = vector.shape_cast %parallel_loop3A_153 : vector<16xf32> to vector<1x1x16xf32>
          tpu.vector_store %arg11[%parallel_loop3A_155, %parallel_loop3A_156, %parallel_loop3A_157], %parallel_loop3A_160 {strides = array<i32>} : memref<2x128x80xf32, #tpu.memory_space<vmem>>, vector<1x1x16xf32>,
          %parallel_loop3A_161 = arith.constant 0 : i32
          %parallel_loop3A_162 = arith.index_cast %parallel_loop3A_161 : i32 to index
          %parallel_loop3A_163 = arith.index_cast %parallel_loop3A_131 : i32 to index
          %parallel_loop3A_164 = arith.constant 0 : index
          %parallel_loop3A_165 = tpu.vector_load %arg12[%parallel_loop3A_162, %parallel_loop3A_163, %parallel_loop3A_164] {strides = array<i32>} : memref<2x128x64xf32, #tpu.memory_space<vmem>>, vector<1x1x16xf32>,
          %parallel_loop3A_166 = vector.shape_cast %parallel_loop3A_165 : vector<1x1x16xf32> to vector<16xf32>
          %parallel_loop3A_167 = arith.constant 0 : i32
          %parallel_loop3A_168 = vector.broadcast %parallel_loop3A_167 : i32 to vector<16xi32>
          %parallel_loop3A_169 = arith.addi %parallel_loop3A_168, %shift_right_logical3A_38 : vector<16xi32>
          %parallel_loop3A_170 = vector.shape_cast %parallel_loop3A_169 : vector<16xi32> to vector<16x1xi32>
          %parallel_loop3A_171 = vector.shape_cast %parallel_loop3A_170 : vector<16x1xi32> to vector<16xi32>
          %parallel_loop3A_172 = tpu.dynamic_gather %parallel_loop3A_153[%parallel_loop3A_171] in [0] : vector<16xf32>, vector<16xi32> -> vector<16xf32>
          %parallel_loop3A_173 = arith.mulf %parallel_loop3A_166, %parallel_loop3A_172 : vector<16xf32>
          %parallel_loop3A_174 = arith.constant 0 : i32
          %parallel_loop3A_175 = arith.index_cast %parallel_loop3A_174 : i32 to index
          %parallel_loop3A_176 = arith.index_cast %parallel_loop3A_131 : i32 to index
          %parallel_loop3A_177 = arith.constant 16 : index
          %parallel_loop3A_178 = tpu.vector_load %arg11[%parallel_loop3A_175, %parallel_loop3A_176, %parallel_loop3A_177] {strides = array<i32>} : memref<2x128x80xf32, #tpu.memory_space<vmem>>, vector<1x1x16xf32>,
          %parallel_loop3A_179 = vector.shape_cast %parallel_loop3A_178 : vector<1x1x16xf32> to vector<16xf32>
          %parallel_loop3A_180 = vector.shape_cast %parallel_loop3A_173 : vector<16xf32> to vector<1x1x16xf32>
          tpu.vector_store %arg11[%parallel_loop3A_175, %parallel_loop3A_176, %parallel_loop3A_177], %parallel_loop3A_180 {strides = array<i32>} : memref<2x128x80xf32, #tpu.memory_space<vmem>>, vector<1x1x16xf32>,
          %parallel_loop3A_181 = arith.constant 0 : i32
          %parallel_loop3A_182 = arith.index_cast %parallel_loop3A_181 : i32 to index
          %parallel_loop3A_183 = arith.index_cast %parallel_loop3A_131 : i32 to index
          %parallel_loop3A_184 = arith.constant 16 : index
          %parallel_loop3A_185 = tpu.vector_load %arg12[%parallel_loop3A_182, %parallel_loop3A_183, %parallel_loop3A_184] {strides = array<i32>} : memref<2x128x64xf32, #tpu.memory_space<vmem>>, vector<1x1x16xf32>,
          %parallel_loop3A_186 = vector.shape_cast %parallel_loop3A_185 : vector<1x1x16xf32> to vector<16xf32>
          %parallel_loop3A_187 = arith.constant 2 : i32
          %parallel_loop3A_188 = vector.broadcast %parallel_loop3A_187 : i32 to vector<16xi32>
          %parallel_loop3A_189 = arith.addi %parallel_loop3A_188, %shift_right_logical3A_38 : vector<16xi32>
          %parallel_loop3A_190 = vector.shape_cast %parallel_loop3A_189 : vector<16xi32> to vector<16x1xi32>
          %parallel_loop3A_191 = vector.shape_cast %parallel_loop3A_190 : vector<16x1xi32> to vector<16xi32>
          %parallel_loop3A_192 = tpu.dynamic_gather %parallel_loop3A_153[%parallel_loop3A_191] in [0] : vector<16xf32>, vector<16xi32> -> vector<16xf32>
          %parallel_loop3A_193 = arith.mulf %parallel_loop3A_186, %parallel_loop3A_192 : vector<16xf32>
          %parallel_loop3A_194 = arith.constant 0 : i32
          %parallel_loop3A_195 = arith.index_cast %parallel_loop3A_194 : i32 to index
          %parallel_loop3A_196 = arith.index_cast %parallel_loop3A_131 : i32 to index
          %parallel_loop3A_197 = arith.constant 32 : index
          %parallel_loop3A_198 = tpu.vector_load %arg11[%parallel_loop3A_195, %parallel_loop3A_196, %parallel_loop3A_197] {strides = array<i32>} : memref<2x128x80xf32, #tpu.memory_space<vmem>>, vector<1x1x16xf32>,
          %parallel_loop3A_199 = vector.shape_cast %parallel_loop3A_198 : vector<1x1x16xf32> to vector<16xf32>
          %parallel_loop3A_200 = vector.shape_cast %parallel_loop3A_193 : vector<16xf32> to vector<1x1x16xf32>
          tpu.vector_store %arg11[%parallel_loop3A_195, %parallel_loop3A_196, %parallel_loop3A_197], %parallel_loop3A_200 {strides = array<i32>} : memref<2x128x80xf32, #tpu.memory_space<vmem>>, vector<1x1x16xf32>,
          %parallel_loop3A_201 = arith.constant 0 : i32
          %parallel_loop3A_202 = arith.index_cast %parallel_loop3A_201 : i32 to index
          %parallel_loop3A_203 = arith.index_cast %parallel_loop3A_131 : i32 to index
          %parallel_loop3A_204 = arith.constant 32 : index
          %parallel_loop3A_205 = tpu.vector_load %arg12[%parallel_loop3A_202, %parallel_loop3A_203, %parallel_loop3A_204] {strides = array<i32>} : memref<2x128x64xf32, #tpu.memory_space<vmem>>, vector<1x1x16xf32>,
          %parallel_loop3A_206 = vector.shape_cast %parallel_loop3A_205 : vector<1x1x16xf32> to vector<16xf32>
          %parallel_loop3A_207 = arith.constant 4 : i32
          %parallel_loop3A_208 = vector.broadcast %parallel_loop3A_207 : i32 to vector<16xi32>
          %parallel_loop3A_209 = arith.addi %parallel_loop3A_208, %shift_right_logical3A_38 : vector<16xi32>
          %parallel_loop3A_210 = vector.shape_cast %parallel_loop3A_209 : vector<16xi32> to vector<16x1xi32>
          %parallel_loop3A_211 = vector.shape_cast %parallel_loop3A_210 : vector<16x1xi32> to vector<16xi32>
          %parallel_loop3A_212 = tpu.dynamic_gather %parallel_loop3A_153[%parallel_loop3A_211] in [0] : vector<16xf32>, vector<16xi32> -> vector<16xf32>
          %parallel_loop3A_213 = arith.mulf %parallel_loop3A_206, %parallel_loop3A_212 : vector<16xf32>
          %parallel_loop3A_214 = arith.constant 0 : i32
          %parallel_loop3A_215 = arith.index_cast %parallel_loop3A_214 : i32 to index
          %parallel_loop3A_216 = arith.index_cast %parallel_loop3A_131 : i32 to index
          %parallel_loop3A_217 = arith.constant 48 : index
          %parallel_loop3A_218 = tpu.vector_load %arg11[%parallel_loop3A_215, %parallel_loop3A_216, %parallel_loop3A_217] {strides = array<i32>} : memref<2x128x80xf32, #tpu.memory_space<vmem>>, vector<1x1x16xf32>,
          %parallel_loop3A_219 = vector.shape_cast %parallel_loop3A_218 : vector<1x1x16xf32> to vector<16xf32>
          %parallel_loop3A_220 = vector.shape_cast %parallel_loop3A_213 : vector<16xf32> to vector<1x1x16xf32>
          tpu.vector_store %arg11[%parallel_loop3A_215, %parallel_loop3A_216, %parallel_loop3A_217], %parallel_loop3A_220 {strides = array<i32>} : memref<2x128x80xf32, #tpu.memory_space<vmem>>, vector<1x1x16xf32>,
          %parallel_loop3A_221 = arith.constant 0 : i32
          %parallel_loop3A_222 = arith.index_cast %parallel_loop3A_221 : i32 to index
          %parallel_loop3A_223 = arith.index_cast %parallel_loop3A_131 : i32 to index
          %parallel_loop3A_224 = arith.constant 48 : index
          %parallel_loop3A_225 = tpu.vector_load %arg12[%parallel_loop3A_222, %parallel_loop3A_223, %parallel_loop3A_224] {strides = array<i32>} : memref<2x128x64xf32, #tpu.memory_space<vmem>>, vector<1x1x16xf32>,
          %parallel_loop3A_226 = vector.shape_cast %parallel_loop3A_225 : vector<1x1x16xf32> to vector<16xf32>
          %parallel_loop3A_227 = arith.constant 6 : i32
          %parallel_loop3A_228 = vector.broadcast %parallel_loop3A_227 : i32 to vector<16xi32>
          %parallel_loop3A_229 = arith.addi %parallel_loop3A_228, %shift_right_logical3A_38 : vector<16xi32>
          %parallel_loop3A_230 = vector.shape_cast %parallel_loop3A_229 : vector<16xi32> to vector<16x1xi32>
          %parallel_loop3A_231 = vector.shape_cast %parallel_loop3A_230 : vector<16x1xi32> to vector<16xi32>
          %parallel_loop3A_232 = tpu.dynamic_gather %parallel_loop3A_153[%parallel_loop3A_231] in [0] : vector<16xf32>, vector<16xi32> -> vector<16xf32>
          %parallel_loop3A_233 = arith.mulf %parallel_loop3A_226, %parallel_loop3A_232 : vector<16xf32>
          %parallel_loop3A_234 = arith.constant 0 : i32
          %parallel_loop3A_235 = arith.index_cast %parallel_loop3A_234 : i32 to index
          %parallel_loop3A_236 = arith.index_cast %parallel_loop3A_131 : i32 to index
          %parallel_loop3A_237 = arith.constant 64 : index
          %parallel_loop3A_238 = tpu.vector_load %arg11[%parallel_loop3A_235, %parallel_loop3A_236, %parallel_loop3A_237] {strides = array<i32>} : memref<2x128x80xf32, #tpu.memory_space<vmem>>, vector<1x1x16xf32>,
          %parallel_loop3A_239 = vector.shape_cast %parallel_loop3A_238 : vector<1x1x16xf32> to vector<16xf32>
          %parallel_loop3A_240 = vector.shape_cast %parallel_loop3A_233 : vector<16xf32> to vector<1x1x16xf32>
          tpu.vector_store %arg11[%parallel_loop3A_235, %parallel_loop3A_236, %parallel_loop3A_237], %parallel_loop3A_240 {strides = array<i32>} : memref<2x128x80xf32, #tpu.memory_space<vmem>>, vector<1x1x16xf32>,
        } {sc.loop_unroll_factor = 4 : i64, sc.parallel_access}
        %run_scoped3A_129 = arith.constant 0 : i32
        %run_scoped3A_130 = arith.constant 0 : i32
        "tpu.region"() ({
          %run_scoped3A_131 = tpu.sem_alloc : memref<!tpu.dma_semaphore, #tpu.memory_space<semaphore_mem>>
          %dma_start3A = arith.constant 0 : i32
          %dma_start3A_132 = arith.constant 0 : i32
          %dma_start3A_133 = tpu.memref_slice %arg11[%run_scoped3A_129, %dma_start3A, %dma_start3A_132] : memref<2x128x80xf32, #tpu.memory_space<vmem>> -> memref<1x128x80xf32, #tpu.memory_space<vmem>>
          %dma_start3A_134 = tpu.memref_squeeze %dma_start3A_133 : memref<1x128x80xf32, #tpu.memory_space<vmem>> -> memref<128x80xf32, #tpu.memory_space<vmem>>
          %dma_start3A_135 = arith.constant 0 : i32
          %dma_start3A_136 = tpu.memref_slice %arg8[%run_scoped3A_130, %dma_start3A_135] : memref<2x128xi32, #tpu.memory_space<vmem>> -> memref<1x128xi32, #tpu.memory_space<vmem>>
          %dma_start3A_137 = tpu.memref_squeeze %dma_start3A_136 : memref<1x128xi32, #tpu.memory_space<vmem>> -> memref<128xi32, #tpu.memory_space<vmem>>
          %dma_start3A_138 = arith.constant 0 : i32
          %dma_start3A_139 = arith.constant 0 : i32
          %dma_start3A_140 = tpu.memref_slice %arg13[%dma_start3A_138, %dma_start3A_139] : memref<10240x80xf32, #tpu.memory_space<vmem_shared>> -> memref<10240x80xf32, #tpu.memory_space<vmem_shared>>
          tpu.enqueue_indirect_dma source(%dma_start3A_134 : memref<128x80xf32, #tpu.memory_space<vmem>>) target(%dma_start3A_140 : memref<10240x80xf32, #tpu.memory_space<vmem_shared>>) offsets(%dma_start3A_137 : memref<128xi32, #tpu.memory_space<vmem>>) semaphore(%run_scoped3A_131 : memref<!tpu.dma_semaphore, #tpu.memory_space<semaphore_mem>>) {add = true}
          %dma_wait3A_141 = arith.constant 0 : i32
          %dma_wait3A_142 = arith.constant 0 : i32
          %dma_wait3A_143 = tpu.memref_slice %arg11[%run_scoped3A_129, %dma_wait3A_141, %dma_wait3A_142] : memref<2x128x80xf32, #tpu.memory_space<vmem>> -> memref<1x128x80xf32, #tpu.memory_space<vmem>>
          %dma_wait3A_144 = tpu.memref_squeeze %dma_wait3A_143 : memref<1x128x80xf32, #tpu.memory_space<vmem>> -> memref<128x80xf32, #tpu.memory_space<vmem>>
          %dma_wait3A_145 = arith.constant 0 : i32
          %dma_wait3A_146 = tpu.memref_slice %arg8[%run_scoped3A_130, %dma_wait3A_145] : memref<2x128xi32, #tpu.memory_space<vmem>> -> memref<1x128xi32, #tpu.memory_space<vmem>>
          %dma_wait3A_147 = tpu.memref_squeeze %dma_wait3A_146 : memref<1x128xi32, #tpu.memory_space<vmem>> -> memref<128xi32, #tpu.memory_space<vmem>>
          %dma_wait3A_148 = arith.constant 0 : i32
          %dma_wait3A_149 = arith.constant 0 : i32
          %dma_wait3A_150 = tpu.memref_slice %arg13[%dma_wait3A_148, %dma_wait3A_149] : memref<10240x80xf32, #tpu.memory_space<vmem_shared>> -> memref<10240x80xf32, #tpu.memory_space<vmem_shared>>
          tpu.wait_indirect_dma semaphore(%run_scoped3A_131 : memref<!tpu.dma_semaphore, #tpu.memory_space<semaphore_mem>>) src(%dma_wait3A_144 : memref<128x80xf32, #tpu.memory_space<vmem>>) dst(%dma_wait3A_150 : memref<10240x80xf32, #tpu.memory_space<vmem_shared>>)
          tpu.yield
        }) : () -> ()
      } else {
      }
      %add3A_71 = arith.constant 2 : i32
      %add3A_72 = arith.addi %mul3A_52, %add3A_71 : i32
      %mul3A_73 = arith.constant 32 : i32
      %mul3A_74 = arith.muli %add3A_72, %mul3A_73 : i32
      %add3A_75 = arith.addi %mul3A_74, %add3A : i32
      %lt3A_76 = arith.constant 2500 : i32
      %lt3A_77 = arith.cmpi slt, %add3A_75, %lt3A_76 : i32
      %convert_element_type3A_78 = arith.extui %lt3A_77 : i1 to i32
      %cond3A_79 = arith.constant 0 : i32
      %cond3A_80 = arith.cmpi ne, %convert_element_type3A_78, %cond3A_79 : i32
      scf.if %cond3A_80 {
        %mul3A_91 = arith.constant 128 : i32
        %mul3A_92 = arith.muli %add3A_75, %mul3A_91 : i32
        %run_scoped3A_93 = arith.constant 0 : i32
        %run_scoped3A_94 = arith.constant 0 : i32
        "tpu.region"() ({
          %run_scoped3A_132 = tpu.sem_alloc : memref<!tpu.dma_semaphore, #tpu.memory_space<semaphore_mem>>
          %dma_start3A_133 = arith.constant 0 : i32
          %dma_start3A_134 = tpu.memref_slice %arg7[%run_scoped3A_94, %dma_start3A_133] : memref<2x128xi32, #tpu.memory_space<vmem>> -> memref<1x128xi32, #tpu.memory_space<vmem>>
          %dma_start3A_135 = tpu.memref_squeeze %dma_start3A_134 : memref<1x128xi32, #tpu.memory_space<vmem>> -> memref<128xi32, #tpu.memory_space<vmem>>
          %dma_start3A_136 = tpu.memref_slice %arg2[%run_scoped3A_93, %mul3A_92] : memref<2x320000xi32, #tpu.memory_space<hbm>> -> memref<1x128xi32, #tpu.memory_space<hbm>>
          %dma_start3A_137 = tpu.memref_squeeze %dma_start3A_136 : memref<1x128xi32, #tpu.memory_space<hbm>> -> memref<128xi32, #tpu.memory_space<hbm>>
          %dma_start3A_138 = arith.constant 0 : i32
          %dma_start3A_139 = tpu.memref_slice %arg7[%run_scoped3A_94, %dma_start3A_138] : memref<2x128xi32, #tpu.memory_space<vmem>> -> memref<1x128xi32, #tpu.memory_space<vmem>>
          %dma_start3A_140 = tpu.memref_squeeze %dma_start3A_139 : memref<1x128xi32, #tpu.memory_space<vmem>> -> memref<128xi32, #tpu.memory_space<vmem>>
          %dma_start3A_141 = tpu.memref_slice %arg2[%run_scoped3A_93, %mul3A_92] : memref<2x320000xi32, #tpu.memory_space<hbm>> -> memref<1x128xi32, #tpu.memory_space<hbm>>
          %dma_start3A_142 = tpu.memref_squeeze %dma_start3A_141 : memref<1x128xi32, #tpu.memory_space<hbm>> -> memref<128xi32, #tpu.memory_space<hbm>>
          tpu.enqueue_dma source(%dma_start3A_142 : memref<128xi32, #tpu.memory_space<hbm>>) target(%dma_start3A_140 : memref<128xi32, #tpu.memory_space<vmem>>) target_semaphore(%run_scoped3A_132 : memref<!tpu.dma_semaphore, #tpu.memory_space<semaphore_mem>>)
          %dma_wait3A = arith.constant 0 : i32
          %dma_wait3A_143 = tpu.memref_slice %arg7[%run_scoped3A_94, %dma_wait3A] : memref<2x128xi32, #tpu.memory_space<vmem>> -> memref<1x128xi32, #tpu.memory_space<vmem>>
          %dma_wait3A_144 = tpu.memref_squeeze %dma_wait3A_143 : memref<1x128xi32, #tpu.memory_space<vmem>> -> memref<128xi32, #tpu.memory_space<vmem>>
          %dma_wait3A_145 = tpu.memref_slice %arg2[%run_scoped3A_93, %mul3A_92] : memref<2x320000xi32, #tpu.memory_space<hbm>> -> memref<1x128xi32, #tpu.memory_space<hbm>>
          %dma_wait3A_146 = tpu.memref_squeeze %dma_wait3A_145 : memref<1x128xi32, #tpu.memory_space<hbm>> -> memref<128xi32, #tpu.memory_space<hbm>>
          %dma_wait3A_147 = arith.constant 0 : i32
          %dma_wait3A_148 = tpu.memref_slice %arg7[%run_scoped3A_94, %dma_wait3A_147] : memref<2x128xi32, #tpu.memory_space<vmem>> -> memref<1x128xi32, #tpu.memory_space<vmem>>
          %dma_wait3A_149 = tpu.memref_squeeze %dma_wait3A_148 : memref<1x128xi32, #tpu.memory_space<vmem>> -> memref<128xi32, #tpu.memory_space<vmem>>
          %dma_wait3A_150 = tpu.memref_slice %arg2[%run_scoped3A_93, %mul3A_92] : memref<2x320000xi32, #tpu.memory_space<hbm>> -> memref<1x128xi32, #tpu.memory_space<hbm>>
          %dma_wait3A_151 = tpu.memref_squeeze %dma_wait3A_150 : memref<1x128xi32, #tpu.memory_space<hbm>> -> memref<128xi32, #tpu.memory_space<hbm>>
          tpu.wait_dma2 semaphore(%run_scoped3A_132 : memref<!tpu.dma_semaphore, #tpu.memory_space<semaphore_mem>>) src(%dma_wait3A_151 : memref<128xi32, #tpu.memory_space<hbm>>) dst(%dma_wait3A_149 : memref<128xi32, #tpu.memory_space<vmem>>)
          tpu.yield
        }) : () -> ()
        %run_scoped3A_95 = arith.constant 1 : i32
        %run_scoped3A_96 = arith.constant 0 : i32
        "tpu.region"() ({
          %run_scoped3A_132 = tpu.sem_alloc : memref<!tpu.dma_semaphore, #tpu.memory_space<semaphore_mem>>
          %dma_start3A_133 = arith.constant 0 : i32
          %dma_start3A_134 = tpu.memref_slice %arg8[%run_scoped3A_96, %dma_start3A_133] : memref<2x128xi32, #tpu.memory_space<vmem>> -> memref<1x128xi32, #tpu.memory_space<vmem>>
          %dma_start3A_135 = tpu.memref_squeeze %dma_start3A_134 : memref<1x128xi32, #tpu.memory_space<vmem>> -> memref<128xi32, #tpu.memory_space<vmem>>
          %dma_start3A_136 = tpu.memref_slice %arg2[%run_scoped3A_95, %mul3A_92] : memref<2x320000xi32, #tpu.memory_space<hbm>> -> memref<1x128xi32, #tpu.memory_space<hbm>>
          %dma_start3A_137 = tpu.memref_squeeze %dma_start3A_136 : memref<1x128xi32, #tpu.memory_space<hbm>> -> memref<128xi32, #tpu.memory_space<hbm>>
          %dma_start3A_138 = arith.constant 0 : i32
          %dma_start3A_139 = tpu.memref_slice %arg8[%run_scoped3A_96, %dma_start3A_138] : memref<2x128xi32, #tpu.memory_space<vmem>> -> memref<1x128xi32, #tpu.memory_space<vmem>>
          %dma_start3A_140 = tpu.memref_squeeze %dma_start3A_139 : memref<1x128xi32, #tpu.memory_space<vmem>> -> memref<128xi32, #tpu.memory_space<vmem>>
          %dma_start3A_141 = tpu.memref_slice %arg2[%run_scoped3A_95, %mul3A_92] : memref<2x320000xi32, #tpu.memory_space<hbm>> -> memref<1x128xi32, #tpu.memory_space<hbm>>
          %dma_start3A_142 = tpu.memref_squeeze %dma_start3A_141 : memref<1x128xi32, #tpu.memory_space<hbm>> -> memref<128xi32, #tpu.memory_space<hbm>>
          tpu.enqueue_dma source(%dma_start3A_142 : memref<128xi32, #tpu.memory_space<hbm>>) target(%dma_start3A_140 : memref<128xi32, #tpu.memory_space<vmem>>) target_semaphore(%run_scoped3A_132 : memref<!tpu.dma_semaphore, #tpu.memory_space<semaphore_mem>>)
          %dma_wait3A = arith.constant 0 : i32
          %dma_wait3A_143 = tpu.memref_slice %arg8[%run_scoped3A_96, %dma_wait3A] : memref<2x128xi32, #tpu.memory_space<vmem>> -> memref<1x128xi32, #tpu.memory_space<vmem>>
          %dma_wait3A_144 = tpu.memref_squeeze %dma_wait3A_143 : memref<1x128xi32, #tpu.memory_space<vmem>> -> memref<128xi32, #tpu.memory_space<vmem>>
          %dma_wait3A_145 = tpu.memref_slice %arg2[%run_scoped3A_95, %mul3A_92] : memref<2x320000xi32, #tpu.memory_space<hbm>> -> memref<1x128xi32, #tpu.memory_space<hbm>>
          %dma_wait3A_146 = tpu.memref_squeeze %dma_wait3A_145 : memref<1x128xi32, #tpu.memory_space<hbm>> -> memref<128xi32, #tpu.memory_space<hbm>>
          %dma_wait3A_147 = arith.constant 0 : i32
          %dma_wait3A_148 = tpu.memref_slice %arg8[%run_scoped3A_96, %dma_wait3A_147] : memref<2x128xi32, #tpu.memory_space<vmem>> -> memref<1x128xi32, #tpu.memory_space<vmem>>
          %dma_wait3A_149 = tpu.memref_squeeze %dma_wait3A_148 : memref<1x128xi32, #tpu.memory_space<vmem>> -> memref<128xi32, #tpu.memory_space<vmem>>
          %dma_wait3A_150 = tpu.memref_slice %arg2[%run_scoped3A_95, %mul3A_92] : memref<2x320000xi32, #tpu.memory_space<hbm>> -> memref<1x128xi32, #tpu.memory_space<hbm>>
          %dma_wait3A_151 = tpu.memref_squeeze %dma_wait3A_150 : memref<1x128xi32, #tpu.memory_space<hbm>> -> memref<128xi32, #tpu.memory_space<hbm>>
          tpu.wait_dma2 semaphore(%run_scoped3A_132 : memref<!tpu.dma_semaphore, #tpu.memory_space<semaphore_mem>>) src(%dma_wait3A_151 : memref<128xi32, #tpu.memory_space<hbm>>) dst(%dma_wait3A_149 : memref<128xi32, #tpu.memory_space<vmem>>)
          tpu.yield
        }) : () -> ()
        %dma_start3A = arith.constant 0 : i32
        %dma_start3A_97 = arith.constant 0 : i32
        %dma_start3A_98 = arith.constant 0 : i32
        %dma_start3A_99 = arith.constant 0 : i32
        %dma_start3A_100 = tpu.memref_slice %arg9[%dma_start3A_97, %dma_start3A_98, %dma_start3A_99] : memref<2x128x16xf32, #tpu.memory_space<vmem>> -> memref<1x128x16xf32, #tpu.memory_space<vmem>>
        %dma_start3A_101 = tpu.memref_squeeze %dma_start3A_100 : memref<1x128x16xf32, #tpu.memory_space<vmem>> -> memref<128x16xf32, #tpu.memory_space<vmem>>
        %dma_start3A_102 = arith.constant 0 : i32
        %dma_start3A_103 = tpu.memref_slice %arg7[%dma_start3A, %dma_start3A_102] : memref<2x128xi32, #tpu.memory_space<vmem>> -> memref<1x128xi32, #tpu.memory_space<vmem>>
        %dma_start3A_104 = tpu.memref_squeeze %dma_start3A_103 : memref<1x128xi32, #tpu.memory_space<vmem>> -> memref<128xi32, #tpu.memory_space<vmem>>
        %dma_start3A_105 = arith.constant 0 : i32
        %dma_start3A_106 = arith.constant 0 : i32
        %dma_start3A_107 = tpu.memref_slice %arg3[%dma_start3A_105, %dma_start3A_106] : memref<10000x16xf32, #tpu.memory_space<hbm>> -> memref<10000x16xf32, #tpu.memory_space<hbm>>
        tpu.enqueue_indirect_dma source(%dma_start3A_107 : memref<10000x16xf32, #tpu.memory_space<hbm>>) target(%dma_start3A_101 : memref<128x16xf32, #tpu.memory_space<vmem>>) offsets(%dma_start3A_104 : memref<128xi32, #tpu.memory_space<vmem>>) semaphore(%arg14 : memref<!tpu.dma_semaphore, #tpu.memory_space<semaphore_mem>>)
        %dma_start3A_108 = arith.constant 0 : i32
        %dma_start3A_109 = arith.constant 0 : i32
        %dma_start3A_110 = arith.constant 0 : i32
        %dma_start3A_111 = arith.constant 0 : i32
        %dma_start3A_112 = tpu.memref_slice %arg10[%dma_start3A_109, %dma_start3A_110, %dma_start3A_111] : memref<2x128x16xf32, #tpu.memory_space<vmem>> -> memref<1x128x16xf32, #tpu.memory_space<vmem>>
        %dma_start3A_113 = tpu.memref_squeeze %dma_start3A_112 : memref<1x128x16xf32, #tpu.memory_space<vmem>> -> memref<128x16xf32, #tpu.memory_space<vmem>>
        %dma_start3A_114 = arith.constant 0 : i32
        %dma_start3A_115 = tpu.memref_slice %arg8[%dma_start3A_108, %dma_start3A_114] : memref<2x128xi32, #tpu.memory_space<vmem>> -> memref<1x128xi32, #tpu.memory_space<vmem>>
        %dma_start3A_116 = tpu.memref_squeeze %dma_start3A_115 : memref<1x128xi32, #tpu.memory_space<vmem>> -> memref<128xi32, #tpu.memory_space<vmem>>
        %dma_start3A_117 = arith.constant 0 : i32
        %dma_start3A_118 = arith.constant 0 : i32
        %dma_start3A_119 = tpu.memref_slice %arg4[%dma_start3A_117, %dma_start3A_118] : memref<10000x16xf32, #tpu.memory_space<hbm>> -> memref<10000x16xf32, #tpu.memory_space<hbm>>
        tpu.enqueue_indirect_dma source(%dma_start3A_119 : memref<10000x16xf32, #tpu.memory_space<hbm>>) target(%dma_start3A_113 : memref<128x16xf32, #tpu.memory_space<vmem>>) offsets(%dma_start3A_116 : memref<128xi32, #tpu.memory_space<vmem>>) semaphore(%arg14 : memref<!tpu.dma_semaphore, #tpu.memory_space<semaphore_mem>>)
        %dma_start3A_120 = arith.constant 0 : i32
        %dma_start3A_121 = arith.constant 0 : i32
        %dma_start3A_122 = arith.constant 0 : i32
        %dma_start3A_123 = arith.constant 0 : i32
        %dma_start3A_124 = tpu.memref_slice %arg12[%dma_start3A_121, %dma_start3A_122, %dma_start3A_123] : memref<2x128x64xf32, #tpu.memory_space<vmem>> -> memref<1x128x64xf32, #tpu.memory_space<vmem>>
        %dma_start3A_125 = tpu.memref_squeeze %dma_start3A_124 : memref<1x128x64xf32, #tpu.memory_space<vmem>> -> memref<128x64xf32, #tpu.memory_space<vmem>>
        %dma_start3A_126 = arith.constant 0 : i32
        %dma_start3A_127 = tpu.memref_slice %arg7[%dma_start3A_120, %dma_start3A_126] : memref<2x128xi32, #tpu.memory_space<vmem>> -> memref<1x128xi32, #tpu.memory_space<vmem>>
        %dma_start3A_128 = tpu.memref_squeeze %dma_start3A_127 : memref<1x128xi32, #tpu.memory_space<vmem>> -> memref<128xi32, #tpu.memory_space<vmem>>
        %dma_start3A_129 = arith.constant 0 : i32
        %dma_start3A_130 = arith.constant 0 : i32
        %dma_start3A_131 = tpu.memref_slice %arg5[%dma_start3A_129, %dma_start3A_130] : memref<10000x64xf32, #tpu.memory_space<hbm>> -> memref<10000x64xf32, #tpu.memory_space<hbm>>
        tpu.enqueue_indirect_dma source(%dma_start3A_131 : memref<10000x64xf32, #tpu.memory_space<hbm>>) target(%dma_start3A_125 : memref<128x64xf32, #tpu.memory_space<vmem>>) offsets(%dma_start3A_128 : memref<128xi32, #tpu.memory_space<vmem>>) semaphore(%arg14 : memref<!tpu.dma_semaphore, #tpu.memory_space<semaphore_mem>>)
      } else {
      }
      %add3A_81 = arith.constant 1 : i32
      %add3A_82 = arith.addi %mul3A_52, %add3A_81 : i32
      %mul3A_83 = arith.constant 32 : i32
      %mul3A_84 = arith.muli %add3A_82, %mul3A_83 : i32
      %add3A_85 = arith.addi %mul3A_84, %add3A : i32
      %lt3A_86 = arith.constant 2500 : i32
      %lt3A_87 = arith.cmpi slt, %add3A_85, %lt3A_86 : i32
      %convert_element_type3A_88 = arith.extui %lt3A_87 : i1 to i32
      %cond3A_89 = arith.constant 0 : i32
      %cond3A_90 = arith.cmpi ne, %convert_element_type3A_88, %cond3A_89 : i32
      scf.if %cond3A_90 {
        %dma_wait3A = arith.constant 1 : i32
        %dma_wait3A_91 = arith.constant 1 : i32
        %dma_wait3A_92 = arith.constant 0 : i32
        %dma_wait3A_93 = arith.constant 0 : i32
        %dma_wait3A_94 = tpu.memref_slice %arg9[%dma_wait3A_91, %dma_wait3A_92, %dma_wait3A_93] : memref<2x128x16xf32, #tpu.memory_space<vmem>> -> memref<1x128x16xf32, #tpu.memory_space<vmem>>
        %dma_wait3A_95 = tpu.memref_squeeze %dma_wait3A_94 : memref<1x128x16xf32, #tpu.memory_space<vmem>> -> memref<128x16xf32, #tpu.memory_space<vmem>>
        %dma_wait3A_96 = arith.constant 0 : i32
        %dma_wait3A_97 = tpu.memref_slice %arg7[%dma_wait3A, %dma_wait3A_96] : memref<2x128xi32, #tpu.memory_space<vmem>> -> memref<1x128xi32, #tpu.memory_space<vmem>>
        %dma_wait3A_98 = tpu.memref_squeeze %dma_wait3A_97 : memref<1x128xi32, #tpu.memory_space<vmem>> -> memref<128xi32, #tpu.memory_space<vmem>>
        %dma_wait3A_99 = arith.constant 0 : i32
        %dma_wait3A_100 = arith.constant 0 : i32
        %dma_wait3A_101 = tpu.memref_slice %arg3[%dma_wait3A_99, %dma_wait3A_100] : memref<10000x16xf32, #tpu.memory_space<hbm>> -> memref<10000x16xf32, #tpu.memory_space<hbm>>
        tpu.wait_indirect_dma semaphore(%arg15 : memref<!tpu.dma_semaphore, #tpu.memory_space<semaphore_mem>>) src(%dma_wait3A_101 : memref<10000x16xf32, #tpu.memory_space<hbm>>) dst(%dma_wait3A_95 : memref<128x16xf32, #tpu.memory_space<vmem>>)
        %dma_wait3A_102 = arith.constant 1 : i32
        %dma_wait3A_103 = arith.constant 1 : i32
        %dma_wait3A_104 = arith.constant 0 : i32
        %dma_wait3A_105 = arith.constant 0 : i32
        %dma_wait3A_106 = tpu.memref_slice %arg10[%dma_wait3A_103, %dma_wait3A_104, %dma_wait3A_105] : memref<2x128x16xf32, #tpu.memory_space<vmem>> -> memref<1x128x16xf32, #tpu.memory_space<vmem>>
        %dma_wait3A_107 = tpu.memref_squeeze %dma_wait3A_106 : memref<1x128x16xf32, #tpu.memory_space<vmem>> -> memref<128x16xf32, #tpu.memory_space<vmem>>
        %dma_wait3A_108 = arith.constant 0 : i32
        %dma_wait3A_109 = tpu.memref_slice %arg8[%dma_wait3A_102, %dma_wait3A_108] : memref<2x128xi32, #tpu.memory_space<vmem>> -> memref<1x128xi32, #tpu.memory_space<vmem>>
        %dma_wait3A_110 = tpu.memref_squeeze %dma_wait3A_109 : memref<1x128xi32, #tpu.memory_space<vmem>> -> memref<128xi32, #tpu.memory_space<vmem>>
        %dma_wait3A_111 = arith.constant 0 : i32
        %dma_wait3A_112 = arith.constant 0 : i32
        %dma_wait3A_113 = tpu.memref_slice %arg4[%dma_wait3A_111, %dma_wait3A_112] : memref<10000x16xf32, #tpu.memory_space<hbm>> -> memref<10000x16xf32, #tpu.memory_space<hbm>>
        tpu.wait_indirect_dma semaphore(%arg15 : memref<!tpu.dma_semaphore, #tpu.memory_space<semaphore_mem>>) src(%dma_wait3A_113 : memref<10000x16xf32, #tpu.memory_space<hbm>>) dst(%dma_wait3A_107 : memref<128x16xf32, #tpu.memory_space<vmem>>)
        %dma_wait3A_114 = arith.constant 1 : i32
        %dma_wait3A_115 = arith.constant 1 : i32
        %dma_wait3A_116 = arith.constant 0 : i32
        %dma_wait3A_117 = arith.constant 0 : i32
        %dma_wait3A_118 = tpu.memref_slice %arg12[%dma_wait3A_115, %dma_wait3A_116, %dma_wait3A_117] : memref<2x128x64xf32, #tpu.memory_space<vmem>> -> memref<1x128x64xf32, #tpu.memory_space<vmem>>
        %dma_wait3A_119 = tpu.memref_squeeze %dma_wait3A_118 : memref<1x128x64xf32, #tpu.memory_space<vmem>> -> memref<128x64xf32, #tpu.memory_space<vmem>>
        %dma_wait3A_120 = arith.constant 0 : i32
        %dma_wait3A_121 = tpu.memref_slice %arg7[%dma_wait3A_114, %dma_wait3A_120] : memref<2x128xi32, #tpu.memory_space<vmem>> -> memref<1x128xi32, #tpu.memory_space<vmem>>
        %dma_wait3A_122 = tpu.memref_squeeze %dma_wait3A_121 : memref<1x128xi32, #tpu.memory_space<vmem>> -> memref<128xi32, #tpu.memory_space<vmem>>
        %dma_wait3A_123 = arith.constant 0 : i32
        %dma_wait3A_124 = arith.constant 0 : i32
        %dma_wait3A_125 = tpu.memref_slice %arg5[%dma_wait3A_123, %dma_wait3A_124] : memref<10000x64xf32, #tpu.memory_space<hbm>> -> memref<10000x64xf32, #tpu.memory_space<hbm>>
        tpu.wait_indirect_dma semaphore(%arg15 : memref<!tpu.dma_semaphore, #tpu.memory_space<semaphore_mem>>) src(%dma_wait3A_125 : memref<10000x64xf32, #tpu.memory_space<hbm>>) dst(%dma_wait3A_119 : memref<128x64xf32, #tpu.memory_space<vmem>>)
        %parallel_loop3A_126 = arith.constant 0 : i32
        %parallel_loop3A_127 = arith.constant 128 : i32
        %parallel_loop3A_128 = arith.constant 1 : i32
        scf.for %parallel_loop3A_131 = %parallel_loop3A_126 to %parallel_loop3A_127 step %parallel_loop3A_128  : i32 {
          %parallel_loop3A_132 = arith.constant 1 : i32
          %parallel_loop3A_133 = arith.index_cast %parallel_loop3A_132 : i32 to index
          %parallel_loop3A_134 = arith.index_cast %parallel_loop3A_131 : i32 to index
          %parallel_loop3A_135 = arith.constant 0 : index
          %parallel_loop3A_136 = tpu.vector_load %arg9[%parallel_loop3A_133, %parallel_loop3A_134, %parallel_loop3A_135] {strides = array<i32>} : memref<2x128x16xf32, #tpu.memory_space<vmem>>, vector<1x1x16xf32>,
          %parallel_loop3A_137 = vector.shape_cast %parallel_loop3A_136 : vector<1x1x16xf32> to vector<16xf32>
          %parallel_loop3A_138 = arith.constant 1 : i32
          %parallel_loop3A_139 = arith.index_cast %parallel_loop3A_138 : i32 to index
          %parallel_loop3A_140 = arith.index_cast %parallel_loop3A_131 : i32 to index
          %parallel_loop3A_141 = arith.constant 0 : index
          %parallel_loop3A_142 = tpu.vector_load %arg10[%parallel_loop3A_139, %parallel_loop3A_140, %parallel_loop3A_141] {strides = array<i32>} : memref<2x128x16xf32, #tpu.memory_space<vmem>>, vector<1x1x16xf32>,
          %parallel_loop3A_143 = vector.shape_cast %parallel_loop3A_142 : vector<1x1x16xf32> to vector<16xf32>
          %parallel_loop3A_144 = arith.addf %parallel_loop3A_137, %parallel_loop3A_143 : vector<16xf32>
          %parallel_loop3A_145 = arith.constant 2.000000e-01 : f32
          %parallel_loop3A_146 = vector.broadcast %parallel_loop3A_145 : f32 to vector<16xf32>
          %parallel_loop3A_147 = arith.mulf %parallel_loop3A_146, %parallel_loop3A_144 : vector<16xf32>
          %parallel_loop3A_148 = arith.maximumf %parallel_loop3A_144, %parallel_loop3A_147 : vector<16xf32>
          %parallel_loop3A_149 = vector.shape_cast %add3A_36 : vector<16xi32> to vector<16x1xi32>
          %parallel_loop3A_150 = vector.shape_cast %parallel_loop3A_149 : vector<16x1xi32> to vector<16xi32>
          %parallel_loop3A_151 = tpu.dynamic_gather %parallel_loop3A_143[%parallel_loop3A_150] in [0] : vector<16xf32>, vector<16xi32> -> vector<16xf32>
          %parallel_loop3A_152 = arith.subf %parallel_loop3A_148, %parallel_loop3A_151 : vector<16xf32>
          %parallel_loop3A_153 = math.exp %parallel_loop3A_152 : vector<16xf32>
          %parallel_loop3A_154 = arith.constant 1 : i32
          %parallel_loop3A_155 = arith.index_cast %parallel_loop3A_154 : i32 to index
          %parallel_loop3A_156 = arith.index_cast %parallel_loop3A_131 : i32 to index
          %parallel_loop3A_157 = arith.constant 0 : index
          %parallel_loop3A_158 = tpu.vector_load %arg11[%parallel_loop3A_155, %parallel_loop3A_156, %parallel_loop3A_157] {strides = array<i32>} : memref<2x128x80xf32, #tpu.memory_space<vmem>>, vector<1x1x16xf32>,
          %parallel_loop3A_159 = vector.shape_cast %parallel_loop3A_158 : vector<1x1x16xf32> to vector<16xf32>
          %parallel_loop3A_160 = vector.shape_cast %parallel_loop3A_153 : vector<16xf32> to vector<1x1x16xf32>
          tpu.vector_store %arg11[%parallel_loop3A_155, %parallel_loop3A_156, %parallel_loop3A_157], %parallel_loop3A_160 {strides = array<i32>} : memref<2x128x80xf32, #tpu.memory_space<vmem>>, vector<1x1x16xf32>,
          %parallel_loop3A_161 = arith.constant 1 : i32
          %parallel_loop3A_162 = arith.index_cast %parallel_loop3A_161 : i32 to index
          %parallel_loop3A_163 = arith.index_cast %parallel_loop3A_131 : i32 to index
          %parallel_loop3A_164 = arith.constant 0 : index
          %parallel_loop3A_165 = tpu.vector_load %arg12[%parallel_loop3A_162, %parallel_loop3A_163, %parallel_loop3A_164] {strides = array<i32>} : memref<2x128x64xf32, #tpu.memory_space<vmem>>, vector<1x1x16xf32>,
          %parallel_loop3A_166 = vector.shape_cast %parallel_loop3A_165 : vector<1x1x16xf32> to vector<16xf32>
          %parallel_loop3A_167 = arith.constant 0 : i32
          %parallel_loop3A_168 = vector.broadcast %parallel_loop3A_167 : i32 to vector<16xi32>
          %parallel_loop3A_169 = arith.addi %parallel_loop3A_168, %shift_right_logical3A_38 : vector<16xi32>
          %parallel_loop3A_170 = vector.shape_cast %parallel_loop3A_169 : vector<16xi32> to vector<16x1xi32>
          %parallel_loop3A_171 = vector.shape_cast %parallel_loop3A_170 : vector<16x1xi32> to vector<16xi32>
          %parallel_loop3A_172 = tpu.dynamic_gather %parallel_loop3A_153[%parallel_loop3A_171] in [0] : vector<16xf32>, vector<16xi32> -> vector<16xf32>
          %parallel_loop3A_173 = arith.mulf %parallel_loop3A_166, %parallel_loop3A_172 : vector<16xf32>
          %parallel_loop3A_174 = arith.constant 1 : i32
          %parallel_loop3A_175 = arith.index_cast %parallel_loop3A_174 : i32 to index
          %parallel_loop3A_176 = arith.index_cast %parallel_loop3A_131 : i32 to index
          %parallel_loop3A_177 = arith.constant 16 : index
          %parallel_loop3A_178 = tpu.vector_load %arg11[%parallel_loop3A_175, %parallel_loop3A_176, %parallel_loop3A_177] {strides = array<i32>} : memref<2x128x80xf32, #tpu.memory_space<vmem>>, vector<1x1x16xf32>,
          %parallel_loop3A_179 = vector.shape_cast %parallel_loop3A_178 : vector<1x1x16xf32> to vector<16xf32>
          %parallel_loop3A_180 = vector.shape_cast %parallel_loop3A_173 : vector<16xf32> to vector<1x1x16xf32>
          tpu.vector_store %arg11[%parallel_loop3A_175, %parallel_loop3A_176, %parallel_loop3A_177], %parallel_loop3A_180 {strides = array<i32>} : memref<2x128x80xf32, #tpu.memory_space<vmem>>, vector<1x1x16xf32>,
          %parallel_loop3A_181 = arith.constant 1 : i32
          %parallel_loop3A_182 = arith.index_cast %parallel_loop3A_181 : i32 to index
          %parallel_loop3A_183 = arith.index_cast %parallel_loop3A_131 : i32 to index
          %parallel_loop3A_184 = arith.constant 16 : index
          %parallel_loop3A_185 = tpu.vector_load %arg12[%parallel_loop3A_182, %parallel_loop3A_183, %parallel_loop3A_184] {strides = array<i32>} : memref<2x128x64xf32, #tpu.memory_space<vmem>>, vector<1x1x16xf32>,
          %parallel_loop3A_186 = vector.shape_cast %parallel_loop3A_185 : vector<1x1x16xf32> to vector<16xf32>
          %parallel_loop3A_187 = arith.constant 2 : i32
          %parallel_loop3A_188 = vector.broadcast %parallel_loop3A_187 : i32 to vector<16xi32>
          %parallel_loop3A_189 = arith.addi %parallel_loop3A_188, %shift_right_logical3A_38 : vector<16xi32>
          %parallel_loop3A_190 = vector.shape_cast %parallel_loop3A_189 : vector<16xi32> to vector<16x1xi32>
          %parallel_loop3A_191 = vector.shape_cast %parallel_loop3A_190 : vector<16x1xi32> to vector<16xi32>
          %parallel_loop3A_192 = tpu.dynamic_gather %parallel_loop3A_153[%parallel_loop3A_191] in [0] : vector<16xf32>, vector<16xi32> -> vector<16xf32>
          %parallel_loop3A_193 = arith.mulf %parallel_loop3A_186, %parallel_loop3A_192 : vector<16xf32>
          %parallel_loop3A_194 = arith.constant 1 : i32
          %parallel_loop3A_195 = arith.index_cast %parallel_loop3A_194 : i32 to index
          %parallel_loop3A_196 = arith.index_cast %parallel_loop3A_131 : i32 to index
          %parallel_loop3A_197 = arith.constant 32 : index
          %parallel_loop3A_198 = tpu.vector_load %arg11[%parallel_loop3A_195, %parallel_loop3A_196, %parallel_loop3A_197] {strides = array<i32>} : memref<2x128x80xf32, #tpu.memory_space<vmem>>, vector<1x1x16xf32>,
          %parallel_loop3A_199 = vector.shape_cast %parallel_loop3A_198 : vector<1x1x16xf32> to vector<16xf32>
          %parallel_loop3A_200 = vector.shape_cast %parallel_loop3A_193 : vector<16xf32> to vector<1x1x16xf32>
          tpu.vector_store %arg11[%parallel_loop3A_195, %parallel_loop3A_196, %parallel_loop3A_197], %parallel_loop3A_200 {strides = array<i32>} : memref<2x128x80xf32, #tpu.memory_space<vmem>>, vector<1x1x16xf32>,
          %parallel_loop3A_201 = arith.constant 1 : i32
          %parallel_loop3A_202 = arith.index_cast %parallel_loop3A_201 : i32 to index
          %parallel_loop3A_203 = arith.index_cast %parallel_loop3A_131 : i32 to index
          %parallel_loop3A_204 = arith.constant 32 : index
          %parallel_loop3A_205 = tpu.vector_load %arg12[%parallel_loop3A_202, %parallel_loop3A_203, %parallel_loop3A_204] {strides = array<i32>} : memref<2x128x64xf32, #tpu.memory_space<vmem>>, vector<1x1x16xf32>,
          %parallel_loop3A_206 = vector.shape_cast %parallel_loop3A_205 : vector<1x1x16xf32> to vector<16xf32>
          %parallel_loop3A_207 = arith.constant 4 : i32
          %parallel_loop3A_208 = vector.broadcast %parallel_loop3A_207 : i32 to vector<16xi32>
          %parallel_loop3A_209 = arith.addi %parallel_loop3A_208, %shift_right_logical3A_38 : vector<16xi32>
          %parallel_loop3A_210 = vector.shape_cast %parallel_loop3A_209 : vector<16xi32> to vector<16x1xi32>
          %parallel_loop3A_211 = vector.shape_cast %parallel_loop3A_210 : vector<16x1xi32> to vector<16xi32>
          %parallel_loop3A_212 = tpu.dynamic_gather %parallel_loop3A_153[%parallel_loop3A_211] in [0] : vector<16xf32>, vector<16xi32> -> vector<16xf32>
          %parallel_loop3A_213 = arith.mulf %parallel_loop3A_206, %parallel_loop3A_212 : vector<16xf32>
          %parallel_loop3A_214 = arith.constant 1 : i32
          %parallel_loop3A_215 = arith.index_cast %parallel_loop3A_214 : i32 to index
          %parallel_loop3A_216 = arith.index_cast %parallel_loop3A_131 : i32 to index
          %parallel_loop3A_217 = arith.constant 48 : index
          %parallel_loop3A_218 = tpu.vector_load %arg11[%parallel_loop3A_215, %parallel_loop3A_216, %parallel_loop3A_217] {strides = array<i32>} : memref<2x128x80xf32, #tpu.memory_space<vmem>>, vector<1x1x16xf32>,
          %parallel_loop3A_219 = vector.shape_cast %parallel_loop3A_218 : vector<1x1x16xf32> to vector<16xf32>
          %parallel_loop3A_220 = vector.shape_cast %parallel_loop3A_213 : vector<16xf32> to vector<1x1x16xf32>
          tpu.vector_store %arg11[%parallel_loop3A_215, %parallel_loop3A_216, %parallel_loop3A_217], %parallel_loop3A_220 {strides = array<i32>} : memref<2x128x80xf32, #tpu.memory_space<vmem>>, vector<1x1x16xf32>,
          %parallel_loop3A_221 = arith.constant 1 : i32
          %parallel_loop3A_222 = arith.index_cast %parallel_loop3A_221 : i32 to index
          %parallel_loop3A_223 = arith.index_cast %parallel_loop3A_131 : i32 to index
          %parallel_loop3A_224 = arith.constant 48 : index
          %parallel_loop3A_225 = tpu.vector_load %arg12[%parallel_loop3A_222, %parallel_loop3A_223, %parallel_loop3A_224] {strides = array<i32>} : memref<2x128x64xf32, #tpu.memory_space<vmem>>, vector<1x1x16xf32>,
          %parallel_loop3A_226 = vector.shape_cast %parallel_loop3A_225 : vector<1x1x16xf32> to vector<16xf32>
          %parallel_loop3A_227 = arith.constant 6 : i32
          %parallel_loop3A_228 = vector.broadcast %parallel_loop3A_227 : i32 to vector<16xi32>
          %parallel_loop3A_229 = arith.addi %parallel_loop3A_228, %shift_right_logical3A_38 : vector<16xi32>
          %parallel_loop3A_230 = vector.shape_cast %parallel_loop3A_229 : vector<16xi32> to vector<16x1xi32>
          %parallel_loop3A_231 = vector.shape_cast %parallel_loop3A_230 : vector<16x1xi32> to vector<16xi32>
          %parallel_loop3A_232 = tpu.dynamic_gather %parallel_loop3A_153[%parallel_loop3A_231] in [0] : vector<16xf32>, vector<16xi32> -> vector<16xf32>
          %parallel_loop3A_233 = arith.mulf %parallel_loop3A_226, %parallel_loop3A_232 : vector<16xf32>
          %parallel_loop3A_234 = arith.constant 1 : i32
          %parallel_loop3A_235 = arith.index_cast %parallel_loop3A_234 : i32 to index
          %parallel_loop3A_236 = arith.index_cast %parallel_loop3A_131 : i32 to index
          %parallel_loop3A_237 = arith.constant 64 : index
          %parallel_loop3A_238 = tpu.vector_load %arg11[%parallel_loop3A_235, %parallel_loop3A_236, %parallel_loop3A_237] {strides = array<i32>} : memref<2x128x80xf32, #tpu.memory_space<vmem>>, vector<1x1x16xf32>,
          %parallel_loop3A_239 = vector.shape_cast %parallel_loop3A_238 : vector<1x1x16xf32> to vector<16xf32>
          %parallel_loop3A_240 = vector.shape_cast %parallel_loop3A_233 : vector<16xf32> to vector<1x1x16xf32>
          tpu.vector_store %arg11[%parallel_loop3A_235, %parallel_loop3A_236, %parallel_loop3A_237], %parallel_loop3A_240 {strides = array<i32>} : memref<2x128x80xf32, #tpu.memory_space<vmem>>, vector<1x1x16xf32>,
        } {sc.loop_unroll_factor = 4 : i64, sc.parallel_access}
        %run_scoped3A_129 = arith.constant 1 : i32
        %run_scoped3A_130 = arith.constant 1 : i32
        "tpu.region"() ({
          %run_scoped3A_131 = tpu.sem_alloc : memref<!tpu.dma_semaphore, #tpu.memory_space<semaphore_mem>>
          %dma_start3A = arith.constant 0 : i32
          %dma_start3A_132 = arith.constant 0 : i32
          %dma_start3A_133 = tpu.memref_slice %arg11[%run_scoped3A_129, %dma_start3A, %dma_start3A_132] : memref<2x128x80xf32, #tpu.memory_space<vmem>> -> memref<1x128x80xf32, #tpu.memory_space<vmem>>
          %dma_start3A_134 = tpu.memref_squeeze %dma_start3A_133 : memref<1x128x80xf32, #tpu.memory_space<vmem>> -> memref<128x80xf32, #tpu.memory_space<vmem>>
          %dma_start3A_135 = arith.constant 0 : i32
          %dma_start3A_136 = tpu.memref_slice %arg8[%run_scoped3A_130, %dma_start3A_135] : memref<2x128xi32, #tpu.memory_space<vmem>> -> memref<1x128xi32, #tpu.memory_space<vmem>>
          %dma_start3A_137 = tpu.memref_squeeze %dma_start3A_136 : memref<1x128xi32, #tpu.memory_space<vmem>> -> memref<128xi32, #tpu.memory_space<vmem>>
          %dma_start3A_138 = arith.constant 0 : i32
          %dma_start3A_139 = arith.constant 0 : i32
          %dma_start3A_140 = tpu.memref_slice %arg13[%dma_start3A_138, %dma_start3A_139] : memref<10240x80xf32, #tpu.memory_space<vmem_shared>> -> memref<10240x80xf32, #tpu.memory_space<vmem_shared>>
          tpu.enqueue_indirect_dma source(%dma_start3A_134 : memref<128x80xf32, #tpu.memory_space<vmem>>) target(%dma_start3A_140 : memref<10240x80xf32, #tpu.memory_space<vmem_shared>>) offsets(%dma_start3A_137 : memref<128xi32, #tpu.memory_space<vmem>>) semaphore(%run_scoped3A_131 : memref<!tpu.dma_semaphore, #tpu.memory_space<semaphore_mem>>) {add = true}
          %dma_wait3A_141 = arith.constant 0 : i32
          %dma_wait3A_142 = arith.constant 0 : i32
          %dma_wait3A_143 = tpu.memref_slice %arg11[%run_scoped3A_129, %dma_wait3A_141, %dma_wait3A_142] : memref<2x128x80xf32, #tpu.memory_space<vmem>> -> memref<1x128x80xf32, #tpu.memory_space<vmem>>
          %dma_wait3A_144 = tpu.memref_squeeze %dma_wait3A_143 : memref<1x128x80xf32, #tpu.memory_space<vmem>> -> memref<128x80xf32, #tpu.memory_space<vmem>>
          %dma_wait3A_145 = arith.constant 0 : i32
          %dma_wait3A_146 = tpu.memref_slice %arg8[%run_scoped3A_130, %dma_wait3A_145] : memref<2x128xi32, #tpu.memory_space<vmem>> -> memref<1x128xi32, #tpu.memory_space<vmem>>
          %dma_wait3A_147 = tpu.memref_squeeze %dma_wait3A_146 : memref<1x128xi32, #tpu.memory_space<vmem>> -> memref<128xi32, #tpu.memory_space<vmem>>
          %dma_wait3A_148 = arith.constant 0 : i32
          %dma_wait3A_149 = arith.constant 0 : i32
          %dma_wait3A_150 = tpu.memref_slice %arg13[%dma_wait3A_148, %dma_wait3A_149] : memref<10240x80xf32, #tpu.memory_space<vmem_shared>> -> memref<10240x80xf32, #tpu.memory_space<vmem_shared>>
          tpu.wait_indirect_dma semaphore(%run_scoped3A_131 : memref<!tpu.dma_semaphore, #tpu.memory_space<semaphore_mem>>) src(%dma_wait3A_144 : memref<128x80xf32, #tpu.memory_space<vmem>>) dst(%dma_wait3A_150 : memref<10240x80xf32, #tpu.memory_space<vmem_shared>>)
          tpu.yield
        }) : () -> ()
      } else {
      }
    }
    %scan3A_48 = arith.constant 40 : i32
    %barrier3A_49 = arith.constant 0 : index
    tpu.barrier barrier_id(%barrier3A_49)
    "tpu.region"() ({
      %run_scoped3A_50 = tpu.sem_alloc : memref<!tpu.dma_semaphore, #tpu.memory_space<semaphore_mem>>
      %dma_start3A = arith.constant 0 : i32
      %dma_start3A_51 = tpu.memref_slice %arg6[%arg0, %mul3A_4, %dma_start3A] : memref<2x10240x80xf32, #tpu.memory_space<hbm>> -> memref<1x640x80xf32, #tpu.memory_space<hbm>>
      %dma_start3A_52 = tpu.memref_squeeze %dma_start3A_51 : memref<1x640x80xf32, #tpu.memory_space<hbm>> -> memref<640x80xf32, #tpu.memory_space<hbm>>
      %dma_start3A_53 = arith.constant 0 : i32
      %dma_start3A_54 = tpu.memref_slice %arg13[%mul3A_4, %dma_start3A_53] : memref<10240x80xf32, #tpu.memory_space<vmem_shared>> -> memref<640x80xf32, #tpu.memory_space<vmem_shared>>
      tpu.enqueue_dma source(%dma_start3A_54 : memref<640x80xf32, #tpu.memory_space<vmem_shared>>) target(%dma_start3A_52 : memref<640x80xf32, #tpu.memory_space<hbm>>) target_semaphore(%run_scoped3A_50 : memref<!tpu.dma_semaphore, #tpu.memory_space<semaphore_mem>>)
      %dma_wait3A = arith.constant 0 : i32
      %dma_wait3A_55 = tpu.memref_slice %arg6[%arg0, %mul3A_4, %dma_wait3A] : memref<2x10240x80xf32, #tpu.memory_space<hbm>> -> memref<1x640x80xf32, #tpu.memory_space<hbm>>
      %dma_wait3A_56 = tpu.memref_squeeze %dma_wait3A_55 : memref<1x640x80xf32, #tpu.memory_space<hbm>> -> memref<640x80xf32, #tpu.memory_space<hbm>>
      %dma_wait3A_57 = arith.constant 0 : i32
      %dma_wait3A_58 = tpu.memref_slice %arg13[%mul3A_4, %dma_wait3A_57] : memref<10240x80xf32, #tpu.memory_space<vmem_shared>> -> memref<640x80xf32, #tpu.memory_space<vmem_shared>>
      tpu.wait_dma2 semaphore(%run_scoped3A_50 : memref<!tpu.dma_semaphore, #tpu.memory_space<semaphore_mem>>) src(%dma_wait3A_58 : memref<640x80xf32, #tpu.memory_space<vmem_shared>>) dst(%dma_wait3A_56 : memref<640x80xf32, #tpu.memory_space<hbm>>)
      tpu.yield
    }) : () -> ()
    return
  }
}

#map = affine_map<(d0, d1) -> (0, 0)>
#map1 = affine_map<(d0, d1) -> (0, 0, 0)>
module attributes {stable_mosaic.version = 14 : i64} {
  func.func @_sc_edges2(%arg0: i32, %arg1: i32, %arg2: memref<2x320000xi32, #tpu.memory_space<hbm>>, %arg3: memref<10000x80xf32, #tpu.memory_space<hbm>>, %arg4: memref<10000x16xf32, #tpu.memory_space<hbm>>, %arg5: memref<2x10240x80xf32, #tpu.memory_space<hbm>>, %arg6: memref<2x128xi32, #tpu.memory_space<vmem>>, %arg7: memref<2x128xi32, #tpu.memory_space<vmem>>, %arg8: memref<2x128x80xf32, #tpu.memory_space<vmem>>, %arg9: memref<2x128x16xf32, #tpu.memory_space<vmem>>, %arg10: memref<2x128x80xf32, #tpu.memory_space<vmem>>, %arg11: memref<10240x80xf32, #tpu.memory_space<vmem_shared>>, %arg12: memref<!tpu.dma_semaphore, #tpu.memory_space<semaphore_mem>>, %arg13: memref<!tpu.dma_semaphore, #tpu.memory_space<semaphore_mem>>) attributes {dimension_semantics = [#tpu.dimension_semantics<core_parallel>, #tpu.dimension_semantics<subcore_parallel>], iteration_bounds = array<i64: 2, 16>, scalar_prefetch = 0 : i64, scratch_operands = 8 : i64, tpu.core_type = #tpu.core_type<sc_vector_subcore>, window_params = [{transform_indices = #map}, {transform_indices = #map}, {transform_indices = #map}, {transform_indices = #map1}]} {
    %mul3A = arith.constant 2 : i32
    %mul3A_0 = arith.muli %arg1, %mul3A : i32
    %add3A = arith.addi %mul3A_0, %arg0 : i32
    %parallel_loop3A = arith.constant 0 : i32
    %parallel_loop3A_1 = arith.constant 128 : i32
    %parallel_loop3A_2 = arith.constant 1 : i32
    scf.for %parallel_loop3A_36 = %parallel_loop3A to %parallel_loop3A_1 step %parallel_loop3A_2  : i32 {
      %parallel_loop3A_37 = arith.constant 0.000000e+00 : f32
      %parallel_loop3A_38 = vector.broadcast %parallel_loop3A_37 : f32 to vector<16xf32>
      %parallel_loop3A_39 = arith.constant 0 : i32
      %parallel_loop3A_40 = arith.index_cast %parallel_loop3A_39 : i32 to index
      %parallel_loop3A_41 = arith.index_cast %parallel_loop3A_36 : i32 to index
      %parallel_loop3A_42 = arith.constant 0 : index
      %parallel_loop3A_43 = tpu.vector_load %arg10[%parallel_loop3A_40, %parallel_loop3A_41, %parallel_loop3A_42] {strides = array<i32>} : memref<2x128x80xf32, #tpu.memory_space<vmem>>, vector<1x1x16xf32>,
      %parallel_loop3A_44 = vector.shape_cast %parallel_loop3A_43 : vector<1x1x16xf32> to vector<16xf32>
      %parallel_loop3A_45 = vector.shape_cast %parallel_loop3A_38 : vector<16xf32> to vector<1x1x16xf32>
      tpu.vector_store %arg10[%parallel_loop3A_40, %parallel_loop3A_41, %parallel_loop3A_42], %parallel_loop3A_45 {strides = array<i32>} : memref<2x128x80xf32, #tpu.memory_space<vmem>>, vector<1x1x16xf32>,
      %parallel_loop3A_46 = arith.constant 0.000000e+00 : f32
      %parallel_loop3A_47 = vector.broadcast %parallel_loop3A_46 : f32 to vector<16xf32>
      %parallel_loop3A_48 = arith.constant 0 : i32
      %parallel_loop3A_49 = arith.index_cast %parallel_loop3A_48 : i32 to index
      %parallel_loop3A_50 = arith.index_cast %parallel_loop3A_36 : i32 to index
      %parallel_loop3A_51 = arith.constant 16 : index
      %parallel_loop3A_52 = tpu.vector_load %arg10[%parallel_loop3A_49, %parallel_loop3A_50, %parallel_loop3A_51] {strides = array<i32>} : memref<2x128x80xf32, #tpu.memory_space<vmem>>, vector<1x1x16xf32>,
      %parallel_loop3A_53 = vector.shape_cast %parallel_loop3A_52 : vector<1x1x16xf32> to vector<16xf32>
      %parallel_loop3A_54 = vector.shape_cast %parallel_loop3A_47 : vector<16xf32> to vector<1x1x16xf32>
      tpu.vector_store %arg10[%parallel_loop3A_49, %parallel_loop3A_50, %parallel_loop3A_51], %parallel_loop3A_54 {strides = array<i32>} : memref<2x128x80xf32, #tpu.memory_space<vmem>>, vector<1x1x16xf32>,
      %parallel_loop3A_55 = arith.constant 0.000000e+00 : f32
      %parallel_loop3A_56 = vector.broadcast %parallel_loop3A_55 : f32 to vector<16xf32>
      %parallel_loop3A_57 = arith.constant 0 : i32
      %parallel_loop3A_58 = arith.index_cast %parallel_loop3A_57 : i32 to index
      %parallel_loop3A_59 = arith.index_cast %parallel_loop3A_36 : i32 to index
      %parallel_loop3A_60 = arith.constant 32 : index
      %parallel_loop3A_61 = tpu.vector_load %arg10[%parallel_loop3A_58, %parallel_loop3A_59, %parallel_loop3A_60] {strides = array<i32>} : memref<2x128x80xf32, #tpu.memory_space<vmem>>, vector<1x1x16xf32>,
      %parallel_loop3A_62 = vector.shape_cast %parallel_loop3A_61 : vector<1x1x16xf32> to vector<16xf32>
      %parallel_loop3A_63 = vector.shape_cast %parallel_loop3A_56 : vector<16xf32> to vector<1x1x16xf32>
      tpu.vector_store %arg10[%parallel_loop3A_58, %parallel_loop3A_59, %parallel_loop3A_60], %parallel_loop3A_63 {strides = array<i32>} : memref<2x128x80xf32, #tpu.memory_space<vmem>>, vector<1x1x16xf32>,
      %parallel_loop3A_64 = arith.constant 0.000000e+00 : f32
      %parallel_loop3A_65 = vector.broadcast %parallel_loop3A_64 : f32 to vector<16xf32>
      %parallel_loop3A_66 = arith.constant 0 : i32
      %parallel_loop3A_67 = arith.index_cast %parallel_loop3A_66 : i32 to index
      %parallel_loop3A_68 = arith.index_cast %parallel_loop3A_36 : i32 to index
      %parallel_loop3A_69 = arith.constant 48 : index
      %parallel_loop3A_70 = tpu.vector_load %arg10[%parallel_loop3A_67, %parallel_loop3A_68, %parallel_loop3A_69] {strides = array<i32>} : memref<2x128x80xf32, #tpu.memory_space<vmem>>, vector<1x1x16xf32>,
      %parallel_loop3A_71 = vector.shape_cast %parallel_loop3A_70 : vector<1x1x16xf32> to vector<16xf32>
      %parallel_loop3A_72 = vector.shape_cast %parallel_loop3A_65 : vector<16xf32> to vector<1x1x16xf32>
      tpu.vector_store %arg10[%parallel_loop3A_67, %parallel_loop3A_68, %parallel_loop3A_69], %parallel_loop3A_72 {strides = array<i32>} : memref<2x128x80xf32, #tpu.memory_space<vmem>>, vector<1x1x16xf32>,
      %parallel_loop3A_73 = arith.constant 0.000000e+00 : f32
      %parallel_loop3A_74 = vector.broadcast %parallel_loop3A_73 : f32 to vector<16xf32>
      %parallel_loop3A_75 = arith.constant 0 : i32
      %parallel_loop3A_76 = arith.index_cast %parallel_loop3A_75 : i32 to index
      %parallel_loop3A_77 = arith.index_cast %parallel_loop3A_36 : i32 to index
      %parallel_loop3A_78 = arith.constant 64 : index
      %parallel_loop3A_79 = tpu.vector_load %arg10[%parallel_loop3A_76, %parallel_loop3A_77, %parallel_loop3A_78] {strides = array<i32>} : memref<2x128x80xf32, #tpu.memory_space<vmem>>, vector<1x1x16xf32>,
      %parallel_loop3A_80 = vector.shape_cast %parallel_loop3A_79 : vector<1x1x16xf32> to vector<16xf32>
      %parallel_loop3A_81 = vector.shape_cast %parallel_loop3A_74 : vector<16xf32> to vector<1x1x16xf32>
      tpu.vector_store %arg10[%parallel_loop3A_76, %parallel_loop3A_77, %parallel_loop3A_78], %parallel_loop3A_81 {strides = array<i32>} : memref<2x128x80xf32, #tpu.memory_space<vmem>>, vector<1x1x16xf32>,
    } {sc.loop_unroll_factor = 8 : i64, sc.parallel_access}
    %mul3A_3 = arith.constant 640 : i32
    %mul3A_4 = arith.muli %arg1, %mul3A_3 : i32
    %add3A_5 = arith.constant 0 : i32
    %add3A_6 = arith.addi %mul3A_4, %add3A_5 : i32
    %run_scoped3A = arith.constant 0 : i32
    "tpu.region"() ({
      %run_scoped3A_36 = tpu.sem_alloc : memref<!tpu.dma_semaphore, #tpu.memory_space<semaphore_mem>>
      %dma_start3A = arith.constant 0 : i32
      %dma_start3A_37 = arith.constant 0 : i32
      %dma_start3A_38 = tpu.memref_slice %arg10[%run_scoped3A, %dma_start3A, %dma_start3A_37] : memref<2x128x80xf32, #tpu.memory_space<vmem>> -> memref<1x128x80xf32, #tpu.memory_space<vmem>>
      %dma_start3A_39 = tpu.memref_squeeze %dma_start3A_38 : memref<1x128x80xf32, #tpu.memory_space<vmem>> -> memref<128x80xf32, #tpu.memory_space<vmem>>
      %dma_start3A_40 = arith.constant 0 : i32
      %dma_start3A_41 = tpu.memref_slice %arg11[%add3A_6, %dma_start3A_40] : memref<10240x80xf32, #tpu.memory_space<vmem_shared>> -> memref<128x80xf32, #tpu.memory_space<vmem_shared>>
      %dma_start3A_42 = arith.constant 0 : i32
      %dma_start3A_43 = tpu.memref_slice %arg11[%add3A_6, %dma_start3A_42] : memref<10240x80xf32, #tpu.memory_space<vmem_shared>> -> memref<128x80xf32, #tpu.memory_space<vmem_shared>>
      %dma_start3A_44 = arith.constant 0 : i32
      %dma_start3A_45 = arith.constant 0 : i32
      %dma_start3A_46 = tpu.memref_slice %arg10[%run_scoped3A, %dma_start3A_44, %dma_start3A_45] : memref<2x128x80xf32, #tpu.memory_space<vmem>> -> memref<1x128x80xf32, #tpu.memory_space<vmem>>
      %dma_start3A_47 = tpu.memref_squeeze %dma_start3A_46 : memref<1x128x80xf32, #tpu.memory_space<vmem>> -> memref<128x80xf32, #tpu.memory_space<vmem>>
      tpu.enqueue_dma source(%dma_start3A_47 : memref<128x80xf32, #tpu.memory_space<vmem>>) target(%dma_start3A_43 : memref<128x80xf32, #tpu.memory_space<vmem_shared>>) target_semaphore(%run_scoped3A_36 : memref<!tpu.dma_semaphore, #tpu.memory_space<semaphore_mem>>)
      %dma_wait3A = arith.constant 0 : i32
      %dma_wait3A_48 = arith.constant 0 : i32
      %dma_wait3A_49 = tpu.memref_slice %arg10[%run_scoped3A, %dma_wait3A, %dma_wait3A_48] : memref<2x128x80xf32, #tpu.memory_space<vmem>> -> memref<1x128x80xf32, #tpu.memory_space<vmem>>
      %dma_wait3A_50 = tpu.memref_squeeze %dma_wait3A_49 : memref<1x128x80xf32, #tpu.memory_space<vmem>> -> memref<128x80xf32, #tpu.memory_space<vmem>>
      %dma_wait3A_51 = arith.constant 0 : i32
      %dma_wait3A_52 = tpu.memref_slice %arg11[%add3A_6, %dma_wait3A_51] : memref<10240x80xf32, #tpu.memory_space<vmem_shared>> -> memref<128x80xf32, #tpu.memory_space<vmem_shared>>
      %dma_wait3A_53 = arith.constant 0 : i32
      %dma_wait3A_54 = tpu.memref_slice %arg11[%add3A_6, %dma_wait3A_53] : memref<10240x80xf32, #tpu.memory_space<vmem_shared>> -> memref<128x80xf32, #tpu.memory_space<vmem_shared>>
      %dma_wait3A_55 = arith.constant 0 : i32
      %dma_wait3A_56 = arith.constant 0 : i32
      %dma_wait3A_57 = tpu.memref_slice %arg10[%run_scoped3A, %dma_wait3A_55, %dma_wait3A_56] : memref<2x128x80xf32, #tpu.memory_space<vmem>> -> memref<1x128x80xf32, #tpu.memory_space<vmem>>
      %dma_wait3A_58 = tpu.memref_squeeze %dma_wait3A_57 : memref<1x128x80xf32, #tpu.memory_space<vmem>> -> memref<128x80xf32, #tpu.memory_space<vmem>>
      tpu.wait_dma2 semaphore(%run_scoped3A_36 : memref<!tpu.dma_semaphore, #tpu.memory_space<semaphore_mem>>) src(%dma_wait3A_58 : memref<128x80xf32, #tpu.memory_space<vmem>>) dst(%dma_wait3A_54 : memref<128x80xf32, #tpu.memory_space<vmem_shared>>)
      tpu.yield
    }) : () -> ()
    %add3A_7 = arith.constant 128 : i32
    %add3A_8 = arith.addi %mul3A_4, %add3A_7 : i32
    %run_scoped3A_9 = arith.constant 0 : i32
    "tpu.region"() ({
      %run_scoped3A_36 = tpu.sem_alloc : memref<!tpu.dma_semaphore, #tpu.memory_space<semaphore_mem>>
      %dma_start3A = arith.constant 0 : i32
      %dma_start3A_37 = arith.constant 0 : i32
      %dma_start3A_38 = tpu.memref_slice %arg10[%run_scoped3A_9, %dma_start3A, %dma_start3A_37] : memref<2x128x80xf32, #tpu.memory_space<vmem>> -> memref<1x128x80xf32, #tpu.memory_space<vmem>>
      %dma_start3A_39 = tpu.memref_squeeze %dma_start3A_38 : memref<1x128x80xf32, #tpu.memory_space<vmem>> -> memref<128x80xf32, #tpu.memory_space<vmem>>
      %dma_start3A_40 = arith.constant 0 : i32
      %dma_start3A_41 = tpu.memref_slice %arg11[%add3A_8, %dma_start3A_40] : memref<10240x80xf32, #tpu.memory_space<vmem_shared>> -> memref<128x80xf32, #tpu.memory_space<vmem_shared>>
      %dma_start3A_42 = arith.constant 0 : i32
      %dma_start3A_43 = tpu.memref_slice %arg11[%add3A_8, %dma_start3A_42] : memref<10240x80xf32, #tpu.memory_space<vmem_shared>> -> memref<128x80xf32, #tpu.memory_space<vmem_shared>>
      %dma_start3A_44 = arith.constant 0 : i32
      %dma_start3A_45 = arith.constant 0 : i32
      %dma_start3A_46 = tpu.memref_slice %arg10[%run_scoped3A_9, %dma_start3A_44, %dma_start3A_45] : memref<2x128x80xf32, #tpu.memory_space<vmem>> -> memref<1x128x80xf32, #tpu.memory_space<vmem>>
      %dma_start3A_47 = tpu.memref_squeeze %dma_start3A_46 : memref<1x128x80xf32, #tpu.memory_space<vmem>> -> memref<128x80xf32, #tpu.memory_space<vmem>>
      tpu.enqueue_dma source(%dma_start3A_47 : memref<128x80xf32, #tpu.memory_space<vmem>>) target(%dma_start3A_43 : memref<128x80xf32, #tpu.memory_space<vmem_shared>>) target_semaphore(%run_scoped3A_36 : memref<!tpu.dma_semaphore, #tpu.memory_space<semaphore_mem>>)
      %dma_wait3A = arith.constant 0 : i32
      %dma_wait3A_48 = arith.constant 0 : i32
      %dma_wait3A_49 = tpu.memref_slice %arg10[%run_scoped3A_9, %dma_wait3A, %dma_wait3A_48] : memref<2x128x80xf32, #tpu.memory_space<vmem>> -> memref<1x128x80xf32, #tpu.memory_space<vmem>>
      %dma_wait3A_50 = tpu.memref_squeeze %dma_wait3A_49 : memref<1x128x80xf32, #tpu.memory_space<vmem>> -> memref<128x80xf32, #tpu.memory_space<vmem>>
      %dma_wait3A_51 = arith.constant 0 : i32
      %dma_wait3A_52 = tpu.memref_slice %arg11[%add3A_8, %dma_wait3A_51] : memref<10240x80xf32, #tpu.memory_space<vmem_shared>> -> memref<128x80xf32, #tpu.memory_space<vmem_shared>>
      %dma_wait3A_53 = arith.constant 0 : i32
      %dma_wait3A_54 = tpu.memref_slice %arg11[%add3A_8, %dma_wait3A_53] : memref<10240x80xf32, #tpu.memory_space<vmem_shared>> -> memref<128x80xf32, #tpu.memory_space<vmem_shared>>
      %dma_wait3A_55 = arith.constant 0 : i32
      %dma_wait3A_56 = arith.constant 0 : i32
      %dma_wait3A_57 = tpu.memref_slice %arg10[%run_scoped3A_9, %dma_wait3A_55, %dma_wait3A_56] : memref<2x128x80xf32, #tpu.memory_space<vmem>> -> memref<1x128x80xf32, #tpu.memory_space<vmem>>
      %dma_wait3A_58 = tpu.memref_squeeze %dma_wait3A_57 : memref<1x128x80xf32, #tpu.memory_space<vmem>> -> memref<128x80xf32, #tpu.memory_space<vmem>>
      tpu.wait_dma2 semaphore(%run_scoped3A_36 : memref<!tpu.dma_semaphore, #tpu.memory_space<semaphore_mem>>) src(%dma_wait3A_58 : memref<128x80xf32, #tpu.memory_space<vmem>>) dst(%dma_wait3A_54 : memref<128x80xf32, #tpu.memory_space<vmem_shared>>)
      tpu.yield
    }) : () -> ()
    %add3A_10 = arith.constant 256 : i32
    %add3A_11 = arith.addi %mul3A_4, %add3A_10 : i32
    %run_scoped3A_12 = arith.constant 0 : i32
    "tpu.region"() ({
      %run_scoped3A_36 = tpu.sem_alloc : memref<!tpu.dma_semaphore, #tpu.memory_space<semaphore_mem>>
      %dma_start3A = arith.constant 0 : i32
      %dma_start3A_37 = arith.constant 0 : i32
      %dma_start3A_38 = tpu.memref_slice %arg10[%run_scoped3A_12, %dma_start3A, %dma_start3A_37] : memref<2x128x80xf32, #tpu.memory_space<vmem>> -> memref<1x128x80xf32, #tpu.memory_space<vmem>>
      %dma_start3A_39 = tpu.memref_squeeze %dma_start3A_38 : memref<1x128x80xf32, #tpu.memory_space<vmem>> -> memref<128x80xf32, #tpu.memory_space<vmem>>
      %dma_start3A_40 = arith.constant 0 : i32
      %dma_start3A_41 = tpu.memref_slice %arg11[%add3A_11, %dma_start3A_40] : memref<10240x80xf32, #tpu.memory_space<vmem_shared>> -> memref<128x80xf32, #tpu.memory_space<vmem_shared>>
      %dma_start3A_42 = arith.constant 0 : i32
      %dma_start3A_43 = tpu.memref_slice %arg11[%add3A_11, %dma_start3A_42] : memref<10240x80xf32, #tpu.memory_space<vmem_shared>> -> memref<128x80xf32, #tpu.memory_space<vmem_shared>>
      %dma_start3A_44 = arith.constant 0 : i32
      %dma_start3A_45 = arith.constant 0 : i32
      %dma_start3A_46 = tpu.memref_slice %arg10[%run_scoped3A_12, %dma_start3A_44, %dma_start3A_45] : memref<2x128x80xf32, #tpu.memory_space<vmem>> -> memref<1x128x80xf32, #tpu.memory_space<vmem>>
      %dma_start3A_47 = tpu.memref_squeeze %dma_start3A_46 : memref<1x128x80xf32, #tpu.memory_space<vmem>> -> memref<128x80xf32, #tpu.memory_space<vmem>>
      tpu.enqueue_dma source(%dma_start3A_47 : memref<128x80xf32, #tpu.memory_space<vmem>>) target(%dma_start3A_43 : memref<128x80xf32, #tpu.memory_space<vmem_shared>>) target_semaphore(%run_scoped3A_36 : memref<!tpu.dma_semaphore, #tpu.memory_space<semaphore_mem>>)
      %dma_wait3A = arith.constant 0 : i32
      %dma_wait3A_48 = arith.constant 0 : i32
      %dma_wait3A_49 = tpu.memref_slice %arg10[%run_scoped3A_12, %dma_wait3A, %dma_wait3A_48] : memref<2x128x80xf32, #tpu.memory_space<vmem>> -> memref<1x128x80xf32, #tpu.memory_space<vmem>>
      %dma_wait3A_50 = tpu.memref_squeeze %dma_wait3A_49 : memref<1x128x80xf32, #tpu.memory_space<vmem>> -> memref<128x80xf32, #tpu.memory_space<vmem>>
      %dma_wait3A_51 = arith.constant 0 : i32
      %dma_wait3A_52 = tpu.memref_slice %arg11[%add3A_11, %dma_wait3A_51] : memref<10240x80xf32, #tpu.memory_space<vmem_shared>> -> memref<128x80xf32, #tpu.memory_space<vmem_shared>>
      %dma_wait3A_53 = arith.constant 0 : i32
      %dma_wait3A_54 = tpu.memref_slice %arg11[%add3A_11, %dma_wait3A_53] : memref<10240x80xf32, #tpu.memory_space<vmem_shared>> -> memref<128x80xf32, #tpu.memory_space<vmem_shared>>
      %dma_wait3A_55 = arith.constant 0 : i32
      %dma_wait3A_56 = arith.constant 0 : i32
      %dma_wait3A_57 = tpu.memref_slice %arg10[%run_scoped3A_12, %dma_wait3A_55, %dma_wait3A_56] : memref<2x128x80xf32, #tpu.memory_space<vmem>> -> memref<1x128x80xf32, #tpu.memory_space<vmem>>
      %dma_wait3A_58 = tpu.memref_squeeze %dma_wait3A_57 : memref<1x128x80xf32, #tpu.memory_space<vmem>> -> memref<128x80xf32, #tpu.memory_space<vmem>>
      tpu.wait_dma2 semaphore(%run_scoped3A_36 : memref<!tpu.dma_semaphore, #tpu.memory_space<semaphore_mem>>) src(%dma_wait3A_58 : memref<128x80xf32, #tpu.memory_space<vmem>>) dst(%dma_wait3A_54 : memref<128x80xf32, #tpu.memory_space<vmem_shared>>)
      tpu.yield
    }) : () -> ()
    %add3A_13 = arith.constant 384 : i32
    %add3A_14 = arith.addi %mul3A_4, %add3A_13 : i32
    %run_scoped3A_15 = arith.constant 0 : i32
    "tpu.region"() ({
      %run_scoped3A_36 = tpu.sem_alloc : memref<!tpu.dma_semaphore, #tpu.memory_space<semaphore_mem>>
      %dma_start3A = arith.constant 0 : i32
      %dma_start3A_37 = arith.constant 0 : i32
      %dma_start3A_38 = tpu.memref_slice %arg10[%run_scoped3A_15, %dma_start3A, %dma_start3A_37] : memref<2x128x80xf32, #tpu.memory_space<vmem>> -> memref<1x128x80xf32, #tpu.memory_space<vmem>>
      %dma_start3A_39 = tpu.memref_squeeze %dma_start3A_38 : memref<1x128x80xf32, #tpu.memory_space<vmem>> -> memref<128x80xf32, #tpu.memory_space<vmem>>
      %dma_start3A_40 = arith.constant 0 : i32
      %dma_start3A_41 = tpu.memref_slice %arg11[%add3A_14, %dma_start3A_40] : memref<10240x80xf32, #tpu.memory_space<vmem_shared>> -> memref<128x80xf32, #tpu.memory_space<vmem_shared>>
      %dma_start3A_42 = arith.constant 0 : i32
      %dma_start3A_43 = tpu.memref_slice %arg11[%add3A_14, %dma_start3A_42] : memref<10240x80xf32, #tpu.memory_space<vmem_shared>> -> memref<128x80xf32, #tpu.memory_space<vmem_shared>>
      %dma_start3A_44 = arith.constant 0 : i32
      %dma_start3A_45 = arith.constant 0 : i32
      %dma_start3A_46 = tpu.memref_slice %arg10[%run_scoped3A_15, %dma_start3A_44, %dma_start3A_45] : memref<2x128x80xf32, #tpu.memory_space<vmem>> -> memref<1x128x80xf32, #tpu.memory_space<vmem>>
      %dma_start3A_47 = tpu.memref_squeeze %dma_start3A_46 : memref<1x128x80xf32, #tpu.memory_space<vmem>> -> memref<128x80xf32, #tpu.memory_space<vmem>>
      tpu.enqueue_dma source(%dma_start3A_47 : memref<128x80xf32, #tpu.memory_space<vmem>>) target(%dma_start3A_43 : memref<128x80xf32, #tpu.memory_space<vmem_shared>>) target_semaphore(%run_scoped3A_36 : memref<!tpu.dma_semaphore, #tpu.memory_space<semaphore_mem>>)
      %dma_wait3A = arith.constant 0 : i32
      %dma_wait3A_48 = arith.constant 0 : i32
      %dma_wait3A_49 = tpu.memref_slice %arg10[%run_scoped3A_15, %dma_wait3A, %dma_wait3A_48] : memref<2x128x80xf32, #tpu.memory_space<vmem>> -> memref<1x128x80xf32, #tpu.memory_space<vmem>>
      %dma_wait3A_50 = tpu.memref_squeeze %dma_wait3A_49 : memref<1x128x80xf32, #tpu.memory_space<vmem>> -> memref<128x80xf32, #tpu.memory_space<vmem>>
      %dma_wait3A_51 = arith.constant 0 : i32
      %dma_wait3A_52 = tpu.memref_slice %arg11[%add3A_14, %dma_wait3A_51] : memref<10240x80xf32, #tpu.memory_space<vmem_shared>> -> memref<128x80xf32, #tpu.memory_space<vmem_shared>>
      %dma_wait3A_53 = arith.constant 0 : i32
      %dma_wait3A_54 = tpu.memref_slice %arg11[%add3A_14, %dma_wait3A_53] : memref<10240x80xf32, #tpu.memory_space<vmem_shared>> -> memref<128x80xf32, #tpu.memory_space<vmem_shared>>
      %dma_wait3A_55 = arith.constant 0 : i32
      %dma_wait3A_56 = arith.constant 0 : i32
      %dma_wait3A_57 = tpu.memref_slice %arg10[%run_scoped3A_15, %dma_wait3A_55, %dma_wait3A_56] : memref<2x128x80xf32, #tpu.memory_space<vmem>> -> memref<1x128x80xf32, #tpu.memory_space<vmem>>
      %dma_wait3A_58 = tpu.memref_squeeze %dma_wait3A_57 : memref<1x128x80xf32, #tpu.memory_space<vmem>> -> memref<128x80xf32, #tpu.memory_space<vmem>>
      tpu.wait_dma2 semaphore(%run_scoped3A_36 : memref<!tpu.dma_semaphore, #tpu.memory_space<semaphore_mem>>) src(%dma_wait3A_58 : memref<128x80xf32, #tpu.memory_space<vmem>>) dst(%dma_wait3A_54 : memref<128x80xf32, #tpu.memory_space<vmem_shared>>)
      tpu.yield
    }) : () -> ()
    %add3A_16 = arith.constant 512 : i32
    %add3A_17 = arith.addi %mul3A_4, %add3A_16 : i32
    %run_scoped3A_18 = arith.constant 0 : i32
    "tpu.region"() ({
      %run_scoped3A_36 = tpu.sem_alloc : memref<!tpu.dma_semaphore, #tpu.memory_space<semaphore_mem>>
      %dma_start3A = arith.constant 0 : i32
      %dma_start3A_37 = arith.constant 0 : i32
      %dma_start3A_38 = tpu.memref_slice %arg10[%run_scoped3A_18, %dma_start3A, %dma_start3A_37] : memref<2x128x80xf32, #tpu.memory_space<vmem>> -> memref<1x128x80xf32, #tpu.memory_space<vmem>>
      %dma_start3A_39 = tpu.memref_squeeze %dma_start3A_38 : memref<1x128x80xf32, #tpu.memory_space<vmem>> -> memref<128x80xf32, #tpu.memory_space<vmem>>
      %dma_start3A_40 = arith.constant 0 : i32
      %dma_start3A_41 = tpu.memref_slice %arg11[%add3A_17, %dma_start3A_40] : memref<10240x80xf32, #tpu.memory_space<vmem_shared>> -> memref<128x80xf32, #tpu.memory_space<vmem_shared>>
      %dma_start3A_42 = arith.constant 0 : i32
      %dma_start3A_43 = tpu.memref_slice %arg11[%add3A_17, %dma_start3A_42] : memref<10240x80xf32, #tpu.memory_space<vmem_shared>> -> memref<128x80xf32, #tpu.memory_space<vmem_shared>>
      %dma_start3A_44 = arith.constant 0 : i32
      %dma_start3A_45 = arith.constant 0 : i32
      %dma_start3A_46 = tpu.memref_slice %arg10[%run_scoped3A_18, %dma_start3A_44, %dma_start3A_45] : memref<2x128x80xf32, #tpu.memory_space<vmem>> -> memref<1x128x80xf32, #tpu.memory_space<vmem>>
      %dma_start3A_47 = tpu.memref_squeeze %dma_start3A_46 : memref<1x128x80xf32, #tpu.memory_space<vmem>> -> memref<128x80xf32, #tpu.memory_space<vmem>>
      tpu.enqueue_dma source(%dma_start3A_47 : memref<128x80xf32, #tpu.memory_space<vmem>>) target(%dma_start3A_43 : memref<128x80xf32, #tpu.memory_space<vmem_shared>>) target_semaphore(%run_scoped3A_36 : memref<!tpu.dma_semaphore, #tpu.memory_space<semaphore_mem>>)
      %dma_wait3A = arith.constant 0 : i32
      %dma_wait3A_48 = arith.constant 0 : i32
      %dma_wait3A_49 = tpu.memref_slice %arg10[%run_scoped3A_18, %dma_wait3A, %dma_wait3A_48] : memref<2x128x80xf32, #tpu.memory_space<vmem>> -> memref<1x128x80xf32, #tpu.memory_space<vmem>>
      %dma_wait3A_50 = tpu.memref_squeeze %dma_wait3A_49 : memref<1x128x80xf32, #tpu.memory_space<vmem>> -> memref<128x80xf32, #tpu.memory_space<vmem>>
      %dma_wait3A_51 = arith.constant 0 : i32
      %dma_wait3A_52 = tpu.memref_slice %arg11[%add3A_17, %dma_wait3A_51] : memref<10240x80xf32, #tpu.memory_space<vmem_shared>> -> memref<128x80xf32, #tpu.memory_space<vmem_shared>>
      %dma_wait3A_53 = arith.constant 0 : i32
      %dma_wait3A_54 = tpu.memref_slice %arg11[%add3A_17, %dma_wait3A_53] : memref<10240x80xf32, #tpu.memory_space<vmem_shared>> -> memref<128x80xf32, #tpu.memory_space<vmem_shared>>
      %dma_wait3A_55 = arith.constant 0 : i32
      %dma_wait3A_56 = arith.constant 0 : i32
      %dma_wait3A_57 = tpu.memref_slice %arg10[%run_scoped3A_18, %dma_wait3A_55, %dma_wait3A_56] : memref<2x128x80xf32, #tpu.memory_space<vmem>> -> memref<1x128x80xf32, #tpu.memory_space<vmem>>
      %dma_wait3A_58 = tpu.memref_squeeze %dma_wait3A_57 : memref<1x128x80xf32, #tpu.memory_space<vmem>> -> memref<128x80xf32, #tpu.memory_space<vmem>>
      tpu.wait_dma2 semaphore(%run_scoped3A_36 : memref<!tpu.dma_semaphore, #tpu.memory_space<semaphore_mem>>) src(%dma_wait3A_58 : memref<128x80xf32, #tpu.memory_space<vmem>>) dst(%dma_wait3A_54 : memref<128x80xf32, #tpu.memory_space<vmem_shared>>)
      tpu.yield
    }) : () -> ()
    %barrier3A = arith.constant 0 : index
    tpu.barrier barrier_id(%barrier3A)
    %iota3A = tpu.iota {dimensions = array<i32: 0>} : vector<16xi32>
    %broadcast_in_dim3A = arith.constant 0 : i32
    %broadcast_in_dim3A_19 = vector.broadcast %broadcast_in_dim3A : i32 to vector<16xi32>
    %add3A_20 = arith.constant 1 : i32
    %add3A_21 = vector.broadcast %add3A_20 : i32 to vector<16xi32>
    %add3A_22 = arith.addi %broadcast_in_dim3A_19, %add3A_21 : vector<16xi32>
    %lt3A = arith.constant 1 : i32
    %lt3A_23 = vector.broadcast %lt3A : i32 to vector<16xi32>
    %lt3A_24 = arith.cmpi slt, %iota3A, %lt3A_23 : vector<16xi32>
    %add3A_25 = arith.constant 0 : i32
    %add3A_26 = arith.addi %add3A_25, %add3A : i32
    %lt3A_27 = arith.constant 2500 : i32
    %lt3A_28 = arith.cmpi slt, %add3A_26, %lt3A_27 : i32
    %convert_element_type3A = arith.extui %lt3A_28 : i1 to i32
    %cond3A = arith.constant 0 : i32
    %cond3A_29 = arith.cmpi ne, %convert_element_type3A, %cond3A : i32
    scf.if %cond3A_29 {
      %mul3A_36 = arith.constant 128 : i32
      %mul3A_37 = arith.muli %add3A_26, %mul3A_36 : i32
      %run_scoped3A_38 = arith.constant 0 : i32
      %run_scoped3A_39 = arith.constant 0 : i32
      "tpu.region"() ({
        %run_scoped3A_65 = tpu.sem_alloc : memref<!tpu.dma_semaphore, #tpu.memory_space<semaphore_mem>>
        %dma_start3A_66 = arith.constant 0 : i32
        %dma_start3A_67 = tpu.memref_slice %arg6[%run_scoped3A_39, %dma_start3A_66] : memref<2x128xi32, #tpu.memory_space<vmem>> -> memref<1x128xi32, #tpu.memory_space<vmem>>
        %dma_start3A_68 = tpu.memref_squeeze %dma_start3A_67 : memref<1x128xi32, #tpu.memory_space<vmem>> -> memref<128xi32, #tpu.memory_space<vmem>>
        %dma_start3A_69 = tpu.memref_slice %arg2[%run_scoped3A_38, %mul3A_37] : memref<2x320000xi32, #tpu.memory_space<hbm>> -> memref<1x128xi32, #tpu.memory_space<hbm>>
        %dma_start3A_70 = tpu.memref_squeeze %dma_start3A_69 : memref<1x128xi32, #tpu.memory_space<hbm>> -> memref<128xi32, #tpu.memory_space<hbm>>
        %dma_start3A_71 = arith.constant 0 : i32
        %dma_start3A_72 = tpu.memref_slice %arg6[%run_scoped3A_39, %dma_start3A_71] : memref<2x128xi32, #tpu.memory_space<vmem>> -> memref<1x128xi32, #tpu.memory_space<vmem>>
        %dma_start3A_73 = tpu.memref_squeeze %dma_start3A_72 : memref<1x128xi32, #tpu.memory_space<vmem>> -> memref<128xi32, #tpu.memory_space<vmem>>
        %dma_start3A_74 = tpu.memref_slice %arg2[%run_scoped3A_38, %mul3A_37] : memref<2x320000xi32, #tpu.memory_space<hbm>> -> memref<1x128xi32, #tpu.memory_space<hbm>>
        %dma_start3A_75 = tpu.memref_squeeze %dma_start3A_74 : memref<1x128xi32, #tpu.memory_space<hbm>> -> memref<128xi32, #tpu.memory_space<hbm>>
        tpu.enqueue_dma source(%dma_start3A_75 : memref<128xi32, #tpu.memory_space<hbm>>) target(%dma_start3A_73 : memref<128xi32, #tpu.memory_space<vmem>>) target_semaphore(%run_scoped3A_65 : memref<!tpu.dma_semaphore, #tpu.memory_space<semaphore_mem>>)
        %dma_wait3A = arith.constant 0 : i32
        %dma_wait3A_76 = tpu.memref_slice %arg6[%run_scoped3A_39, %dma_wait3A] : memref<2x128xi32, #tpu.memory_space<vmem>> -> memref<1x128xi32, #tpu.memory_space<vmem>>
        %dma_wait3A_77 = tpu.memref_squeeze %dma_wait3A_76 : memref<1x128xi32, #tpu.memory_space<vmem>> -> memref<128xi32, #tpu.memory_space<vmem>>
        %dma_wait3A_78 = tpu.memref_slice %arg2[%run_scoped3A_38, %mul3A_37] : memref<2x320000xi32, #tpu.memory_space<hbm>> -> memref<1x128xi32, #tpu.memory_space<hbm>>
        %dma_wait3A_79 = tpu.memref_squeeze %dma_wait3A_78 : memref<1x128xi32, #tpu.memory_space<hbm>> -> memref<128xi32, #tpu.memory_space<hbm>>
        %dma_wait3A_80 = arith.constant 0 : i32
        %dma_wait3A_81 = tpu.memref_slice %arg6[%run_scoped3A_39, %dma_wait3A_80] : memref<2x128xi32, #tpu.memory_space<vmem>> -> memref<1x128xi32, #tpu.memory_space<vmem>>
        %dma_wait3A_82 = tpu.memref_squeeze %dma_wait3A_81 : memref<1x128xi32, #tpu.memory_space<vmem>> -> memref<128xi32, #tpu.memory_space<vmem>>
        %dma_wait3A_83 = tpu.memref_slice %arg2[%run_scoped3A_38, %mul3A_37] : memref<2x320000xi32, #tpu.memory_space<hbm>> -> memref<1x128xi32, #tpu.memory_space<hbm>>
        %dma_wait3A_84 = tpu.memref_squeeze %dma_wait3A_83 : memref<1x128xi32, #tpu.memory_space<hbm>> -> memref<128xi32, #tpu.memory_space<hbm>>
        tpu.wait_dma2 semaphore(%run_scoped3A_65 : memref<!tpu.dma_semaphore, #tpu.memory_space<semaphore_mem>>) src(%dma_wait3A_84 : memref<128xi32, #tpu.memory_space<hbm>>) dst(%dma_wait3A_82 : memref<128xi32, #tpu.memory_space<vmem>>)
        tpu.yield
      }) : () -> ()
      %run_scoped3A_40 = arith.constant 1 : i32
      %run_scoped3A_41 = arith.constant 0 : i32
      "tpu.region"() ({
        %run_scoped3A_65 = tpu.sem_alloc : memref<!tpu.dma_semaphore, #tpu.memory_space<semaphore_mem>>
        %dma_start3A_66 = arith.constant 0 : i32
        %dma_start3A_67 = tpu.memref_slice %arg7[%run_scoped3A_41, %dma_start3A_66] : memref<2x128xi32, #tpu.memory_space<vmem>> -> memref<1x128xi32, #tpu.memory_space<vmem>>
        %dma_start3A_68 = tpu.memref_squeeze %dma_start3A_67 : memref<1x128xi32, #tpu.memory_space<vmem>> -> memref<128xi32, #tpu.memory_space<vmem>>
        %dma_start3A_69 = tpu.memref_slice %arg2[%run_scoped3A_40, %mul3A_37] : memref<2x320000xi32, #tpu.memory_space<hbm>> -> memref<1x128xi32, #tpu.memory_space<hbm>>
        %dma_start3A_70 = tpu.memref_squeeze %dma_start3A_69 : memref<1x128xi32, #tpu.memory_space<hbm>> -> memref<128xi32, #tpu.memory_space<hbm>>
        %dma_start3A_71 = arith.constant 0 : i32
        %dma_start3A_72 = tpu.memref_slice %arg7[%run_scoped3A_41, %dma_start3A_71] : memref<2x128xi32, #tpu.memory_space<vmem>> -> memref<1x128xi32, #tpu.memory_space<vmem>>
        %dma_start3A_73 = tpu.memref_squeeze %dma_start3A_72 : memref<1x128xi32, #tpu.memory_space<vmem>> -> memref<128xi32, #tpu.memory_space<vmem>>
        %dma_start3A_74 = tpu.memref_slice %arg2[%run_scoped3A_40, %mul3A_37] : memref<2x320000xi32, #tpu.memory_space<hbm>> -> memref<1x128xi32, #tpu.memory_space<hbm>>
        %dma_start3A_75 = tpu.memref_squeeze %dma_start3A_74 : memref<1x128xi32, #tpu.memory_space<hbm>> -> memref<128xi32, #tpu.memory_space<hbm>>
        tpu.enqueue_dma source(%dma_start3A_75 : memref<128xi32, #tpu.memory_space<hbm>>) target(%dma_start3A_73 : memref<128xi32, #tpu.memory_space<vmem>>) target_semaphore(%run_scoped3A_65 : memref<!tpu.dma_semaphore, #tpu.memory_space<semaphore_mem>>)
        %dma_wait3A = arith.constant 0 : i32
        %dma_wait3A_76 = tpu.memref_slice %arg7[%run_scoped3A_41, %dma_wait3A] : memref<2x128xi32, #tpu.memory_space<vmem>> -> memref<1x128xi32, #tpu.memory_space<vmem>>
        %dma_wait3A_77 = tpu.memref_squeeze %dma_wait3A_76 : memref<1x128xi32, #tpu.memory_space<vmem>> -> memref<128xi32, #tpu.memory_space<vmem>>
        %dma_wait3A_78 = tpu.memref_slice %arg2[%run_scoped3A_40, %mul3A_37] : memref<2x320000xi32, #tpu.memory_space<hbm>> -> memref<1x128xi32, #tpu.memory_space<hbm>>
        %dma_wait3A_79 = tpu.memref_squeeze %dma_wait3A_78 : memref<1x128xi32, #tpu.memory_space<hbm>> -> memref<128xi32, #tpu.memory_space<hbm>>
        %dma_wait3A_80 = arith.constant 0 : i32
        %dma_wait3A_81 = tpu.memref_slice %arg7[%run_scoped3A_41, %dma_wait3A_80] : memref<2x128xi32, #tpu.memory_space<vmem>> -> memref<1x128xi32, #tpu.memory_space<vmem>>
        %dma_wait3A_82 = tpu.memref_squeeze %dma_wait3A_81 : memref<1x128xi32, #tpu.memory_space<vmem>> -> memref<128xi32, #tpu.memory_space<vmem>>
        %dma_wait3A_83 = tpu.memref_slice %arg2[%run_scoped3A_40, %mul3A_37] : memref<2x320000xi32, #tpu.memory_space<hbm>> -> memref<1x128xi32, #tpu.memory_space<hbm>>
        %dma_wait3A_84 = tpu.memref_squeeze %dma_wait3A_83 : memref<1x128xi32, #tpu.memory_space<hbm>> -> memref<128xi32, #tpu.memory_space<hbm>>
        tpu.wait_dma2 semaphore(%run_scoped3A_65 : memref<!tpu.dma_semaphore, #tpu.memory_space<semaphore_mem>>) src(%dma_wait3A_84 : memref<128xi32, #tpu.memory_space<hbm>>) dst(%dma_wait3A_82 : memref<128xi32, #tpu.memory_space<vmem>>)
        tpu.yield
      }) : () -> ()
      %dma_start3A = arith.constant 0 : i32
      %dma_start3A_42 = arith.constant 0 : i32
      %dma_start3A_43 = arith.constant 0 : i32
      %dma_start3A_44 = arith.constant 0 : i32
      %dma_start3A_45 = tpu.memref_slice %arg8[%dma_start3A_42, %dma_start3A_43, %dma_start3A_44] : memref<2x128x80xf32, #tpu.memory_space<vmem>> -> memref<1x128x80xf32, #tpu.memory_space<vmem>>
      %dma_start3A_46 = tpu.memref_squeeze %dma_start3A_45 : memref<1x128x80xf32, #tpu.memory_space<vmem>> -> memref<128x80xf32, #tpu.memory_space<vmem>>
      %dma_start3A_47 = arith.constant 0 : i32
      %dma_start3A_48 = tpu.memref_slice %arg6[%dma_start3A, %dma_start3A_47] : memref<2x128xi32, #tpu.memory_space<vmem>> -> memref<1x128xi32, #tpu.memory_space<vmem>>
      %dma_start3A_49 = tpu.memref_squeeze %dma_start3A_48 : memref<1x128xi32, #tpu.memory_space<vmem>> -> memref<128xi32, #tpu.memory_space<vmem>>
      %dma_start3A_50 = arith.constant 0 : i32
      %dma_start3A_51 = arith.constant 0 : i32
      %dma_start3A_52 = tpu.memref_slice %arg3[%dma_start3A_50, %dma_start3A_51] : memref<10000x80xf32, #tpu.memory_space<hbm>> -> memref<10000x80xf32, #tpu.memory_space<hbm>>
      tpu.enqueue_indirect_dma source(%dma_start3A_52 : memref<10000x80xf32, #tpu.memory_space<hbm>>) target(%dma_start3A_46 : memref<128x80xf32, #tpu.memory_space<vmem>>) offsets(%dma_start3A_49 : memref<128xi32, #tpu.memory_space<vmem>>) semaphore(%arg12 : memref<!tpu.dma_semaphore, #tpu.memory_space<semaphore_mem>>)
      %dma_start3A_53 = arith.constant 0 : i32
      %dma_start3A_54 = arith.constant 0 : i32
      %dma_start3A_55 = arith.constant 0 : i32
      %dma_start3A_56 = arith.constant 0 : i32
      %dma_start3A_57 = tpu.memref_slice %arg9[%dma_start3A_54, %dma_start3A_55, %dma_start3A_56] : memref<2x128x16xf32, #tpu.memory_space<vmem>> -> memref<1x128x16xf32, #tpu.memory_space<vmem>>
      %dma_start3A_58 = tpu.memref_squeeze %dma_start3A_57 : memref<1x128x16xf32, #tpu.memory_space<vmem>> -> memref<128x16xf32, #tpu.memory_space<vmem>>
      %dma_start3A_59 = arith.constant 0 : i32
      %dma_start3A_60 = tpu.memref_slice %arg7[%dma_start3A_53, %dma_start3A_59] : memref<2x128xi32, #tpu.memory_space<vmem>> -> memref<1x128xi32, #tpu.memory_space<vmem>>
      %dma_start3A_61 = tpu.memref_squeeze %dma_start3A_60 : memref<1x128xi32, #tpu.memory_space<vmem>> -> memref<128xi32, #tpu.memory_space<vmem>>
      %dma_start3A_62 = arith.constant 0 : i32
      %dma_start3A_63 = arith.constant 0 : i32
      %dma_start3A_64 = tpu.memref_slice %arg4[%dma_start3A_62, %dma_start3A_63] : memref<10000x16xf32, #tpu.memory_space<hbm>> -> memref<10000x16xf32, #tpu.memory_space<hbm>>
      tpu.enqueue_indirect_dma source(%dma_start3A_64 : memref<10000x16xf32, #tpu.memory_space<hbm>>) target(%dma_start3A_58 : memref<128x16xf32, #tpu.memory_space<vmem>>) offsets(%dma_start3A_61 : memref<128xi32, #tpu.memory_space<vmem>>) semaphore(%arg12 : memref<!tpu.dma_semaphore, #tpu.memory_space<semaphore_mem>>)
    } else {
    }
    %scan3A = arith.constant 0 : i32
    %scan3A_30 = arith.constant 0 : i32
    %scan3A_31 = arith.constant 40 : i32
    %scan3A_32 = arith.addi %scan3A_30, %scan3A_31 : i32
    %scan3A_33 = arith.constant 1 : i32
    scf.for %scan3A_36 = %scan3A_30 to %scan3A_32 step %scan3A_33  : i32 {
      %mul3A_37 = arith.constant 2 : i32
      %mul3A_38 = arith.muli %mul3A_37, %scan3A_36 : i32
      %add3A_39 = arith.constant 1 : i32
      %add3A_40 = arith.addi %mul3A_38, %add3A_39 : i32
      %mul3A_41 = arith.constant 32 : i32
      %mul3A_42 = arith.muli %add3A_40, %mul3A_41 : i32
      %add3A_43 = arith.addi %mul3A_42, %add3A : i32
      %lt3A_44 = arith.constant 2500 : i32
      %lt3A_45 = arith.cmpi slt, %add3A_43, %lt3A_44 : i32
      %convert_element_type3A_46 = arith.extui %lt3A_45 : i1 to i32
      %cond3A_47 = arith.constant 0 : i32
      %cond3A_48 = arith.cmpi ne, %convert_element_type3A_46, %cond3A_47 : i32
      scf.if %cond3A_48 {
        %mul3A_77 = arith.constant 128 : i32
        %mul3A_78 = arith.muli %add3A_43, %mul3A_77 : i32
        %run_scoped3A_79 = arith.constant 0 : i32
        %run_scoped3A_80 = arith.constant 1 : i32
        "tpu.region"() ({
          %run_scoped3A_106 = tpu.sem_alloc : memref<!tpu.dma_semaphore, #tpu.memory_space<semaphore_mem>>
          %dma_start3A_107 = arith.constant 0 : i32
          %dma_start3A_108 = tpu.memref_slice %arg6[%run_scoped3A_80, %dma_start3A_107] : memref<2x128xi32, #tpu.memory_space<vmem>> -> memref<1x128xi32, #tpu.memory_space<vmem>>
          %dma_start3A_109 = tpu.memref_squeeze %dma_start3A_108 : memref<1x128xi32, #tpu.memory_space<vmem>> -> memref<128xi32, #tpu.memory_space<vmem>>
          %dma_start3A_110 = tpu.memref_slice %arg2[%run_scoped3A_79, %mul3A_78] : memref<2x320000xi32, #tpu.memory_space<hbm>> -> memref<1x128xi32, #tpu.memory_space<hbm>>
          %dma_start3A_111 = tpu.memref_squeeze %dma_start3A_110 : memref<1x128xi32, #tpu.memory_space<hbm>> -> memref<128xi32, #tpu.memory_space<hbm>>
          %dma_start3A_112 = arith.constant 0 : i32
          %dma_start3A_113 = tpu.memref_slice %arg6[%run_scoped3A_80, %dma_start3A_112] : memref<2x128xi32, #tpu.memory_space<vmem>> -> memref<1x128xi32, #tpu.memory_space<vmem>>
          %dma_start3A_114 = tpu.memref_squeeze %dma_start3A_113 : memref<1x128xi32, #tpu.memory_space<vmem>> -> memref<128xi32, #tpu.memory_space<vmem>>
          %dma_start3A_115 = tpu.memref_slice %arg2[%run_scoped3A_79, %mul3A_78] : memref<2x320000xi32, #tpu.memory_space<hbm>> -> memref<1x128xi32, #tpu.memory_space<hbm>>
          %dma_start3A_116 = tpu.memref_squeeze %dma_start3A_115 : memref<1x128xi32, #tpu.memory_space<hbm>> -> memref<128xi32, #tpu.memory_space<hbm>>
          tpu.enqueue_dma source(%dma_start3A_116 : memref<128xi32, #tpu.memory_space<hbm>>) target(%dma_start3A_114 : memref<128xi32, #tpu.memory_space<vmem>>) target_semaphore(%run_scoped3A_106 : memref<!tpu.dma_semaphore, #tpu.memory_space<semaphore_mem>>)
          %dma_wait3A = arith.constant 0 : i32
          %dma_wait3A_117 = tpu.memref_slice %arg6[%run_scoped3A_80, %dma_wait3A] : memref<2x128xi32, #tpu.memory_space<vmem>> -> memref<1x128xi32, #tpu.memory_space<vmem>>
          %dma_wait3A_118 = tpu.memref_squeeze %dma_wait3A_117 : memref<1x128xi32, #tpu.memory_space<vmem>> -> memref<128xi32, #tpu.memory_space<vmem>>
          %dma_wait3A_119 = tpu.memref_slice %arg2[%run_scoped3A_79, %mul3A_78] : memref<2x320000xi32, #tpu.memory_space<hbm>> -> memref<1x128xi32, #tpu.memory_space<hbm>>
          %dma_wait3A_120 = tpu.memref_squeeze %dma_wait3A_119 : memref<1x128xi32, #tpu.memory_space<hbm>> -> memref<128xi32, #tpu.memory_space<hbm>>
          %dma_wait3A_121 = arith.constant 0 : i32
          %dma_wait3A_122 = tpu.memref_slice %arg6[%run_scoped3A_80, %dma_wait3A_121] : memref<2x128xi32, #tpu.memory_space<vmem>> -> memref<1x128xi32, #tpu.memory_space<vmem>>
          %dma_wait3A_123 = tpu.memref_squeeze %dma_wait3A_122 : memref<1x128xi32, #tpu.memory_space<vmem>> -> memref<128xi32, #tpu.memory_space<vmem>>
          %dma_wait3A_124 = tpu.memref_slice %arg2[%run_scoped3A_79, %mul3A_78] : memref<2x320000xi32, #tpu.memory_space<hbm>> -> memref<1x128xi32, #tpu.memory_space<hbm>>
          %dma_wait3A_125 = tpu.memref_squeeze %dma_wait3A_124 : memref<1x128xi32, #tpu.memory_space<hbm>> -> memref<128xi32, #tpu.memory_space<hbm>>
          tpu.wait_dma2 semaphore(%run_scoped3A_106 : memref<!tpu.dma_semaphore, #tpu.memory_space<semaphore_mem>>) src(%dma_wait3A_125 : memref<128xi32, #tpu.memory_space<hbm>>) dst(%dma_wait3A_123 : memref<128xi32, #tpu.memory_space<vmem>>)
          tpu.yield
        }) : () -> ()
        %run_scoped3A_81 = arith.constant 1 : i32
        %run_scoped3A_82 = arith.constant 1 : i32
        "tpu.region"() ({
          %run_scoped3A_106 = tpu.sem_alloc : memref<!tpu.dma_semaphore, #tpu.memory_space<semaphore_mem>>
          %dma_start3A_107 = arith.constant 0 : i32
          %dma_start3A_108 = tpu.memref_slice %arg7[%run_scoped3A_82, %dma_start3A_107] : memref<2x128xi32, #tpu.memory_space<vmem>> -> memref<1x128xi32, #tpu.memory_space<vmem>>
          %dma_start3A_109 = tpu.memref_squeeze %dma_start3A_108 : memref<1x128xi32, #tpu.memory_space<vmem>> -> memref<128xi32, #tpu.memory_space<vmem>>
          %dma_start3A_110 = tpu.memref_slice %arg2[%run_scoped3A_81, %mul3A_78] : memref<2x320000xi32, #tpu.memory_space<hbm>> -> memref<1x128xi32, #tpu.memory_space<hbm>>
          %dma_start3A_111 = tpu.memref_squeeze %dma_start3A_110 : memref<1x128xi32, #tpu.memory_space<hbm>> -> memref<128xi32, #tpu.memory_space<hbm>>
          %dma_start3A_112 = arith.constant 0 : i32
          %dma_start3A_113 = tpu.memref_slice %arg7[%run_scoped3A_82, %dma_start3A_112] : memref<2x128xi32, #tpu.memory_space<vmem>> -> memref<1x128xi32, #tpu.memory_space<vmem>>
          %dma_start3A_114 = tpu.memref_squeeze %dma_start3A_113 : memref<1x128xi32, #tpu.memory_space<vmem>> -> memref<128xi32, #tpu.memory_space<vmem>>
          %dma_start3A_115 = tpu.memref_slice %arg2[%run_scoped3A_81, %mul3A_78] : memref<2x320000xi32, #tpu.memory_space<hbm>> -> memref<1x128xi32, #tpu.memory_space<hbm>>
          %dma_start3A_116 = tpu.memref_squeeze %dma_start3A_115 : memref<1x128xi32, #tpu.memory_space<hbm>> -> memref<128xi32, #tpu.memory_space<hbm>>
          tpu.enqueue_dma source(%dma_start3A_116 : memref<128xi32, #tpu.memory_space<hbm>>) target(%dma_start3A_114 : memref<128xi32, #tpu.memory_space<vmem>>) target_semaphore(%run_scoped3A_106 : memref<!tpu.dma_semaphore, #tpu.memory_space<semaphore_mem>>)
          %dma_wait3A = arith.constant 0 : i32
          %dma_wait3A_117 = tpu.memref_slice %arg7[%run_scoped3A_82, %dma_wait3A] : memref<2x128xi32, #tpu.memory_space<vmem>> -> memref<1x128xi32, #tpu.memory_space<vmem>>
          %dma_wait3A_118 = tpu.memref_squeeze %dma_wait3A_117 : memref<1x128xi32, #tpu.memory_space<vmem>> -> memref<128xi32, #tpu.memory_space<vmem>>
          %dma_wait3A_119 = tpu.memref_slice %arg2[%run_scoped3A_81, %mul3A_78] : memref<2x320000xi32, #tpu.memory_space<hbm>> -> memref<1x128xi32, #tpu.memory_space<hbm>>
          %dma_wait3A_120 = tpu.memref_squeeze %dma_wait3A_119 : memref<1x128xi32, #tpu.memory_space<hbm>> -> memref<128xi32, #tpu.memory_space<hbm>>
          %dma_wait3A_121 = arith.constant 0 : i32
          %dma_wait3A_122 = tpu.memref_slice %arg7[%run_scoped3A_82, %dma_wait3A_121] : memref<2x128xi32, #tpu.memory_space<vmem>> -> memref<1x128xi32, #tpu.memory_space<vmem>>
          %dma_wait3A_123 = tpu.memref_squeeze %dma_wait3A_122 : memref<1x128xi32, #tpu.memory_space<vmem>> -> memref<128xi32, #tpu.memory_space<vmem>>
          %dma_wait3A_124 = tpu.memref_slice %arg2[%run_scoped3A_81, %mul3A_78] : memref<2x320000xi32, #tpu.memory_space<hbm>> -> memref<1x128xi32, #tpu.memory_space<hbm>>
          %dma_wait3A_125 = tpu.memref_squeeze %dma_wait3A_124 : memref<1x128xi32, #tpu.memory_space<hbm>> -> memref<128xi32, #tpu.memory_space<hbm>>
          tpu.wait_dma2 semaphore(%run_scoped3A_106 : memref<!tpu.dma_semaphore, #tpu.memory_space<semaphore_mem>>) src(%dma_wait3A_125 : memref<128xi32, #tpu.memory_space<hbm>>) dst(%dma_wait3A_123 : memref<128xi32, #tpu.memory_space<vmem>>)
          tpu.yield
        }) : () -> ()
        %dma_start3A = arith.constant 1 : i32
        %dma_start3A_83 = arith.constant 1 : i32
        %dma_start3A_84 = arith.constant 0 : i32
        %dma_start3A_85 = arith.constant 0 : i32
        %dma_start3A_86 = tpu.memref_slice %arg8[%dma_start3A_83, %dma_start3A_84, %dma_start3A_85] : memref<2x128x80xf32, #tpu.memory_space<vmem>> -> memref<1x128x80xf32, #tpu.memory_space<vmem>>
        %dma_start3A_87 = tpu.memref_squeeze %dma_start3A_86 : memref<1x128x80xf32, #tpu.memory_space<vmem>> -> memref<128x80xf32, #tpu.memory_space<vmem>>
        %dma_start3A_88 = arith.constant 0 : i32
        %dma_start3A_89 = tpu.memref_slice %arg6[%dma_start3A, %dma_start3A_88] : memref<2x128xi32, #tpu.memory_space<vmem>> -> memref<1x128xi32, #tpu.memory_space<vmem>>
        %dma_start3A_90 = tpu.memref_squeeze %dma_start3A_89 : memref<1x128xi32, #tpu.memory_space<vmem>> -> memref<128xi32, #tpu.memory_space<vmem>>
        %dma_start3A_91 = arith.constant 0 : i32
        %dma_start3A_92 = arith.constant 0 : i32
        %dma_start3A_93 = tpu.memref_slice %arg3[%dma_start3A_91, %dma_start3A_92] : memref<10000x80xf32, #tpu.memory_space<hbm>> -> memref<10000x80xf32, #tpu.memory_space<hbm>>
        tpu.enqueue_indirect_dma source(%dma_start3A_93 : memref<10000x80xf32, #tpu.memory_space<hbm>>) target(%dma_start3A_87 : memref<128x80xf32, #tpu.memory_space<vmem>>) offsets(%dma_start3A_90 : memref<128xi32, #tpu.memory_space<vmem>>) semaphore(%arg13 : memref<!tpu.dma_semaphore, #tpu.memory_space<semaphore_mem>>)
        %dma_start3A_94 = arith.constant 1 : i32
        %dma_start3A_95 = arith.constant 1 : i32
        %dma_start3A_96 = arith.constant 0 : i32
        %dma_start3A_97 = arith.constant 0 : i32
        %dma_start3A_98 = tpu.memref_slice %arg9[%dma_start3A_95, %dma_start3A_96, %dma_start3A_97] : memref<2x128x16xf32, #tpu.memory_space<vmem>> -> memref<1x128x16xf32, #tpu.memory_space<vmem>>
        %dma_start3A_99 = tpu.memref_squeeze %dma_start3A_98 : memref<1x128x16xf32, #tpu.memory_space<vmem>> -> memref<128x16xf32, #tpu.memory_space<vmem>>
        %dma_start3A_100 = arith.constant 0 : i32
        %dma_start3A_101 = tpu.memref_slice %arg7[%dma_start3A_94, %dma_start3A_100] : memref<2x128xi32, #tpu.memory_space<vmem>> -> memref<1x128xi32, #tpu.memory_space<vmem>>
        %dma_start3A_102 = tpu.memref_squeeze %dma_start3A_101 : memref<1x128xi32, #tpu.memory_space<vmem>> -> memref<128xi32, #tpu.memory_space<vmem>>
        %dma_start3A_103 = arith.constant 0 : i32
        %dma_start3A_104 = arith.constant 0 : i32
        %dma_start3A_105 = tpu.memref_slice %arg4[%dma_start3A_103, %dma_start3A_104] : memref<10000x16xf32, #tpu.memory_space<hbm>> -> memref<10000x16xf32, #tpu.memory_space<hbm>>
        tpu.enqueue_indirect_dma source(%dma_start3A_105 : memref<10000x16xf32, #tpu.memory_space<hbm>>) target(%dma_start3A_99 : memref<128x16xf32, #tpu.memory_space<vmem>>) offsets(%dma_start3A_102 : memref<128xi32, #tpu.memory_space<vmem>>) semaphore(%arg13 : memref<!tpu.dma_semaphore, #tpu.memory_space<semaphore_mem>>)
      } else {
      }
      %mul3A_49 = arith.constant 32 : i32
      %mul3A_50 = arith.muli %mul3A_38, %mul3A_49 : i32
      %add3A_51 = arith.addi %mul3A_50, %add3A : i32
      %lt3A_52 = arith.constant 2500 : i32
      %lt3A_53 = arith.cmpi slt, %add3A_51, %lt3A_52 : i32
      %convert_element_type3A_54 = arith.extui %lt3A_53 : i1 to i32
      %cond3A_55 = arith.constant 0 : i32
      %cond3A_56 = arith.cmpi ne, %convert_element_type3A_54, %cond3A_55 : i32
      scf.if %cond3A_56 {
        %dma_wait3A = arith.constant 0 : i32
        %dma_wait3A_77 = arith.constant 0 : i32
        %dma_wait3A_78 = arith.constant 0 : i32
        %dma_wait3A_79 = arith.constant 0 : i32
        %dma_wait3A_80 = tpu.memref_slice %arg8[%dma_wait3A_77, %dma_wait3A_78, %dma_wait3A_79] : memref<2x128x80xf32, #tpu.memory_space<vmem>> -> memref<1x128x80xf32, #tpu.memory_space<vmem>>
        %dma_wait3A_81 = tpu.memref_squeeze %dma_wait3A_80 : memref<1x128x80xf32, #tpu.memory_space<vmem>> -> memref<128x80xf32, #tpu.memory_space<vmem>>
        %dma_wait3A_82 = arith.constant 0 : i32
        %dma_wait3A_83 = tpu.memref_slice %arg6[%dma_wait3A, %dma_wait3A_82] : memref<2x128xi32, #tpu.memory_space<vmem>> -> memref<1x128xi32, #tpu.memory_space<vmem>>
        %dma_wait3A_84 = tpu.memref_squeeze %dma_wait3A_83 : memref<1x128xi32, #tpu.memory_space<vmem>> -> memref<128xi32, #tpu.memory_space<vmem>>
        %dma_wait3A_85 = arith.constant 0 : i32
        %dma_wait3A_86 = arith.constant 0 : i32
        %dma_wait3A_87 = tpu.memref_slice %arg3[%dma_wait3A_85, %dma_wait3A_86] : memref<10000x80xf32, #tpu.memory_space<hbm>> -> memref<10000x80xf32, #tpu.memory_space<hbm>>
        tpu.wait_indirect_dma semaphore(%arg12 : memref<!tpu.dma_semaphore, #tpu.memory_space<semaphore_mem>>) src(%dma_wait3A_87 : memref<10000x80xf32, #tpu.memory_space<hbm>>) dst(%dma_wait3A_81 : memref<128x80xf32, #tpu.memory_space<vmem>>)
        %dma_wait3A_88 = arith.constant 0 : i32
        %dma_wait3A_89 = arith.constant 0 : i32
        %dma_wait3A_90 = arith.constant 0 : i32
        %dma_wait3A_91 = arith.constant 0 : i32
        %dma_wait3A_92 = tpu.memref_slice %arg9[%dma_wait3A_89, %dma_wait3A_90, %dma_wait3A_91] : memref<2x128x16xf32, #tpu.memory_space<vmem>> -> memref<1x128x16xf32, #tpu.memory_space<vmem>>
        %dma_wait3A_93 = tpu.memref_squeeze %dma_wait3A_92 : memref<1x128x16xf32, #tpu.memory_space<vmem>> -> memref<128x16xf32, #tpu.memory_space<vmem>>
        %dma_wait3A_94 = arith.constant 0 : i32
        %dma_wait3A_95 = tpu.memref_slice %arg7[%dma_wait3A_88, %dma_wait3A_94] : memref<2x128xi32, #tpu.memory_space<vmem>> -> memref<1x128xi32, #tpu.memory_space<vmem>>
        %dma_wait3A_96 = tpu.memref_squeeze %dma_wait3A_95 : memref<1x128xi32, #tpu.memory_space<vmem>> -> memref<128xi32, #tpu.memory_space<vmem>>
        %dma_wait3A_97 = arith.constant 0 : i32
        %dma_wait3A_98 = arith.constant 0 : i32
        %dma_wait3A_99 = tpu.memref_slice %arg4[%dma_wait3A_97, %dma_wait3A_98] : memref<10000x16xf32, #tpu.memory_space<hbm>> -> memref<10000x16xf32, #tpu.memory_space<hbm>>
        tpu.wait_indirect_dma semaphore(%arg12 : memref<!tpu.dma_semaphore, #tpu.memory_space<semaphore_mem>>) src(%dma_wait3A_99 : memref<10000x16xf32, #tpu.memory_space<hbm>>) dst(%dma_wait3A_93 : memref<128x16xf32, #tpu.memory_space<vmem>>)
        %parallel_loop3A_100 = arith.constant 0 : i32
        %parallel_loop3A_101 = arith.constant 128 : i32
        %parallel_loop3A_102 = arith.constant 1 : i32
        scf.for %parallel_loop3A_105 = %parallel_loop3A_100 to %parallel_loop3A_101 step %parallel_loop3A_102  : i32 {
          %parallel_loop3A_106 = arith.constant 0 : i32
          %parallel_loop3A_107 = arith.index_cast %parallel_loop3A_106 : i32 to index
          %parallel_loop3A_108 = arith.index_cast %parallel_loop3A_105 : i32 to index
          %parallel_loop3A_109 = arith.constant 64 : index
          %parallel_loop3A_110 = tpu.vector_load %arg8[%parallel_loop3A_107, %parallel_loop3A_108, %parallel_loop3A_109] {strides = array<i32>} : memref<2x128x80xf32, #tpu.memory_space<vmem>>, vector<1x1x16xf32>,
          %parallel_loop3A_111 = vector.shape_cast %parallel_loop3A_110 : vector<1x1x16xf32> to vector<16xf32>
          %parallel_loop3A_112 = arith.constant 0 : i32
          %parallel_loop3A_113 = arith.index_cast %parallel_loop3A_112 : i32 to index
          %parallel_loop3A_114 = arith.index_cast %parallel_loop3A_105 : i32 to index
          %parallel_loop3A_115 = arith.constant 0 : index
          %parallel_loop3A_116 = tpu.vector_load %arg9[%parallel_loop3A_113, %parallel_loop3A_114, %parallel_loop3A_115] {strides = array<i32>} : memref<2x128x16xf32, #tpu.memory_space<vmem>>, vector<1x1x16xf32>,
          %parallel_loop3A_117 = vector.shape_cast %parallel_loop3A_116 : vector<1x1x16xf32> to vector<16xf32>
          %parallel_loop3A_118 = vector.shape_cast %broadcast_in_dim3A_19 : vector<16xi32> to vector<16x1xi32>
          %parallel_loop3A_119 = vector.shape_cast %parallel_loop3A_118 : vector<16x1xi32> to vector<16xi32>
          %parallel_loop3A_120 = tpu.dynamic_gather %parallel_loop3A_111[%parallel_loop3A_119] in [0] : vector<16xf32>, vector<16xi32> -> vector<16xf32>
          %parallel_loop3A_121 = vector.shape_cast %broadcast_in_dim3A_19 : vector<16xi32> to vector<16x1xi32>
          %parallel_loop3A_122 = vector.shape_cast %parallel_loop3A_121 : vector<16x1xi32> to vector<16xi32>
          %parallel_loop3A_123 = tpu.dynamic_gather %parallel_loop3A_117[%parallel_loop3A_122] in [0] : vector<16xf32>, vector<16xi32> -> vector<16xf32>
          %parallel_loop3A_124 = arith.addf %parallel_loop3A_120, %parallel_loop3A_123 : vector<16xf32>
          %parallel_loop3A_125 = arith.constant 2.000000e-01 : f32
          %parallel_loop3A_126 = vector.broadcast %parallel_loop3A_125 : f32 to vector<16xf32>
          %parallel_loop3A_127 = arith.mulf %parallel_loop3A_126, %parallel_loop3A_124 : vector<16xf32>
          %parallel_loop3A_128 = arith.maximumf %parallel_loop3A_124, %parallel_loop3A_127 : vector<16xf32>
          %parallel_loop3A_129 = vector.shape_cast %add3A_22 : vector<16xi32> to vector<16x1xi32>
          %parallel_loop3A_130 = vector.shape_cast %parallel_loop3A_129 : vector<16x1xi32> to vector<16xi32>
          %parallel_loop3A_131 = tpu.dynamic_gather %parallel_loop3A_117[%parallel_loop3A_130] in [0] : vector<16xf32>, vector<16xi32> -> vector<16xf32>
          %parallel_loop3A_132 = arith.subf %parallel_loop3A_128, %parallel_loop3A_131 : vector<16xf32>
          %parallel_loop3A_133 = math.exp %parallel_loop3A_132 : vector<16xf32>
          %parallel_loop3A_134 = arith.constant 0.000000e+00 : f32
          %parallel_loop3A_135 = vector.broadcast %parallel_loop3A_134 : f32 to vector<16xf32>
          %parallel_loop3A_136 = arith.select %lt3A_24, %parallel_loop3A_133, %parallel_loop3A_135 : vector<16xi1>, vector<16xf32>
          %parallel_loop3A_137 = arith.constant 0 : i32
          %parallel_loop3A_138 = arith.index_cast %parallel_loop3A_137 : i32 to index
          %parallel_loop3A_139 = arith.index_cast %parallel_loop3A_105 : i32 to index
          %parallel_loop3A_140 = arith.constant 0 : index
          %parallel_loop3A_141 = tpu.vector_load %arg10[%parallel_loop3A_138, %parallel_loop3A_139, %parallel_loop3A_140] {strides = array<i32>} : memref<2x128x80xf32, #tpu.memory_space<vmem>>, vector<1x1x16xf32>,
          %parallel_loop3A_142 = vector.shape_cast %parallel_loop3A_141 : vector<1x1x16xf32> to vector<16xf32>
          %parallel_loop3A_143 = vector.shape_cast %parallel_loop3A_136 : vector<16xf32> to vector<1x1x16xf32>
          tpu.vector_store %arg10[%parallel_loop3A_138, %parallel_loop3A_139, %parallel_loop3A_140], %parallel_loop3A_143 {strides = array<i32>} : memref<2x128x80xf32, #tpu.memory_space<vmem>>, vector<1x1x16xf32>,
          %parallel_loop3A_144 = arith.constant 0 : i32
          %parallel_loop3A_145 = arith.index_cast %parallel_loop3A_144 : i32 to index
          %parallel_loop3A_146 = arith.index_cast %parallel_loop3A_105 : i32 to index
          %parallel_loop3A_147 = arith.constant 0 : index
          %parallel_loop3A_148 = tpu.vector_load %arg8[%parallel_loop3A_145, %parallel_loop3A_146, %parallel_loop3A_147] {strides = array<i32>} : memref<2x128x80xf32, #tpu.memory_space<vmem>>, vector<1x1x16xf32>,
          %parallel_loop3A_149 = vector.shape_cast %parallel_loop3A_148 : vector<1x1x16xf32> to vector<16xf32>
          %parallel_loop3A_150 = arith.mulf %parallel_loop3A_149, %parallel_loop3A_133 : vector<16xf32>
          %parallel_loop3A_151 = arith.constant 0 : i32
          %parallel_loop3A_152 = arith.index_cast %parallel_loop3A_151 : i32 to index
          %parallel_loop3A_153 = arith.index_cast %parallel_loop3A_105 : i32 to index
          %parallel_loop3A_154 = arith.constant 16 : index
          %parallel_loop3A_155 = tpu.vector_load %arg10[%parallel_loop3A_152, %parallel_loop3A_153, %parallel_loop3A_154] {strides = array<i32>} : memref<2x128x80xf32, #tpu.memory_space<vmem>>, vector<1x1x16xf32>,
          %parallel_loop3A_156 = vector.shape_cast %parallel_loop3A_155 : vector<1x1x16xf32> to vector<16xf32>
          %parallel_loop3A_157 = vector.shape_cast %parallel_loop3A_150 : vector<16xf32> to vector<1x1x16xf32>
          tpu.vector_store %arg10[%parallel_loop3A_152, %parallel_loop3A_153, %parallel_loop3A_154], %parallel_loop3A_157 {strides = array<i32>} : memref<2x128x80xf32, #tpu.memory_space<vmem>>, vector<1x1x16xf32>,
          %parallel_loop3A_158 = arith.constant 0 : i32
          %parallel_loop3A_159 = arith.index_cast %parallel_loop3A_158 : i32 to index
          %parallel_loop3A_160 = arith.index_cast %parallel_loop3A_105 : i32 to index
          %parallel_loop3A_161 = arith.constant 16 : index
          %parallel_loop3A_162 = tpu.vector_load %arg8[%parallel_loop3A_159, %parallel_loop3A_160, %parallel_loop3A_161] {strides = array<i32>} : memref<2x128x80xf32, #tpu.memory_space<vmem>>, vector<1x1x16xf32>,
          %parallel_loop3A_163 = vector.shape_cast %parallel_loop3A_162 : vector<1x1x16xf32> to vector<16xf32>
          %parallel_loop3A_164 = arith.mulf %parallel_loop3A_163, %parallel_loop3A_133 : vector<16xf32>
          %parallel_loop3A_165 = arith.constant 0 : i32
          %parallel_loop3A_166 = arith.index_cast %parallel_loop3A_165 : i32 to index
          %parallel_loop3A_167 = arith.index_cast %parallel_loop3A_105 : i32 to index
          %parallel_loop3A_168 = arith.constant 32 : index
          %parallel_loop3A_169 = tpu.vector_load %arg10[%parallel_loop3A_166, %parallel_loop3A_167, %parallel_loop3A_168] {strides = array<i32>} : memref<2x128x80xf32, #tpu.memory_space<vmem>>, vector<1x1x16xf32>,
          %parallel_loop3A_170 = vector.shape_cast %parallel_loop3A_169 : vector<1x1x16xf32> to vector<16xf32>
          %parallel_loop3A_171 = vector.shape_cast %parallel_loop3A_164 : vector<16xf32> to vector<1x1x16xf32>
          tpu.vector_store %arg10[%parallel_loop3A_166, %parallel_loop3A_167, %parallel_loop3A_168], %parallel_loop3A_171 {strides = array<i32>} : memref<2x128x80xf32, #tpu.memory_space<vmem>>, vector<1x1x16xf32>,
          %parallel_loop3A_172 = arith.constant 0 : i32
          %parallel_loop3A_173 = arith.index_cast %parallel_loop3A_172 : i32 to index
          %parallel_loop3A_174 = arith.index_cast %parallel_loop3A_105 : i32 to index
          %parallel_loop3A_175 = arith.constant 32 : index
          %parallel_loop3A_176 = tpu.vector_load %arg8[%parallel_loop3A_173, %parallel_loop3A_174, %parallel_loop3A_175] {strides = array<i32>} : memref<2x128x80xf32, #tpu.memory_space<vmem>>, vector<1x1x16xf32>,
          %parallel_loop3A_177 = vector.shape_cast %parallel_loop3A_176 : vector<1x1x16xf32> to vector<16xf32>
          %parallel_loop3A_178 = arith.mulf %parallel_loop3A_177, %parallel_loop3A_133 : vector<16xf32>
          %parallel_loop3A_179 = arith.constant 0 : i32
          %parallel_loop3A_180 = arith.index_cast %parallel_loop3A_179 : i32 to index
          %parallel_loop3A_181 = arith.index_cast %parallel_loop3A_105 : i32 to index
          %parallel_loop3A_182 = arith.constant 48 : index
          %parallel_loop3A_183 = tpu.vector_load %arg10[%parallel_loop3A_180, %parallel_loop3A_181, %parallel_loop3A_182] {strides = array<i32>} : memref<2x128x80xf32, #tpu.memory_space<vmem>>, vector<1x1x16xf32>,
          %parallel_loop3A_184 = vector.shape_cast %parallel_loop3A_183 : vector<1x1x16xf32> to vector<16xf32>
          %parallel_loop3A_185 = vector.shape_cast %parallel_loop3A_178 : vector<16xf32> to vector<1x1x16xf32>
          tpu.vector_store %arg10[%parallel_loop3A_180, %parallel_loop3A_181, %parallel_loop3A_182], %parallel_loop3A_185 {strides = array<i32>} : memref<2x128x80xf32, #tpu.memory_space<vmem>>, vector<1x1x16xf32>,
          %parallel_loop3A_186 = arith.constant 0 : i32
          %parallel_loop3A_187 = arith.index_cast %parallel_loop3A_186 : i32 to index
          %parallel_loop3A_188 = arith.index_cast %parallel_loop3A_105 : i32 to index
          %parallel_loop3A_189 = arith.constant 48 : index
          %parallel_loop3A_190 = tpu.vector_load %arg8[%parallel_loop3A_187, %parallel_loop3A_188, %parallel_loop3A_189] {strides = array<i32>} : memref<2x128x80xf32, #tpu.memory_space<vmem>>, vector<1x1x16xf32>,
          %parallel_loop3A_191 = vector.shape_cast %parallel_loop3A_190 : vector<1x1x16xf32> to vector<16xf32>
          %parallel_loop3A_192 = arith.mulf %parallel_loop3A_191, %parallel_loop3A_133 : vector<16xf32>
          %parallel_loop3A_193 = arith.constant 0 : i32
          %parallel_loop3A_194 = arith.index_cast %parallel_loop3A_193 : i32 to index
          %parallel_loop3A_195 = arith.index_cast %parallel_loop3A_105 : i32 to index
          %parallel_loop3A_196 = arith.constant 64 : index
          %parallel_loop3A_197 = tpu.vector_load %arg10[%parallel_loop3A_194, %parallel_loop3A_195, %parallel_loop3A_196] {strides = array<i32>} : memref<2x128x80xf32, #tpu.memory_space<vmem>>, vector<1x1x16xf32>,
          %parallel_loop3A_198 = vector.shape_cast %parallel_loop3A_197 : vector<1x1x16xf32> to vector<16xf32>
          %parallel_loop3A_199 = vector.shape_cast %parallel_loop3A_192 : vector<16xf32> to vector<1x1x16xf32>
          tpu.vector_store %arg10[%parallel_loop3A_194, %parallel_loop3A_195, %parallel_loop3A_196], %parallel_loop3A_199 {strides = array<i32>} : memref<2x128x80xf32, #tpu.memory_space<vmem>>, vector<1x1x16xf32>,
        } {sc.loop_unroll_factor = 4 : i64, sc.parallel_access}
        %run_scoped3A_103 = arith.constant 0 : i32
        %run_scoped3A_104 = arith.constant 0 : i32
        "tpu.region"() ({
          %run_scoped3A_105 = tpu.sem_alloc : memref<!tpu.dma_semaphore, #tpu.memory_space<semaphore_mem>>
          %dma_start3A = arith.constant 0 : i32
          %dma_start3A_106 = arith.constant 0 : i32
          %dma_start3A_107 = tpu.memref_slice %arg10[%run_scoped3A_103, %dma_start3A, %dma_start3A_106] : memref<2x128x80xf32, #tpu.memory_space<vmem>> -> memref<1x128x80xf32, #tpu.memory_space<vmem>>
          %dma_start3A_108 = tpu.memref_squeeze %dma_start3A_107 : memref<1x128x80xf32, #tpu.memory_space<vmem>> -> memref<128x80xf32, #tpu.memory_space<vmem>>
          %dma_start3A_109 = arith.constant 0 : i32
          %dma_start3A_110 = tpu.memref_slice %arg7[%run_scoped3A_104, %dma_start3A_109] : memref<2x128xi32, #tpu.memory_space<vmem>> -> memref<1x128xi32, #tpu.memory_space<vmem>>
          %dma_start3A_111 = tpu.memref_squeeze %dma_start3A_110 : memref<1x128xi32, #tpu.memory_space<vmem>> -> memref<128xi32, #tpu.memory_space<vmem>>
          %dma_start3A_112 = arith.constant 0 : i32
          %dma_start3A_113 = arith.constant 0 : i32
          %dma_start3A_114 = tpu.memref_slice %arg11[%dma_start3A_112, %dma_start3A_113] : memref<10240x80xf32, #tpu.memory_space<vmem_shared>> -> memref<10240x80xf32, #tpu.memory_space<vmem_shared>>
          tpu.enqueue_indirect_dma source(%dma_start3A_108 : memref<128x80xf32, #tpu.memory_space<vmem>>) target(%dma_start3A_114 : memref<10240x80xf32, #tpu.memory_space<vmem_shared>>) offsets(%dma_start3A_111 : memref<128xi32, #tpu.memory_space<vmem>>) semaphore(%run_scoped3A_105 : memref<!tpu.dma_semaphore, #tpu.memory_space<semaphore_mem>>) {add = true}
          %dma_wait3A_115 = arith.constant 0 : i32
          %dma_wait3A_116 = arith.constant 0 : i32
          %dma_wait3A_117 = tpu.memref_slice %arg10[%run_scoped3A_103, %dma_wait3A_115, %dma_wait3A_116] : memref<2x128x80xf32, #tpu.memory_space<vmem>> -> memref<1x128x80xf32, #tpu.memory_space<vmem>>
          %dma_wait3A_118 = tpu.memref_squeeze %dma_wait3A_117 : memref<1x128x80xf32, #tpu.memory_space<vmem>> -> memref<128x80xf32, #tpu.memory_space<vmem>>
          %dma_wait3A_119 = arith.constant 0 : i32
          %dma_wait3A_120 = tpu.memref_slice %arg7[%run_scoped3A_104, %dma_wait3A_119] : memref<2x128xi32, #tpu.memory_space<vmem>> -> memref<1x128xi32, #tpu.memory_space<vmem>>
          %dma_wait3A_121 = tpu.memref_squeeze %dma_wait3A_120 : memref<1x128xi32, #tpu.memory_space<vmem>> -> memref<128xi32, #tpu.memory_space<vmem>>
          %dma_wait3A_122 = arith.constant 0 : i32
          %dma_wait3A_123 = arith.constant 0 : i32
          %dma_wait3A_124 = tpu.memref_slice %arg11[%dma_wait3A_122, %dma_wait3A_123] : memref<10240x80xf32, #tpu.memory_space<vmem_shared>> -> memref<10240x80xf32, #tpu.memory_space<vmem_shared>>
          tpu.wait_indirect_dma semaphore(%run_scoped3A_105 : memref<!tpu.dma_semaphore, #tpu.memory_space<semaphore_mem>>) src(%dma_wait3A_118 : memref<128x80xf32, #tpu.memory_space<vmem>>) dst(%dma_wait3A_124 : memref<10240x80xf32, #tpu.memory_space<vmem_shared>>)
          tpu.yield
        }) : () -> ()
      } else {
      }
      %add3A_57 = arith.constant 2 : i32
      %add3A_58 = arith.addi %mul3A_38, %add3A_57 : i32
      %mul3A_59 = arith.constant 32 : i32
      %mul3A_60 = arith.muli %add3A_58, %mul3A_59 : i32
      %add3A_61 = arith.addi %mul3A_60, %add3A : i32
      %lt3A_62 = arith.constant 2500 : i32
      %lt3A_63 = arith.cmpi slt, %add3A_61, %lt3A_62 : i32
      %convert_element_type3A_64 = arith.extui %lt3A_63 : i1 to i32
      %cond3A_65 = arith.constant 0 : i32
      %cond3A_66 = arith.cmpi ne, %convert_element_type3A_64, %cond3A_65 : i32
      scf.if %cond3A_66 {
        %mul3A_77 = arith.constant 128 : i32
        %mul3A_78 = arith.muli %add3A_61, %mul3A_77 : i32
        %run_scoped3A_79 = arith.constant 0 : i32
        %run_scoped3A_80 = arith.constant 0 : i32
        "tpu.region"() ({
          %run_scoped3A_106 = tpu.sem_alloc : memref<!tpu.dma_semaphore, #tpu.memory_space<semaphore_mem>>
          %dma_start3A_107 = arith.constant 0 : i32
          %dma_start3A_108 = tpu.memref_slice %arg6[%run_scoped3A_80, %dma_start3A_107] : memref<2x128xi32, #tpu.memory_space<vmem>> -> memref<1x128xi32, #tpu.memory_space<vmem>>
          %dma_start3A_109 = tpu.memref_squeeze %dma_start3A_108 : memref<1x128xi32, #tpu.memory_space<vmem>> -> memref<128xi32, #tpu.memory_space<vmem>>
          %dma_start3A_110 = tpu.memref_slice %arg2[%run_scoped3A_79, %mul3A_78] : memref<2x320000xi32, #tpu.memory_space<hbm>> -> memref<1x128xi32, #tpu.memory_space<hbm>>
          %dma_start3A_111 = tpu.memref_squeeze %dma_start3A_110 : memref<1x128xi32, #tpu.memory_space<hbm>> -> memref<128xi32, #tpu.memory_space<hbm>>
          %dma_start3A_112 = arith.constant 0 : i32
          %dma_start3A_113 = tpu.memref_slice %arg6[%run_scoped3A_80, %dma_start3A_112] : memref<2x128xi32, #tpu.memory_space<vmem>> -> memref<1x128xi32, #tpu.memory_space<vmem>>
          %dma_start3A_114 = tpu.memref_squeeze %dma_start3A_113 : memref<1x128xi32, #tpu.memory_space<vmem>> -> memref<128xi32, #tpu.memory_space<vmem>>
          %dma_start3A_115 = tpu.memref_slice %arg2[%run_scoped3A_79, %mul3A_78] : memref<2x320000xi32, #tpu.memory_space<hbm>> -> memref<1x128xi32, #tpu.memory_space<hbm>>
          %dma_start3A_116 = tpu.memref_squeeze %dma_start3A_115 : memref<1x128xi32, #tpu.memory_space<hbm>> -> memref<128xi32, #tpu.memory_space<hbm>>
          tpu.enqueue_dma source(%dma_start3A_116 : memref<128xi32, #tpu.memory_space<hbm>>) target(%dma_start3A_114 : memref<128xi32, #tpu.memory_space<vmem>>) target_semaphore(%run_scoped3A_106 : memref<!tpu.dma_semaphore, #tpu.memory_space<semaphore_mem>>)
          %dma_wait3A = arith.constant 0 : i32
          %dma_wait3A_117 = tpu.memref_slice %arg6[%run_scoped3A_80, %dma_wait3A] : memref<2x128xi32, #tpu.memory_space<vmem>> -> memref<1x128xi32, #tpu.memory_space<vmem>>
          %dma_wait3A_118 = tpu.memref_squeeze %dma_wait3A_117 : memref<1x128xi32, #tpu.memory_space<vmem>> -> memref<128xi32, #tpu.memory_space<vmem>>
          %dma_wait3A_119 = tpu.memref_slice %arg2[%run_scoped3A_79, %mul3A_78] : memref<2x320000xi32, #tpu.memory_space<hbm>> -> memref<1x128xi32, #tpu.memory_space<hbm>>
          %dma_wait3A_120 = tpu.memref_squeeze %dma_wait3A_119 : memref<1x128xi32, #tpu.memory_space<hbm>> -> memref<128xi32, #tpu.memory_space<hbm>>
          %dma_wait3A_121 = arith.constant 0 : i32
          %dma_wait3A_122 = tpu.memref_slice %arg6[%run_scoped3A_80, %dma_wait3A_121] : memref<2x128xi32, #tpu.memory_space<vmem>> -> memref<1x128xi32, #tpu.memory_space<vmem>>
          %dma_wait3A_123 = tpu.memref_squeeze %dma_wait3A_122 : memref<1x128xi32, #tpu.memory_space<vmem>> -> memref<128xi32, #tpu.memory_space<vmem>>
          %dma_wait3A_124 = tpu.memref_slice %arg2[%run_scoped3A_79, %mul3A_78] : memref<2x320000xi32, #tpu.memory_space<hbm>> -> memref<1x128xi32, #tpu.memory_space<hbm>>
          %dma_wait3A_125 = tpu.memref_squeeze %dma_wait3A_124 : memref<1x128xi32, #tpu.memory_space<hbm>> -> memref<128xi32, #tpu.memory_space<hbm>>
          tpu.wait_dma2 semaphore(%run_scoped3A_106 : memref<!tpu.dma_semaphore, #tpu.memory_space<semaphore_mem>>) src(%dma_wait3A_125 : memref<128xi32, #tpu.memory_space<hbm>>) dst(%dma_wait3A_123 : memref<128xi32, #tpu.memory_space<vmem>>)
          tpu.yield
        }) : () -> ()
        %run_scoped3A_81 = arith.constant 1 : i32
        %run_scoped3A_82 = arith.constant 0 : i32
        "tpu.region"() ({
          %run_scoped3A_106 = tpu.sem_alloc : memref<!tpu.dma_semaphore, #tpu.memory_space<semaphore_mem>>
          %dma_start3A_107 = arith.constant 0 : i32
          %dma_start3A_108 = tpu.memref_slice %arg7[%run_scoped3A_82, %dma_start3A_107] : memref<2x128xi32, #tpu.memory_space<vmem>> -> memref<1x128xi32, #tpu.memory_space<vmem>>
          %dma_start3A_109 = tpu.memref_squeeze %dma_start3A_108 : memref<1x128xi32, #tpu.memory_space<vmem>> -> memref<128xi32, #tpu.memory_space<vmem>>
          %dma_start3A_110 = tpu.memref_slice %arg2[%run_scoped3A_81, %mul3A_78] : memref<2x320000xi32, #tpu.memory_space<hbm>> -> memref<1x128xi32, #tpu.memory_space<hbm>>
          %dma_start3A_111 = tpu.memref_squeeze %dma_start3A_110 : memref<1x128xi32, #tpu.memory_space<hbm>> -> memref<128xi32, #tpu.memory_space<hbm>>
          %dma_start3A_112 = arith.constant 0 : i32
          %dma_start3A_113 = tpu.memref_slice %arg7[%run_scoped3A_82, %dma_start3A_112] : memref<2x128xi32, #tpu.memory_space<vmem>> -> memref<1x128xi32, #tpu.memory_space<vmem>>
          %dma_start3A_114 = tpu.memref_squeeze %dma_start3A_113 : memref<1x128xi32, #tpu.memory_space<vmem>> -> memref<128xi32, #tpu.memory_space<vmem>>
          %dma_start3A_115 = tpu.memref_slice %arg2[%run_scoped3A_81, %mul3A_78] : memref<2x320000xi32, #tpu.memory_space<hbm>> -> memref<1x128xi32, #tpu.memory_space<hbm>>
          %dma_start3A_116 = tpu.memref_squeeze %dma_start3A_115 : memref<1x128xi32, #tpu.memory_space<hbm>> -> memref<128xi32, #tpu.memory_space<hbm>>
          tpu.enqueue_dma source(%dma_start3A_116 : memref<128xi32, #tpu.memory_space<hbm>>) target(%dma_start3A_114 : memref<128xi32, #tpu.memory_space<vmem>>) target_semaphore(%run_scoped3A_106 : memref<!tpu.dma_semaphore, #tpu.memory_space<semaphore_mem>>)
          %dma_wait3A = arith.constant 0 : i32
          %dma_wait3A_117 = tpu.memref_slice %arg7[%run_scoped3A_82, %dma_wait3A] : memref<2x128xi32, #tpu.memory_space<vmem>> -> memref<1x128xi32, #tpu.memory_space<vmem>>
          %dma_wait3A_118 = tpu.memref_squeeze %dma_wait3A_117 : memref<1x128xi32, #tpu.memory_space<vmem>> -> memref<128xi32, #tpu.memory_space<vmem>>
          %dma_wait3A_119 = tpu.memref_slice %arg2[%run_scoped3A_81, %mul3A_78] : memref<2x320000xi32, #tpu.memory_space<hbm>> -> memref<1x128xi32, #tpu.memory_space<hbm>>
          %dma_wait3A_120 = tpu.memref_squeeze %dma_wait3A_119 : memref<1x128xi32, #tpu.memory_space<hbm>> -> memref<128xi32, #tpu.memory_space<hbm>>
          %dma_wait3A_121 = arith.constant 0 : i32
          %dma_wait3A_122 = tpu.memref_slice %arg7[%run_scoped3A_82, %dma_wait3A_121] : memref<2x128xi32, #tpu.memory_space<vmem>> -> memref<1x128xi32, #tpu.memory_space<vmem>>
          %dma_wait3A_123 = tpu.memref_squeeze %dma_wait3A_122 : memref<1x128xi32, #tpu.memory_space<vmem>> -> memref<128xi32, #tpu.memory_space<vmem>>
          %dma_wait3A_124 = tpu.memref_slice %arg2[%run_scoped3A_81, %mul3A_78] : memref<2x320000xi32, #tpu.memory_space<hbm>> -> memref<1x128xi32, #tpu.memory_space<hbm>>
          %dma_wait3A_125 = tpu.memref_squeeze %dma_wait3A_124 : memref<1x128xi32, #tpu.memory_space<hbm>> -> memref<128xi32, #tpu.memory_space<hbm>>
          tpu.wait_dma2 semaphore(%run_scoped3A_106 : memref<!tpu.dma_semaphore, #tpu.memory_space<semaphore_mem>>) src(%dma_wait3A_125 : memref<128xi32, #tpu.memory_space<hbm>>) dst(%dma_wait3A_123 : memref<128xi32, #tpu.memory_space<vmem>>)
          tpu.yield
        }) : () -> ()
        %dma_start3A = arith.constant 0 : i32
        %dma_start3A_83 = arith.constant 0 : i32
        %dma_start3A_84 = arith.constant 0 : i32
        %dma_start3A_85 = arith.constant 0 : i32
        %dma_start3A_86 = tpu.memref_slice %arg8[%dma_start3A_83, %dma_start3A_84, %dma_start3A_85] : memref<2x128x80xf32, #tpu.memory_space<vmem>> -> memref<1x128x80xf32, #tpu.memory_space<vmem>>
        %dma_start3A_87 = tpu.memref_squeeze %dma_start3A_86 : memref<1x128x80xf32, #tpu.memory_space<vmem>> -> memref<128x80xf32, #tpu.memory_space<vmem>>
        %dma_start3A_88 = arith.constant 0 : i32
        %dma_start3A_89 = tpu.memref_slice %arg6[%dma_start3A, %dma_start3A_88] : memref<2x128xi32, #tpu.memory_space<vmem>> -> memref<1x128xi32, #tpu.memory_space<vmem>>
        %dma_start3A_90 = tpu.memref_squeeze %dma_start3A_89 : memref<1x128xi32, #tpu.memory_space<vmem>> -> memref<128xi32, #tpu.memory_space<vmem>>
        %dma_start3A_91 = arith.constant 0 : i32
        %dma_start3A_92 = arith.constant 0 : i32
        %dma_start3A_93 = tpu.memref_slice %arg3[%dma_start3A_91, %dma_start3A_92] : memref<10000x80xf32, #tpu.memory_space<hbm>> -> memref<10000x80xf32, #tpu.memory_space<hbm>>
        tpu.enqueue_indirect_dma source(%dma_start3A_93 : memref<10000x80xf32, #tpu.memory_space<hbm>>) target(%dma_start3A_87 : memref<128x80xf32, #tpu.memory_space<vmem>>) offsets(%dma_start3A_90 : memref<128xi32, #tpu.memory_space<vmem>>) semaphore(%arg12 : memref<!tpu.dma_semaphore, #tpu.memory_space<semaphore_mem>>)
        %dma_start3A_94 = arith.constant 0 : i32
        %dma_start3A_95 = arith.constant 0 : i32
        %dma_start3A_96 = arith.constant 0 : i32
        %dma_start3A_97 = arith.constant 0 : i32
        %dma_start3A_98 = tpu.memref_slice %arg9[%dma_start3A_95, %dma_start3A_96, %dma_start3A_97] : memref<2x128x16xf32, #tpu.memory_space<vmem>> -> memref<1x128x16xf32, #tpu.memory_space<vmem>>
        %dma_start3A_99 = tpu.memref_squeeze %dma_start3A_98 : memref<1x128x16xf32, #tpu.memory_space<vmem>> -> memref<128x16xf32, #tpu.memory_space<vmem>>
        %dma_start3A_100 = arith.constant 0 : i32
        %dma_start3A_101 = tpu.memref_slice %arg7[%dma_start3A_94, %dma_start3A_100] : memref<2x128xi32, #tpu.memory_space<vmem>> -> memref<1x128xi32, #tpu.memory_space<vmem>>
        %dma_start3A_102 = tpu.memref_squeeze %dma_start3A_101 : memref<1x128xi32, #tpu.memory_space<vmem>> -> memref<128xi32, #tpu.memory_space<vmem>>
        %dma_start3A_103 = arith.constant 0 : i32
        %dma_start3A_104 = arith.constant 0 : i32
        %dma_start3A_105 = tpu.memref_slice %arg4[%dma_start3A_103, %dma_start3A_104] : memref<10000x16xf32, #tpu.memory_space<hbm>> -> memref<10000x16xf32, #tpu.memory_space<hbm>>
        tpu.enqueue_indirect_dma source(%dma_start3A_105 : memref<10000x16xf32, #tpu.memory_space<hbm>>) target(%dma_start3A_99 : memref<128x16xf32, #tpu.memory_space<vmem>>) offsets(%dma_start3A_102 : memref<128xi32, #tpu.memory_space<vmem>>) semaphore(%arg12 : memref<!tpu.dma_semaphore, #tpu.memory_space<semaphore_mem>>)
      } else {
      }
      %add3A_67 = arith.constant 1 : i32
      %add3A_68 = arith.addi %mul3A_38, %add3A_67 : i32
      %mul3A_69 = arith.constant 32 : i32
      %mul3A_70 = arith.muli %add3A_68, %mul3A_69 : i32
      %add3A_71 = arith.addi %mul3A_70, %add3A : i32
      %lt3A_72 = arith.constant 2500 : i32
      %lt3A_73 = arith.cmpi slt, %add3A_71, %lt3A_72 : i32
      %convert_element_type3A_74 = arith.extui %lt3A_73 : i1 to i32
      %cond3A_75 = arith.constant 0 : i32
      %cond3A_76 = arith.cmpi ne, %convert_element_type3A_74, %cond3A_75 : i32
      scf.if %cond3A_76 {
        %dma_wait3A = arith.constant 1 : i32
        %dma_wait3A_77 = arith.constant 1 : i32
        %dma_wait3A_78 = arith.constant 0 : i32
        %dma_wait3A_79 = arith.constant 0 : i32
        %dma_wait3A_80 = tpu.memref_slice %arg8[%dma_wait3A_77, %dma_wait3A_78, %dma_wait3A_79] : memref<2x128x80xf32, #tpu.memory_space<vmem>> -> memref<1x128x80xf32, #tpu.memory_space<vmem>>
        %dma_wait3A_81 = tpu.memref_squeeze %dma_wait3A_80 : memref<1x128x80xf32, #tpu.memory_space<vmem>> -> memref<128x80xf32, #tpu.memory_space<vmem>>
        %dma_wait3A_82 = arith.constant 0 : i32
        %dma_wait3A_83 = tpu.memref_slice %arg6[%dma_wait3A, %dma_wait3A_82] : memref<2x128xi32, #tpu.memory_space<vmem>> -> memref<1x128xi32, #tpu.memory_space<vmem>>
        %dma_wait3A_84 = tpu.memref_squeeze %dma_wait3A_83 : memref<1x128xi32, #tpu.memory_space<vmem>> -> memref<128xi32, #tpu.memory_space<vmem>>
        %dma_wait3A_85 = arith.constant 0 : i32
        %dma_wait3A_86 = arith.constant 0 : i32
        %dma_wait3A_87 = tpu.memref_slice %arg3[%dma_wait3A_85, %dma_wait3A_86] : memref<10000x80xf32, #tpu.memory_space<hbm>> -> memref<10000x80xf32, #tpu.memory_space<hbm>>
        tpu.wait_indirect_dma semaphore(%arg13 : memref<!tpu.dma_semaphore, #tpu.memory_space<semaphore_mem>>) src(%dma_wait3A_87 : memref<10000x80xf32, #tpu.memory_space<hbm>>) dst(%dma_wait3A_81 : memref<128x80xf32, #tpu.memory_space<vmem>>)
        %dma_wait3A_88 = arith.constant 1 : i32
        %dma_wait3A_89 = arith.constant 1 : i32
        %dma_wait3A_90 = arith.constant 0 : i32
        %dma_wait3A_91 = arith.constant 0 : i32
        %dma_wait3A_92 = tpu.memref_slice %arg9[%dma_wait3A_89, %dma_wait3A_90, %dma_wait3A_91] : memref<2x128x16xf32, #tpu.memory_space<vmem>> -> memref<1x128x16xf32, #tpu.memory_space<vmem>>
        %dma_wait3A_93 = tpu.memref_squeeze %dma_wait3A_92 : memref<1x128x16xf32, #tpu.memory_space<vmem>> -> memref<128x16xf32, #tpu.memory_space<vmem>>
        %dma_wait3A_94 = arith.constant 0 : i32
        %dma_wait3A_95 = tpu.memref_slice %arg7[%dma_wait3A_88, %dma_wait3A_94] : memref<2x128xi32, #tpu.memory_space<vmem>> -> memref<1x128xi32, #tpu.memory_space<vmem>>
        %dma_wait3A_96 = tpu.memref_squeeze %dma_wait3A_95 : memref<1x128xi32, #tpu.memory_space<vmem>> -> memref<128xi32, #tpu.memory_space<vmem>>
        %dma_wait3A_97 = arith.constant 0 : i32
        %dma_wait3A_98 = arith.constant 0 : i32
        %dma_wait3A_99 = tpu.memref_slice %arg4[%dma_wait3A_97, %dma_wait3A_98] : memref<10000x16xf32, #tpu.memory_space<hbm>> -> memref<10000x16xf32, #tpu.memory_space<hbm>>
        tpu.wait_indirect_dma semaphore(%arg13 : memref<!tpu.dma_semaphore, #tpu.memory_space<semaphore_mem>>) src(%dma_wait3A_99 : memref<10000x16xf32, #tpu.memory_space<hbm>>) dst(%dma_wait3A_93 : memref<128x16xf32, #tpu.memory_space<vmem>>)
        %parallel_loop3A_100 = arith.constant 0 : i32
        %parallel_loop3A_101 = arith.constant 128 : i32
        %parallel_loop3A_102 = arith.constant 1 : i32
        scf.for %parallel_loop3A_105 = %parallel_loop3A_100 to %parallel_loop3A_101 step %parallel_loop3A_102  : i32 {
          %parallel_loop3A_106 = arith.constant 1 : i32
          %parallel_loop3A_107 = arith.index_cast %parallel_loop3A_106 : i32 to index
          %parallel_loop3A_108 = arith.index_cast %parallel_loop3A_105 : i32 to index
          %parallel_loop3A_109 = arith.constant 64 : index
          %parallel_loop3A_110 = tpu.vector_load %arg8[%parallel_loop3A_107, %parallel_loop3A_108, %parallel_loop3A_109] {strides = array<i32>} : memref<2x128x80xf32, #tpu.memory_space<vmem>>, vector<1x1x16xf32>,
          %parallel_loop3A_111 = vector.shape_cast %parallel_loop3A_110 : vector<1x1x16xf32> to vector<16xf32>
          %parallel_loop3A_112 = arith.constant 1 : i32
          %parallel_loop3A_113 = arith.index_cast %parallel_loop3A_112 : i32 to index
          %parallel_loop3A_114 = arith.index_cast %parallel_loop3A_105 : i32 to index
          %parallel_loop3A_115 = arith.constant 0 : index
          %parallel_loop3A_116 = tpu.vector_load %arg9[%parallel_loop3A_113, %parallel_loop3A_114, %parallel_loop3A_115] {strides = array<i32>} : memref<2x128x16xf32, #tpu.memory_space<vmem>>, vector<1x1x16xf32>,
          %parallel_loop3A_117 = vector.shape_cast %parallel_loop3A_116 : vector<1x1x16xf32> to vector<16xf32>
          %parallel_loop3A_118 = vector.shape_cast %broadcast_in_dim3A_19 : vector<16xi32> to vector<16x1xi32>
          %parallel_loop3A_119 = vector.shape_cast %parallel_loop3A_118 : vector<16x1xi32> to vector<16xi32>
          %parallel_loop3A_120 = tpu.dynamic_gather %parallel_loop3A_111[%parallel_loop3A_119] in [0] : vector<16xf32>, vector<16xi32> -> vector<16xf32>
          %parallel_loop3A_121 = vector.shape_cast %broadcast_in_dim3A_19 : vector<16xi32> to vector<16x1xi32>
          %parallel_loop3A_122 = vector.shape_cast %parallel_loop3A_121 : vector<16x1xi32> to vector<16xi32>
          %parallel_loop3A_123 = tpu.dynamic_gather %parallel_loop3A_117[%parallel_loop3A_122] in [0] : vector<16xf32>, vector<16xi32> -> vector<16xf32>
          %parallel_loop3A_124 = arith.addf %parallel_loop3A_120, %parallel_loop3A_123 : vector<16xf32>
          %parallel_loop3A_125 = arith.constant 2.000000e-01 : f32
          %parallel_loop3A_126 = vector.broadcast %parallel_loop3A_125 : f32 to vector<16xf32>
          %parallel_loop3A_127 = arith.mulf %parallel_loop3A_126, %parallel_loop3A_124 : vector<16xf32>
          %parallel_loop3A_128 = arith.maximumf %parallel_loop3A_124, %parallel_loop3A_127 : vector<16xf32>
          %parallel_loop3A_129 = vector.shape_cast %add3A_22 : vector<16xi32> to vector<16x1xi32>
          %parallel_loop3A_130 = vector.shape_cast %parallel_loop3A_129 : vector<16x1xi32> to vector<16xi32>
          %parallel_loop3A_131 = tpu.dynamic_gather %parallel_loop3A_117[%parallel_loop3A_130] in [0] : vector<16xf32>, vector<16xi32> -> vector<16xf32>
          %parallel_loop3A_132 = arith.subf %parallel_loop3A_128, %parallel_loop3A_131 : vector<16xf32>
          %parallel_loop3A_133 = math.exp %parallel_loop3A_132 : vector<16xf32>
          %parallel_loop3A_134 = arith.constant 0.000000e+00 : f32
          %parallel_loop3A_135 = vector.broadcast %parallel_loop3A_134 : f32 to vector<16xf32>
          %parallel_loop3A_136 = arith.select %lt3A_24, %parallel_loop3A_133, %parallel_loop3A_135 : vector<16xi1>, vector<16xf32>
          %parallel_loop3A_137 = arith.constant 1 : i32
          %parallel_loop3A_138 = arith.index_cast %parallel_loop3A_137 : i32 to index
          %parallel_loop3A_139 = arith.index_cast %parallel_loop3A_105 : i32 to index
          %parallel_loop3A_140 = arith.constant 0 : index
          %parallel_loop3A_141 = tpu.vector_load %arg10[%parallel_loop3A_138, %parallel_loop3A_139, %parallel_loop3A_140] {strides = array<i32>} : memref<2x128x80xf32, #tpu.memory_space<vmem>>, vector<1x1x16xf32>,
          %parallel_loop3A_142 = vector.shape_cast %parallel_loop3A_141 : vector<1x1x16xf32> to vector<16xf32>
          %parallel_loop3A_143 = vector.shape_cast %parallel_loop3A_136 : vector<16xf32> to vector<1x1x16xf32>
          tpu.vector_store %arg10[%parallel_loop3A_138, %parallel_loop3A_139, %parallel_loop3A_140], %parallel_loop3A_143 {strides = array<i32>} : memref<2x128x80xf32, #tpu.memory_space<vmem>>, vector<1x1x16xf32>,
          %parallel_loop3A_144 = arith.constant 1 : i32
          %parallel_loop3A_145 = arith.index_cast %parallel_loop3A_144 : i32 to index
          %parallel_loop3A_146 = arith.index_cast %parallel_loop3A_105 : i32 to index
          %parallel_loop3A_147 = arith.constant 0 : index
          %parallel_loop3A_148 = tpu.vector_load %arg8[%parallel_loop3A_145, %parallel_loop3A_146, %parallel_loop3A_147] {strides = array<i32>} : memref<2x128x80xf32, #tpu.memory_space<vmem>>, vector<1x1x16xf32>,
          %parallel_loop3A_149 = vector.shape_cast %parallel_loop3A_148 : vector<1x1x16xf32> to vector<16xf32>
          %parallel_loop3A_150 = arith.mulf %parallel_loop3A_149, %parallel_loop3A_133 : vector<16xf32>
          %parallel_loop3A_151 = arith.constant 1 : i32
          %parallel_loop3A_152 = arith.index_cast %parallel_loop3A_151 : i32 to index
          %parallel_loop3A_153 = arith.index_cast %parallel_loop3A_105 : i32 to index
          %parallel_loop3A_154 = arith.constant 16 : index
          %parallel_loop3A_155 = tpu.vector_load %arg10[%parallel_loop3A_152, %parallel_loop3A_153, %parallel_loop3A_154] {strides = array<i32>} : memref<2x128x80xf32, #tpu.memory_space<vmem>>, vector<1x1x16xf32>,
          %parallel_loop3A_156 = vector.shape_cast %parallel_loop3A_155 : vector<1x1x16xf32> to vector<16xf32>
          %parallel_loop3A_157 = vector.shape_cast %parallel_loop3A_150 : vector<16xf32> to vector<1x1x16xf32>
          tpu.vector_store %arg10[%parallel_loop3A_152, %parallel_loop3A_153, %parallel_loop3A_154], %parallel_loop3A_157 {strides = array<i32>} : memref<2x128x80xf32, #tpu.memory_space<vmem>>, vector<1x1x16xf32>,
          %parallel_loop3A_158 = arith.constant 1 : i32
          %parallel_loop3A_159 = arith.index_cast %parallel_loop3A_158 : i32 to index
          %parallel_loop3A_160 = arith.index_cast %parallel_loop3A_105 : i32 to index
          %parallel_loop3A_161 = arith.constant 16 : index
          %parallel_loop3A_162 = tpu.vector_load %arg8[%parallel_loop3A_159, %parallel_loop3A_160, %parallel_loop3A_161] {strides = array<i32>} : memref<2x128x80xf32, #tpu.memory_space<vmem>>, vector<1x1x16xf32>,
          %parallel_loop3A_163 = vector.shape_cast %parallel_loop3A_162 : vector<1x1x16xf32> to vector<16xf32>
          %parallel_loop3A_164 = arith.mulf %parallel_loop3A_163, %parallel_loop3A_133 : vector<16xf32>
          %parallel_loop3A_165 = arith.constant 1 : i32
          %parallel_loop3A_166 = arith.index_cast %parallel_loop3A_165 : i32 to index
          %parallel_loop3A_167 = arith.index_cast %parallel_loop3A_105 : i32 to index
          %parallel_loop3A_168 = arith.constant 32 : index
          %parallel_loop3A_169 = tpu.vector_load %arg10[%parallel_loop3A_166, %parallel_loop3A_167, %parallel_loop3A_168] {strides = array<i32>} : memref<2x128x80xf32, #tpu.memory_space<vmem>>, vector<1x1x16xf32>,
          %parallel_loop3A_170 = vector.shape_cast %parallel_loop3A_169 : vector<1x1x16xf32> to vector<16xf32>
          %parallel_loop3A_171 = vector.shape_cast %parallel_loop3A_164 : vector<16xf32> to vector<1x1x16xf32>
          tpu.vector_store %arg10[%parallel_loop3A_166, %parallel_loop3A_167, %parallel_loop3A_168], %parallel_loop3A_171 {strides = array<i32>} : memref<2x128x80xf32, #tpu.memory_space<vmem>>, vector<1x1x16xf32>,
          %parallel_loop3A_172 = arith.constant 1 : i32
          %parallel_loop3A_173 = arith.index_cast %parallel_loop3A_172 : i32 to index
          %parallel_loop3A_174 = arith.index_cast %parallel_loop3A_105 : i32 to index
          %parallel_loop3A_175 = arith.constant 32 : index
          %parallel_loop3A_176 = tpu.vector_load %arg8[%parallel_loop3A_173, %parallel_loop3A_174, %parallel_loop3A_175] {strides = array<i32>} : memref<2x128x80xf32, #tpu.memory_space<vmem>>, vector<1x1x16xf32>,
          %parallel_loop3A_177 = vector.shape_cast %parallel_loop3A_176 : vector<1x1x16xf32> to vector<16xf32>
          %parallel_loop3A_178 = arith.mulf %parallel_loop3A_177, %parallel_loop3A_133 : vector<16xf32>
          %parallel_loop3A_179 = arith.constant 1 : i32
          %parallel_loop3A_180 = arith.index_cast %parallel_loop3A_179 : i32 to index
          %parallel_loop3A_181 = arith.index_cast %parallel_loop3A_105 : i32 to index
          %parallel_loop3A_182 = arith.constant 48 : index
          %parallel_loop3A_183 = tpu.vector_load %arg10[%parallel_loop3A_180, %parallel_loop3A_181, %parallel_loop3A_182] {strides = array<i32>} : memref<2x128x80xf32, #tpu.memory_space<vmem>>, vector<1x1x16xf32>,
          %parallel_loop3A_184 = vector.shape_cast %parallel_loop3A_183 : vector<1x1x16xf32> to vector<16xf32>
          %parallel_loop3A_185 = vector.shape_cast %parallel_loop3A_178 : vector<16xf32> to vector<1x1x16xf32>
          tpu.vector_store %arg10[%parallel_loop3A_180, %parallel_loop3A_181, %parallel_loop3A_182], %parallel_loop3A_185 {strides = array<i32>} : memref<2x128x80xf32, #tpu.memory_space<vmem>>, vector<1x1x16xf32>,
          %parallel_loop3A_186 = arith.constant 1 : i32
          %parallel_loop3A_187 = arith.index_cast %parallel_loop3A_186 : i32 to index
          %parallel_loop3A_188 = arith.index_cast %parallel_loop3A_105 : i32 to index
          %parallel_loop3A_189 = arith.constant 48 : index
          %parallel_loop3A_190 = tpu.vector_load %arg8[%parallel_loop3A_187, %parallel_loop3A_188, %parallel_loop3A_189] {strides = array<i32>} : memref<2x128x80xf32, #tpu.memory_space<vmem>>, vector<1x1x16xf32>,
          %parallel_loop3A_191 = vector.shape_cast %parallel_loop3A_190 : vector<1x1x16xf32> to vector<16xf32>
          %parallel_loop3A_192 = arith.mulf %parallel_loop3A_191, %parallel_loop3A_133 : vector<16xf32>
          %parallel_loop3A_193 = arith.constant 1 : i32
          %parallel_loop3A_194 = arith.index_cast %parallel_loop3A_193 : i32 to index
          %parallel_loop3A_195 = arith.index_cast %parallel_loop3A_105 : i32 to index
          %parallel_loop3A_196 = arith.constant 64 : index
          %parallel_loop3A_197 = tpu.vector_load %arg10[%parallel_loop3A_194, %parallel_loop3A_195, %parallel_loop3A_196] {strides = array<i32>} : memref<2x128x80xf32, #tpu.memory_space<vmem>>, vector<1x1x16xf32>,
          %parallel_loop3A_198 = vector.shape_cast %parallel_loop3A_197 : vector<1x1x16xf32> to vector<16xf32>
          %parallel_loop3A_199 = vector.shape_cast %parallel_loop3A_192 : vector<16xf32> to vector<1x1x16xf32>
          tpu.vector_store %arg10[%parallel_loop3A_194, %parallel_loop3A_195, %parallel_loop3A_196], %parallel_loop3A_199 {strides = array<i32>} : memref<2x128x80xf32, #tpu.memory_space<vmem>>, vector<1x1x16xf32>,
        } {sc.loop_unroll_factor = 4 : i64, sc.parallel_access}
        %run_scoped3A_103 = arith.constant 1 : i32
        %run_scoped3A_104 = arith.constant 1 : i32
        "tpu.region"() ({
          %run_scoped3A_105 = tpu.sem_alloc : memref<!tpu.dma_semaphore, #tpu.memory_space<semaphore_mem>>
          %dma_start3A = arith.constant 0 : i32
          %dma_start3A_106 = arith.constant 0 : i32
          %dma_start3A_107 = tpu.memref_slice %arg10[%run_scoped3A_103, %dma_start3A, %dma_start3A_106] : memref<2x128x80xf32, #tpu.memory_space<vmem>> -> memref<1x128x80xf32, #tpu.memory_space<vmem>>
          %dma_start3A_108 = tpu.memref_squeeze %dma_start3A_107 : memref<1x128x80xf32, #tpu.memory_space<vmem>> -> memref<128x80xf32, #tpu.memory_space<vmem>>
          %dma_start3A_109 = arith.constant 0 : i32
          %dma_start3A_110 = tpu.memref_slice %arg7[%run_scoped3A_104, %dma_start3A_109] : memref<2x128xi32, #tpu.memory_space<vmem>> -> memref<1x128xi32, #tpu.memory_space<vmem>>
          %dma_start3A_111 = tpu.memref_squeeze %dma_start3A_110 : memref<1x128xi32, #tpu.memory_space<vmem>> -> memref<128xi32, #tpu.memory_space<vmem>>
          %dma_start3A_112 = arith.constant 0 : i32
          %dma_start3A_113 = arith.constant 0 : i32
          %dma_start3A_114 = tpu.memref_slice %arg11[%dma_start3A_112, %dma_start3A_113] : memref<10240x80xf32, #tpu.memory_space<vmem_shared>> -> memref<10240x80xf32, #tpu.memory_space<vmem_shared>>
          tpu.enqueue_indirect_dma source(%dma_start3A_108 : memref<128x80xf32, #tpu.memory_space<vmem>>) target(%dma_start3A_114 : memref<10240x80xf32, #tpu.memory_space<vmem_shared>>) offsets(%dma_start3A_111 : memref<128xi32, #tpu.memory_space<vmem>>) semaphore(%run_scoped3A_105 : memref<!tpu.dma_semaphore, #tpu.memory_space<semaphore_mem>>) {add = true}
          %dma_wait3A_115 = arith.constant 0 : i32
          %dma_wait3A_116 = arith.constant 0 : i32
          %dma_wait3A_117 = tpu.memref_slice %arg10[%run_scoped3A_103, %dma_wait3A_115, %dma_wait3A_116] : memref<2x128x80xf32, #tpu.memory_space<vmem>> -> memref<1x128x80xf32, #tpu.memory_space<vmem>>
          %dma_wait3A_118 = tpu.memref_squeeze %dma_wait3A_117 : memref<1x128x80xf32, #tpu.memory_space<vmem>> -> memref<128x80xf32, #tpu.memory_space<vmem>>
          %dma_wait3A_119 = arith.constant 0 : i32
          %dma_wait3A_120 = tpu.memref_slice %arg7[%run_scoped3A_104, %dma_wait3A_119] : memref<2x128xi32, #tpu.memory_space<vmem>> -> memref<1x128xi32, #tpu.memory_space<vmem>>
          %dma_wait3A_121 = tpu.memref_squeeze %dma_wait3A_120 : memref<1x128xi32, #tpu.memory_space<vmem>> -> memref<128xi32, #tpu.memory_space<vmem>>
          %dma_wait3A_122 = arith.constant 0 : i32
          %dma_wait3A_123 = arith.constant 0 : i32
          %dma_wait3A_124 = tpu.memref_slice %arg11[%dma_wait3A_122, %dma_wait3A_123] : memref<10240x80xf32, #tpu.memory_space<vmem_shared>> -> memref<10240x80xf32, #tpu.memory_space<vmem_shared>>
          tpu.wait_indirect_dma semaphore(%run_scoped3A_105 : memref<!tpu.dma_semaphore, #tpu.memory_space<semaphore_mem>>) src(%dma_wait3A_118 : memref<128x80xf32, #tpu.memory_space<vmem>>) dst(%dma_wait3A_124 : memref<10240x80xf32, #tpu.memory_space<vmem_shared>>)
          tpu.yield
        }) : () -> ()
      } else {
      }
    }
    %scan3A_34 = arith.constant 40 : i32
    %barrier3A_35 = arith.constant 0 : index
    tpu.barrier barrier_id(%barrier3A_35)
    "tpu.region"() ({
      %run_scoped3A_36 = tpu.sem_alloc : memref<!tpu.dma_semaphore, #tpu.memory_space<semaphore_mem>>
      %dma_start3A = arith.constant 0 : i32
      %dma_start3A_37 = tpu.memref_slice %arg5[%arg0, %mul3A_4, %dma_start3A] : memref<2x10240x80xf32, #tpu.memory_space<hbm>> -> memref<1x640x80xf32, #tpu.memory_space<hbm>>
      %dma_start3A_38 = tpu.memref_squeeze %dma_start3A_37 : memref<1x640x80xf32, #tpu.memory_space<hbm>> -> memref<640x80xf32, #tpu.memory_space<hbm>>
      %dma_start3A_39 = arith.constant 0 : i32
      %dma_start3A_40 = tpu.memref_slice %arg11[%mul3A_4, %dma_start3A_39] : memref<10240x80xf32, #tpu.memory_space<vmem_shared>> -> memref<640x80xf32, #tpu.memory_space<vmem_shared>>
      tpu.enqueue_dma source(%dma_start3A_40 : memref<640x80xf32, #tpu.memory_space<vmem_shared>>) target(%dma_start3A_38 : memref<640x80xf32, #tpu.memory_space<hbm>>) target_semaphore(%run_scoped3A_36 : memref<!tpu.dma_semaphore, #tpu.memory_space<semaphore_mem>>)
      %dma_wait3A = arith.constant 0 : i32
      %dma_wait3A_41 = tpu.memref_slice %arg5[%arg0, %mul3A_4, %dma_wait3A] : memref<2x10240x80xf32, #tpu.memory_space<hbm>> -> memref<1x640x80xf32, #tpu.memory_space<hbm>>
      %dma_wait3A_42 = tpu.memref_squeeze %dma_wait3A_41 : memref<1x640x80xf32, #tpu.memory_space<hbm>> -> memref<640x80xf32, #tpu.memory_space<hbm>>
      %dma_wait3A_43 = arith.constant 0 : i32
      %dma_wait3A_44 = tpu.memref_slice %arg11[%mul3A_4, %dma_wait3A_43] : memref<10240x80xf32, #tpu.memory_space<vmem_shared>> -> memref<640x80xf32, #tpu.memory_space<vmem_shared>>
      tpu.wait_dma2 semaphore(%run_scoped3A_36 : memref<!tpu.dma_semaphore, #tpu.memory_space<semaphore_mem>>) src(%dma_wait3A_44 : memref<640x80xf32, #tpu.memory_space<vmem_shared>>) dst(%dma_wait3A_42 : memref<640x80xf32, #tpu.memory_space<hbm>>)
      tpu.yield
    }) : () -> ()
    return
  }
}

module attributes {stable_mosaic.version = 14 : i64} {
  func.func @_tc_prep1(%arg0: memref<10000x128xf32, #tpu.memory_space<vmem>>, %arg1: memref<128x64xf32, #tpu.memory_space<vmem>>, %arg2: memref<1x64xf32, #tpu.memory_space<vmem>>, %arg3: memref<1x64xf32, #tpu.memory_space<vmem>>, %arg4: memref<10000x64xf32, #tpu.memory_space<vmem>>, %arg5: memref<10000x16xf32, #tpu.memory_space<vmem>>, %arg6: memref<10000x16xf32, #tpu.memory_space<vmem>>) attributes {dimension_semantics = [], scalar_prefetch = 0 : i64, scratch_operands = 0 : i64, tpu.core_type = #tpu.core_type<tc>} {
    %get3A = arith.constant 0 : index
    %get3A_0 = arith.constant 0 : index
    %get3A_1 = vector.load %arg0[%get3A, %get3A_0] : memref<10000x128xf32, #tpu.memory_space<vmem>>, vector<10000x128xf32>
    %get3A_2 = arith.constant 0 : index
    %get3A_3 = arith.constant 0 : index
    %get3A_4 = vector.load %arg1[%get3A_2, %get3A_3] : memref<128x64xf32, #tpu.memory_space<vmem>>, vector<128x64xf32>
    %dot_general3A = arith.constant dense<0.000000e+00> : vector<10000x64xf32>
    %dot_general3A_5 = tpu.matmul %get3A_1, %get3A_4, %dot_general3A {dimension_numbers = #tpu.dot_dimension_numbers<[1], [0], [0], [1], [0, 0, 1, 1], [], []>, transpose_lhs_hint = false} : vector<10000x128xf32>, vector<128x64xf32>, vector<10000x64xf32> -> vector<10000x64xf32>
    %iota3A = tpu.iota {dimensions = array<i32: 0>} : vector<64x8xi32>
    %jit3A = arith.constant 8 : i32
    %div3A = vector.broadcast %jit3A : i32 to vector<64x8xi32>
    %div3A_6 = arith.divsi %iota3A, %div3A : vector<64x8xi32>
    %sign3A = arith.constant 0 : i32
    %sign3A_7 = vector.broadcast %sign3A : i32 to vector<64x8xi32>
    %sign3A_8 = arith.cmpi sgt, %iota3A, %sign3A_7 : vector<64x8xi32>
    %sign3A_9 = arith.extui %sign3A_8 : vector<64x8xi1> to vector<64x8xi32>
    %sign3A_10 = arith.constant 0 : i32
    %sign3A_11 = vector.broadcast %sign3A_10 : i32 to vector<64x8xi32>
    %sign3A_12 = arith.cmpi slt, %iota3A, %sign3A_11 : vector<64x8xi32>
    %sign3A_13 = arith.extui %sign3A_12 : vector<64x8xi1> to vector<64x8xi32>
    %sign3A_14 = arith.subi %sign3A_9, %sign3A_13 : vector<64x8xi32>
    %sign3A_15 = arith.constant 0 : i32
    %sign3A_16 = arith.cmpi sgt, %jit3A, %sign3A_15 : i32
    %sign3A_17 = arith.extui %sign3A_16 : i1 to i32
    %sign3A_18 = arith.constant 0 : i32
    %sign3A_19 = arith.cmpi slt, %jit3A, %sign3A_18 : i32
    %sign3A_20 = arith.extui %sign3A_19 : i1 to i32
    %sign3A_21 = arith.subi %sign3A_17, %sign3A_20 : i32
    %ne3A = vector.broadcast %sign3A_21 : i32 to vector<64x8xi32>
    %ne3A_22 = arith.cmpi ne, %sign3A_14, %ne3A : vector<64x8xi32>
    %rem3A = vector.broadcast %jit3A : i32 to vector<64x8xi32>
    %rem3A_23 = arith.remsi %iota3A, %rem3A : vector<64x8xi32>
    %ne3A_24 = arith.constant 0 : i32
    %ne3A_25 = vector.broadcast %ne3A_24 : i32 to vector<64x8xi32>
    %ne3A_26 = arith.cmpi ne, %rem3A_23, %ne3A_25 : vector<64x8xi32>
    %and3A = arith.andi %ne3A_22, %ne3A_26 : vector<64x8xi1>
    %sub3A = arith.constant 1 : i32
    %sub3A_27 = vector.broadcast %sub3A : i32 to vector<64x8xi32>
    %sub3A_28 = arith.subi %div3A_6, %sub3A_27 : vector<64x8xi32>
    %select_n3A = arith.select %and3A, %sub3A_28, %div3A_6 : vector<64x8xi1>, vector<64x8xi32>
    %iota3A_29 = tpu.iota {dimensions = array<i32: 1>} : vector<64x8xi32>
    %eq3A = arith.cmpi eq, %select_n3A, %iota3A_29 : vector<64x8xi32>
    %convert_element_type3A = arith.extui %eq3A : vector<64x8xi1> to vector<64x8xi32>
    %convert_element_type3A_30 = arith.sitofp %convert_element_type3A : vector<64x8xi32> to vector<64x8xf32>
    %get3A_31 = arith.constant 0 : index
    %get3A_32 = arith.constant 0 : index
    %get3A_33 = vector.load %arg2[%get3A_31, %get3A_32] : memref<1x64xf32, #tpu.memory_space<vmem>>, vector<1x64xf32>
    %mul3A = vector.broadcast %get3A_33 : vector<1x64xf32> to vector<10000x64xf32>
    %mul3A_34 = arith.mulf %dot_general3A_5, %mul3A : vector<10000x64xf32>
    %dot_general3A_35 = arith.constant dense<0.000000e+00> : vector<10000x8xf32>
    %dot_general3A_36 = tpu.matmul %mul3A_34, %convert_element_type3A_30, %dot_general3A_35 {dimension_numbers = #tpu.dot_dimension_numbers<[1], [0], [0], [1], [0, 0, 1, 1], [], []>, transpose_lhs_hint = false} : vector<10000x64xf32>, vector<64x8xf32>, vector<10000x8xf32> -> vector<10000x8xf32>
    %get3A_37 = arith.constant 0 : index
    %get3A_38 = arith.constant 0 : index
    %get3A_39 = vector.load %arg3[%get3A_37, %get3A_38] : memref<1x64xf32, #tpu.memory_space<vmem>>, vector<1x64xf32>
    %mul3A_40 = vector.broadcast %get3A_39 : vector<1x64xf32> to vector<10000x64xf32>
    %mul3A_41 = arith.mulf %dot_general3A_5, %mul3A_40 : vector<10000x64xf32>
    %dot_general3A_42 = arith.constant dense<0.000000e+00> : vector<10000x8xf32>
    %dot_general3A_43 = tpu.matmul %mul3A_41, %convert_element_type3A_30, %dot_general3A_42 {dimension_numbers = #tpu.dot_dimension_numbers<[1], [0], [0], [1], [0, 0, 1, 1], [], []>, transpose_lhs_hint = false} : vector<10000x64xf32>, vector<64x8xf32>, vector<10000x8xf32> -> vector<10000x8xf32>
    %reduce_max3A = arith.constant dense<0xFF800000> : vector<8xf32>
    %reduce_max3A_44 = vector.multi_reduction <maximumf>, %dot_general3A_36, %reduce_max3A [0] : vector<10000x8xf32> to vector<8xf32>
    %broadcast_in_dim3A = vector.shape_cast %reduce_max3A_44 : vector<8xf32> to vector<1x8xf32>
    %add3A = vector.broadcast %broadcast_in_dim3A : vector<1x8xf32> to vector<10000x8xf32>
    %add3A_45 = arith.addf %add3A, %dot_general3A_43 : vector<10000x8xf32>
    %mul3A_46 = arith.constant 2.000000e-01 : f32
    %mul3A_47 = vector.broadcast %mul3A_46 : f32 to vector<10000x8xf32>
    %mul3A_48 = arith.mulf %mul3A_47, %add3A_45 : vector<10000x8xf32>
    %max3A = arith.maximumf %add3A_45, %mul3A_48 : vector<10000x8xf32>
    %swap3A = arith.constant 0 : index
    %swap3A_49 = arith.constant 0 : index
    %swap3A_50 = vector.load %arg4[%swap3A, %swap3A_49] : memref<10000x64xf32, #tpu.memory_space<vmem>>, vector<10000x64xf32>
    tpu.vector_store %arg4[%swap3A, %swap3A_49], %dot_general3A_5 {strides = array<i32>} : memref<10000x64xf32, #tpu.memory_space<vmem>>, vector<10000x64xf32>,
    %broadcast_in_dim3A_51 = arith.constant 0.000000e+00 : f32
    %broadcast_in_dim3A_52 = vector.broadcast %broadcast_in_dim3A_51 : f32 to vector<10000x8xf32>
    %concatenate3A = tpu.concatenate %dot_general3A_36, %broadcast_in_dim3A_52 in 1 : vector<10000x8xf32>, vector<10000x8xf32> -> vector<10000x16xf32>
    %swap3A_53 = arith.constant 0 : index
    %swap3A_54 = arith.constant 0 : index
    %swap3A_55 = vector.load %arg5[%swap3A_53, %swap3A_54] : memref<10000x16xf32, #tpu.memory_space<vmem>>, vector<10000x16xf32>
    tpu.vector_store %arg5[%swap3A_53, %swap3A_54], %concatenate3A {strides = array<i32>} : memref<10000x16xf32, #tpu.memory_space<vmem>>, vector<10000x16xf32>,
    %concatenate3A_56 = tpu.concatenate %dot_general3A_43, %max3A in 1 : vector<10000x8xf32>, vector<10000x8xf32> -> vector<10000x16xf32>
    %swap3A_57 = arith.constant 0 : index
    %swap3A_58 = arith.constant 0 : index
    %swap3A_59 = vector.load %arg6[%swap3A_57, %swap3A_58] : memref<10000x16xf32, #tpu.memory_space<vmem>>, vector<10000x16xf32>
    tpu.vector_store %arg6[%swap3A_57, %swap3A_58], %concatenate3A_56 {strides = array<i32>} : memref<10000x16xf32, #tpu.memory_space<vmem>>, vector<10000x16xf32>,
    return
  }
}

module attributes {stable_mosaic.version = 14 : i64} {
  func.func @_tc_mid(%arg0: memref<2x10240x80xf32, #tpu.memory_space<vmem>>, %arg1: memref<10000x64xf32, #tpu.memory_space<vmem>>, %arg2: memref<10000x16xf32, #tpu.memory_space<vmem>>, %arg3: memref<10000x16xf32, #tpu.memory_space<vmem>>, %arg4: memref<1x64xf32, #tpu.memory_space<vmem>>, %arg5: memref<64x64xf32, #tpu.memory_space<vmem>>, %arg6: memref<64x1xf32, #tpu.memory_space<vmem>>, %arg7: memref<64x1xf32, #tpu.memory_space<vmem>>, %arg8: memref<10000x80xf32, #tpu.memory_space<vmem>>, %arg9: memref<10000x16xf32, #tpu.memory_space<vmem>>) attributes {dimension_semantics = [], scalar_prefetch = 0 : i64, scratch_operands = 0 : i64, tpu.core_type = #tpu.core_type<tc>} {
    %get3A = arith.constant 0 : index
    %get3A_0 = arith.constant 0 : index
    %get3A_1 = vector.load %arg2[%get3A, %get3A_0] : memref<10000x16xf32, #tpu.memory_space<vmem>>, vector<10000x16xf32>
    %get3A_2 = arith.constant 0 : index
    %get3A_3 = arith.constant 0 : index
    %get3A_4 = vector.load %arg3[%get3A_2, %get3A_3] : memref<10000x16xf32, #tpu.memory_space<vmem>>, vector<10000x16xf32>
    %slice3A = vector.extract_strided_slice %get3A_1 {offsets = [0, 0], sizes = [10000, 8], strides = [1, 1]} : vector<10000x16xf32> to vector<10000x8xf32>
    %slice3A_5 = vector.extract_strided_slice %get3A_4 {offsets = [0, 0], sizes = [10000, 8], strides = [1, 1]} : vector<10000x16xf32> to vector<10000x8xf32>
    %slice3A_6 = vector.extract_strided_slice %get3A_4 {offsets = [0, 8], sizes = [10000, 8], strides = [1, 1]} : vector<10000x16xf32> to vector<10000x8xf32>
    %add3A = arith.addf %slice3A, %slice3A_5 : vector<10000x8xf32>
    %mul3A = arith.constant 2.000000e-01 : f32
    %mul3A_7 = vector.broadcast %mul3A : f32 to vector<10000x8xf32>
    %mul3A_8 = arith.mulf %mul3A_7, %add3A : vector<10000x8xf32>
    %max3A = arith.maximumf %add3A, %mul3A_8 : vector<10000x8xf32>
    %sub3A = arith.subf %max3A, %slice3A_6 : vector<10000x8xf32>
    %exp3A = math.exp %sub3A : vector<10000x8xf32>
    %get3A_9 = arith.constant 0 : index
    %get3A_10 = arith.constant 0 : index
    %get3A_11 = arith.constant 0 : index
    %get3A_12 = vector.load %arg0[%get3A_9, %get3A_10, %get3A_11] : memref<2x10240x80xf32, #tpu.memory_space<vmem>>, vector<1x10000x8xf32>
    %get3A_13 = vector.shape_cast %get3A_12 : vector<1x10000x8xf32> to vector<10000x8xf32>
    %get3A_14 = arith.constant 1 : index
    %get3A_15 = arith.constant 0 : index
    %get3A_16 = arith.constant 0 : index
    %get3A_17 = vector.load %arg0[%get3A_14, %get3A_15, %get3A_16] : memref<2x10240x80xf32, #tpu.memory_space<vmem>>, vector<1x10000x8xf32>
    %get3A_18 = vector.shape_cast %get3A_17 : vector<1x10000x8xf32> to vector<10000x8xf32>
    %add3A_19 = arith.addf %get3A_13, %get3A_18 : vector<10000x8xf32>
    %add3A_20 = arith.addf %add3A_19, %exp3A : vector<10000x8xf32>
    %iota3A = tpu.iota {dimensions = array<i32: 0>} : vector<8x64xi32>
    %iota3A_21 = tpu.iota {dimensions = array<i32: 1>} : vector<8x64xi32>
    %jit3A = arith.constant 8 : i32
    %div3A = vector.broadcast %jit3A : i32 to vector<8x64xi32>
    %div3A_22 = arith.divsi %iota3A_21, %div3A : vector<8x64xi32>
    %sign3A = arith.constant 0 : i32
    %sign3A_23 = vector.broadcast %sign3A : i32 to vector<8x64xi32>
    %sign3A_24 = arith.cmpi sgt, %iota3A_21, %sign3A_23 : vector<8x64xi32>
    %sign3A_25 = arith.extui %sign3A_24 : vector<8x64xi1> to vector<8x64xi32>
    %sign3A_26 = arith.constant 0 : i32
    %sign3A_27 = vector.broadcast %sign3A_26 : i32 to vector<8x64xi32>
    %sign3A_28 = arith.cmpi slt, %iota3A_21, %sign3A_27 : vector<8x64xi32>
    %sign3A_29 = arith.extui %sign3A_28 : vector<8x64xi1> to vector<8x64xi32>
    %sign3A_30 = arith.subi %sign3A_25, %sign3A_29 : vector<8x64xi32>
    %sign3A_31 = arith.constant 0 : i32
    %sign3A_32 = arith.cmpi sgt, %jit3A, %sign3A_31 : i32
    %sign3A_33 = arith.extui %sign3A_32 : i1 to i32
    %sign3A_34 = arith.constant 0 : i32
    %sign3A_35 = arith.cmpi slt, %jit3A, %sign3A_34 : i32
    %sign3A_36 = arith.extui %sign3A_35 : i1 to i32
    %sign3A_37 = arith.subi %sign3A_33, %sign3A_36 : i32
    %ne3A = vector.broadcast %sign3A_37 : i32 to vector<8x64xi32>
    %ne3A_38 = arith.cmpi ne, %sign3A_30, %ne3A : vector<8x64xi32>
    %rem3A = vector.broadcast %jit3A : i32 to vector<8x64xi32>
    %rem3A_39 = arith.remsi %iota3A_21, %rem3A : vector<8x64xi32>
    %ne3A_40 = arith.constant 0 : i32
    %ne3A_41 = vector.broadcast %ne3A_40 : i32 to vector<8x64xi32>
    %ne3A_42 = arith.cmpi ne, %rem3A_39, %ne3A_41 : vector<8x64xi32>
    %and3A = arith.andi %ne3A_38, %ne3A_42 : vector<8x64xi1>
    %sub3A_43 = arith.constant 1 : i32
    %sub3A_44 = vector.broadcast %sub3A_43 : i32 to vector<8x64xi32>
    %sub3A_45 = arith.subi %div3A_22, %sub3A_44 : vector<8x64xi32>
    %select_n3A = arith.select %and3A, %sub3A_45, %div3A_22 : vector<8x64xi1>, vector<8x64xi32>
    %eq3A = arith.cmpi eq, %iota3A, %select_n3A : vector<8x64xi32>
    %convert_element_type3A = arith.extui %eq3A : vector<8x64xi1> to vector<8x64xi32>
    %convert_element_type3A_46 = arith.sitofp %convert_element_type3A : vector<8x64xi32> to vector<8x64xf32>
    %dot_general3A = arith.constant dense<0.000000e+00> : vector<10000x64xf32>
    %dot_general3A_47 = tpu.matmul %exp3A, %convert_element_type3A_46, %dot_general3A {dimension_numbers = #tpu.dot_dimension_numbers<[1], [0], [0], [1], [0, 0, 1, 1], [], []>, transpose_lhs_hint = false} : vector<10000x8xf32>, vector<8x64xf32>, vector<10000x64xf32> -> vector<10000x64xf32>
    %dot_general3A_48 = arith.constant dense<0.000000e+00> : vector<10000x64xf32>
    %dot_general3A_49 = tpu.matmul %add3A_20, %convert_element_type3A_46, %dot_general3A_48 {dimension_numbers = #tpu.dot_dimension_numbers<[1], [0], [0], [1], [0, 0, 1, 1], [], []>, transpose_lhs_hint = false} : vector<10000x8xf32>, vector<8x64xf32>, vector<10000x64xf32> -> vector<10000x64xf32>
    %get3A_50 = arith.constant 0 : index
    %get3A_51 = arith.constant 0 : index
    %get3A_52 = vector.load %arg1[%get3A_50, %get3A_51] : memref<10000x64xf32, #tpu.memory_space<vmem>>, vector<10000x64xf32>
    %get3A_53 = arith.constant 0 : index
    %get3A_54 = arith.constant 0 : index
    %get3A_55 = arith.constant 16 : index
    %get3A_56 = vector.load %arg0[%get3A_53, %get3A_54, %get3A_55] : memref<2x10240x80xf32, #tpu.memory_space<vmem>>, vector<1x10000x64xf32>
    %get3A_57 = vector.shape_cast %get3A_56 : vector<1x10000x64xf32> to vector<10000x64xf32>
    %get3A_58 = arith.constant 1 : index
    %get3A_59 = arith.constant 0 : index
    %get3A_60 = arith.constant 16 : index
    %get3A_61 = vector.load %arg0[%get3A_58, %get3A_59, %get3A_60] : memref<2x10240x80xf32, #tpu.memory_space<vmem>>, vector<1x10000x64xf32>
    %get3A_62 = vector.shape_cast %get3A_61 : vector<1x10000x64xf32> to vector<10000x64xf32>
    %add3A_63 = arith.addf %get3A_57, %get3A_62 : vector<10000x64xf32>
    %mul3A_64 = arith.mulf %get3A_52, %dot_general3A_47 : vector<10000x64xf32>
    %add3A_65 = arith.addf %add3A_63, %mul3A_64 : vector<10000x64xf32>
    %div3A_66 = arith.divf %add3A_65, %dot_general3A_49 : vector<10000x64xf32>
    %get3A_67 = arith.constant 0 : index
    %get3A_68 = arith.constant 0 : index
    %get3A_69 = vector.load %arg4[%get3A_67, %get3A_68] : memref<1x64xf32, #tpu.memory_space<vmem>>, vector<1x64xf32>
    %add3A_70 = vector.broadcast %get3A_69 : vector<1x64xf32> to vector<10000x64xf32>
    %add3A_71 = arith.addf %div3A_66, %add3A_70 : vector<10000x64xf32>
    %gt3A = arith.constant 0.000000e+00 : f32
    %gt3A_72 = vector.broadcast %gt3A : f32 to vector<10000x64xf32>
    %gt3A_73 = arith.cmpf ogt, %add3A_71, %gt3A_72 : vector<10000x64xf32>
    %min3A = arith.constant 0.000000e+00 : f32
    %min3A_74 = vector.broadcast %min3A : f32 to vector<10000x64xf32>
    %min3A_75 = arith.minimumf %add3A_71, %min3A_74 : vector<10000x64xf32>
    %exp3A_76 = math.exp %min3A_75 : vector<10000x64xf32>
    %sub3A_77 = arith.constant 1.000000e+00 : f32
    %sub3A_78 = vector.broadcast %sub3A_77 : f32 to vector<10000x64xf32>
    %sub3A_79 = arith.subf %exp3A_76, %sub3A_78 : vector<10000x64xf32>
    %select_n3A_80 = arith.select %gt3A_73, %add3A_71, %sub3A_79 : vector<10000x64xi1>, vector<10000x64xf32>
    %get3A_81 = arith.constant 0 : index
    %get3A_82 = arith.constant 0 : index
    %get3A_83 = vector.load %arg5[%get3A_81, %get3A_82] : memref<64x64xf32, #tpu.memory_space<vmem>>, vector<64x64xf32>
    %dot_general3A_84 = arith.constant dense<0.000000e+00> : vector<10000x64xf32>
    %dot_general3A_85 = tpu.matmul %select_n3A_80, %get3A_83, %dot_general3A_84 {dimension_numbers = #tpu.dot_dimension_numbers<[1], [0], [0], [1], [0, 0, 1, 1], [], []>, transpose_lhs_hint = false} : vector<10000x64xf32>, vector<64x64xf32>, vector<10000x64xf32> -> vector<10000x64xf32>
    %get3A_86 = arith.constant 0 : index
    %get3A_87 = arith.constant 0 : index
    %get3A_88 = vector.load %arg6[%get3A_86, %get3A_87] : memref<64x1xf32, #tpu.memory_space<vmem>>, vector<64x1xf32>
    %dot_general3A_89 = arith.constant dense<0.000000e+00> : vector<10000x1xf32>
    %dot_general3A_90 = tpu.matmul %dot_general3A_85, %get3A_88, %dot_general3A_89 {dimension_numbers = #tpu.dot_dimension_numbers<[1], [0], [0], [1], [0, 0, 1, 1], [], []>, transpose_lhs_hint = false} : vector<10000x64xf32>, vector<64x1xf32>, vector<10000x1xf32> -> vector<10000x1xf32>
    %get3A_91 = arith.constant 0 : index
    %get3A_92 = arith.constant 0 : index
    %get3A_93 = vector.load %arg7[%get3A_91, %get3A_92] : memref<64x1xf32, #tpu.memory_space<vmem>>, vector<64x1xf32>
    %dot_general3A_94 = arith.constant dense<0.000000e+00> : vector<10000x1xf32>
    %dot_general3A_95 = tpu.matmul %dot_general3A_85, %get3A_93, %dot_general3A_94 {dimension_numbers = #tpu.dot_dimension_numbers<[1], [0], [0], [1], [0, 0, 1, 1], [], []>, transpose_lhs_hint = false} : vector<10000x64xf32>, vector<64x1xf32>, vector<10000x1xf32> -> vector<10000x1xf32>
    %reduce_max3A = arith.constant dense<0xFF800000> : vector<1xf32>
    %reduce_max3A_96 = vector.multi_reduction <maximumf>, %dot_general3A_90, %reduce_max3A [0] : vector<10000x1xf32> to vector<1xf32>
    %broadcast_in_dim3A = vector.shape_cast %reduce_max3A_96 : vector<1xf32> to vector<1x1xf32>
    %add3A_97 = vector.broadcast %broadcast_in_dim3A : vector<1x1xf32> to vector<10000x1xf32>
    %add3A_98 = arith.addf %add3A_97, %dot_general3A_95 : vector<10000x1xf32>
    %mul3A_99 = arith.constant 2.000000e-01 : f32
    %mul3A_100 = vector.broadcast %mul3A_99 : f32 to vector<10000x1xf32>
    %mul3A_101 = arith.mulf %mul3A_100, %add3A_98 : vector<10000x1xf32>
    %max3A_102 = arith.maximumf %add3A_98, %mul3A_101 : vector<10000x1xf32>
    %broadcast_in_dim3A_103 = arith.constant 0.000000e+00 : f32
    %broadcast_in_dim3A_104 = vector.broadcast %broadcast_in_dim3A_103 : f32 to vector<10000x15xf32>
    %concatenate3A = tpu.concatenate %dot_general3A_85, %dot_general3A_90, %broadcast_in_dim3A_104 in 1 : vector<10000x64xf32>, vector<10000x1xf32>, vector<10000x15xf32> -> vector<10000x80xf32>
    %swap3A = arith.constant 0 : index
    %swap3A_105 = arith.constant 0 : index
    %swap3A_106 = vector.load %arg8[%swap3A, %swap3A_105] : memref<10000x80xf32, #tpu.memory_space<vmem>>, vector<10000x80xf32>
    tpu.vector_store %arg8[%swap3A, %swap3A_105], %concatenate3A {strides = array<i32>} : memref<10000x80xf32, #tpu.memory_space<vmem>>, vector<10000x80xf32>,
    %slice3A_107 = vector.extract_strided_slice %broadcast_in_dim3A_104 {offsets = [0, 0], sizes = [10000, 14], strides = [1, 1]} : vector<10000x15xf32> to vector<10000x14xf32>
    %concatenate3A_108 = tpu.concatenate %dot_general3A_95, %max3A_102, %slice3A_107 in 1 : vector<10000x1xf32>, vector<10000x1xf32>, vector<10000x14xf32> -> vector<10000x16xf32>
    %swap3A_109 = arith.constant 0 : index
    %swap3A_110 = arith.constant 0 : index
    %swap3A_111 = vector.load %arg9[%swap3A_109, %swap3A_110] : memref<10000x16xf32, #tpu.memory_space<vmem>>, vector<10000x16xf32>
    tpu.vector_store %arg9[%swap3A_109, %swap3A_110], %concatenate3A_108 {strides = array<i32>} : memref<10000x16xf32, #tpu.memory_space<vmem>>, vector<10000x16xf32>,
    return
  }
}

module attributes {stable_mosaic.version = 14 : i64} {
  func.func @_tc_final(%arg0: memref<2x10240x80xf32, #tpu.memory_space<vmem>>, %arg1: memref<10000x80xf32, #tpu.memory_space<vmem>>, %arg2: memref<10000x16xf32, #tpu.memory_space<vmem>>, %arg3: memref<1x64xf32, #tpu.memory_space<vmem>>, %arg4: memref<10000x64xf32, #tpu.memory_space<vmem>>) attributes {dimension_semantics = [], scalar_prefetch = 0 : i64, scratch_operands = 0 : i64, tpu.core_type = #tpu.core_type<tc>} {
    %get3A = arith.constant 0 : index
    %get3A_0 = arith.constant 0 : index
    %get3A_1 = vector.load %arg1[%get3A, %get3A_0] : memref<10000x80xf32, #tpu.memory_space<vmem>>, vector<10000x80xf32>
    %get3A_2 = arith.constant 0 : index
    %get3A_3 = arith.constant 0 : index
    %get3A_4 = vector.load %arg2[%get3A_2, %get3A_3] : memref<10000x16xf32, #tpu.memory_space<vmem>>, vector<10000x16xf32>
    %slice3A = vector.extract_strided_slice %get3A_1 {offsets = [0, 0], sizes = [10000, 64], strides = [1, 1]} : vector<10000x80xf32> to vector<10000x64xf32>
    %slice3A_5 = vector.extract_strided_slice %get3A_1 {offsets = [0, 64], sizes = [10000, 1], strides = [1, 1]} : vector<10000x80xf32> to vector<10000x1xf32>
    %slice3A_6 = vector.extract_strided_slice %get3A_4 {offsets = [0, 0], sizes = [10000, 1], strides = [1, 1]} : vector<10000x16xf32> to vector<10000x1xf32>
    %slice3A_7 = vector.extract_strided_slice %get3A_4 {offsets = [0, 1], sizes = [10000, 1], strides = [1, 1]} : vector<10000x16xf32> to vector<10000x1xf32>
    %add3A = arith.addf %slice3A_5, %slice3A_6 : vector<10000x1xf32>
    %mul3A = arith.constant 2.000000e-01 : f32
    %mul3A_8 = vector.broadcast %mul3A : f32 to vector<10000x1xf32>
    %mul3A_9 = arith.mulf %mul3A_8, %add3A : vector<10000x1xf32>
    %max3A = arith.maximumf %add3A, %mul3A_9 : vector<10000x1xf32>
    %sub3A = arith.subf %max3A, %slice3A_7 : vector<10000x1xf32>
    %exp3A = math.exp %sub3A : vector<10000x1xf32>
    %get3A_10 = arith.constant 0 : index
    %get3A_11 = arith.constant 0 : index
    %get3A_12 = arith.constant 0 : index
    %get3A_13 = vector.load %arg0[%get3A_10, %get3A_11, %get3A_12] : memref<2x10240x80xf32, #tpu.memory_space<vmem>>, vector<1x10000x1xf32>
    %get3A_14 = vector.shape_cast %get3A_13 : vector<1x10000x1xf32> to vector<10000x1xf32>
    %get3A_15 = arith.constant 1 : index
    %get3A_16 = arith.constant 0 : index
    %get3A_17 = arith.constant 0 : index
    %get3A_18 = vector.load %arg0[%get3A_15, %get3A_16, %get3A_17] : memref<2x10240x80xf32, #tpu.memory_space<vmem>>, vector<1x10000x1xf32>
    %get3A_19 = vector.shape_cast %get3A_18 : vector<1x10000x1xf32> to vector<10000x1xf32>
    %add3A_20 = arith.addf %get3A_14, %get3A_19 : vector<10000x1xf32>
    %add3A_21 = arith.addf %add3A_20, %exp3A : vector<10000x1xf32>
    %get3A_22 = arith.constant 0 : index
    %get3A_23 = arith.constant 0 : index
    %get3A_24 = arith.constant 16 : index
    %get3A_25 = vector.load %arg0[%get3A_22, %get3A_23, %get3A_24] : memref<2x10240x80xf32, #tpu.memory_space<vmem>>, vector<1x10000x64xf32>
    %get3A_26 = vector.shape_cast %get3A_25 : vector<1x10000x64xf32> to vector<10000x64xf32>
    %get3A_27 = arith.constant 1 : index
    %get3A_28 = arith.constant 0 : index
    %get3A_29 = arith.constant 16 : index
    %get3A_30 = vector.load %arg0[%get3A_27, %get3A_28, %get3A_29] : memref<2x10240x80xf32, #tpu.memory_space<vmem>>, vector<1x10000x64xf32>
    %get3A_31 = vector.shape_cast %get3A_30 : vector<1x10000x64xf32> to vector<10000x64xf32>
    %add3A_32 = arith.addf %get3A_26, %get3A_31 : vector<10000x64xf32>
    %mul3A_33 = vector.broadcast %exp3A : vector<10000x1xf32> to vector<10000x64xf32>
    %mul3A_34 = arith.mulf %slice3A, %mul3A_33 : vector<10000x64xf32>
    %add3A_35 = arith.addf %add3A_32, %mul3A_34 : vector<10000x64xf32>
    %div3A = vector.broadcast %add3A_21 : vector<10000x1xf32> to vector<10000x64xf32>
    %div3A_36 = arith.divf %add3A_35, %div3A : vector<10000x64xf32>
    %get3A_37 = arith.constant 0 : index
    %get3A_38 = arith.constant 0 : index
    %get3A_39 = vector.load %arg3[%get3A_37, %get3A_38] : memref<1x64xf32, #tpu.memory_space<vmem>>, vector<1x64xf32>
    %add3A_40 = vector.broadcast %get3A_39 : vector<1x64xf32> to vector<10000x64xf32>
    %add3A_41 = arith.addf %div3A_36, %add3A_40 : vector<10000x64xf32>
    %reduce_max3A = arith.constant dense<0xFF800000> : vector<10000xf32>
    %reduce_max3A_42 = vector.multi_reduction <maximumf>, %add3A_41, %reduce_max3A [1] : vector<10000x64xf32> to vector<10000xf32>
    %broadcast_in_dim3A = vector.shape_cast %reduce_max3A_42 : vector<10000xf32> to vector<10000x1xf32>
    %sub3A_43 = vector.broadcast %broadcast_in_dim3A : vector<10000x1xf32> to vector<10000x64xf32>
    %sub3A_44 = arith.subf %add3A_41, %sub3A_43 : vector<10000x64xf32>
    %exp3A_45 = math.exp %sub3A_44 : vector<10000x64xf32>
    %reduce_sum3A = arith.constant dense<0.000000e+00> : vector<10000xf32>
    %reduce_sum3A_46 = vector.multi_reduction <add>, %exp3A_45, %reduce_sum3A [1] : vector<10000x64xf32> to vector<10000xf32>
    %broadcast_in_dim3A_47 = vector.shape_cast %reduce_sum3A_46 : vector<10000xf32> to vector<10000x1xf32>
    %log3A = math.log %broadcast_in_dim3A_47 : vector<10000x1xf32>
    %sub3A_48 = vector.broadcast %log3A : vector<10000x1xf32> to vector<10000x64xf32>
    %sub3A_49 = arith.subf %sub3A_44, %sub3A_48 : vector<10000x64xf32>
    %swap3A = arith.constant 0 : index
    %swap3A_50 = arith.constant 0 : index
    %swap3A_51 = vector.load %arg4[%swap3A, %swap3A_50] : memref<10000x64xf32, #tpu.memory_space<vmem>>, vector<10000x64xf32>
    tpu.vector_store %arg4[%swap3A, %swap3A_50], %sub3A_49 {strides = array<i32>} : memref<10000x64xf32, #tpu.memory_space<vmem>>, vector<10000x64xf32>,
    return
  }
}

</mosaic_0001>

<sc_bundles>
// kernel: kernel.10.cloned.1.call-start
scs
__scs_entry_jumppad:
0x0: {  	(pc) =	sbr.rel $0x88, $3  }
0x1: {  	(tag) =	ssettag $0x0;
	lr =	simm.s32 $0x1  }
0x2: {  	[smem:$0x3F97] =	sst lr;
	_ =	strace $0xD0000000  }
0x3: {  	_ = 	snop  }
0x4: {  	_ = 	snop  }
0x5: {  	_ = 	snop  }
0x6: {  	_ = 	snop  }
0x7: {  	_ = 	snop  }
__scs_overlays_trampoline_lowered:
0x8: {  	[smem:$0x3FA6] =	sst s0  }
0x9: {  	[smem:$0x3FA7] =	sst s1  }
0xa: {  	[smem:$0x3FA8] =	sst s2  }
0xb: {  	[smem:$0x3FA9] =	sst s3  }
0xc: {  	[smem:$0x3FAA] =	sst s4  }
0xd: {  	[smem:$0x3FAB] =	sst s5  }
0xe: {  	[smem:$0x3FAC] =	sst s6  }
0xf: {  	[smem:$0x3FAD] =	sst s7  }
0x10: {  	[smem:$0x3FAE] =	sst s8  }
0x11: {  	[smem:$0x3FAF] =	sst s9;
	s0 =	simm.s32 @!p0 $0x0  }
0x12: {  	s1 =	sld [smem:$0x3F95];
	s0 =	simm.s32 @p0 $0x1  }
0x13: {  	[smem:$0x3FB0] =	sst s0;
	s0 =	simm.s32 @!p1 $0x0  }
0x14: {  	s2 =	sld [smem:$0x3F94];
	s0 =	simm.s32 @p1 $0x1  }
0x15: {  	[smem:$0x3FB1] =	sst s0;
	s0 =	simm.s32 @!p2 $0x0  }
0x16: {  	s3 =	sld [smem:$0x3FDB];
	s0 =	simm.s32 @p2 $0x1  }
0x17: {  	s4 =	simm.s32 $0x1BF5;
	[smem:$0x3FB3] =	sst s0  }
0x18: {  	s0 =	sld [smem:$0x3F96];
	_ =	swait.ge [sflag:s4], $0x0  }
0x19: {  	s7 =	sld [smem:$0x3F97]  }
0x1a: {  	s8 =	sadd.s32 $0xFFFFE003, lr  }
0x1b: {  	s9 =	sadd.s32 $0xFFFFFEF7, lr;
	s5 =	simm.s32 $0xFFFFFFFF;
	p2 =	slt.u32 s8, $0xFFFFF086  }
0x1c: {  	p1 =	slt.u32 s9, $0xF7A;
	s5 =	simm.s32 @!p2 $0x0  }
0x1d: {  	s5 =	simm.s32 @p1 $0x1;
	p0 =	seq.s32 s7, s2  }
0x1e: {  	s7 =	smul.u32 @!p0 $0xF7A, s2;
	p2 =	seq.s32 @!p0 s5, $0x0  }
0x1f: {  	s9 =	smul.u32 $0xF7A, s1;
	s8 =	simm.s32 @!p0 $0x1BF5;
	p2 =	por !p2, p0  }
0x20: {  	[sflag:s8] =	ssyncset.s32 @!p0 $0xFFFFF086;
	s6 =	sadd.s32 @!p0 s3, s7;
	s7 =	simm.s32 @!p0 $0x108  }
0x21: {  	s3 =	sadd.s32 s3, s9;
	s6 =	sadd.s32 @!p0 $0x88, s6;
	s7 =	simm.s32 @p2 $0x1082  }
0x22: {  	[simem:s7], [sflag:s8] =	dma.local @!p0 [hbm:s6], $0xF7A  }
0x23: {  	s9 =	sor.u32 $0xD0000000, s2;
	s6 =	simm.s32 $0x108;
	_ =	swait.ge @!p0 [sflag:s8], $0x0  }
0x24: {  	s3 =	sadd.s32 $0x88, s3;
	s6 =	simm.s32 @!p1 $0x1082;
	[sflag:s4] =	ssyncset.s32 $0xFFFFF086  }
0x25: {  	[simem:s6], [sflag:s4] =	dma.local [hbm:s3], $0xF7A  }
0x26: {  	[smem:$0x3F97] =	sst s1;
	(tag) =	ssettag s2;
	_ =	strace s9  }
0x27: {  	s1 =	sld [smem:$0x3FA7]  }
0x28: {  	s2 =	sld [smem:$0x3FA8]  }
0x29: {  	s4 =	sld [smem:$0x3FAA]  }
0x2a: {  	p0 =	seq.s32 s5, $0x0;
	s5 =	sld [smem:$0x3FAB]  }
0x2b: {  	s6 =	sld [smem:$0x3FAC]  }
0x2c: {  	s7 =	sld [smem:$0x3FAD]  }
0x2d: {  	s3 =	simm.s32 $0x108;
	s8 =	sld [smem:$0x3FAE]  }
0x2e: {  	s3 =	simm.s32 @!p0 $0x1082;
	s9 =	sld [smem:$0x3FAF]  }
0x2f: {  	lr =	sadd.s32 s0, s3;
	s0 =	sld [smem:$0x3FA6]  }
0x30: {  	s3 =	sld [smem:$0x3FA9]  }
0x31: {  	[smem:$0x3FB2] =	sst s10  }
0x32: {  	s10 =	sld [smem:$0x3FB0];
	_ =	sdelay $0x3  }
0x33: {  	p0 =	seq.s32 s10, $0x1;
	s10 =	sld [smem:$0x3FB2];
	_ =	sdelay $0x3  }
0x34: {  	[smem:$0x3FB2] =	sst s10  }
0x35: {  	s10 =	sld [smem:$0x3FB1];
	_ =	sdelay $0x3  }
0x36: {  	p1 =	seq.s32 s10, $0x1;
	s10 =	sld [smem:$0x3FB2];
	_ =	sdelay $0x3  }
0x37: {  	[smem:$0x3FB2] =	sst s10  }
0x38: {  	s10 =	sld [smem:$0x3FB3]  }
0x39: {  	_ = 	snop;
	(pc) =	sbr.ind lr, $3  }
0x3a: {  	_ = 	snop  }
0x3b: {  	_ = 	snop  }
0x3c: {  	p2 =	seq.s32 s10, $0x1;
	s10 =	sld [smem:$0x3FB2]  }
0x3d: {  	_ =	shalt  }
0x3e: {  	_ =	shalt  }
0x3f: {  	_ =	shalt  }
0x40: {  	_ =	shalt  }
0x41: {  	_ =	shalt  }
0x42: {  	_ =	shalt  }
0x43: {  	_ =	shalt  }
0x44: {  	_ =	shalt  }
0x45: {  	_ =	shalt  }
0x46: {  	_ =	shalt  }
0x47: {  	_ =	shalt  }
0x48: {  	_ =	shalt  }
0x49: {  	_ =	shalt  }
0x4a: {  	_ =	shalt  }
0x4b: {  	_ =	shalt  }
0x4c: {  	_ =	shalt  }
0x4d: {  	_ =	shalt  }
0x4e: {  	_ =	shalt  }
0x4f: {  	_ =	shalt  }
0x50: {  	_ =	shalt  }
0x51: {  	_ =	shalt  }
0x52: {  	_ =	shalt  }
0x53: {  	_ =	shalt  }
0x54: {  	_ =	shalt  }
0x55: {  	_ =	shalt  }
0x56: {  	_ =	shalt  }
0x57: {  	_ =	shalt  }
0x58: {  	_ =	shalt  }
0x59: {  	_ =	shalt  }
0x5a: {  	_ =	shalt  }
0x5b: {  	_ =	shalt  }
0x5c: {  	_ =	shalt  }
0x5d: {  	_ =	shalt  }
0x5e: {  	_ =	shalt  }
0x5f: {  	_ =	shalt  }
0x60: {  	_ =	shalt  }
0x61: {  	_ =	shalt  }
0x62: {  	_ =	shalt  }
0x63: {  	_ =	shalt  }
0x64: {  	_ =	shalt  }
0x65: {  	_ =	shalt  }
0x66: {  	_ =	shalt  }
0x67: {  	_ =	shalt  }
0x68: {  	_ =	shalt  }
0x69: {  	_ =	shalt  }
0x6a: {  	_ =	shalt  }
0x6b: {  	_ =	shalt  }
0x6c: {  	_ =	shalt  }
0x6d: {  	_ =	shalt  }
0x6e: {  	_ =	shalt  }
0x6f: {  	_ =	shalt  }
0x70: {  	_ =	shalt  }
0x71: {  	_ =	shalt  }
0x72: {  	_ =	shalt  }
0x73: {  	_ =	shalt  }
0x74: {  	_ =	shalt  }
0x75: {  	_ =	shalt  }
0x76: {  	_ =	shalt  }
0x77: {  	_ =	shalt  }
0x78: {  	_ =	shalt  }
0x79: {  	_ =	shalt  }
0x7a: {  	_ =	shalt  }
0x7b: {  	_ =	shalt  }
0x7c: {  	_ =	shalt  }
0x7d: {  	_ =	shalt  }
0x7e: {  	_ =	shalt  }
0x7f: {  	_ =	shalt  }
0x80: {  	_ =	shalt  }
0x81: {  	_ =	shalt  }
0x82: {  	_ =	shalt  }
0x83: {  	_ =	shalt  }
0x84: {  	_ =	shalt  }
0x85: {  	_ =	shalt  }
0x86: {  	_ =	shalt  }
0x87: {  	_ =	shalt  }
.Lfunc_end0:
.L_simem_size_0:
called_computation.1_lowered:
.L_overlay_start_0:
0x88: {  	s2 =	sld [smem:$0x3FD9]  }
0x89: {  	s3 =	sld [smem:$0x3FFE];
	_ =	sdelay $0x1  }
0x8a: {  	s1 =	srdreg.scid  }
0x8b: {  	s0 =	sand.u32 $0x1, s1  }
0x8c: {  	s17 =	sshll.u32 s0, $0xA;
	s2 =	sadd.s32 s3, s2  }
0x8d: {  	s2 =	sadd.s32 s2, s17  }
0x8e: {  	[smem:$0x3FBE] =	sst s2  }
0x8f: {  	_ = 	snop  }
0x90: {  	s2 =	sld [smem:$0x3FD0];
	(tm) =	ssettm $0x1  }
0x91: {  	s18 =	sld [smem:$0x3FFB];
	_ =	sdelay $0x3  }
0x92: {  	_ =	strace s18  }
0x93: {  	s3 =	sld [smem:$0x3FFC];
	_ =	sdelay $0x3  }
0x94: {  	_ =	strace s3  }
0x95: {  	s3 =	sld [smem:$0x3FFD];
	_ =	sdelay $0x3  }
0x96: {  	_ =	strace s3  }
0x97: {  	_ =	strace $0x8FFFFFFF  }
0x98: {  	s19 =	sld [smem:$0x3FDB];
	_ =	sdelay $0x1  }
0x99: {  	s4 =	simm.s32 $_scs_section_size  }
0x9a: {  	s5 =	simm.s32 $_size__tile_overlayer_lowered;
	s6 =	simm.s32 $_tile_overlayer_lowered  }
0x9b: {  	s22 =	simm.s32 $0x1BFF;
	s21 =	sshll.u32 s6, $0x1;
	s3 =	sadd.s32 s4, s19  }
0x9c: {  	s7 =	simm.s32 $0x0;
	s20 =	sshll.u32 s5, $0x1;
	s5 =	sadd.s32 s21, s3  }
0x9d: {  	[timem:s7], [sflag:s22] =	dma.local [hbm:s5], s20  }
0x9e: {  	_ =	swait.ge [sflag:s22], s20  }
0x9f: {  	s4 =	ssub.s32 $0x0, s20;
	[sflag:s22] =	ssyncset.done $0x0  }
0xa0: {  	[sflag:s22] =	ssyncadd.s32 s4;
	_ =	sdelay $0x1  }
0xa1: {  	s23 =	simm.s32 $0x1B8B  }
0xa2: {  	_ =	swait.ge [sflag:s23], $0x1  }
0xa3: {  	[sflag:s23] =	ssyncset.done $0x0  }
0xa4: {  	s25 =	simm.s32 $0x1B8E;
	s24 =	sld [smem:$0x3FFE];
	[sflag:s23] =	ssyncadd.s32 $0xFFFFFFFF  }
0xa5: {  	s26 =	simm.s32 $execute0_lowered;
	[smem:$0x3FD2] =	sst s25  }
0xa6: {  	s5 =	sshll.u32 s26, $0x1;
	_ =	strace $0x80000049;
	[dreg:$0x1] =	wrdreg $0xFFFFFFFF  }
0xa7: {  	s28 =	simm.s32 $_size_execute0_lowered;
	s3 =	sadd.s32 s3, s5;
	[dreg:$0x0] =	wrdreg $0x0  }
0xa8: {  	s5 =	sshll.u32 s28, $0x1;
	[dreg:$0x2] =	wrdreg s3  }
0xa9: {  	[dreg:$0x3] =	wrdreg s5  }
0xaa: {  	[dreg:$0x4] =	wrdreg $0xC0  }
0xab: {  	_ =	task [dreg:s7], $0x5FFFF  }
0xac: {  	[dreg:$0x1] =	wrdreg $0xFFFFFFFF  }
0xad: {  	[dreg:$0x0] =	wrdreg $0x60  }
0xae: {  	[dreg:$0x2] =	wrdreg s2  }
0xaf: {  	[dreg:$0x3] =	wrdreg s24  }
0xb0: {  	[dreg:$0x4] =	wrdreg $0xB2000  }
0xb1: {  	[dreg:$0x5] =	wrdreg $0x9  }
0xb2: {  	_ =	task.clear_ibuf [dreg:s7], $0x6FFFF;
	_ =	strace $0x90000049  }
0xb3: {  	s29 =	simm.s32 $0x9;
	_ =	strace $0x8000004B  }
0xb4: {  	_ =	swait.ge [sflag:s29], $0x1  }
0xb5: {  	[sflag:s29] =	ssyncadd.s32 $0xFFFFFFFF  }
0xb6: {  	_ =	strace $0x9000004B  }
0xb7: {  	_ =	sfence  }
0xb8: {  	s30 =	sld [smem:$0x0];
	_ =	sdelay $0x2  }
0xb9: {  	s31 =	sshll.u32 s1, $0xD;
	s1 =	sshrl.u32 s1, $0x2  }
0xba: {  	s3 =	sand.u32 $0x4000, s31;
	s1 =	sadd.s32 s1, s30  }
0xbb: {  	s0 =	sor.u32 s3, s0;
	s1 =	sshll.u32 s1, $0x11  }
0xbc: {  	s0 =	sor.u32 s1, s0  }
0xbd: {  	s0 =	sadd.s32 $0x8F2B, s0  }
0xbe: {  	[sflag:s0] =	ssyncadd.remote.s32 $0x1  }
0xbf: {  	_ =	sfence.sel $0xFFFF  }
0xc0: {  	[dreg:$0x0] =	wrdreg $0xFFFFFFFF;
	(pc) =	sbr.abs _section_cstart, $3  }
0xc1: {  	[dreg:$0x1] =	wrdreg $0xFFFFFFFF  }
0xc2: {  	_ =	task.clear_ibuf [dreg:s7], $0x2FFFF;
	_ =	strace $0x9FFFFFFF  }
0xc3: {  	(tm) =	ssettm $0x7FFFFFFF  }
tec
execute0_lowered:
.L_overlay_start_1:
0x0: {  	(tag) =	ssettag $0x1  }
0x1: {  	s1 =	rddreg [dreg:$0x0]  }
0x2: {  	s0 =	rddreg [dreg:$0x1];
	s2 =	srdreg.scid  }
0x3: {  	s10 =	stileid.u32;
	s3 =	rddreg [dreg:$0x2];
	s11 =	simm.s32 $0x0  }
0x4: {  	s28 =	simm.s32 $0x4;
	s29 =	simm.s32 $0x2;
	s30 =	simm.s32 $0x180  }
0x5: {  	s31 =	simm.s32 $0x8A00;
	s2 =	sand.u32 $0x1, s2;
	s4 =	smul.u32 $0xC800, s10  }
0x6: {  	[smem:$0x7FF] =	sst s11;
	s5 =	sadd.s32 $0x6E00, s0;
	s9 =	smul.u32 $0x32000, s10  }
0x7: {  	s20 =	sshll.u32 s10, $0x1;
	s12 =	sadd.s32 $0x9C40, s1;
	s6 =	smul.u32 $0xC8000, s2  }
0x8: {  	_ =	strace $0x8000004A;
	s8 =	ssub.s32 $0x2, s2;
	s2 =	sor.u32 s2, s20  }
0x9: {  	s15 =	ssub.s32 $0x9C4, s20;
	s20 =	simm.s32 $0x6200;
	s19 =	sshrl.u32 s8, $0x1  }
0xa: {  	s9 =	sshrl.u32 s9, $0x2;
	s10 =	sadd.s32 s4, s3;
	s24 =	sshll.u32 s2, $0x4  }
0xb: {  	s16 =	sor.u32 $0x40, s2;
	s6 =	sadd.s32 s4, s6;
	s21 =	sadd.s32 s9, s3  }
0xc: {  	s25 =	sadd.s32 s1, s24;
	[dreg:$0x5] =	wrdreg s10;
	s7 =	sshrl.u32 s6, $0x3  }
0xd: {  	s6 =	sadd.s32 $0x1E00, s0;
	s9 =	sadd.s32 $0x2800, s21;
	[dreg:$0xa] =	wrdreg s25  }
0xe: {  	s22 =	sadd.s32 $0x5000, s21;
	s23 =	sadd.s32 $0x7800, s21;
	[dreg:$0x6] =	wrdreg s9  }
0xf: {  	s4 =	sadd.s32 $0xA000, s21;
	s21 =	simm.s32 $0x3;
	[dreg:$0x7] =	wrdreg s22  }
.Ltmp0:
0x10: {  	s0 =	sadd.s32 s7, s0;
	[dreg:$0x8] =	wrdreg s23;
	(pc) =	sbr.rel .LBB2_1-.Ltmp0, $4  }
0x11: {  	s7 =	ssub.s32 s8, s19;
	[dreg:$0x9] =	wrdreg s4;
	s4 =	sadd.s32 s24, s12  }
0x12: {  	s19 =	sor.u32 $0x20, s2;
	[dreg:$0xb] =	wrdreg s4;
	s0 =	sadd.s32 $0x1F600, s0  }
0x13: {  	v0 =	vimm.f32 $0.0e+00;
	s22 =	simm.s32 $0x100;
	s26 =	smax.u32 s7, $0x1;
	[dreg:$0xc] =	wrdreg s0  }
0x14: {  	v1 =	vimm.s32 $0x0;
	v2 =	vimm.s32 $0x1;
	vm0 =	vmmov $0x1;
	s23 =	simm.s32 $0x80;
	[dreg:$0xd] =	wrdreg s26;
	s26 =	simm.s32 $0x1  }
.LBB2_13:
0x15: {  	s0 =	stileid.u32;
	[bflag:$0x0] =	sbarrier.arrive $0xFFFF  }
0x16: {  	s0 =	sshll.u32 s0, $0x6;
	s10 =	rddreg [dreg:$0x5]  }
0x17: {  	s4 =	rddreg [dreg:$0xc];
	s0 =	sor.u32 $0x1C03, s0;
	s2 =	sshrl.u32 s10, $0x3  }
0x18: {  	[hbm:s4], [sflag:s0] =	dma.local [spmem:s2], $0x1900  }
0x19: {  	_ =	swait.ge [sflag:s21], $0x1900  }
0x1a: {  	s11 =	rddreg [dreg:$0x4]  }
0x1b: {  	s25 =	rddreg [dreg:$0xd];
	s11 =	sadd.s32 $0x1, s11  }
0x1c: {  	p0 =	sne.s32 s11, s25  }
.Ltmp1:
0x1d: {  	_ = 	snop;
	(pc) =	sbr.rel @!p0 .LBB2_14-.Ltmp1, $3  }
0x1e: {  	_ =	sdelay $0x1  }
0x1f: {  	[sflag:s21] =	ssyncset.done $0x0  }
0x20: {  	[sflag:s21] =	ssyncadd.s32 $0xFFFFE700  }
.LBB2_1:
0x21: {  	[dreg:$0x4] =	wrdreg s11;
	s0 =	simm.s32 $0x6340  }
0x22: {  	[tilespmem:s0+$0xFFFFFEC0] =	vst v0  }
0x23: {  	[tilespmem:s0+$0x130] =	vst v0  }
0x24: {  	[tilespmem:s0+$0x120] =	vst v0  }
0x25: {  	[tilespmem:s0+$0x110] =	vst v0  }
0x26: {  	[tilespmem:s0+$0x100] =	vst v0  }
0x27: {  	[tilespmem:s0+$0xF0] =	vst v0  }
0x28: {  	[tilespmem:s0+$0xE0] =	vst v0  }
0x29: {  	[tilespmem:s0+$0xD0] =	vst v0  }
0x2a: {  	[tilespmem:s0+$0xC0] =	vst v0  }
0x2b: {  	[tilespmem:s0+$0xB0] =	vst v0  }
0x2c: {  	[tilespmem:s0+$0xA0] =	vst v0  }
0x2d: {  	[tilespmem:s0+$0x90] =	vst v0  }
0x2e: {  	[tilespmem:s0+$0x80] =	vst v0  }
0x2f: {  	[tilespmem:s0+$0x70] =	vst v0  }
0x30: {  	[tilespmem:s0+$0x60] =	vst v0  }
0x31: {  	[tilespmem:s0+$0x50] =	vst v0  }
0x32: {  	[tilespmem:s0+$0x40] =	vst v0  }
0x33: {  	[tilespmem:s0+$0x30] =	vst v0  }
0x34: {  	[tilespmem:s0+$0x20] =	vst v0  }
0x35: {  	[tilespmem:s0+$0x10] =	vst v0  }
0x36: {  	[tilespmem:s0+$0x0] =	vst v0  }
0x37: {  	[tilespmem:s0+$0xFFFFFFF0] =	vst v0  }
0x38: {  	[tilespmem:s0+$0xFFFFFFE0] =	vst v0  }
0x39: {  	[tilespmem:s0+$0xFFFFFFD0] =	vst v0  }
0x3a: {  	[tilespmem:s0+$0xFFFFFFC0] =	vst v0  }
0x3b: {  	[tilespmem:s0+$0xFFFFFFB0] =	vst v0  }
0x3c: {  	[tilespmem:s0+$0xFFFFFFA0] =	vst v0  }
0x3d: {  	[tilespmem:s0+$0xFFFFFF90] =	vst v0  }
0x3e: {  	[tilespmem:s0+$0xFFFFFF80] =	vst v0  }
0x3f: {  	[tilespmem:s0+$0xFFFFFF70] =	vst v0  }
0x40: {  	[tilespmem:s0+$0xFFFFFF60] =	vst v0  }
0x41: {  	[tilespmem:s0+$0xFFFFFF50] =	vst v0  }
0x42: {  	[tilespmem:s0+$0xFFFFFF40] =	vst v0  }
0x43: {  	[tilespmem:s0+$0xFFFFFF30] =	vst v0  }
0x44: {  	[tilespmem:s0+$0xFFFFFF20] =	vst v0  }
0x45: {  	[tilespmem:s0+$0xFFFFFF10] =	vst v0  }
0x46: {  	[tilespmem:s0+$0xFFFFFF00] =	vst v0  }
0x47: {  	[tilespmem:s0+$0xFFFFFEF0] =	vst v0  }
0x48: {  	s2 =	simm.s32 $0x0;
	[tilespmem:s0+$0xFFFFFEE0] =	vst v0  }
.LBB2_2:
0x49: {  	s2 =	sadd.s32 $0x8, s2;
	[tilespmem:s0+$0xFFFFFED0] =	vst v0;
	s0 =	sadd.s32 $0x280, s0  }
0x4a: {  	[tilespmem:s0+$0xFFFFFEC0] =	vst v0;
	p0 =	slt.u32 s2, $0x78  }
0x4b: {  	[tilespmem:s0+$0x130] =	vst v0  }
0x4c: {  	[tilespmem:s0+$0x120] =	vst v0  }
0x4d: {  	[tilespmem:s0+$0x110] =	vst v0  }
0x4e: {  	[tilespmem:s0+$0x100] =	vst v0  }
0x4f: {  	[tilespmem:s0+$0xF0] =	vst v0  }
0x50: {  	[tilespmem:s0+$0xE0] =	vst v0  }
0x51: {  	[tilespmem:s0+$0xD0] =	vst v0  }
0x52: {  	[tilespmem:s0+$0xC0] =	vst v0  }
0x53: {  	[tilespmem:s0+$0xB0] =	vst v0  }
0x54: {  	[tilespmem:s0+$0xA0] =	vst v0  }
0x55: {  	[tilespmem:s0+$0x90] =	vst v0  }
0x56: {  	[tilespmem:s0+$0x80] =	vst v0  }
0x57: {  	[tilespmem:s0+$0x70] =	vst v0  }
0x58: {  	[tilespmem:s0+$0x60] =	vst v0  }
0x59: {  	[tilespmem:s0+$0x50] =	vst v0  }
0x5a: {  	[tilespmem:s0+$0x40] =	vst v0  }
0x5b: {  	[tilespmem:s0+$0x30] =	vst v0  }
0x5c: {  	[tilespmem:s0+$0x20] =	vst v0  }
0x5d: {  	[tilespmem:s0+$0x10] =	vst v0  }
0x5e: {  	[tilespmem:s0+$0x0] =	vst v0  }
0x5f: {  	[tilespmem:s0+$0xFFFFFFF0] =	vst v0  }
0x60: {  	[tilespmem:s0+$0xFFFFFFE0] =	vst v0  }
0x61: {  	[tilespmem:s0+$0xFFFFFFD0] =	vst v0  }
0x62: {  	[tilespmem:s0+$0xFFFFFFC0] =	vst v0  }
0x63: {  	[tilespmem:s0+$0xFFFFFFB0] =	vst v0  }
0x64: {  	[tilespmem:s0+$0xFFFFFFA0] =	vst v0  }
0x65: {  	[tilespmem:s0+$0xFFFFFF90] =	vst v0  }
0x66: {  	[tilespmem:s0+$0xFFFFFF80] =	vst v0  }
0x67: {  	[tilespmem:s0+$0xFFFFFF70] =	vst v0  }
0x68: {  	[tilespmem:s0+$0xFFFFFF60] =	vst v0  }
0x69: {  	[tilespmem:s0+$0xFFFFFF50] =	vst v0  }
0x6a: {  	[tilespmem:s0+$0xFFFFFF40] =	vst v0  }
0x6b: {  	[tilespmem:s0+$0xFFFFFF30] =	vst v0  }
.Ltmp2:
0x6c: {  	[tilespmem:s0+$0xFFFFFF20] =	vst v0;
	(pc) =	sbr.rel @p0 .LBB2_2-.Ltmp2, $4  }
0x6d: {  	[tilespmem:s0+$0xFFFFFF10] =	vst v0  }
0x6e: {  	[tilespmem:s0+$0xFFFFFF00] =	vst v0  }
0x6f: {  	[tilespmem:s0+$0xFFFFFEF0] =	vst v0  }
0x70: {  	[tilespmem:s0+$0xFFFFFEE0] =	vst v0  }
0x71: {  	[tilespmem:s0+$0xFFFFFED0] =	vst v0  }
0x72: {  	[spmem:s10] =	stream.linear.scatter [tilespmem:s20], [sflag:$0x3], $0x2800, $0x38;
	[tilespmem:$0x17A00] =	vst v63  }
0x73: {  	_ =	swait.ge [sflag:s21], $0x2800  }
0x74: {  	[sflag:s21] =	ssyncset.done $0x0  }
0x75: {  	s10 =	rddreg [dreg:$0x6];
	[sflag:s21] =	ssyncadd.s32 $0xFFFFD800  }
0x76: {  	[spmem:s10] =	stream.linear.scatter [tilespmem:s20], [sflag:$0x3], $0x2800, $0x38;
	[tilespmem:$0x17A00] =	vst v63  }
0x77: {  	_ =	swait.ge [sflag:s21], $0x2800  }
0x78: {  	[sflag:s21] =	ssyncset.done $0x0  }
0x79: {  	s11 =	rddreg [dreg:$0x7];
	[sflag:s21] =	ssyncadd.s32 $0xFFFFD800  }
0x7a: {  	[spmem:s11] =	stream.linear.scatter [tilespmem:s20], [sflag:$0x3], $0x2800, $0x38;
	[tilespmem:$0x17A00] =	vst v63  }
0x7b: {  	_ =	swait.ge [sflag:s21], $0x2800  }
0x7c: {  	[sflag:s21] =	ssyncset.done $0x0  }
0x7d: {  	s13 =	rddreg [dreg:$0x8];
	[sflag:s21] =	ssyncadd.s32 $0xFFFFD800  }
0x7e: {  	[spmem:s13] =	stream.linear.scatter [tilespmem:s20], [sflag:$0x3], $0x2800, $0x38;
	[tilespmem:$0x17A00] =	vst v63  }
0x7f: {  	_ =	swait.ge [sflag:s21], $0x2800  }
0x80: {  	[sflag:s21] =	ssyncset.done $0x0  }
0x81: {  	s14 =	rddreg [dreg:$0x9];
	[sflag:s21] =	ssyncadd.s32 $0xFFFFD800  }
0x82: {  	[spmem:s14] =	stream.linear.scatter [tilespmem:s20], [sflag:$0x3], $0x2800, $0x38;
	[tilespmem:$0x17A00] =	vst v63  }
0x83: {  	_ =	swait.ge [sflag:s21], $0x2800  }
0x84: {  	[sflag:s21] =	ssyncset.done $0x0  }
0x85: {  	[sflag:s21] =	ssyncadd.s32 $0xFFFFD800  }
0x86: {  	[bflag:$0x0] =	sbarrier.arrive $0xFFFF  }
0x87: {  	s2 =	simm.s32 $0x0;
	s17 =	rddreg [dreg:$0xa]  }
0x88: {  	[tilespmem:s2], [sflag:$0x3] =	stream.linear.gather [hbm4b:s17+s2], $0x80, $0x38;
	[tilespmem:$0x17A00] =	vst v63  }
0x89: {  	_ =	swait.ge [sflag:s21], $0x80  }
0x8a: {  	[sflag:s21] =	ssyncset.done $0x0  }
0x8b: {  	s18 =	rddreg [dreg:$0xb];
	[sflag:s21] =	ssyncadd.s32 $0xFFFFFF80  }
0x8c: {  	[tilespmem:s22], [sflag:$0x3] =	stream.linear.gather [hbm4b:s18+s2], $0x80, $0x38;
	[tilespmem:$0x17A00] =	vst v63  }
0x8d: {  	_ =	swait.ge [sflag:s21], $0x80  }
.Ltmp3:
0x8e: {  	[sflag:s21] =	ssyncset.done $0x0;
	(pc) =	sbr.rel .LBB2_4-.Ltmp3, $4  }
0x8f: {  	s24 =	simm.s32 $0x200;
	[sflag:s21] =	ssyncadd.s32 $0xFFFFFF80  }
0x90: {  	[tilespmem:s24], [sflag:$0x1] =	stream.indirect.gather [hbm4b:s5+s23], $0x50, s2, s23, $0xb8;
	[tilespmem:$0x17A00] =	vst v63  }
0x91: {  	s25 =	simm.s32 $0x5200  }
0x92: {  	[tilespmem:s25], [sflag:$0x1] =	stream.indirect.gather [hbm4b:s6+s23], $0x10, s22, s23, $0xb8;
	[tilespmem:$0x17A00] =	vst v63  }
.LBB2_12:
0x93: {  	s2 =	sadd.s32 $0x1, s2  }
0x94: {  	p0 =	sne.s32 s2, $0x28  }
.Ltmp4:
0x95: {  	_ = 	snop;
	(pc) =	sbr.rel @!p0 .LBB2_13-.Ltmp4, $1  }
0x96: {  	_ =	sdelay $0x3  }
.LBB2_4:
0x97: {  	s24 =	sshll.u32 s2, $0x6  }
0x98: {  	s0 =	sor.u32 s19, s24  }
0x99: {  	p0 =	sgt.u32 s0, $0x9C3  }
0x9a: {  	s0 =	sshll.u32 @!p0 s0, $0x4  }
0x9b: {  	s7 =	simm.s32 @!p0 $0x0;
	s8 =	simm.s32 @!p0 $0x80;
	s4 =	sadd.s32 @!p0 s1, s0  }
0x9c: {  	[tilespmem:s8], [sflag:$0x4] =	stream.linear.gather @!p0 [hbm4b:s4+s7], $0x80, $0x38;
	[tilespmem:$0x17A00] =	vst v63  }
0x9d: {  	s4 =	simm.s32 @!p0 $0x4  }
0x9e: {  	_ =	swait.ge @!p0 [sflag:s4], $0x80  }
0x9f: {  	[sflag:s4] =	ssyncset.done @!p0 $0x0  }
0xa0: {  	s9 =	simm.s32 @!p0 $0x180;
	s0 =	sadd.s32 @!p0 s0, s12;
	[sflag:s4] =	ssyncadd.s32 @!p0 $0xFFFFFF80  }
0xa1: {  	[tilespmem:s9], [sflag:$0x4] =	stream.linear.gather @!p0 [hbm4b:s0+s7], $0x80, $0x38;
	[tilespmem:$0x17A00] =	vst v63  }
0xa2: {  	p1 =	sge.u32 s24, s15;
	_ =	swait.ge @!p0 [sflag:s4], $0x80  }
.Ltmp5:
0xa3: {  	[sflag:s4] =	ssyncset.done @!p0 $0x0;
	(pc) =	sbr.rel @p1 .LBB2_8-.Ltmp5, $4  }
0xa4: {  	s0 =	simm.s32 @!p0 $0x2A00;
	[sflag:s4] =	ssyncadd.s32 @!p0 $0xFFFFFF80  }
0xa5: {  	[tilespmem:s0], [sflag:$0x2] =	stream.indirect.gather @!p0 [hbm4b:s5+s8], $0x50, s8, s8, $0xb8;
	[tilespmem:$0x17A00] =	vst v63  }
0xa6: {  	s0 =	simm.s32 @!p0 $0x5A00  }
0xa7: {  	[tilespmem:s0], [sflag:$0x2] =	stream.indirect.gather @!p0 [hbm4b:s6+s8], $0x10, s9, s8, $0xb8;
	[tilespmem:$0x17A00] =	vst v63  }
0xa8: {  	_ =	swait.ge [sflag:s26], $0x2800  }
0xa9: {  	[sflag:s26] =	ssyncset.done $0x0  }
0xaa: {  	[sflag:s26] =	ssyncadd.s32 $0xFFFFD800  }
0xab: {  	_ =	swait.ge [sflag:s26], $0x800  }
0xac: {  	[sflag:s26] =	ssyncset.done $0x0  }
0xad: {  	s13 =	simm.s32 $0x2A0;
	[sflag:s26] =	ssyncadd.s32 $0xFFFFF800  }
0xae: {  	s0 =	simm.s32 $0x5220;
	v3 =	vld [tilespmem:s13+$0x90]  }
0xaf: {  	v4 =	vld [tilespmem:s0+$0x10];
	_ =	sdelay $0x3  }
0xb0: {  	v5 =	vld [tilespmem:s13+$0xFFFFFFF0]  }
0xb1: {  	v7 =	vld [tilespmem:s0+$0xFFFFFFF0];
	v3 =	vperm.xlane v3, v1;
	v6 =	vperm.xlane v4, v1;
	_ =	sdelay $0x1  }
0xb2: {  	v8 =	vld [tilespmem:s13+$0x40];
	v3 =	vadd.f32 v6, v3  }
0xb3: {  	v10 =	vld [tilespmem:s0+$0x0]  }
0xb4: {  	v4 =	vperm.xlane v4, v2;
	v9 =	vmul.f32 $2.000000030e-01, v3  }
0xb5: {  	v5 =	vperm.xlane v5, v1;
	v11 =	vperm.xlane v7, v1  }
0xb6: {  	v6 =	vld [tilespmem:s0+$0xFFFFFFE0];
	v3 =	vmax.f32 v3, v9  }
0xb7: {  	v5 =	vadd.f32 v11, v5;
	v9 =	vld [tilespmem:s13+$0xFFFFFFA0];
	v3 =	vsub.f32 v3, v4  }
0xb8: {  	v8 =	vperm.xlane v8, v1;
	v12 =	vperm.xlane v10, v1  }
0xb9: {  	v11 =	vmul.f32 $2.000000030e-01, v5;
	v3 =	vmul.f32 $1.442695020e+00, v3  }
0xba: {  	v7 =	vperm.xlane v7, v2  }
0xbb: {  	v8 =	vadd.f32 v12, v8;
	v5 =	vmax.f32 v5, v11;
	(erf) = vpow2.f32 v3  }
0xbc: {  	v4 =	vperm.xlane v6, v1;
	v5 =	vsub.f32 v5, v7;
	v3 =	vperm.xlane v9, v1;
	_ =	sdelay $0x1  }
0xbd: {  	v5 =	vmul.f32 $1.442695020e+00, v5;
	v3 =	vadd.f32 v4, v3;
	v4 =	vmul.f32 $2.000000030e-01, v8  }
0xbe: {  	s4 =	simm.s32 $0x5260;
	v7 =	vperm.xlane v10, v2  }
0xbf: {  	s25 =	simm.s32 $0x3E0;
	(erf) = vpow2.f32 v5;
	v5 =	vld [tilespmem:s4+$0x10];
	v9 =	vmul.f32 $2.000000030e-01, v3;
	v4 =	vmax.f32 v8, v4  }
0xc0: {  	v6 =	vperm.xlane v6, v2;
	v8 =	vld [tilespmem:s25+$0x90];
	v4 =	vsub.f32 v4, v7  }
0xc1: {  	v3 =	vmax.f32 v3, v9  }
0xc2: {  	v3 =	vsub.f32 v3, v6;
	v4 =	vmul.f32 $1.442695020e+00, v4  }
0xc3: {  	v11 =	vpop (erf)  }
0xc4: {  	s0 =	simm.s32 $0x62A0;
	v9 =	vld [tilespmem:s4+$0xFFFFFFF0];
	v3 =	vmul.f32 $1.442695020e+00, v3;
	(erf) = vpow2.f32 v4;
	v7 =	vnsel vm0, $0x0, v11  }
0xc5: {  	v4 =	vld [tilespmem:s25+$0xFFFFFFF0];
	[tilespmem:s0+$0x50] =	vst v7;
	v7 =	vperm.xlane v8, v1;
	v8 =	vperm.xlane v5, v1  }
0xc6: {  	(erf) = vpow2.f32 v3;
	v3 =	vld [tilespmem:s25+$0x40]  }
0xc7: {  	v12 =	vld [tilespmem:s13+$0x50];
	v7 =	vadd.f32 v8, v7  }
0xc8: {  	v8 =	vld [tilespmem:s4+$0x0]  }
0xc9: {  	v15 =	vld [tilespmem:s25+$0xFFFFFFA0];
	v13 =	vmul.f32 $2.000000030e-01, v7  }
0xca: {  	v6 =	vld [tilespmem:s4+$0xFFFFFFE0];
	v5 =	vperm.xlane v5, v2  }
0xcb: {  	v10 =	vpop (erf);
	v16 =	vperm.xlane v9, v1;
	v4 =	vperm.xlane v4, v1;
	v7 =	vmax.f32 v7, v13  }
0xcc: {  	v14 =	vnsel vm0, $0x0, v10;
	v12 =	vmul.f32 v11, v12;
	v5 =	vsub.f32 v7, v5  }
0xcd: {  	[tilespmem:s0+$0xFFFFFFB0] =	vst v14;
	v4 =	vadd.f32 v16, v4;
	v3 =	vperm.xlane v3, v1;
	v14 =	vperm.xlane v8, v1;
	v13 =	vpop (erf)  }
0xce: {  	v15 =	vperm.xlane v15, v1;
	[tilespmem:s0+$0x60] =	vst v12;
	v5 =	vmul.f32 $1.442695020e+00, v5;
	v16 =	vnsel vm0, $0x0, v13  }
0xcf: {  	v17 =	vperm.xlane v6, v1;
	v12 =	vmul.f32 $2.000000030e-01, v4;
	v14 =	vadd.f32 v14, v3;
	[tilespmem:s0+$0x0] =	vst v16;
	v16 =	vld [tilespmem:s13+$0x60]  }
0xd0: {  	v9 =	vperm.xlane v9, v2;
	(erf) = vpow2.f32 v5  }
0xd1: {  	v7 =	vld [tilespmem:s13+$0xFFFFFFB0];
	v3 =	vpop (erf);
	v4 =	vmax.f32 v4, v12;
	v12 =	vadd.f32 v17, v15;
	v19 =	vmul.f32 $2.000000030e-01, v14  }
0xd2: {  	v8 =	vperm.xlane v8, v2;
	v5 =	vnsel vm0, $0x0, v3  }
0xd3: {  	s17 =	simm.s32 $0x52A0;
	v18 =	vld [tilespmem:s13+$0x0];
	v4 =	vsub.f32 v4, v9;
	[tilespmem:s0+$0xFFFFFF60] =	vst v5;
	v5 =	vmax.f32 v14, v19;
	v14 =	vmul.f32 $2.000000030e-01, v12  }
0xd4: {  	s8 =	simm.s32 $0x520;
	v20 =	vld [tilespmem:s17+$0x0];
	v5 =	vsub.f32 v5, v8;
	v8 =	vmul.f32 v11, v16  }
0xd5: {  	v4 =	vmul.f32 $1.442695020e+00, v4;
	v12 =	vmax.f32 v12, v14;
	v14 =	vld [tilespmem:s8+$0x90]  }
0xd6: {  	v6 =	vperm.xlane v6, v2;
	v7 =	vmul.f32 v10, v7;
	[tilespmem:s0+$0x70] =	vst v8;
	v8 =	vld [tilespmem:s17+$0x10]  }
0xd7: {  	v22 =	vld [tilespmem:s8+$0xFFFFFFA0];
	(erf) = vpow2.f32 v4;
	v5 =	vmul.f32 $1.442695020e+00, v5  }
0xd8: {  	v17 =	vld [tilespmem:s17+$0xFFFFFFF0];
	[tilespmem:s0+$0xFFFFFFC0] =	vst v7;
	v15 =	vmul.f32 v13, v18;
	v4 =	vsub.f32 v12, v6  }
0xd9: {  	v7 =	vld [tilespmem:s13+$0xFFFFFFC0];
	(erf) = vpow2.f32 v5;
	v12 =	vpop (erf)  }
0xda: {  	s9 =	simm.s32 $0x63E0;
	[tilespmem:s0+$0x10] =	vst v15;
	v6 =	vld [tilespmem:s13+$0x70];
	v4 =	vmul.f32 $1.442695020e+00, v4;
	v16 =	vnsel vm0, $0x0, v12  }
0xdb: {  	v15 =	vld [tilespmem:s8+$0xFFFFFFF0];
	v14 =	vperm.xlane v14, v1;
	[tilespmem:s9+$0x50] =	vst v16;
	v16 =	vperm.xlane v8, v1  }
0xdc: {  	v5 =	vld [tilespmem:s13+$0x10]  }
0xdd: {  	v22 =	vperm.xlane v22, v1;
	(erf) = vpow2.f32 v4;
	v4 =	vld [tilespmem:s25+$0x50];
	v14 =	vadd.f32 v16, v14  }
0xde: {  	v23 =	vperm.xlane v17, v1;
	v18 =	vld [tilespmem:s8+$0x40];
	v7 =	vmul.f32 v10, v7  }
0xdf: {  	v19 =	vmul.f32 v6, v11;
	v16 =	vld [tilespmem:s17+$0xFFFFFFE0];
	v24 =	vmul.f32 $2.000000030e-01, v14  }
0xe0: {  	s10 =	simm.s32 $0x660;
	v9 =	vld [tilespmem:s13+$0xFFFFFF60];
	v8 =	vperm.xlane v8, v2;
	[tilespmem:s0+$0xFFFFFFD0] =	vst v7;
	v15 =	vperm.xlane v15, v1;
	v6 =	vpop (erf)  }
0xe1: {  	s18 =	simm.s32 $0x52E0;
	v28 =	vld [tilespmem:s10+$0x40];
	v21 =	vmul.f32 v13, v5;
	v25 =	vnsel vm0, $0x0, v6;
	[tilespmem:s0+$0x80] =	vst v19;
	v14 =	vmax.f32 v14, v24  }
0xe2: {  	v30 =	vld [tilespmem:s18+$0x0];
	v23 =	vadd.f32 v23, v15;
	[tilespmem:s9+$0xFFFFFFB0] =	vst v25;
	v5 =	vpop (erf);
	v4 =	vmul.f32 v12, v4;
	v8 =	vsub.f32 v14, v8  }
0xe3: {  	v15 =	vperm.xlane v18, v1;
	v18 =	vperm.xlane v20, v1;
	[tilespmem:s0+$0x20] =	vst v21;
	v21 =	vld [tilespmem:s13+$0xFFFFFFD0];
	v25 =	vnsel vm0, $0x0, v5  }
0xe4: {  	v24 =	vld [tilespmem:s25+$0xFFFFFFB0];
	v14 =	vperm.xlane v16, v1;
	[tilespmem:s9+$0x0] =	vst v25;
	v8 =	vmul.f32 $1.442695020e+00, v8  }
0xe5: {  	v9 =	vmul.f32 v3, v9;
	v18 =	vadd.f32 v18, v15;
	[tilespmem:s9+$0x60] =	vst v4;
	v19 =	vld [tilespmem:s25+$0x0]  }
0xe6: {  	v25 =	vmul.f32 $2.000000030e-01, v23;
	v26 =	vld [tilespmem:s25+$0x60];
	v14 =	vadd.f32 v14, v22;
	v4 =	vpop (erf);
	(erf) = vpow2.f32 v8  }
0xe7: {  	[tilespmem:s0+$0xFFFFFF70] =	vst v9;
	v9 =	vperm.xlane v17, v2;
	v7 =	vperm.xlane v20, v2;
	v15 =	vld [tilespmem:s13+$0x80];
	v17 =	vnsel vm0, $0x0, v4  }
0xe8: {  	v23 =	vmax.f32 v23, v25;
	v25 =	vld [tilespmem:s13+$0xFFFFFF70];
	v22 =	vmul.f32 $2.000000030e-01, v14;
	[tilespmem:s9+$0xFFFFFF60] =	vst v17;
	v17 =	vmul.f32 $2.000000030e-01, v18  }
0xe9: {  	v16 =	vperm.xlane v16, v2;
	v9 =	vsub.f32 v23, v9;
	v23 =	vld [tilespmem:s13+$0x20];
	v20 =	vmul.f32 v6, v24  }
0xea: {  	v24 =	vld [tilespmem:s18+$0xFFFFFFF0];
	v19 =	vmul.f32 v5, v19;
	v14 =	vmax.f32 v14, v22;
	v17 =	vmax.f32 v18, v17  }
0xeb: {  	v8 =	vld [tilespmem:s25+$0xFFFFFF60];
	v18 =	vmul.f32 v12, v26;
	v14 =	vsub.f32 v14, v16;
	v7 =	vsub.f32 v17, v7  }
0xec: {  	v9 =	vmul.f32 $1.442695020e+00, v9;
	[tilespmem:s9+$0x10] =	vst v19;
	v19 =	vld [tilespmem:s18+$0x10]  }
0xed: {  	v28 =	vperm.xlane v28, v1;
	[tilespmem:s9+$0x70] =	vst v18;
	v18 =	vld [tilespmem:s10+$0x90];
	v7 =	vmul.f32 $1.442695020e+00, v7  }
0xee: {  	v50 =	vperm.xlane v30, v2;
	(erf) = vpow2.f32 v9;
	v9 =	vld [tilespmem:s25+$0x70]  }
0xef: {  	[tilespmem:s9+$0xFFFFFFC0] =	vst v20;
	v20 =	vld [tilespmem:s18+$0xFFFFFFE0];
	(erf) = vpow2.f32 v7;
	v7 =	vmul.f32 $1.442695020e+00, v14;
	v14 =	vpop (erf)  }
0xf0: {  	s11 =	simm.s32 $0x6520;
	v21 =	vmul.f32 v21, v10;
	v11 =	vmul.f32 v15, v11;
	v16 =	vld [tilespmem:s25+$0x10];
	v22 =	vnsel vm0, $0x0, v14  }
0xf1: {  	v26 =	vperm.xlane v19, v1;
	(erf) = vpow2.f32 v7;
	v7 =	vld [tilespmem:s10+$0xFFFFFFF0];
	[tilespmem:s11+$0x50] =	vst v22  }
0xf2: {  	v18 =	vperm.xlane v18, v1;
	v22 =	vmul.f32 v3, v25;
	v25 =	vld [tilespmem:s8+$0x50]  }
0xf3: {  	v17 =	vld [tilespmem:s25+$0xFFFFFFC0];
	v23 =	vmul.f32 v23, v13;
	v9 =	vmul.f32 v9, v12  }
0xf4: {  	v46 =	vld [tilespmem:s10+$0xFFFFFFA0];
	[tilespmem:s0+$0xFFFFFFE0] =	vst v21;
	v31 =	vperm.xlane v24, v1;
	v8 =	vmul.f32 v4, v8;
	v18 =	vadd.f32 v26, v18  }
0xf5: {  	s14 =	simm.s32 $0x7A0;
	[tilespmem:s0+$0x30] =	vst v23;
	v34 =	vperm.xlane v20, v1;
	v16 =	vmul.f32 v5, v16  }
0xf6: {  	v53 =	vld [tilespmem:s14+$0xFFFFFFF0];
	[tilespmem:s9+$0xFFFFFF70] =	vst v8;
	v32 =	vmul.f32 $2.000000030e-01, v18;
	v26 =	vperm.xlane v7, v1  }
0xf7: {  	v23 =	vld [tilespmem:s13+$0xFFFFFFE0];
	v19 =	vperm.xlane v19, v2;
	[tilespmem:s9+$0x80] =	vst v9;
	v9 =	vpop (erf);
	v25 =	vmul.f32 v14, v25  }
0xf8: {  	v17 =	vmul.f32 v6, v17;
	[tilespmem:s9+$0x20] =	vst v16;
	v27 =	vld [tilespmem:s25+$0x80];
	v18 =	vmax.f32 v18, v32;
	v7 =	vpop (erf);
	v26 =	vadd.f32 v31, v26  }
0xf9: {  	v35 =	vld [tilespmem:s25+$0xFFFFFF70];
	v16 =	vperm.xlane v46, v1;
	v18 =	vsub.f32 v18, v19;
	v8 =	vnsel vm0, $0x0, v7;
	[tilespmem:s11+$0x60] =	vst v25  }
0xfa: {  	[tilespmem:s11+$0x0] =	vst v8;
	v25 =	vperm.xlane v30, v1;
	v48 =	vmul.f32 $2.000000030e-01, v26;
	v19 =	vld [tilespmem:s8+$0x60]  }
0xfb: {  	v24 =	vperm.xlane v24, v2;
	[tilespmem:s9+$0xFFFFFFD0] =	vst v17;
	v16 =	vadd.f32 v34, v16;
	v18 =	vmul.f32 $1.442695020e+00, v18;
	v47 =	vld [tilespmem:s8+$0x0]  }
0xfc: {  	v51 =	vld [tilespmem:s25+$0xFFFFFFD0];
	v29 =	vnsel vm0, $0x0, v9;
	v17 =	vadd.f32 v25, v28;
	v26 =	vmax.f32 v26, v48  }
0xfd: {  	v52 =	vld [tilespmem:s25+$0x20];
	[tilespmem:s11+$0xFFFFFFB0] =	vst v29;
	v15 =	vmul.f32 v27, v12;
	v8 =	vpop (erf);
	(erf) = vpow2.f32 v18;
	v21 =	vsub.f32 v26, v24  }
0xfe: {  	s17 =	simm.s32 $0x5320;
	[tilespmem:s0+$0xFFFFFF80] =	vst v22;
	v33 =	vld [tilespmem:s8+$0xFFFFFFB0];
	v22 =	vnsel vm0, $0x0, v8;
	v26 =	vmul.f32 $2.000000030e-01, v16;
	v18 =	vmul.f32 $2.000000030e-01, v17  }
0xff: {  	v27 =	vld [tilespmem:s17+$0xFFFFFFE0];
	[tilespmem:s11+$0xFFFFFF60] =	vst v22;
	v21 =	vmul.f32 $1.442695020e+00, v21;
	v19 =	vmul.f32 v14, v19  }
0x100: {  	v20 =	vperm.xlane v20, v2;
	v25 =	vld [tilespmem:s8+$0xFFFFFF60];
	v17 =	vmax.f32 v17, v18;
	v18 =	vmul.f32 v7, v47  }
0x101: {  	v22 =	vld [tilespmem:s13+$0xFFFFFF80];
	v16 =	vmax.f32 v16, v26;
	v17 =	vsub.f32 v17, v50;
	(erf) = vpow2.f32 v21;
	[tilespmem:s11+$0x70] =	vst v19  }
0x102: {  	v12 =	vsub.f32 v16, v20;
	[tilespmem:s11+$0x10] =	vst v18;
	v18 =	vld [tilespmem:s8+$0x70]  }
0x103: {  	v49 =	vmul.f32 v9, v33;
	v16 =	vld [tilespmem:s14+$0x90];
	v17 =	vmul.f32 $1.442695020e+00, v17  }
0x104: {  	[tilespmem:s0+$0x90] =	vst v11;
	v19 =	vld [tilespmem:s13+$0x30];
	v26 =	vmul.f32 $1.442695020e+00, v12  }
0x105: {  	[tilespmem:s11+$0xFFFFFFC0] =	vst v49;
	v20 =	vmul.f32 v8, v25;
	(erf) = vpow2.f32 v17;
	v17 =	vld [tilespmem:s17+$0x10]  }
0x106: {  	[tilespmem:s9+$0x90] =	vst v15;
	v28 =	vmul.f32 v52, v5;
	v24 =	vld [tilespmem:s8+$0xFFFFFFC0];
	v11 =	vmul.f32 v22, v3;
	v12 =	vpop (erf)  }
0x107: {  	s18 =	simm.s32 $0x6660;
	(erf) = vpow2.f32 v26;
	v15 =	vnsel vm0, $0x0, v12;
	v26 =	vld [tilespmem:s17+$0xFFFFFFF0];
	[tilespmem:s11+$0xFFFFFF70] =	vst v20;
	v18 =	vmul.f32 v18, v14  }
0x108: {  	v21 =	vld [tilespmem:s8+$0x10];
	v22 =	vmul.f32 v51, v6;
	v25 =	vmul.f32 v4, v35;
	[tilespmem:s18+$0x50] =	vst v15  }
0x109: {  	v16 =	vperm.xlane v16, v1;
	v20 =	vmul.f32 v23, v10;
	v15 =	vld [tilespmem:s10+$0x50];
	[tilespmem:s11+$0x80] =	vst v18  }
0x10a: {  	[tilespmem:s0+$0xFFFFFF90] =	vst v11;
	v19 =	vmul.f32 v19, v13;
	v18 =	vperm.xlane v17, v1;
	v10 =	vpop (erf);
	v13 =	vld [tilespmem:s8+$0x80]  }
0x10b: {  	v24 =	vmul.f32 v9, v24;
	[tilespmem:s9+$0xFFFFFF80] =	vst v25;
	v23 =	vperm.xlane v27, v1;
	v25 =	vld [tilespmem:s14+$0x40];
	v11 =	vnsel vm0, $0x0, v10  }
0x10c: {  	v54 =	vld [tilespmem:s17+$0x0];
	v55 =	vperm.xlane v26, v1;
	v16 =	vadd.f32 v18, v16;
	v18 =	vperm.xlane v53, v1  }
0x10d: {  	v56 =	vld [tilespmem:s14+$0xFFFFFFA0];
	[tilespmem:s9+$0xFFFFFFE0] =	vst v22;
	v27 =	vperm.xlane v27, v2;
	v21 =	vmul.f32 v7, v21  }
0x10e: {  	v59 =	vld [tilespmem:s8+$0xFFFFFF70];
	v17 =	vperm.xlane v17, v2;
	[tilespmem:s18+$0xFFFFFFB0] =	vst v11;
	v11 =	vpop (erf);
	v57 =	vmul.f32 $2.000000030e-01, v16;
	v18 =	vadd.f32 v55, v18  }
0x10f: {  	[tilespmem:s11+$0xFFFFFFD0] =	vst v24;
	v24 =	vld [tilespmem:s10+$0xFFFFFFB0];
	v15 =	vmul.f32 v12, v15;
	v58 =	vnsel vm0, $0x0, v11;
	v60 =	vmul.f32 v13, v14  }
0x110: {  	v62 =	vld [tilespmem:s25+$0xFFFFFF80];
	[tilespmem:s18+$0x0] =	vst v58;
	v13 =	vpop (erf);
	v14 =	vperm.xlane v25, v1;
	v16 =	vmax.f32 v16, v57;
	v25 =	vmul.f32 $2.000000030e-01, v18  }
0x111: {  	[tilespmem:s18+$0x60] =	vst v15;
	v15 =	vperm.xlane v54, v1;
	v22 =	vld [tilespmem:s10+$0x0];
	v61 =	vnsel vm0, $0x0, v13;
	v16 =	vsub.f32 v16, v17  }
0x112: {  	[tilespmem:s11+$0x20] =	vst v21;
	v17 =	vperm.xlane v26, v2;
	v26 =	vperm.xlane v56, v1;
	v18 =	vmax.f32 v18, v25;
	v25 =	vld [tilespmem:s10+$0x60]  }
0x113: {  	v21 =	vperm.xlane v54, v2;
	[tilespmem:s18+$0xFFFFFF60] =	vst v61;
	v63 =	vadd.f32 v15, v14;
	v15 =	vld [tilespmem:s8+$0x20];
	v14 =	vmul.f32 $1.442695020e+00, v16  }
0x114: {  	[tilespmem:s9+$0x30] =	vst v28;
	v16 =	vld [tilespmem:s10+$0xFFFFFF60];
	v23 =	vadd.f32 v23, v26;
	v17 =	vsub.f32 v18, v17;
	v18 =	vmul.f32 v10, v24  }
0x115: {  	[tilespmem:s0+$0xFFFFFFF0] =	vst v20;
	v26 =	vld [tilespmem:s8+$0xFFFFFFD0];
	v20 =	vmul.f32 $2.000000030e-01, v63;
	(erf) = vpow2.f32 v14  }
0x116: {  	v24 =	vmul.f32 $2.000000030e-01, v23;
	v17 =	vmul.f32 $1.442695020e+00, v17;
	[tilespmem:s18+$0xFFFFFFC0] =	vst v18;
	v14 =	vld [tilespmem:s13+$0xFFFFFF90]  }
0x117: {  	[tilespmem:s0+$0x40] =	vst v19;
	v20 =	vmax.f32 v63, v20;
	v18 =	vld [tilespmem:s10+$0xFFFFFFC0];
	v22 =	vmul.f32 v11, v22;
	v25 =	vmul.f32 v12, v25  }
0x118: {  	[tilespmem:s11+$0x90] =	vst v60;
	v19 =	vmax.f32 v23, v24;
	v20 =	vsub.f32 v20, v21;
	(erf) = vpow2.f32 v17;
	v17 =	vld [tilespmem:s25+$0xFFFFFFE0]  }
0x119: {  	v21 =	vmul.f32 v8, v59;
	v19 =	vsub.f32 v19, v27;
	v27 =	vmul.f32 v13, v16;
	v16 =	vld [tilespmem:s25+$0x30];
	[tilespmem:s18+$0x70] =	vst v25  }
0x11a: {  	v23 =	vmul.f32 v62, v4;
	[tilespmem:s18+$0x10] =	vst v22;
	v24 =	vmul.f32 $1.442695020e+00, v20;
	v20 =	vld [tilespmem:s10+$0x70]  }
0x11b: {  	s7 =	simm.s32 $0x10;
	s4 =	simm.s32 $0x8E0;
	s13 =	simm.s32 $0x6660;
	v22 =	vmul.f32 v26, v9;
	v25 =	vmul.f32 $1.442695020e+00, v19;
	[tilespmem:s18+$0xFFFFFF70] =	vst v27;
	v19 =	vld [tilespmem:s10+$0x10]  }
.LBB2_6:
0x11c: {  	v26 =	vld [tilespmem:s4+$0x90];
	s17 =	sadd.s32 $0x40, s17;
	(erf) = vpow2.f32 v24;
	v18 =	vmul.f32 v10, v18;
	[tilespmem:s11+$0xFFFFFF80] =	vst v21  }
0x11d: {  	v15 =	vmul.f32 v15, v7;
	v21 =	vld [tilespmem:s17+$0x10];
	(erf) = vpow2.f32 v25;
	[tilespmem:s9+$0xFFFFFF90] =	vst v23  }
0x11e: {  	s7 =	sadd.s32 $0x4, s7;
	v14 =	vmul.f32 v14, v3;
	v17 =	vmul.f32 v17, v6;
	v6 =	vmov v9;
	v23 =	vld [tilespmem:s17+$0xFFFFFFE0];
	v24 =	vpop (erf);
	[tilespmem:s18+$0xFFFFFFD0] =	vst v18  }
0x11f: {  	p1 =	slt.u32 s7, $0x7C;
	v9 =	vmovc v10;
	s18 =	sadd.s32 $0x140, s18;
	v16 =	vmul.f32 v16, v5;
	v18 =	vld [tilespmem:s4+$0xFFFFFFF0];
	v25 =	vnsel vm0, $0x0, v24;
	v20 =	vmul.f32 v20, v12;
	[tilespmem:s11+$0xFFFFFFE0] =	vst v22  }
0x120: {  	v3 =	vmovc v4;
	v4 =	vmovc v8;
	v5 =	vmov v7;
	v7 =	vmov v11;
	v22 =	vld [tilespmem:s17+$0xFFFFFFF0];
	[tilespmem:s18+$0x50] =	vst v25;
	v19 =	vmul.f32 v11, v19  }
0x121: {  	v8 =	vmov v13;
	v25 =	vld [tilespmem:s14+$0x50];
	v10 =	vpop (erf);
	[tilespmem:s13+$0x80] =	vst v20  }
0x122: {  	v30 =	vperm.xlane v26, v1;
	v13 =	vperm.xlane v21, v1;
	v20 =	vnsel vm0, $0x0, v10;
	[tilespmem:s13+$0x20] =	vst v19;
	v19 =	vld [tilespmem:s10+$0x80]  }
0x123: {  	v26 =	vperm.xlane v23, v1;
	v23 =	vperm.xlane v23, v2;
	v27 =	vld [tilespmem:s4+$0x40];
	[tilespmem:s18+$0xFFFFFFB0] =	vst v20  }
0x124: {  	v18 =	vperm.xlane v18, v1;
	v20 =	vld [tilespmem:s17+$0x0];
	v28 =	vadd.f32 v13, v30;
	[tilespmem:s11+$0x30] =	vst v15  }
0x125: {  	v15 =	vld [tilespmem:s4+$0xFFFFFFA0];
	v29 =	vperm.xlane v22, v1;
	v22 =	vperm.xlane v22, v2;
	v11 =	vpop (erf);
	[tilespmem:s0+$0xFFFFFFA0] =	vst v14;
	s0 =	smov.u32 s9;
	s9 =	smov.u32 s11;
	s11 =	smov.u32 s13  }
0x126: {  	s13 =	smov.u32 s18;
	v14 =	vmul.f32 $2.000000030e-01, v28;
	v30 =	vld [tilespmem:s14+$0xFFFFFFB0];
	v31 =	vnsel vm0, $0x0, v11;
	v25 =	vmul.f32 v24, v25;
	v13 =	vpop (erf);
	[tilespmem:s0+$0xFFFFFFF0] =	vst v17  }
0x127: {  	v17 =	vadd.f32 v29, v18;
	v18 =	vperm.xlane v21, v2;
	[tilespmem:s18+$0x0] =	vst v31;
	v21 =	vld [tilespmem:s10+$0xFFFFFF70];
	v19 =	vmul.f32 v19, v12  }
0x128: {  	v12 =	vmovc v24;
	v27 =	vperm.xlane v27, v1;
	v14 =	vmax.f32 v28, v14;
	v28 =	vnsel vm0, $0x0, v13;
	v29 =	vld [tilespmem:s14+$0x0];
	[tilespmem:s18+$0x60] =	vst v25  }
0x129: {  	v24 =	vmul.f32 $2.000000030e-01, v17;
	v25 =	vperm.xlane v20, v1;
	v14 =	vsub.f32 v14, v18;
	[tilespmem:s11+$0x90] =	vst v19;
	v19 =	vld [tilespmem:s8+$0xFFFFFF80]  }
0x12a: {  	v20 =	vperm.xlane v20, v2;
	v15 =	vperm.xlane v15, v1;
	[tilespmem:s18+$0xFFFFFF60] =	vst v28;
	v28 =	vld [tilespmem:s14+$0x60]  }
0x12b: {  	v17 =	vmax.f32 v17, v24;
	v18 =	vadd.f32 v25, v27;
	v14 =	vmul.f32 $1.442695020e+00, v14;
	v24 =	vld [tilespmem:s14+$0xFFFFFF60];
	[tilespmem:s0+$0x40] =	vst v16  }
0x12c: {  	v16 =	vadd.f32 v26, v15;
	v17 =	vsub.f32 v17, v22;
	v22 =	vmul.f32 v10, v30;
	v26 =	vld [tilespmem:s10+$0xFFFFFFD0]  }
0x12d: {  	v25 =	vmul.f32 $2.000000030e-01, v18;
	(erf) = vpow2.f32 v14;
	v15 =	vld [tilespmem:s10+$0x20]  }
0x12e: {  	v27 =	vmul.f32 $2.000000030e-01, v16;
	v17 =	vmul.f32 $1.442695020e+00, v17;
	[tilespmem:s18+$0xFFFFFFC0] =	vst v22;
	v14 =	vld [tilespmem:s25+$0xFFFFFF90];
	s25 =	smov.u32 s8;
	s8 =	smov.u32 s10;
	s10 =	smov.u32 s14  }
.Ltmp6:
0x12f: {  	s14 =	smov.u32 s4;
	v22 =	vmax.f32 v18, v25;
	v18 =	vld [tilespmem:s10+$0xFFFFFFC0];
	v25 =	vmul.f32 v11, v29;
	v28 =	vmul.f32 v12, v28;
	(pc) =	sbr.rel @p1 .LBB2_6-.Ltmp6, $4  }
0x130: {  	v16 =	vmax.f32 v16, v27;
	v20 =	vsub.f32 v22, v20;
	(erf) = vpow2.f32 v17;
	v17 =	vld [tilespmem:s25+$0xFFFFFFE0]  }
0x131: {  	v21 =	vmul.f32 v8, v21;
	v27 =	vmul.f32 v13, v24;
	v22 =	vsub.f32 v16, v23;
	[tilespmem:s18+$0x70] =	vst v28;
	v16 =	vld [tilespmem:s25+$0x30]  }
0x132: {  	v23 =	vmul.f32 v19, v4;
	v24 =	vmul.f32 $1.442695020e+00, v20;
	[tilespmem:s18+$0x10] =	vst v25;
	v20 =	vld [tilespmem:s10+$0x70]  }
0x133: {  	s4 =	sadd.s32 $0x140, s4;
	v25 =	vmul.f32 $1.442695020e+00, v22;
	[tilespmem:s18+$0xFFFFFF70] =	vst v27;
	v19 =	vld [tilespmem:s10+$0x10];
	v22 =	vmul.f32 v26, v9  }
0x134: {  	_ =	sdelay $0x1  }
0x135: {  	v26 =	vpop (erf)  }
0x136: {  	s4 =	sadd.s32 $0x140, s18;
	(erf) = vpow2.f32 v24;
	v27 =	vnsel vm0, $0x0, v26  }
0x137: {  	(erf) = vpow2.f32 v25;
	[tilespmem:s4+$0x50] =	vst v27  }
0x138: {  	v58 =	vld [tilespmem:s14+$0x50]  }
0x139: {  	[tilespmem:s11+$0xFFFFFF80] =	vst v21  }
0x13a: {  	v18 =	vmul.f32 v10, v18;
	[tilespmem:s9+$0xFFFFFF90] =	vst v23  }
0x13b: {  	v15 =	vmul.f32 v15, v7;
	[tilespmem:s11+$0xFFFFFFE0] =	vst v22  }
0x13c: {  	v3 =	vmul.f32 v14, v3;
	[tilespmem:s18+$0xFFFFFFD0] =	vst v18  }
0x13d: {  	[tilespmem:s11+$0x30] =	vst v15;
	v60 =	vmul.f32 v26, v58  }
0x13e: {  	[tilespmem:s0+$0xFFFFFFA0] =	vst v3;
	v21 =	vpop (erf)  }
0x13f: {  	v34 =	vld [tilespmem:s10+$0xFFFFFF70];
	v61 =	vmul.f32 v11, v19;
	v62 =	vnsel vm0, $0x0, v21;
	v19 =	vpop (erf);
	[tilespmem:s4+$0x60] =	vst v60  }
0x140: {  	v59 =	vmul.f32 v20, v12;
	[tilespmem:s4+$0xFFFFFFB0] =	vst v62;
	v28 =	vnsel vm0, $0x0, v19;
	v29 =	vpop (erf);
	v20 =	vld [tilespmem:s14+$0x60]  }
0x141: {  	v6 =	vmul.f32 v17, v6;
	v63 =	vld [tilespmem:s14+$0xFFFFFFB0];
	[tilespmem:s4+$0x0] =	vst v28;
	v31 =	vnsel vm0, $0x0, v29  }
0x142: {  	v5 =	vmul.f32 v16, v5;
	v32 =	vld [tilespmem:s14+$0x0];
	[tilespmem:s4+$0xFFFFFF60] =	vst v31  }
0x143: {  	[tilespmem:s9+$0xFFFFFFF0] =	vst v6;
	v33 =	vld [tilespmem:s14+$0xFFFFFF60]  }
0x144: {  	v37 =	vld [tilespmem:s8+$0xFFFFFF80];
	[tilespmem:s9+$0x40] =	vst v5  }
0x145: {  	v44 =	vld [tilespmem:s25+$0xFFFFFF90];
	[tilespmem:s13+$0x80] =	vst v59;
	v3 =	vmul.f32 v26, v20  }
0x146: {  	v45 =	vld [tilespmem:s8+$0xFFFFFFE0];
	[tilespmem:s13+$0x20] =	vst v61;
	v35 =	vmul.f32 v21, v63  }
0x147: {  	v30 =	vld [tilespmem:s10+$0x80];
	[tilespmem:s4+$0x70] =	vst v3;
	v3 =	vmul.f32 v19, v32  }
0x148: {  	[tilespmem:s4+$0xFFFFFFC0] =	vst v35;
	v15 =	vmul.f32 v29, v33;
	v38 =	vld [tilespmem:s14+$0x70]  }
0x149: {  	v42 =	vmul.f32 v37, v8;
	v39 =	vld [tilespmem:s14+$0xFFFFFFC0];
	[tilespmem:s4+$0x10] =	vst v3  }
0x14a: {  	v4 =	vmul.f32 v44, v4;
	[tilespmem:s4+$0xFFFFFF70] =	vst v15;
	v41 =	vld [tilespmem:s14+$0x10]  }
0x14b: {  	[tilespmem:s11+$0xFFFFFF90] =	vst v42;
	v3 =	vmul.f32 v13, v34;
	v15 =	vld [tilespmem:s14+$0xFFFFFF70]  }
0x14c: {  	v40 =	vld [tilespmem:s10+$0xFFFFFFD0];
	v5 =	vmul.f32 v45, v9;
	[tilespmem:s9+$0xFFFFFFA0] =	vst v4  }
0x14d: {  	v51 =	vld [tilespmem:s8+$0x30];
	[tilespmem:s13+$0xFFFFFF80] =	vst v3;
	v3 =	vmul.f32 v38, v26  }
0x14e: {  	v43 =	vld [tilespmem:s10+$0x20];
	[tilespmem:s11+$0xFFFFFFF0] =	vst v5;
	v36 =	vmul.f32 v30, v12;
	v12 =	vmul.f32 v21, v39  }
0x14f: {  	[tilespmem:s4+$0x80] =	vst v3;
	v3 =	vmul.f32 v19, v41  }
0x150: {  	[tilespmem:s4+$0xFFFFFFD0] =	vst v12;
	v47 =	vld [tilespmem:s10+$0xFFFFFF80];
	v15 =	vmul.f32 v29, v15  }
0x151: {  	v16 =	vmul.f32 v40, v10;
	[tilespmem:s4+$0x20] =	vst v3;
	v3 =	vld [tilespmem:s14+$0xFFFFFFD0]  }
0x152: {  	v58 =	vmul.f32 v51, v7;
	[tilespmem:s4+$0xFFFFFF80] =	vst v15;
	v49 =	vld [tilespmem:s14+$0x20]  }
0x153: {  	[tilespmem:s13+$0xFFFFFFE0] =	vst v16;
	v48 =	vmul.f32 v43, v11;
	v50 =	vld [tilespmem:s14+$0xFFFFFF80]  }
0x154: {  	v53 =	vld [tilespmem:s8+$0xFFFFFF90];
	[tilespmem:s11+$0x40] =	vst v58  }
0x155: {  	v55 =	vld [tilespmem:s10+$0xFFFFFFE0];
	[tilespmem:s13+$0x30] =	vst v48;
	v54 =	vmul.f32 v47, v13  }
0x156: {  	[tilespmem:s13+$0x90] =	vst v36;
	v56 =	vld [tilespmem:s10+$0x30];
	v3 =	vmul.f32 v3, v21  }
0x157: {  	v46 =	vld [tilespmem:s14+$0x80];
	[tilespmem:s13+$0xFFFFFF90] =	vst v54;
	v14 =	vmul.f32 v49, v19  }
0x158: {  	v57 =	vmul.f32 v50, v29;
	[tilespmem:s4+$0xFFFFFFE0] =	vst v3;
	v3 =	vld [tilespmem:s10+$0xFFFFFF90]  }
0x159: {  	v5 =	vmul.f32 v53, v8;
	[tilespmem:s4+$0x30] =	vst v14;
	v59 =	vld [tilespmem:s14+$0xFFFFFFE0]  }
0x15a: {  	v4 =	vmul.f32 v55, v10;
	[tilespmem:s4+$0xFFFFFF90] =	vst v57;
	v60 =	vld [tilespmem:s14+$0x30]  }
0x15b: {  	[tilespmem:s11+$0xFFFFFFA0] =	vst v5;
	v61 =	vmul.f32 v56, v11;
	v6 =	vld [tilespmem:s14+$0xFFFFFF90]  }
0x15c: {  	[tilespmem:s13+$0xFFFFFFF0] =	vst v4;
	v52 =	vmul.f32 v46, v26  }
0x15d: {  	[tilespmem:s13+$0x40] =	vst v61;
	v3 =	vmul.f32 v3, v13  }
0x15e: {  	[tilespmem:s4+$0x90] =	vst v52;
	v62 =	vmul.f32 v59, v21  }
0x15f: {  	v63 =	vmul.f32 v60, v19;
	[tilespmem:s13+$0xFFFFFFA0] =	vst v3  }
0x160: {  	v3 =	vmul.f32 v6, v29;
	[tilespmem:s4+$0xFFFFFFF0] =	vst v62  }
0x161: {  	[tilespmem:s4+$0x40] =	vst v63  }
0x162: {  	[tilespmem:s4+$0xFFFFFFA0] =	vst v3  }
0x163: {  	[spmem:s3] =	stream.indirect.scatter.add.f32 [tilespmem:s20], [sflag:$0x4], $0x50, s22, s23, $0xb8;
	[tilespmem:$0x17A00] =	vst v63  }
0x164: {  	_ =	swait.ge [sflag:s28], $0x2800  }
0x165: {  	[sflag:s28] =	ssyncset.done $0x0  }
0x166: {  	[sflag:s28] =	ssyncadd.s32 $0xFFFFD800  }
.LBB2_8:
0x167: {  	s0 =	sadd.s32 s16, s24  }
0x168: {  	p1 =	sgt.u32 s0, $0x9C3  }
0x169: {  	s0 =	sshll.u32 @!p1 s0, $0x4  }
0x16a: {  	s7 =	simm.s32 @!p1 $0x0;
	s4 =	sadd.s32 @!p1 s1, s0  }
0x16b: {  	[tilespmem:s7], [sflag:$0x4] =	stream.linear.gather @!p1 [hbm4b:s4+s7], $0x80, $0x38;
	[tilespmem:$0x17A00] =	vst v63  }
0x16c: {  	s4 =	simm.s32 @!p1 $0x4  }
0x16d: {  	_ =	swait.ge @!p1 [sflag:s4], $0x80  }
0x16e: {  	[sflag:s4] =	ssyncset.done @!p1 $0x0  }
0x16f: {  	s8 =	simm.s32 @!p1 $0x100;
	s0 =	sadd.s32 @!p1 s0, s12;
	[sflag:s4] =	ssyncadd.s32 @!p1 $0xFFFFFF80  }
0x170: {  	[tilespmem:s8], [sflag:$0x4] =	stream.linear.gather @!p1 [hbm4b:s0+s7], $0x80, $0x38;
	[tilespmem:$0x17A00] =	vst v63  }
0x171: {  	_ =	swait.ge @!p1 [sflag:s4], $0x80  }
.Ltmp7:
0x172: {  	[sflag:s4] =	ssyncset.done @!p1 $0x0;
	(pc) =	sbr.rel @p0 .LBB2_12-.Ltmp7, $4  }
0x173: {  	s0 =	simm.s32 @!p1 $0x80;
	[sflag:s4] =	ssyncadd.s32 @!p1 $0xFFFFFF80;
	s4 =	simm.s32 @!p1 $0x200  }
0x174: {  	[tilespmem:s4], [sflag:$0x1] =	stream.indirect.gather @!p1 [hbm4b:s5+s0], $0x50, s7, s0, $0xb8;
	[tilespmem:$0x17A00] =	vst v63  }
0x175: {  	s4 =	simm.s32 @!p1 $0x5200  }
0x176: {  	[tilespmem:s4], [sflag:$0x1] =	stream.indirect.gather @!p1 [hbm4b:s6+s0], $0x10, s8, s0, $0xb8;
	[tilespmem:$0x17A00] =	vst v63  }
0x177: {  	_ =	swait.ge [sflag:s29], $0x2800  }
0x178: {  	[sflag:s29] =	ssyncset.done $0x0  }
0x179: {  	[sflag:s29] =	ssyncadd.s32 $0xFFFFD800  }
0x17a: {  	_ =	swait.ge [sflag:s29], $0x800  }
0x17b: {  	[sflag:s29] =	ssyncset.done $0x0  }
0x17c: {  	s13 =	simm.s32 $0x2B30;
	[sflag:s29] =	ssyncadd.s32 $0xFFFFF800  }
0x17d: {  	s0 =	simm.s32 $0x5A30;
	v3 =	vld [tilespmem:s13+$0x0]  }
0x17e: {  	v4 =	vld [tilespmem:s0+$0x0];
	_ =	sdelay $0x3  }
0x17f: {  	v5 =	vld [tilespmem:s13+$0xFFFFFF60]  }
0x180: {  	v7 =	vld [tilespmem:s0+$0xFFFFFFE0];
	v3 =	vperm.xlane v3, v1;
	v6 =	vperm.xlane v4, v1;
	_ =	sdelay $0x1  }
0x181: {  	v8 =	vld [tilespmem:s13+$0xFFFFFFB0];
	v3 =	vadd.f32 v6, v3  }
0x182: {  	v10 =	vld [tilespmem:s0+$0xFFFFFFF0]  }
0x183: {  	v4 =	vperm.xlane v4, v2;
	v9 =	vmul.f32 $2.000000030e-01, v3  }
0x184: {  	v5 =	vperm.xlane v5, v1;
	v11 =	vperm.xlane v7, v1  }
0x185: {  	v6 =	vld [tilespmem:s0+$0xFFFFFFD0];
	v3 =	vmax.f32 v3, v9  }
0x186: {  	v5 =	vadd.f32 v11, v5;
	v9 =	vld [tilespmem:s13+$0xFFFFFF10];
	v3 =	vsub.f32 v3, v4  }
0x187: {  	v8 =	vperm.xlane v8, v1;
	v12 =	vperm.xlane v10, v1  }
0x188: {  	v11 =	vmul.f32 $2.000000030e-01, v5;
	v3 =	vmul.f32 $1.442695020e+00, v3  }
0x189: {  	v7 =	vperm.xlane v7, v2  }
0x18a: {  	v8 =	vadd.f32 v12, v8;
	v5 =	vmax.f32 v5, v11;
	(erf) = vpow2.f32 v3  }
0x18b: {  	v4 =	vperm.xlane v6, v1;
	v5 =	vsub.f32 v5, v7;
	v3 =	vperm.xlane v9, v1;
	_ =	sdelay $0x1  }
0x18c: {  	v5 =	vmul.f32 $1.442695020e+00, v5;
	v3 =	vadd.f32 v4, v3;
	v4 =	vmul.f32 $2.000000030e-01, v8  }
0x18d: {  	s4 =	simm.s32 $0x5A70;
	v7 =	vperm.xlane v10, v2  }
0x18e: {  	s24 =	simm.s32 $0x2C70;
	(erf) = vpow2.f32 v5;
	v5 =	vld [tilespmem:s4+$0x0];
	v9 =	vmul.f32 $2.000000030e-01, v3;
	v4 =	vmax.f32 v8, v4  }
0x18f: {  	v6 =	vperm.xlane v6, v2;
	v8 =	vld [tilespmem:s24+$0x0];
	v4 =	vsub.f32 v4, v7  }
0x190: {  	v3 =	vmax.f32 v3, v9  }
0x191: {  	v3 =	vsub.f32 v3, v6;
	v4 =	vmul.f32 $1.442695020e+00, v4  }
0x192: {  	v11 =	vpop (erf)  }
0x193: {  	s0 =	simm.s32 $0x8B30;
	v9 =	vld [tilespmem:s4+$0xFFFFFFE0];
	v3 =	vmul.f32 $1.442695020e+00, v3;
	(erf) = vpow2.f32 v4;
	v7 =	vnsel vm0, $0x0, v11  }
0x194: {  	v4 =	vld [tilespmem:s24+$0xFFFFFF60];
	[tilespmem:s0+$0xFFFFFFC0] =	vst v7;
	v7 =	vperm.xlane v8, v1;
	v8 =	vperm.xlane v5, v1  }
0x195: {  	(erf) = vpow2.f32 v3;
	v3 =	vld [tilespmem:s24+$0xFFFFFFB0]  }
0x196: {  	v12 =	vld [tilespmem:s13+$0xFFFFFFC0];
	v7 =	vadd.f32 v8, v7  }
0x197: {  	v8 =	vld [tilespmem:s4+$0xFFFFFFF0]  }
0x198: {  	v15 =	vld [tilespmem:s24+$0xFFFFFF10];
	v13 =	vmul.f32 $2.000000030e-01, v7  }
0x199: {  	v6 =	vld [tilespmem:s4+$0xFFFFFFD0];
	v5 =	vperm.xlane v5, v2  }
0x19a: {  	v10 =	vpop (erf);
	v16 =	vperm.xlane v9, v1;
	v4 =	vperm.xlane v4, v1;
	v7 =	vmax.f32 v7, v13  }
0x19b: {  	v14 =	vnsel vm0, $0x0, v10;
	v12 =	vmul.f32 v11, v12;
	v5 =	vsub.f32 v7, v5  }
0x19c: {  	[tilespmem:s0+$0xFFFFFF20] =	vst v14;
	v4 =	vadd.f32 v16, v4;
	v3 =	vperm.xlane v3, v1;
	v14 =	vperm.xlane v8, v1;
	v13 =	vpop (erf)  }
0x19d: {  	v15 =	vperm.xlane v15, v1;
	[tilespmem:s0+$0xFFFFFFD0] =	vst v12;
	v5 =	vmul.f32 $1.442695020e+00, v5;
	v16 =	vnsel vm0, $0x0, v13  }
0x19e: {  	v17 =	vperm.xlane v6, v1;
	v12 =	vmul.f32 $2.000000030e-01, v4;
	v14 =	vadd.f32 v14, v3;
	[tilespmem:s0+$0xFFFFFF70] =	vst v16;
	v16 =	vld [tilespmem:s13+$0xFFFFFFD0]  }
0x19f: {  	v9 =	vperm.xlane v9, v2;
	(erf) = vpow2.f32 v5  }
0x1a0: {  	v7 =	vld [tilespmem:s13+$0xFFFFFF20];
	v3 =	vpop (erf);
	v4 =	vmax.f32 v4, v12;
	v12 =	vadd.f32 v17, v15;
	v19 =	vmul.f32 $2.000000030e-01, v14  }
0x1a1: {  	v8 =	vperm.xlane v8, v2;
	v5 =	vnsel vm0, $0x0, v3  }
0x1a2: {  	s18 =	simm.s32 $0x5AB0;
	v18 =	vld [tilespmem:s13+$0xFFFFFF70];
	v4 =	vsub.f32 v4, v9;
	[tilespmem:s0+$0xFFFFFED0] =	vst v5;
	v5 =	vmax.f32 v14, v19;
	v14 =	vmul.f32 $2.000000030e-01, v12  }
0x1a3: {  	s8 =	simm.s32 $0x2DB0;
	v20 =	vld [tilespmem:s18+$0xFFFFFFF0];
	v5 =	vsub.f32 v5, v8;
	v8 =	vmul.f32 v11, v16  }
0x1a4: {  	v4 =	vmul.f32 $1.442695020e+00, v4;
	v12 =	vmax.f32 v12, v14;
	v14 =	vld [tilespmem:s8+$0x0]  }
0x1a5: {  	v6 =	vperm.xlane v6, v2;
	v7 =	vmul.f32 v10, v7;
	[tilespmem:s0+$0xFFFFFFE0] =	vst v8;
	v8 =	vld [tilespmem:s18+$0x0]  }
0x1a6: {  	v22 =	vld [tilespmem:s8+$0xFFFFFF10];
	(erf) = vpow2.f32 v4;
	v5 =	vmul.f32 $1.442695020e+00, v5  }
0x1a7: {  	v17 =	vld [tilespmem:s18+$0xFFFFFFE0];
	[tilespmem:s0+$0xFFFFFF30] =	vst v7;
	v15 =	vmul.f32 v13, v18;
	v4 =	vsub.f32 v12, v6  }
0x1a8: {  	v7 =	vld [tilespmem:s13+$0xFFFFFF30];
	(erf) = vpow2.f32 v5;
	v12 =	vpop (erf)  }
0x1a9: {  	s9 =	simm.s32 $0x8C70;
	[tilespmem:s0+$0xFFFFFF80] =	vst v15;
	v6 =	vld [tilespmem:s13+$0xFFFFFFE0];
	v4 =	vmul.f32 $1.442695020e+00, v4;
	v16 =	vnsel vm0, $0x0, v12  }
0x1aa: {  	v15 =	vld [tilespmem:s8+$0xFFFFFF60];
	v14 =	vperm.xlane v14, v1;
	[tilespmem:s9+$0xFFFFFFC0] =	vst v16;
	v16 =	vperm.xlane v8, v1  }
0x1ab: {  	v5 =	vld [tilespmem:s13+$0xFFFFFF80]  }
0x1ac: {  	v22 =	vperm.xlane v22, v1;
	(erf) = vpow2.f32 v4;
	v4 =	vld [tilespmem:s24+$0xFFFFFFC0];
	v14 =	vadd.f32 v16, v14  }
0x1ad: {  	v23 =	vperm.xlane v17, v1;
	v18 =	vld [tilespmem:s8+$0xFFFFFFB0];
	v7 =	vmul.f32 v10, v7  }
0x1ae: {  	v19 =	vmul.f32 v6, v11;
	v16 =	vld [tilespmem:s18+$0xFFFFFFD0];
	v24 =	vmul.f32 $2.000000030e-01, v14  }
0x1af: {  	s10 =	simm.s32 $0x2EF0;
	v9 =	vld [tilespmem:s13+$0xFFFFFED0];
	v8 =	vperm.xlane v8, v2;
	[tilespmem:s0+$0xFFFFFF40] =	vst v7;
	v15 =	vperm.xlane v15, v1;
	v6 =	vpop (erf)  }
0x1b0: {  	s25 =	simm.s32 $0x5AF0;
	v28 =	vld [tilespmem:s10+$0xFFFFFFB0];
	v21 =	vmul.f32 v13, v5;
	v25 =	vnsel vm0, $0x0, v6;
	[tilespmem:s0+$0xFFFFFFF0] =	vst v19;
	v14 =	vmax.f32 v14, v24  }
0x1b1: {  	v30 =	vld [tilespmem:s25+$0xFFFFFFF0];
	v23 =	vadd.f32 v23, v15;
	[tilespmem:s9+$0xFFFFFF20] =	vst v25;
	v5 =	vpop (erf);
	v4 =	vmul.f32 v12, v4;
	v8 =	vsub.f32 v14, v8  }
0x1b2: {  	v15 =	vperm.xlane v18, v1;
	v18 =	vperm.xlane v20, v1;
	[tilespmem:s0+$0xFFFFFF90] =	vst v21;
	v21 =	vld [tilespmem:s13+$0xFFFFFF40];
	v25 =	vnsel vm0, $0x0, v5  }
0x1b3: {  	v24 =	vld [tilespmem:s24+$0xFFFFFF20];
	v14 =	vperm.xlane v16, v1;
	[tilespmem:s9+$0xFFFFFF70] =	vst v25;
	v8 =	vmul.f32 $1.442695020e+00, v8  }
0x1b4: {  	v9 =	vmul.f32 v3, v9;
	v18 =	vadd.f32 v18, v15;
	[tilespmem:s9+$0xFFFFFFD0] =	vst v4;
	v19 =	vld [tilespmem:s24+$0xFFFFFF70]  }
0x1b5: {  	v25 =	vmul.f32 $2.000000030e-01, v23;
	v26 =	vld [tilespmem:s24+$0xFFFFFFD0];
	v14 =	vadd.f32 v14, v22;
	v4 =	vpop (erf);
	(erf) = vpow2.f32 v8  }
0x1b6: {  	[tilespmem:s0+$0xFFFFFEE0] =	vst v9;
	v9 =	vperm.xlane v17, v2;
	v7 =	vperm.xlane v20, v2;
	v15 =	vld [tilespmem:s13+$0xFFFFFFF0];
	v17 =	vnsel vm0, $0x0, v4  }
0x1b7: {  	v23 =	vmax.f32 v23, v25;
	v25 =	vld [tilespmem:s13+$0xFFFFFEE0];
	v22 =	vmul.f32 $2.000000030e-01, v14;
	[tilespmem:s9+$0xFFFFFED0] =	vst v17;
	v17 =	vmul.f32 $2.000000030e-01, v18  }
0x1b8: {  	v16 =	vperm.xlane v16, v2;
	v9 =	vsub.f32 v23, v9;
	v23 =	vld [tilespmem:s13+$0xFFFFFF90];
	v20 =	vmul.f32 v6, v24  }
0x1b9: {  	v24 =	vld [tilespmem:s25+$0xFFFFFFE0];
	v19 =	vmul.f32 v5, v19;
	v14 =	vmax.f32 v14, v22;
	v17 =	vmax.f32 v18, v17  }
0x1ba: {  	v8 =	vld [tilespmem:s24+$0xFFFFFED0];
	v18 =	vmul.f32 v12, v26;
	v14 =	vsub.f32 v14, v16;
	v7 =	vsub.f32 v17, v7  }
0x1bb: {  	v9 =	vmul.f32 $1.442695020e+00, v9;
	[tilespmem:s9+$0xFFFFFF80] =	vst v19;
	v19 =	vld [tilespmem:s25+$0x0]  }
0x1bc: {  	v28 =	vperm.xlane v28, v1;
	[tilespmem:s9+$0xFFFFFFE0] =	vst v18;
	v18 =	vld [tilespmem:s10+$0x0];
	v7 =	vmul.f32 $1.442695020e+00, v7  }
0x1bd: {  	v50 =	vperm.xlane v30, v2;
	(erf) = vpow2.f32 v9;
	v9 =	vld [tilespmem:s24+$0xFFFFFFE0]  }
0x1be: {  	[tilespmem:s9+$0xFFFFFF30] =	vst v20;
	v20 =	vld [tilespmem:s25+$0xFFFFFFD0];
	(erf) = vpow2.f32 v7;
	v7 =	vmul.f32 $1.442695020e+00, v14;
	v14 =	vpop (erf)  }
0x1bf: {  	s11 =	simm.s32 $0x8DB0;
	v21 =	vmul.f32 v21, v10;
	v11 =	vmul.f32 v15, v11;
	v16 =	vld [tilespmem:s24+$0xFFFFFF80];
	v22 =	vnsel vm0, $0x0, v14  }
0x1c0: {  	v26 =	vperm.xlane v19, v1;
	(erf) = vpow2.f32 v7;
	v7 =	vld [tilespmem:s10+$0xFFFFFF60];
	[tilespmem:s11+$0xFFFFFFC0] =	vst v22  }
0x1c1: {  	v18 =	vperm.xlane v18, v1;
	v22 =	vmul.f32 v3, v25;
	v25 =	vld [tilespmem:s8+$0xFFFFFFC0]  }
0x1c2: {  	v17 =	vld [tilespmem:s24+$0xFFFFFF30];
	v23 =	vmul.f32 v23, v13;
	v9 =	vmul.f32 v9, v12  }
0x1c3: {  	v46 =	vld [tilespmem:s10+$0xFFFFFF10];
	[tilespmem:s0+$0xFFFFFF50] =	vst v21;
	v31 =	vperm.xlane v24, v1;
	v8 =	vmul.f32 v4, v8;
	v18 =	vadd.f32 v26, v18  }
0x1c4: {  	s14 =	simm.s32 $0x3030;
	[tilespmem:s0+$0xFFFFFFA0] =	vst v23;
	v34 =	vperm.xlane v20, v1;
	v16 =	vmul.f32 v5, v16  }
0x1c5: {  	v53 =	vld [tilespmem:s14+$0xFFFFFF60];
	[tilespmem:s9+$0xFFFFFEE0] =	vst v8;
	v32 =	vmul.f32 $2.000000030e-01, v18;
	v26 =	vperm.xlane v7, v1  }
0x1c6: {  	v23 =	vld [tilespmem:s13+$0xFFFFFF50];
	v19 =	vperm.xlane v19, v2;
	[tilespmem:s9+$0xFFFFFFF0] =	vst v9;
	v9 =	vpop (erf);
	v25 =	vmul.f32 v14, v25  }
0x1c7: {  	v17 =	vmul.f32 v6, v17;
	[tilespmem:s9+$0xFFFFFF90] =	vst v16;
	v27 =	vld [tilespmem:s24+$0xFFFFFFF0];
	v18 =	vmax.f32 v18, v32;
	v7 =	vpop (erf);
	v26 =	vadd.f32 v31, v26  }
0x1c8: {  	v35 =	vld [tilespmem:s24+$0xFFFFFEE0];
	v16 =	vperm.xlane v46, v1;
	v18 =	vsub.f32 v18, v19;
	v8 =	vnsel vm0, $0x0, v7;
	[tilespmem:s11+$0xFFFFFFD0] =	vst v25  }
0x1c9: {  	[tilespmem:s11+$0xFFFFFF70] =	vst v8;
	v25 =	vperm.xlane v30, v1;
	v48 =	vmul.f32 $2.000000030e-01, v26;
	v19 =	vld [tilespmem:s8+$0xFFFFFFD0]  }
0x1ca: {  	v24 =	vperm.xlane v24, v2;
	[tilespmem:s9+$0xFFFFFF40] =	vst v17;
	v16 =	vadd.f32 v34, v16;
	v18 =	vmul.f32 $1.442695020e+00, v18;
	v47 =	vld [tilespmem:s8+$0xFFFFFF70]  }
0x1cb: {  	v51 =	vld [tilespmem:s24+$0xFFFFFF40];
	v29 =	vnsel vm0, $0x0, v9;
	v17 =	vadd.f32 v25, v28;
	v26 =	vmax.f32 v26, v48  }
0x1cc: {  	v52 =	vld [tilespmem:s24+$0xFFFFFF90];
	[tilespmem:s11+$0xFFFFFF20] =	vst v29;
	v15 =	vmul.f32 v27, v12;
	v8 =	vpop (erf);
	(erf) = vpow2.f32 v18;
	v21 =	vsub.f32 v26, v24  }
0x1cd: {  	s17 =	simm.s32 $0x5B30;
	[tilespmem:s0+$0xFFFFFEF0] =	vst v22;
	v33 =	vld [tilespmem:s8+$0xFFFFFF20];
	v22 =	vnsel vm0, $0x0, v8;
	v26 =	vmul.f32 $2.000000030e-01, v16;
	v18 =	vmul.f32 $2.000000030e-01, v17  }
0x1ce: {  	v27 =	vld [tilespmem:s17+$0xFFFFFFD0];
	[tilespmem:s11+$0xFFFFFED0] =	vst v22;
	v21 =	vmul.f32 $1.442695020e+00, v21;
	v19 =	vmul.f32 v14, v19  }
0x1cf: {  	v20 =	vperm.xlane v20, v2;
	v25 =	vld [tilespmem:s8+$0xFFFFFED0];
	v17 =	vmax.f32 v17, v18;
	v18 =	vmul.f32 v7, v47  }
0x1d0: {  	v22 =	vld [tilespmem:s13+$0xFFFFFEF0];
	v16 =	vmax.f32 v16, v26;
	v17 =	vsub.f32 v17, v50;
	(erf) = vpow2.f32 v21;
	[tilespmem:s11+$0xFFFFFFE0] =	vst v19  }
0x1d1: {  	v12 =	vsub.f32 v16, v20;
	[tilespmem:s11+$0xFFFFFF80] =	vst v18;
	v18 =	vld [tilespmem:s8+$0xFFFFFFE0]  }
0x1d2: {  	v49 =	vmul.f32 v9, v33;
	v16 =	vld [tilespmem:s14+$0x0];
	v17 =	vmul.f32 $1.442695020e+00, v17  }
0x1d3: {  	[tilespmem:s0+$0x0] =	vst v11;
	v19 =	vld [tilespmem:s13+$0xFFFFFFA0];
	v26 =	vmul.f32 $1.442695020e+00, v12  }
0x1d4: {  	[tilespmem:s11+$0xFFFFFF30] =	vst v49;
	v20 =	vmul.f32 v8, v25;
	(erf) = vpow2.f32 v17;
	v17 =	vld [tilespmem:s17+$0x0]  }
0x1d5: {  	[tilespmem:s9+$0x0] =	vst v15;
	v28 =	vmul.f32 v52, v5;
	v24 =	vld [tilespmem:s8+$0xFFFFFF30];
	v11 =	vmul.f32 v22, v3;
	v12 =	vpop (erf)  }
0x1d6: {  	s18 =	simm.s32 $0x8EF0;
	(erf) = vpow2.f32 v26;
	v15 =	vnsel vm0, $0x0, v12;
	v26 =	vld [tilespmem:s17+$0xFFFFFFE0];
	[tilespmem:s11+$0xFFFFFEE0] =	vst v20;
	v18 =	vmul.f32 v18, v14  }
0x1d7: {  	v21 =	vld [tilespmem:s8+$0xFFFFFF80];
	v22 =	vmul.f32 v51, v6;
	v25 =	vmul.f32 v4, v35;
	[tilespmem:s18+$0xFFFFFFC0] =	vst v15  }
0x1d8: {  	v16 =	vperm.xlane v16, v1;
	v20 =	vmul.f32 v23, v10;
	v15 =	vld [tilespmem:s10+$0xFFFFFFC0];
	[tilespmem:s11+$0xFFFFFFF0] =	vst v18  }
0x1d9: {  	[tilespmem:s0+$0xFFFFFF00] =	vst v11;
	v19 =	vmul.f32 v19, v13;
	v18 =	vperm.xlane v17, v1;
	v10 =	vpop (erf);
	v13 =	vld [tilespmem:s8+$0xFFFFFFF0]  }
0x1da: {  	v24 =	vmul.f32 v9, v24;
	[tilespmem:s9+$0xFFFFFEF0] =	vst v25;
	v23 =	vperm.xlane v27, v1;
	v25 =	vld [tilespmem:s14+$0xFFFFFFB0];
	v11 =	vnsel vm0, $0x0, v10  }
0x1db: {  	v54 =	vld [tilespmem:s17+$0xFFFFFFF0];
	v55 =	vperm.xlane v26, v1;
	v16 =	vadd.f32 v18, v16;
	v18 =	vperm.xlane v53, v1  }
0x1dc: {  	v56 =	vld [tilespmem:s14+$0xFFFFFF10];
	[tilespmem:s9+$0xFFFFFF50] =	vst v22;
	v27 =	vperm.xlane v27, v2;
	v21 =	vmul.f32 v7, v21  }
0x1dd: {  	v59 =	vld [tilespmem:s8+$0xFFFFFEE0];
	v17 =	vperm.xlane v17, v2;
	[tilespmem:s18+$0xFFFFFF20] =	vst v11;
	v11 =	vpop (erf);
	v57 =	vmul.f32 $2.000000030e-01, v16;
	v18 =	vadd.f32 v55, v18  }
0x1de: {  	[tilespmem:s11+$0xFFFFFF40] =	vst v24;
	v24 =	vld [tilespmem:s10+$0xFFFFFF20];
	v15 =	vmul.f32 v12, v15;
	v58 =	vnsel vm0, $0x0, v11;
	v60 =	vmul.f32 v13, v14  }
0x1df: {  	v62 =	vld [tilespmem:s24+$0xFFFFFEF0];
	[tilespmem:s18+$0xFFFFFF70] =	vst v58;
	v13 =	vpop (erf);
	v14 =	vperm.xlane v25, v1;
	v16 =	vmax.f32 v16, v57;
	v25 =	vmul.f32 $2.000000030e-01, v18  }
0x1e0: {  	[tilespmem:s18+$0xFFFFFFD0] =	vst v15;
	v15 =	vperm.xlane v54, v1;
	v22 =	vld [tilespmem:s10+$0xFFFFFF70];
	v61 =	vnsel vm0, $0x0, v13;
	v16 =	vsub.f32 v16, v17  }
0x1e1: {  	[tilespmem:s11+$0xFFFFFF90] =	vst v21;
	v17 =	vperm.xlane v26, v2;
	v26 =	vperm.xlane v56, v1;
	v18 =	vmax.f32 v18, v25;
	v25 =	vld [tilespmem:s10+$0xFFFFFFD0]  }
0x1e2: {  	v21 =	vperm.xlane v54, v2;
	[tilespmem:s18+$0xFFFFFED0] =	vst v61;
	v63 =	vadd.f32 v15, v14;
	v15 =	vld [tilespmem:s8+$0xFFFFFF90];
	v14 =	vmul.f32 $1.442695020e+00, v16  }
0x1e3: {  	[tilespmem:s9+$0xFFFFFFA0] =	vst v28;
	v16 =	vld [tilespmem:s10+$0xFFFFFED0];
	v23 =	vadd.f32 v23, v26;
	v17 =	vsub.f32 v18, v17;
	v18 =	vmul.f32 v10, v24  }
0x1e4: {  	[tilespmem:s0+$0xFFFFFF60] =	vst v20;
	v26 =	vld [tilespmem:s8+$0xFFFFFF40];
	v20 =	vmul.f32 $2.000000030e-01, v63;
	(erf) = vpow2.f32 v14  }
0x1e5: {  	v24 =	vmul.f32 $2.000000030e-01, v23;
	v17 =	vmul.f32 $1.442695020e+00, v17;
	[tilespmem:s18+$0xFFFFFF30] =	vst v18;
	v14 =	vld [tilespmem:s13+$0xFFFFFF00]  }
0x1e6: {  	[tilespmem:s0+$0xFFFFFFB0] =	vst v19;
	v20 =	vmax.f32 v63, v20;
	v18 =	vld [tilespmem:s10+$0xFFFFFF30];
	v22 =	vmul.f32 v11, v22;
	v25 =	vmul.f32 v12, v25  }
0x1e7: {  	[tilespmem:s11+$0x0] =	vst v60;
	v19 =	vmax.f32 v23, v24;
	v20 =	vsub.f32 v20, v21;
	(erf) = vpow2.f32 v17;
	v17 =	vld [tilespmem:s24+$0xFFFFFF50]  }
0x1e8: {  	v21 =	vmul.f32 v8, v59;
	v19 =	vsub.f32 v19, v27;
	v27 =	vmul.f32 v13, v16;
	v16 =	vld [tilespmem:s24+$0xFFFFFFA0];
	[tilespmem:s18+$0xFFFFFFE0] =	vst v25  }
0x1e9: {  	v23 =	vmul.f32 v62, v4;
	[tilespmem:s18+$0xFFFFFF80] =	vst v22;
	v24 =	vmul.f32 $1.442695020e+00, v20;
	v20 =	vld [tilespmem:s10+$0xFFFFFFE0]  }
0x1ea: {  	s7 =	simm.s32 $0x10;
	s4 =	simm.s32 $0x3170;
	s13 =	simm.s32 $0x8EF0;
	v22 =	vmul.f32 v26, v9;
	v25 =	vmul.f32 $1.442695020e+00, v19;
	[tilespmem:s18+$0xFFFFFEE0] =	vst v27;
	v19 =	vld [tilespmem:s10+$0xFFFFFF80]  }
.LBB2_10:
0x1eb: {  	v26 =	vld [tilespmem:s4+$0x0];
	s17 =	sadd.s32 $0x40, s17;
	(erf) = vpow2.f32 v24;
	v18 =	vmul.f32 v10, v18;
	[tilespmem:s11+$0xFFFFFEF0] =	vst v21  }
0x1ec: {  	v15 =	vmul.f32 v15, v7;
	v21 =	vld [tilespmem:s17+$0x0];
	(erf) = vpow2.f32 v25;
	[tilespmem:s9+$0xFFFFFF00] =	vst v23  }
0x1ed: {  	s7 =	sadd.s32 $0x4, s7;
	v14 =	vmul.f32 v14, v3;
	v17 =	vmul.f32 v17, v6;
	v6 =	vmov v9;
	v23 =	vld [tilespmem:s17+$0xFFFFFFD0];
	v24 =	vpop (erf);
	[tilespmem:s18+$0xFFFFFF40] =	vst v18  }
0x1ee: {  	p0 =	slt.u32 s7, $0x7C;
	v9 =	vmovc v10;
	s18 =	sadd.s32 $0x140, s18;
	v16 =	vmul.f32 v16, v5;
	v18 =	vld [tilespmem:s4+$0xFFFFFF60];
	v25 =	vnsel vm0, $0x0, v24;
	v20 =	vmul.f32 v20, v12;
	[tilespmem:s11+$0xFFFFFF50] =	vst v22  }
0x1ef: {  	v3 =	vmovc v4;
	v4 =	vmovc v8;
	v5 =	vmov v7;
	v7 =	vmov v11;
	v22 =	vld [tilespmem:s17+$0xFFFFFFE0];
	[tilespmem:s18+$0xFFFFFFC0] =	vst v25;
	v19 =	vmul.f32 v11, v19  }
0x1f0: {  	v8 =	vmov v13;
	v25 =	vld [tilespmem:s14+$0xFFFFFFC0];
	v10 =	vpop (erf);
	[tilespmem:s13+$0xFFFFFFF0] =	vst v20  }
0x1f1: {  	v30 =	vperm.xlane v26, v1;
	v13 =	vperm.xlane v21, v1;
	v20 =	vnsel vm0, $0x0, v10;
	[tilespmem:s13+$0xFFFFFF90] =	vst v19;
	v19 =	vld [tilespmem:s10+$0xFFFFFFF0]  }
0x1f2: {  	v26 =	vperm.xlane v23, v1;
	v23 =	vperm.xlane v23, v2;
	v27 =	vld [tilespmem:s4+$0xFFFFFFB0];
	[tilespmem:s18+$0xFFFFFF20] =	vst v20  }
0x1f3: {  	v18 =	vperm.xlane v18, v1;
	v20 =	vld [tilespmem:s17+$0xFFFFFFF0];
	v28 =	vadd.f32 v13, v30;
	[tilespmem:s11+$0xFFFFFFA0] =	vst v15  }
0x1f4: {  	v15 =	vld [tilespmem:s4+$0xFFFFFF10];
	v29 =	vperm.xlane v22, v1;
	v22 =	vperm.xlane v22, v2;
	v11 =	vpop (erf);
	[tilespmem:s0+$0xFFFFFF10] =	vst v14;
	s0 =	smov.u32 s9;
	s9 =	smov.u32 s11;
	s11 =	smov.u32 s13  }
0x1f5: {  	s13 =	smov.u32 s18;
	v14 =	vmul.f32 $2.000000030e-01, v28;
	v30 =	vld [tilespmem:s14+$0xFFFFFF20];
	v31 =	vnsel vm0, $0x0, v11;
	v25 =	vmul.f32 v24, v25;
	v13 =	vpop (erf);
	[tilespmem:s0+$0xFFFFFF60] =	vst v17  }
0x1f6: {  	v17 =	vadd.f32 v29, v18;
	v18 =	vperm.xlane v21, v2;
	[tilespmem:s18+$0xFFFFFF70] =	vst v31;
	v21 =	vld [tilespmem:s10+$0xFFFFFEE0];
	v19 =	vmul.f32 v19, v12  }
0x1f7: {  	v12 =	vmovc v24;
	v27 =	vperm.xlane v27, v1;
	v14 =	vmax.f32 v28, v14;
	v28 =	vnsel vm0, $0x0, v13;
	v29 =	vld [tilespmem:s14+$0xFFFFFF70];
	[tilespmem:s18+$0xFFFFFFD0] =	vst v25  }
0x1f8: {  	v24 =	vmul.f32 $2.000000030e-01, v17;
	v25 =	vperm.xlane v20, v1;
	v14 =	vsub.f32 v14, v18;
	[tilespmem:s11+$0x0] =	vst v19;
	v19 =	vld [tilespmem:s8+$0xFFFFFEF0]  }
0x1f9: {  	v20 =	vperm.xlane v20, v2;
	v15 =	vperm.xlane v15, v1;
	[tilespmem:s18+$0xFFFFFED0] =	vst v28;
	v28 =	vld [tilespmem:s14+$0xFFFFFFD0]  }
0x1fa: {  	v17 =	vmax.f32 v17, v24;
	v18 =	vadd.f32 v25, v27;
	v14 =	vmul.f32 $1.442695020e+00, v14;
	v24 =	vld [tilespmem:s14+$0xFFFFFED0];
	[tilespmem:s0+$0xFFFFFFB0] =	vst v16  }
0x1fb: {  	v16 =	vadd.f32 v26, v15;
	v17 =	vsub.f32 v17, v22;
	v22 =	vmul.f32 v10, v30;
	v26 =	vld [tilespmem:s10+$0xFFFFFF40]  }
0x1fc: {  	v25 =	vmul.f32 $2.000000030e-01, v18;
	(erf) = vpow2.f32 v14;
	v15 =	vld [tilespmem:s10+$0xFFFFFF90]  }
0x1fd: {  	v27 =	vmul.f32 $2.000000030e-01, v16;
	v17 =	vmul.f32 $1.442695020e+00, v17;
	[tilespmem:s18+$0xFFFFFF30] =	vst v22;
	v14 =	vld [tilespmem:s24+$0xFFFFFF00];
	s24 =	smov.u32 s8;
	s8 =	smov.u32 s10;
	s10 =	smov.u32 s14  }
.Ltmp8:
0x1fe: {  	s14 =	smov.u32 s4;
	v22 =	vmax.f32 v18, v25;
	v18 =	vld [tilespmem:s10+$0xFFFFFF30];
	v25 =	vmul.f32 v11, v29;
	v28 =	vmul.f32 v12, v28;
	(pc) =	sbr.rel @p0 .LBB2_10-.Ltmp8, $4  }
0x1ff: {  	v16 =	vmax.f32 v16, v27;
	v20 =	vsub.f32 v22, v20;
	(erf) = vpow2.f32 v17;
	v17 =	vld [tilespmem:s24+$0xFFFFFF50]  }
0x200: {  	v21 =	vmul.f32 v8, v21;
	v27 =	vmul.f32 v13, v24;
	v22 =	vsub.f32 v16, v23;
	[tilespmem:s18+$0xFFFFFFE0] =	vst v28;
	v16 =	vld [tilespmem:s24+$0xFFFFFFA0]  }
0x201: {  	v23 =	vmul.f32 v19, v4;
	v24 =	vmul.f32 $1.442695020e+00, v20;
	[tilespmem:s18+$0xFFFFFF80] =	vst v25;
	v20 =	vld [tilespmem:s10+$0xFFFFFFE0]  }
0x202: {  	s4 =	sadd.s32 $0x140, s4;
	v25 =	vmul.f32 $1.442695020e+00, v22;
	[tilespmem:s18+$0xFFFFFEE0] =	vst v27;
	v19 =	vld [tilespmem:s10+$0xFFFFFF80];
	v22 =	vmul.f32 v26, v9  }
0x203: {  	_ =	sdelay $0x1  }
0x204: {  	v26 =	vpop (erf)  }
0x205: {  	s4 =	sadd.s32 $0x140, s18;
	(erf) = vpow2.f32 v24;
	v27 =	vnsel vm0, $0x0, v26  }
0x206: {  	(erf) = vpow2.f32 v25;
	[tilespmem:s4+$0xFFFFFFC0] =	vst v27  }
0x207: {  	v58 =	vld [tilespmem:s14+$0xFFFFFFC0]  }
0x208: {  	[tilespmem:s11+$0xFFFFFEF0] =	vst v21  }
0x209: {  	v18 =	vmul.f32 v10, v18;
	[tilespmem:s9+$0xFFFFFF00] =	vst v23  }
0x20a: {  	v15 =	vmul.f32 v15, v7;
	[tilespmem:s11+$0xFFFFFF50] =	vst v22  }
0x20b: {  	v3 =	vmul.f32 v14, v3;
	[tilespmem:s18+$0xFFFFFF40] =	vst v18  }
0x20c: {  	[tilespmem:s11+$0xFFFFFFA0] =	vst v15;
	v60 =	vmul.f32 v26, v58  }
0x20d: {  	[tilespmem:s0+$0xFFFFFF10] =	vst v3;
	v21 =	vpop (erf)  }
0x20e: {  	v34 =	vld [tilespmem:s10+$0xFFFFFEE0];
	v61 =	vmul.f32 v11, v19;
	v62 =	vnsel vm0, $0x0, v21;
	v19 =	vpop (erf);
	[tilespmem:s4+$0xFFFFFFD0] =	vst v60  }
0x20f: {  	v59 =	vmul.f32 v20, v12;
	[tilespmem:s4+$0xFFFFFF20] =	vst v62;
	v28 =	vnsel vm0, $0x0, v19;
	v29 =	vpop (erf);
	v20 =	vld [tilespmem:s14+$0xFFFFFFD0]  }
0x210: {  	v6 =	vmul.f32 v17, v6;
	v63 =	vld [tilespmem:s14+$0xFFFFFF20];
	[tilespmem:s4+$0xFFFFFF70] =	vst v28;
	v31 =	vnsel vm0, $0x0, v29  }
0x211: {  	v5 =	vmul.f32 v16, v5;
	v32 =	vld [tilespmem:s14+$0xFFFFFF70];
	[tilespmem:s4+$0xFFFFFED0] =	vst v31  }
0x212: {  	[tilespmem:s9+$0xFFFFFF60] =	vst v6;
	v33 =	vld [tilespmem:s14+$0xFFFFFED0]  }
0x213: {  	v37 =	vld [tilespmem:s8+$0xFFFFFEF0];
	[tilespmem:s9+$0xFFFFFFB0] =	vst v5  }
0x214: {  	v44 =	vld [tilespmem:s24+$0xFFFFFF00];
	[tilespmem:s13+$0xFFFFFFF0] =	vst v59;
	v3 =	vmul.f32 v26, v20  }
0x215: {  	v45 =	vld [tilespmem:s8+$0xFFFFFF50];
	[tilespmem:s13+$0xFFFFFF90] =	vst v61;
	v35 =	vmul.f32 v21, v63  }
0x216: {  	v30 =	vld [tilespmem:s10+$0xFFFFFFF0];
	[tilespmem:s4+$0xFFFFFFE0] =	vst v3;
	v3 =	vmul.f32 v19, v32  }
0x217: {  	[tilespmem:s4+$0xFFFFFF30] =	vst v35;
	v15 =	vmul.f32 v29, v33;
	v38 =	vld [tilespmem:s14+$0xFFFFFFE0]  }
0x218: {  	v42 =	vmul.f32 v37, v8;
	v39 =	vld [tilespmem:s14+$0xFFFFFF30];
	[tilespmem:s4+$0xFFFFFF80] =	vst v3  }
0x219: {  	v4 =	vmul.f32 v44, v4;
	[tilespmem:s4+$0xFFFFFEE0] =	vst v15;
	v41 =	vld [tilespmem:s14+$0xFFFFFF80]  }
0x21a: {  	[tilespmem:s11+$0xFFFFFF00] =	vst v42;
	v3 =	vmul.f32 v13, v34;
	v15 =	vld [tilespmem:s14+$0xFFFFFEE0]  }
0x21b: {  	v40 =	vld [tilespmem:s10+$0xFFFFFF40];
	v5 =	vmul.f32 v45, v9;
	[tilespmem:s9+$0xFFFFFF10] =	vst v4  }
0x21c: {  	v51 =	vld [tilespmem:s8+$0xFFFFFFA0];
	[tilespmem:s13+$0xFFFFFEF0] =	vst v3;
	v3 =	vmul.f32 v38, v26  }
0x21d: {  	v43 =	vld [tilespmem:s10+$0xFFFFFF90];
	[tilespmem:s11+$0xFFFFFF60] =	vst v5;
	v36 =	vmul.f32 v30, v12;
	v12 =	vmul.f32 v21, v39  }
0x21e: {  	[tilespmem:s4+$0xFFFFFFF0] =	vst v3;
	v3 =	vmul.f32 v19, v41  }
0x21f: {  	[tilespmem:s4+$0xFFFFFF40] =	vst v12;
	v47 =	vld [tilespmem:s10+$0xFFFFFEF0];
	v15 =	vmul.f32 v29, v15  }
0x220: {  	v16 =	vmul.f32 v40, v10;
	[tilespmem:s4+$0xFFFFFF90] =	vst v3;
	v3 =	vld [tilespmem:s14+$0xFFFFFF40]  }
0x221: {  	v58 =	vmul.f32 v51, v7;
	[tilespmem:s4+$0xFFFFFEF0] =	vst v15;
	v49 =	vld [tilespmem:s14+$0xFFFFFF90]  }
0x222: {  	[tilespmem:s13+$0xFFFFFF50] =	vst v16;
	v48 =	vmul.f32 v43, v11;
	v50 =	vld [tilespmem:s14+$0xFFFFFEF0]  }
0x223: {  	v53 =	vld [tilespmem:s8+$0xFFFFFF00];
	[tilespmem:s11+$0xFFFFFFB0] =	vst v58  }
0x224: {  	v55 =	vld [tilespmem:s10+$0xFFFFFF50];
	[tilespmem:s13+$0xFFFFFFA0] =	vst v48;
	v54 =	vmul.f32 v47, v13  }
0x225: {  	[tilespmem:s13+$0x0] =	vst v36;
	v56 =	vld [tilespmem:s10+$0xFFFFFFA0];
	v3 =	vmul.f32 v3, v21  }
0x226: {  	v46 =	vld [tilespmem:s14+$0xFFFFFFF0];
	[tilespmem:s13+$0xFFFFFF00] =	vst v54;
	v14 =	vmul.f32 v49, v19  }
0x227: {  	v57 =	vmul.f32 v50, v29;
	[tilespmem:s4+$0xFFFFFF50] =	vst v3;
	v3 =	vld [tilespmem:s10+$0xFFFFFF00]  }
0x228: {  	v5 =	vmul.f32 v53, v8;
	[tilespmem:s4+$0xFFFFFFA0] =	vst v14;
	v59 =	vld [tilespmem:s14+$0xFFFFFF50]  }
0x229: {  	v4 =	vmul.f32 v55, v10;
	[tilespmem:s4+$0xFFFFFF00] =	vst v57;
	v60 =	vld [tilespmem:s14+$0xFFFFFFA0]  }
0x22a: {  	[tilespmem:s11+$0xFFFFFF10] =	vst v5;
	v61 =	vmul.f32 v56, v11;
	v6 =	vld [tilespmem:s14+$0xFFFFFF00]  }
0x22b: {  	[tilespmem:s13+$0xFFFFFF60] =	vst v4;
	v52 =	vmul.f32 v46, v26  }
0x22c: {  	[tilespmem:s13+$0xFFFFFFB0] =	vst v61;
	v3 =	vmul.f32 v3, v13  }
0x22d: {  	[tilespmem:s4+$0x0] =	vst v52;
	v62 =	vmul.f32 v59, v21  }
0x22e: {  	v63 =	vmul.f32 v60, v19;
	[tilespmem:s13+$0xFFFFFF10] =	vst v3  }
0x22f: {  	v3 =	vmul.f32 v6, v29;
	[tilespmem:s4+$0xFFFFFF60] =	vst v62  }
0x230: {  	[tilespmem:s4+$0xFFFFFFB0] =	vst v63  }
.Ltmp9:
0x231: {  	[tilespmem:s4+$0xFFFFFF10] =	vst v3;
	(pc) =	sbr.rel .LBB2_12-.Ltmp9, $4  }
0x232: {  	[spmem:s3] =	stream.indirect.scatter.add.f32 [tilespmem:s31], [sflag:$0x3], $0x50, s30, s23, $0xb8;
	[tilespmem:$0x17A00] =	vst v63  }
0x233: {  	_ =	swait.ge [sflag:s21], $0x2800  }
0x234: {  	[sflag:s21] =	ssyncset.done $0x0  }
0x235: {  	[sflag:s21] =	ssyncadd.s32 $0xFFFFD800  }
.LBB2_14:
0x236: {  	_ =	sfence.sel $0x180000  }
0x237: {  	[bflag:$0x0] =	sbarrier.arrive $0xFFFF  }
0x238: {  	_ =	strace $0x9000004A  }
0x239: {  	s0 =	stileid.u32;
	[bflag:$0x2] =	sbarrier.arrive $0xFFFF  }
0x23a: {  	p0 =	sne.s32 s0, $0x0;
	s0 =	rddreg [dreg:$0x3]  }
0x23b: {  	s0 =	sadd.s32 @!p0 $0x100000, s0  }
0x23c: {  	[sflag:s0] =	ssyncadd.tile.s32 @!p0 $0x1;
	_ =	shalt  }
.Lfunc_end2:
_tile_overlayer_lowered:
.L_overlay_start_2:
0x23d: {  	(tag) =	ssettag $0x2  }
0x23e: {  	s0 =	rddreg [dreg:$0x0];
	s2 =	stileid.u32  }
0x23f: {  	s1 =	rddreg [dreg:$0x1];
	p0 =	sne.s32 s2, $0x0  }
0x240: {  	s3 =	rddreg [dreg:$0x2];
	[bflag:$0x3] =	sbarrier.arrive $0xFFFF;
	s2 =	simm.s32 @!p0 $0x1C03  }
0x241: {  	[timem:s3], [sflag:s2] =	dma.local @!p0 [hbm:s0], s1  }
0x242: {  	s0 =	simm.s32 @!p0 $0x3  }
0x243: {  	_ =	swait.ge @!p0 [sflag:s0], s1  }
0x244: {  	s1 =	ssub.s32 @!p0 $0x0, s1;
	[sflag:s0] =	ssyncset.done @!p0 $0x0  }
0x245: {  	[sflag:s0] =	ssyncadd.s32 @!p0 s1  }
0x246: {  	[bflag:$0x3] =	sbarrier.arrive $0xFFFF  }
0x247: {  	_ =	shalt  }

// kernel: kernel.7.cloned.1.call-start
scs
__scs_entry_jumppad:
0x0: {  	(pc) =	sbr.rel $0x88, $3  }
0x1: {  	(tag) =	ssettag $0x0;
	lr =	simm.s32 $0x1  }
0x2: {  	[smem:$0x3F97] =	sst lr;
	_ =	strace $0xD0000000  }
0x3: {  	_ = 	snop  }
0x4: {  	_ = 	snop  }
0x5: {  	_ = 	snop  }
0x6: {  	_ = 	snop  }
0x7: {  	_ = 	snop  }
__scs_overlays_trampoline_lowered:
0x8: {  	[smem:$0x3FA6] =	sst s0  }
0x9: {  	[smem:$0x3FA7] =	sst s1  }
0xa: {  	[smem:$0x3FA8] =	sst s2  }
0xb: {  	[smem:$0x3FA9] =	sst s3  }
0xc: {  	[smem:$0x3FAA] =	sst s4  }
0xd: {  	[smem:$0x3FAB] =	sst s5  }
0xe: {  	[smem:$0x3FAC] =	sst s6  }
0xf: {  	[smem:$0x3FAD] =	sst s7  }
0x10: {  	[smem:$0x3FAE] =	sst s8  }
0x11: {  	[smem:$0x3FAF] =	sst s9;
	s0 =	simm.s32 @!p0 $0x0  }
0x12: {  	s1 =	sld [smem:$0x3F95];
	s0 =	simm.s32 @p0 $0x1  }
0x13: {  	[smem:$0x3FB0] =	sst s0;
	s0 =	simm.s32 @!p1 $0x0  }
0x14: {  	s2 =	sld [smem:$0x3F94];
	s0 =	simm.s32 @p1 $0x1  }
0x15: {  	[smem:$0x3FB1] =	sst s0;
	s0 =	simm.s32 @!p2 $0x0  }
0x16: {  	s3 =	sld [smem:$0x3FDB];
	s0 =	simm.s32 @p2 $0x1  }
0x17: {  	s4 =	simm.s32 $0x1BF5;
	[smem:$0x3FB3] =	sst s0  }
0x18: {  	s0 =	sld [smem:$0x3F96];
	_ =	swait.ge [sflag:s4], $0x0  }
0x19: {  	s7 =	sld [smem:$0x3F97]  }
0x1a: {  	s8 =	sadd.s32 $0xFFFFE003, lr  }
0x1b: {  	s9 =	sadd.s32 $0xFFFFFEF7, lr;
	s5 =	simm.s32 $0xFFFFFFFF;
	p2 =	slt.u32 s8, $0xFFFFF086  }
0x1c: {  	p1 =	slt.u32 s9, $0xF7A;
	s5 =	simm.s32 @!p2 $0x0  }
0x1d: {  	s5 =	simm.s32 @p1 $0x1;
	p0 =	seq.s32 s7, s2  }
0x1e: {  	s7 =	smul.u32 @!p0 $0xF7A, s2;
	p2 =	seq.s32 @!p0 s5, $0x0  }
0x1f: {  	s9 =	smul.u32 $0xF7A, s1;
	s8 =	simm.s32 @!p0 $0x1BF5;
	p2 =	por !p2, p0  }
0x20: {  	[sflag:s8] =	ssyncset.s32 @!p0 $0xFFFFF086;
	s6 =	sadd.s32 @!p0 s3, s7;
	s7 =	simm.s32 @!p0 $0x108  }
0x21: {  	s3 =	sadd.s32 s3, s9;
	s6 =	sadd.s32 @!p0 $0x88, s6;
	s7 =	simm.s32 @p2 $0x1082  }
0x22: {  	[simem:s7], [sflag:s8] =	dma.local @!p0 [hbm:s6], $0xF7A  }
0x23: {  	s9 =	sor.u32 $0xD0000000, s2;
	s6 =	simm.s32 $0x108;
	_ =	swait.ge @!p0 [sflag:s8], $0x0  }
0x24: {  	s3 =	sadd.s32 $0x88, s3;
	s6 =	simm.s32 @!p1 $0x1082;
	[sflag:s4] =	ssyncset.s32 $0xFFFFF086  }
0x25: {  	[simem:s6], [sflag:s4] =	dma.local [hbm:s3], $0xF7A  }
0x26: {  	[smem:$0x3F97] =	sst s1;
	(tag) =	ssettag s2;
	_ =	strace s9  }
0x27: {  	s1 =	sld [smem:$0x3FA7]  }
0x28: {  	s2 =	sld [smem:$0x3FA8]  }
0x29: {  	s4 =	sld [smem:$0x3FAA]  }
0x2a: {  	p0 =	seq.s32 s5, $0x0;
	s5 =	sld [smem:$0x3FAB]  }
0x2b: {  	s6 =	sld [smem:$0x3FAC]  }
0x2c: {  	s7 =	sld [smem:$0x3FAD]  }
0x2d: {  	s3 =	simm.s32 $0x108;
	s8 =	sld [smem:$0x3FAE]  }
0x2e: {  	s3 =	simm.s32 @!p0 $0x1082;
	s9 =	sld [smem:$0x3FAF]  }
0x2f: {  	lr =	sadd.s32 s0, s3;
	s0 =	sld [smem:$0x3FA6]  }
0x30: {  	s3 =	sld [smem:$0x3FA9]  }
0x31: {  	[smem:$0x3FB2] =	sst s10  }
0x32: {  	s10 =	sld [smem:$0x3FB0];
	_ =	sdelay $0x3  }
0x33: {  	p0 =	seq.s32 s10, $0x1;
	s10 =	sld [smem:$0x3FB2];
	_ =	sdelay $0x3  }
0x34: {  	[smem:$0x3FB2] =	sst s10  }
0x35: {  	s10 =	sld [smem:$0x3FB1];
	_ =	sdelay $0x3  }
0x36: {  	p1 =	seq.s32 s10, $0x1;
	s10 =	sld [smem:$0x3FB2];
	_ =	sdelay $0x3  }
0x37: {  	[smem:$0x3FB2] =	sst s10  }
0x38: {  	s10 =	sld [smem:$0x3FB3]  }
0x39: {  	_ = 	snop;
	(pc) =	sbr.ind lr, $3  }
0x3a: {  	_ = 	snop  }
0x3b: {  	_ = 	snop  }
0x3c: {  	p2 =	seq.s32 s10, $0x1;
	s10 =	sld [smem:$0x3FB2]  }
0x3d: {  	_ =	shalt  }
0x3e: {  	_ =	shalt  }
0x3f: {  	_ =	shalt  }
0x40: {  	_ =	shalt  }
0x41: {  	_ =	shalt  }
0x42: {  	_ =	shalt  }
0x43: {  	_ =	shalt  }
0x44: {  	_ =	shalt  }
0x45: {  	_ =	shalt  }
0x46: {  	_ =	shalt  }
0x47: {  	_ =	shalt  }
0x48: {  	_ =	shalt  }
0x49: {  	_ =	shalt  }
0x4a: {  	_ =	shalt  }
0x4b: {  	_ =	shalt  }
0x4c: {  	_ =	shalt  }
0x4d: {  	_ =	shalt  }
0x4e: {  	_ =	shalt  }
0x4f: {  	_ =	shalt  }
0x50: {  	_ =	shalt  }
0x51: {  	_ =	shalt  }
0x52: {  	_ =	shalt  }
0x53: {  	_ =	shalt  }
0x54: {  	_ =	shalt  }
0x55: {  	_ =	shalt  }
0x56: {  	_ =	shalt  }
0x57: {  	_ =	shalt  }
0x58: {  	_ =	shalt  }
0x59: {  	_ =	shalt  }
0x5a: {  	_ =	shalt  }
0x5b: {  	_ =	shalt  }
0x5c: {  	_ =	shalt  }
0x5d: {  	_ =	shalt  }
0x5e: {  	_ =	shalt  }
0x5f: {  	_ =	shalt  }
0x60: {  	_ =	shalt  }
0x61: {  	_ =	shalt  }
0x62: {  	_ =	shalt  }
0x63: {  	_ =	shalt  }
0x64: {  	_ =	shalt  }
0x65: {  	_ =	shalt  }
0x66: {  	_ =	shalt  }
0x67: {  	_ =	shalt  }
0x68: {  	_ =	shalt  }
0x69: {  	_ =	shalt  }
0x6a: {  	_ =	shalt  }
0x6b: {  	_ =	shalt  }
0x6c: {  	_ =	shalt  }
0x6d: {  	_ =	shalt  }
0x6e: {  	_ =	shalt  }
0x6f: {  	_ =	shalt  }
0x70: {  	_ =	shalt  }
0x71: {  	_ =	shalt  }
0x72: {  	_ =	shalt  }
0x73: {  	_ =	shalt  }
0x74: {  	_ =	shalt  }
0x75: {  	_ =	shalt  }
0x76: {  	_ =	shalt  }
0x77: {  	_ =	shalt  }
0x78: {  	_ =	shalt  }
0x79: {  	_ =	shalt  }
0x7a: {  	_ =	shalt  }
0x7b: {  	_ =	shalt  }
0x7c: {  	_ =	shalt  }
0x7d: {  	_ =	shalt  }
0x7e: {  	_ =	shalt  }
0x7f: {  	_ =	shalt  }
0x80: {  	_ =	shalt  }
0x81: {  	_ =	shalt  }
0x82: {  	_ =	shalt  }
0x83: {  	_ =	shalt  }
0x84: {  	_ =	shalt  }
0x85: {  	_ =	shalt  }
0x86: {  	_ =	shalt  }
0x87: {  	_ =	shalt  }
.Lfunc_end0:
.L_simem_size_0:
called_computation_lowered:
.L_overlay_start_0:
0x88: {  	s2 =	sld [smem:$0x3FD9]  }
0x89: {  	s3 =	sld [smem:$0x3FFE];
	_ =	sdelay $0x1  }
0x8a: {  	s1 =	srdreg.scid  }
0x8b: {  	s0 =	sand.u32 $0x1, s1  }
0x8c: {  	s17 =	sshll.u32 s0, $0xA;
	s2 =	sadd.s32 s3, s2  }
0x8d: {  	s2 =	sadd.s32 s2, s17  }
0x8e: {  	[smem:$0x3FBE] =	sst s2  }
0x8f: {  	_ = 	snop  }
0x90: {  	s2 =	sld [smem:$0x3FD0];
	(tm) =	ssettm $0x1  }
0x91: {  	s18 =	sld [smem:$0x3FFB];
	_ =	sdelay $0x3  }
0x92: {  	_ =	strace s18  }
0x93: {  	s3 =	sld [smem:$0x3FFC];
	_ =	sdelay $0x3  }
0x94: {  	_ =	strace s3  }
0x95: {  	s3 =	sld [smem:$0x3FFD];
	_ =	sdelay $0x3  }
0x96: {  	_ =	strace s3  }
0x97: {  	_ =	strace $0x8FFFFFFF  }
0x98: {  	s19 =	sld [smem:$0x3FDB];
	_ =	sdelay $0x1  }
0x99: {  	s4 =	simm.s32 $_scs_section_size  }
0x9a: {  	s5 =	simm.s32 $_size__tile_overlayer_lowered;
	s6 =	simm.s32 $_tile_overlayer_lowered  }
0x9b: {  	s22 =	simm.s32 $0x1BFF;
	s21 =	sshll.u32 s6, $0x1;
	s3 =	sadd.s32 s4, s19  }
0x9c: {  	s7 =	simm.s32 $0x0;
	s20 =	sshll.u32 s5, $0x1;
	s5 =	sadd.s32 s21, s3  }
0x9d: {  	[timem:s7], [sflag:s22] =	dma.local [hbm:s5], s20  }
0x9e: {  	_ =	swait.ge [sflag:s22], s20  }
0x9f: {  	s4 =	ssub.s32 $0x0, s20;
	[sflag:s22] =	ssyncset.done $0x0  }
0xa0: {  	[sflag:s22] =	ssyncadd.s32 s4;
	_ =	sdelay $0x1  }
0xa1: {  	s23 =	simm.s32 $0x1B8B  }
0xa2: {  	_ =	swait.ge [sflag:s23], $0x1  }
0xa3: {  	[sflag:s23] =	ssyncset.done $0x0  }
0xa4: {  	s25 =	simm.s32 $0x1B8E;
	s24 =	sld [smem:$0x3FFE];
	[sflag:s23] =	ssyncadd.s32 $0xFFFFFFFF  }
0xa5: {  	s26 =	simm.s32 $execute0_lowered;
	[smem:$0x3FD2] =	sst s25  }
0xa6: {  	s5 =	sshll.u32 s26, $0x1;
	_ =	strace $0x80000046;
	[dreg:$0x1] =	wrdreg $0xFFFFFFFF  }
0xa7: {  	s28 =	simm.s32 $_size_execute0_lowered;
	s3 =	sadd.s32 s3, s5;
	[dreg:$0x0] =	wrdreg $0x0  }
0xa8: {  	s5 =	sshll.u32 s28, $0x1;
	[dreg:$0x2] =	wrdreg s3  }
0xa9: {  	[dreg:$0x3] =	wrdreg s5  }
0xaa: {  	[dreg:$0x4] =	wrdreg $0xC0  }
0xab: {  	_ =	task [dreg:s7], $0x5FFFF  }
0xac: {  	[dreg:$0x1] =	wrdreg $0xFFFFFFFF  }
0xad: {  	[dreg:$0x0] =	wrdreg $0x60  }
0xae: {  	[dreg:$0x2] =	wrdreg s2  }
0xaf: {  	[dreg:$0x3] =	wrdreg s24  }
0xb0: {  	[dreg:$0x4] =	wrdreg $0xB2000  }
0xb1: {  	[dreg:$0x5] =	wrdreg $0x9  }
0xb2: {  	_ =	task.clear_ibuf [dreg:s7], $0x6FFFF;
	_ =	strace $0x90000046  }
0xb3: {  	s29 =	simm.s32 $0x9;
	_ =	strace $0x80000048  }
0xb4: {  	_ =	swait.ge [sflag:s29], $0x1  }
0xb5: {  	[sflag:s29] =	ssyncadd.s32 $0xFFFFFFFF  }
0xb6: {  	_ =	strace $0x90000048  }
0xb7: {  	_ =	sfence  }
0xb8: {  	s30 =	sld [smem:$0x0];
	_ =	sdelay $0x2  }
0xb9: {  	s31 =	sshll.u32 s1, $0xD;
	s1 =	sshrl.u32 s1, $0x2  }
0xba: {  	s3 =	sand.u32 $0x4000, s31;
	s1 =	sadd.s32 s1, s30  }
0xbb: {  	s0 =	sor.u32 s3, s0;
	s1 =	sshll.u32 s1, $0x11  }
0xbc: {  	s0 =	sor.u32 s1, s0  }
0xbd: {  	s0 =	sadd.s32 $0x8F2B, s0  }
0xbe: {  	[sflag:s0] =	ssyncadd.remote.s32 $0x1  }
0xbf: {  	_ =	sfence.sel $0xFFFF  }
0xc0: {  	[dreg:$0x0] =	wrdreg $0xFFFFFFFF;
	(pc) =	sbr.abs _section_cstart, $3  }
0xc1: {  	[dreg:$0x1] =	wrdreg $0xFFFFFFFF  }
0xc2: {  	_ =	task.clear_ibuf [dreg:s7], $0x2FFFF;
	_ =	strace $0x9FFFFFFF  }
0xc3: {  	(tm) =	ssettm $0x7FFFFFFF  }
tec
execute0_lowered:
.L_overlay_start_1:
0x0: {  	(tag) =	ssettag $0x1  }
0x1: {  	s1 =	rddreg [dreg:$0x0]  }
0x2: {  	s0 =	rddreg [dreg:$0x1]  }
0x3: {  	s3 =	rddreg [dreg:$0x2];
	s2 =	srdreg.scid  }
0x4: {  	s12 =	stileid.u32;
	s4 =	simm.s32 $0x0;
	s29 =	simm.s32 $0x1  }
0x5: {  	s30 =	simm.s32 $0x4;
	s31 =	simm.s32 $0x2;
	s2 =	sand.u32 $0x1, s2  }
0x6: {  	s8 =	smul.u32 $0xC800, s12;
	[smem:$0x7FF] =	sst s4;
	s5 =	sadd.s32 $0x50200, s0  }
0x7: {  	s6 =	sadd.s32 $0x55200, s0;
	s10 =	smul.u32 $0x32000, s12;
	s21 =	sshll.u32 s12, $0x1  }
0x8: {  	s14 =	sadd.s32 $0x9C40, s1;
	s7 =	smul.u32 $0xC8000, s2;
	_ =	strace $0x80000047  }
0x9: {  	s11 =	ssub.s32 $0x2, s2;
	s2 =	sor.u32 s2, s21;
	s16 =	ssub.s32 $0x9C4, s21  }
0xa: {  	s21 =	simm.s32 $0x2200;
	s20 =	sshrl.u32 s11, $0x1;
	s10 =	sshrl.u32 s10, $0x2  }
0xb: {  	s12 =	sadd.s32 s8, s3;
	s25 =	sshll.u32 s2, $0x4;
	s17 =	sor.u32 $0x40, s2  }
0xc: {  	s9 =	sadd.s32 s8, s7;
	s26 =	sadd.s32 s1, s25;
	[dreg:$0x4] =	wrdreg s12  }
0xd: {  	s10 =	sadd.s32 s10, s3;
	s8 =	sadd.s32 s25, s14;
	[dreg:$0x9] =	wrdreg s26  }
0xe: {  	s7 =	sadd.s32 $0x5A200, s0;
	s22 =	sadd.s32 $0x2800, s10;
	[dreg:$0xa] =	wrdreg s8  }
0xf: {  	s25 =	simm.s32 $0x4A00;
	s23 =	sadd.s32 $0x5000, s10;
	[dreg:$0x5] =	wrdreg s22  }
0x10: {  	s9 =	sshrl.u32 s9, $0x3;
	s24 =	sadd.s32 $0x7800, s10;
	[dreg:$0x6] =	wrdreg s23  }
.Ltmp0:
0x11: {  	s10 =	sadd.s32 $0xA000, s10;
	[dreg:$0x7] =	wrdreg s24;
	(pc) =	sbr.rel .LBB2_1-.Ltmp0, $4  }
0x12: {  	s0 =	sadd.s32 s9, s0;
	s9 =	ssub.s32 s11, s20;
	[dreg:$0x8] =	wrdreg s10  }
0x13: {  	v2 =	vlaneseq.u32;
	s20 =	sor.u32 $0x20, s2;
	s22 =	simm.s32 $0x3;
	s0 =	sadd.s32 $0x6DC00, s0  }
0x14: {  	v0 =	vimm.f32 $0.0e+00;
	v1 =	vor.u32 $0x8, v2;
	v2 =	vshrl.u32 v2, $0x3;
	s23 =	simm.s32 $0x100;
	s28 =	smax.u32 s9, $0x1;
	[dreg:$0xb] =	wrdreg s0  }
0x15: {  	v3 =	vor.u32 $0x2, v2;
	v4 =	vor.u32 $0x4, v2;
	v5 =	vor.u32 $0x6, v2;
	s24 =	simm.s32 $0x80;
	[dreg:$0xc] =	wrdreg s28;
	s0 =	simm.s32 $0x180  }
.LBB2_13:
0x16: {  	s2 =	stileid.u32;
	[bflag:$0x0] =	sbarrier.arrive $0xFFFF  }
0x17: {  	s2 =	sshll.u32 s2, $0x6;
	s12 =	rddreg [dreg:$0x4]  }
0x18: {  	s9 =	rddreg [dreg:$0xb];
	s2 =	sor.u32 $0x1C03, s2;
	s8 =	sshrl.u32 s12, $0x3  }
0x19: {  	[hbm:s9], [sflag:s2] =	dma.local [spmem:s8], $0x1900  }
0x1a: {  	_ =	swait.ge [sflag:s22], $0x1900  }
0x1b: {  	s4 =	sadd.s32 $0x1, s4;
	s28 =	rddreg [dreg:$0xc]  }
0x1c: {  	p0 =	sne.s32 s4, s28  }
.Ltmp1:
0x1d: {  	_ = 	snop;
	(pc) =	sbr.rel @!p0 .LBB2_14-.Ltmp1, $3  }
0x1e: {  	_ =	sdelay $0x1  }
0x1f: {  	[sflag:s22] =	ssyncset.done $0x0  }
0x20: {  	[sflag:s22] =	ssyncadd.s32 $0xFFFFE700  }
.LBB2_1:
0x21: {  	s2 =	simm.s32 $0x2340  }
0x22: {  	[tilespmem:s2+$0xFFFFFEC0] =	vst v0  }
0x23: {  	[tilespmem:s2+$0x130] =	vst v0  }
0x24: {  	[tilespmem:s2+$0x120] =	vst v0  }
0x25: {  	[tilespmem:s2+$0x110] =	vst v0  }
0x26: {  	[tilespmem:s2+$0x100] =	vst v0  }
0x27: {  	[tilespmem:s2+$0xF0] =	vst v0  }
0x28: {  	[tilespmem:s2+$0xE0] =	vst v0  }
0x29: {  	[tilespmem:s2+$0xD0] =	vst v0  }
0x2a: {  	[tilespmem:s2+$0xC0] =	vst v0  }
0x2b: {  	[tilespmem:s2+$0xB0] =	vst v0  }
0x2c: {  	[tilespmem:s2+$0xA0] =	vst v0  }
0x2d: {  	[tilespmem:s2+$0x90] =	vst v0  }
0x2e: {  	[tilespmem:s2+$0x80] =	vst v0  }
0x2f: {  	[tilespmem:s2+$0x70] =	vst v0  }
0x30: {  	[tilespmem:s2+$0x60] =	vst v0  }
0x31: {  	[tilespmem:s2+$0x50] =	vst v0  }
0x32: {  	[tilespmem:s2+$0x40] =	vst v0  }
0x33: {  	[tilespmem:s2+$0x30] =	vst v0  }
0x34: {  	[tilespmem:s2+$0x20] =	vst v0  }
0x35: {  	[tilespmem:s2+$0x10] =	vst v0  }
0x36: {  	[tilespmem:s2+$0x0] =	vst v0  }
0x37: {  	[tilespmem:s2+$0xFFFFFFF0] =	vst v0  }
0x38: {  	[tilespmem:s2+$0xFFFFFFE0] =	vst v0  }
0x39: {  	[tilespmem:s2+$0xFFFFFFD0] =	vst v0  }
0x3a: {  	[tilespmem:s2+$0xFFFFFFC0] =	vst v0  }
0x3b: {  	[tilespmem:s2+$0xFFFFFFB0] =	vst v0  }
0x3c: {  	[tilespmem:s2+$0xFFFFFFA0] =	vst v0  }
0x3d: {  	[tilespmem:s2+$0xFFFFFF90] =	vst v0  }
0x3e: {  	[tilespmem:s2+$0xFFFFFF80] =	vst v0  }
0x3f: {  	[tilespmem:s2+$0xFFFFFF70] =	vst v0  }
0x40: {  	[tilespmem:s2+$0xFFFFFF60] =	vst v0  }
0x41: {  	[tilespmem:s2+$0xFFFFFF50] =	vst v0  }
0x42: {  	[tilespmem:s2+$0xFFFFFF40] =	vst v0  }
0x43: {  	[tilespmem:s2+$0xFFFFFF30] =	vst v0  }
0x44: {  	[tilespmem:s2+$0xFFFFFF20] =	vst v0  }
0x45: {  	[tilespmem:s2+$0xFFFFFF10] =	vst v0  }
0x46: {  	[tilespmem:s2+$0xFFFFFF00] =	vst v0  }
0x47: {  	[tilespmem:s2+$0xFFFFFEF0] =	vst v0  }
0x48: {  	s8 =	simm.s32 $0x0;
	[tilespmem:s2+$0xFFFFFEE0] =	vst v0  }
.LBB2_2:
0x49: {  	s8 =	sadd.s32 $0x8, s8;
	[tilespmem:s2+$0xFFFFFED0] =	vst v0;
	s2 =	sadd.s32 $0x280, s2  }
0x4a: {  	[tilespmem:s2+$0xFFFFFEC0] =	vst v0;
	p0 =	slt.u32 s8, $0x78  }
0x4b: {  	[tilespmem:s2+$0x130] =	vst v0  }
0x4c: {  	[tilespmem:s2+$0x120] =	vst v0  }
0x4d: {  	[tilespmem:s2+$0x110] =	vst v0  }
0x4e: {  	[tilespmem:s2+$0x100] =	vst v0  }
0x4f: {  	[tilespmem:s2+$0xF0] =	vst v0  }
0x50: {  	[tilespmem:s2+$0xE0] =	vst v0  }
0x51: {  	[tilespmem:s2+$0xD0] =	vst v0  }
0x52: {  	[tilespmem:s2+$0xC0] =	vst v0  }
0x53: {  	[tilespmem:s2+$0xB0] =	vst v0  }
0x54: {  	[tilespmem:s2+$0xA0] =	vst v0  }
0x55: {  	[tilespmem:s2+$0x90] =	vst v0  }
0x56: {  	[tilespmem:s2+$0x80] =	vst v0  }
0x57: {  	[tilespmem:s2+$0x70] =	vst v0  }
0x58: {  	[tilespmem:s2+$0x60] =	vst v0  }
0x59: {  	[tilespmem:s2+$0x50] =	vst v0  }
0x5a: {  	[tilespmem:s2+$0x40] =	vst v0  }
0x5b: {  	[tilespmem:s2+$0x30] =	vst v0  }
0x5c: {  	[tilespmem:s2+$0x20] =	vst v0  }
0x5d: {  	[tilespmem:s2+$0x10] =	vst v0  }
0x5e: {  	[tilespmem:s2+$0x0] =	vst v0  }
0x5f: {  	[tilespmem:s2+$0xFFFFFFF0] =	vst v0  }
0x60: {  	[tilespmem:s2+$0xFFFFFFE0] =	vst v0  }
0x61: {  	[tilespmem:s2+$0xFFFFFFD0] =	vst v0  }
0x62: {  	[tilespmem:s2+$0xFFFFFFC0] =	vst v0  }
0x63: {  	[tilespmem:s2+$0xFFFFFFB0] =	vst v0  }
0x64: {  	[tilespmem:s2+$0xFFFFFFA0] =	vst v0  }
0x65: {  	[tilespmem:s2+$0xFFFFFF90] =	vst v0  }
0x66: {  	[tilespmem:s2+$0xFFFFFF80] =	vst v0  }
0x67: {  	[tilespmem:s2+$0xFFFFFF70] =	vst v0  }
0x68: {  	[tilespmem:s2+$0xFFFFFF60] =	vst v0  }
0x69: {  	[tilespmem:s2+$0xFFFFFF50] =	vst v0  }
0x6a: {  	[tilespmem:s2+$0xFFFFFF40] =	vst v0  }
0x6b: {  	[tilespmem:s2+$0xFFFFFF30] =	vst v0  }
.Ltmp2:
0x6c: {  	[tilespmem:s2+$0xFFFFFF20] =	vst v0;
	(pc) =	sbr.rel @p0 .LBB2_2-.Ltmp2, $4  }
0x6d: {  	[tilespmem:s2+$0xFFFFFF10] =	vst v0  }
0x6e: {  	[tilespmem:s2+$0xFFFFFF00] =	vst v0  }
0x6f: {  	[tilespmem:s2+$0xFFFFFEF0] =	vst v0  }
0x70: {  	[tilespmem:s2+$0xFFFFFEE0] =	vst v0  }
0x71: {  	[tilespmem:s2+$0xFFFFFED0] =	vst v0  }
0x72: {  	[spmem:s12] =	stream.linear.scatter [tilespmem:s21], [sflag:$0x3], $0x2800, $0x38;
	[tilespmem:$0x17A00] =	vst v63  }
0x73: {  	_ =	swait.ge [sflag:s22], $0x2800  }
0x74: {  	[sflag:s22] =	ssyncset.done $0x0  }
0x75: {  	s9 =	rddreg [dreg:$0x5];
	[sflag:s22] =	ssyncadd.s32 $0xFFFFD800  }
0x76: {  	[spmem:s9] =	stream.linear.scatter [tilespmem:s21], [sflag:$0x3], $0x2800, $0x38;
	[tilespmem:$0x17A00] =	vst v63  }
0x77: {  	_ =	swait.ge [sflag:s22], $0x2800  }
0x78: {  	[sflag:s22] =	ssyncset.done $0x0  }
0x79: {  	s10 =	rddreg [dreg:$0x6];
	[sflag:s22] =	ssyncadd.s32 $0xFFFFD800  }
0x7a: {  	[spmem:s10] =	stream.linear.scatter [tilespmem:s21], [sflag:$0x3], $0x2800, $0x38;
	[tilespmem:$0x17A00] =	vst v63  }
0x7b: {  	_ =	swait.ge [sflag:s22], $0x2800  }
0x7c: {  	[sflag:s22] =	ssyncset.done $0x0  }
0x7d: {  	s11 =	rddreg [dreg:$0x7];
	[sflag:s22] =	ssyncadd.s32 $0xFFFFD800  }
0x7e: {  	[spmem:s11] =	stream.linear.scatter [tilespmem:s21], [sflag:$0x3], $0x2800, $0x38;
	[tilespmem:$0x17A00] =	vst v63  }
0x7f: {  	_ =	swait.ge [sflag:s22], $0x2800  }
0x80: {  	[sflag:s22] =	ssyncset.done $0x0  }
0x81: {  	s12 =	rddreg [dreg:$0x8];
	[sflag:s22] =	ssyncadd.s32 $0xFFFFD800  }
0x82: {  	[spmem:s12] =	stream.linear.scatter [tilespmem:s21], [sflag:$0x3], $0x2800, $0x38;
	[tilespmem:$0x17A00] =	vst v63  }
0x83: {  	_ =	swait.ge [sflag:s22], $0x2800  }
0x84: {  	[sflag:s22] =	ssyncset.done $0x0  }
0x85: {  	[sflag:s22] =	ssyncadd.s32 $0xFFFFD800  }
0x86: {  	[bflag:$0x0] =	sbarrier.arrive $0xFFFF  }
0x87: {  	s26 =	simm.s32 $0x0;
	s13 =	rddreg [dreg:$0x9]  }
0x88: {  	[tilespmem:s26], [sflag:$0x3] =	stream.linear.gather [hbm4b:s13+s26], $0x80, $0x38;
	[tilespmem:$0x17A00] =	vst v63  }
0x89: {  	_ =	swait.ge [sflag:s22], $0x80  }
0x8a: {  	[sflag:s22] =	ssyncset.done $0x0  }
0x8b: {  	s15 =	rddreg [dreg:$0xa];
	[sflag:s22] =	ssyncadd.s32 $0xFFFFFF80  }
0x8c: {  	[tilespmem:s23], [sflag:$0x3] =	stream.linear.gather [hbm4b:s15+s26], $0x80, $0x38;
	[tilespmem:$0x17A00] =	vst v63  }
0x8d: {  	_ =	swait.ge [sflag:s22], $0x80  }
0x8e: {  	[sflag:s22] =	ssyncset.done $0x0  }
0x8f: {  	s18 =	simm.s32 $0x200;
	[sflag:s22] =	ssyncadd.s32 $0xFFFFFF80  }
0x90: {  	[tilespmem:s18], [sflag:$0x1] =	stream.indirect.gather [hbm4b:s5+s24], $0x10, s26, s24, $0xb8;
	[tilespmem:$0x17A00] =	vst v63  }
.Ltmp3:
0x91: {  	_ = 	snop;
	(pc) =	sbr.rel .LBB2_4-.Ltmp3, $4  }
0x92: {  	s19 =	simm.s32 $0x1200  }
0x93: {  	[tilespmem:s19], [sflag:$0x1] =	stream.indirect.gather [hbm4b:s6+s24], $0x10, s23, s24, $0xb8;
	[tilespmem:$0x17A00] =	vst v63  }
0x94: {  	s28 =	simm.s32 $0x7200  }
0x95: {  	[tilespmem:s28], [sflag:$0x1] =	stream.indirect.gather [hbm4b:s7+s24], $0x40, s26, s24, $0xb8;
	[tilespmem:$0x17A00] =	vst v63  }
.LBB2_12:
0x96: {  	s26 =	sadd.s32 $0x1, s26  }
0x97: {  	p0 =	sne.s32 s26, $0x28  }
.Ltmp4:
0x98: {  	_ = 	snop;
	(pc) =	sbr.rel @!p0 .LBB2_13-.Ltmp4, $1  }
0x99: {  	_ =	sdelay $0x3  }
.LBB2_4:
0x9a: {  	s28 =	sshll.u32 s26, $0x6  }
0x9b: {  	s2 =	sor.u32 s20, s28  }
0x9c: {  	p0 =	sgt.u32 s2, $0x9C3  }
0x9d: {  	s2 =	sshll.u32 @!p0 s2, $0x4  }
0x9e: {  	s9 =	simm.s32 @!p0 $0x0;
	s10 =	simm.s32 @!p0 $0x80;
	s8 =	sadd.s32 @!p0 s1, s2  }
0x9f: {  	[tilespmem:s10], [sflag:$0x4] =	stream.linear.gather @!p0 [hbm4b:s8+s9], $0x80, $0x38;
	[tilespmem:$0x17A00] =	vst v63  }
0xa0: {  	s8 =	simm.s32 @!p0 $0x4  }
0xa1: {  	_ =	swait.ge @!p0 [sflag:s8], $0x80  }
0xa2: {  	[sflag:s8] =	ssyncset.done @!p0 $0x0  }
0xa3: {  	s11 =	simm.s32 @!p0 $0x180;
	s2 =	sadd.s32 @!p0 s2, s14;
	[sflag:s8] =	ssyncadd.s32 @!p0 $0xFFFFFF80  }
0xa4: {  	[tilespmem:s11], [sflag:$0x4] =	stream.linear.gather @!p0 [hbm4b:s2+s9], $0x80, $0x38;
	[tilespmem:$0x17A00] =	vst v63  }
0xa5: {  	_ =	swait.ge @!p0 [sflag:s8], $0x80  }
0xa6: {  	[sflag:s8] =	ssyncset.done @!p0 $0x0  }
0xa7: {  	p1 =	sge.u32 s28, s16;
	s2 =	simm.s32 @!p0 $0xA00;
	[sflag:s8] =	ssyncadd.s32 @!p0 $0xFFFFFF80  }
0xa8: {  	[tilespmem:s2], [sflag:$0x2] =	stream.indirect.gather @!p0 [hbm4b:s5+s10], $0x10, s10, s10, $0xb8;
	[tilespmem:$0x17A00] =	vst v63  }
.Ltmp5:
0xa9: {  	_ = 	snop;
	(pc) =	sbr.rel @p1 .LBB2_8-.Ltmp5, $4  }
0xaa: {  	s2 =	simm.s32 @!p0 $0x1A00  }
0xab: {  	[tilespmem:s2], [sflag:$0x2] =	stream.indirect.gather @!p0 [hbm4b:s6+s10], $0x10, s11, s10, $0xb8;
	[tilespmem:$0x17A00] =	vst v63  }
0xac: {  	s2 =	simm.s32 @!p0 $0x9200  }
0xad: {  	[tilespmem:s2], [sflag:$0x2] =	stream.indirect.gather @!p0 [hbm4b:s7+s10], $0x40, s10, s10, $0xb8;
	[tilespmem:$0x17A00] =	vst v63  }
0xae: {  	_ =	swait.ge [sflag:s29], $0x800  }
0xaf: {  	[sflag:s29] =	ssyncset.done $0x0  }
0xb0: {  	[sflag:s29] =	ssyncadd.s32 $0xFFFFF800  }
0xb1: {  	_ =	swait.ge [sflag:s29], $0x800  }
0xb2: {  	[sflag:s29] =	ssyncset.done $0x0  }
0xb3: {  	[sflag:s29] =	ssyncadd.s32 $0xFFFFF800  }
0xb4: {  	_ =	swait.ge [sflag:s29], $0x2000  }
0xb5: {  	[sflag:s29] =	ssyncset.done $0x0  }
0xb6: {  	s2 =	simm.s32 $0x220;
	[sflag:s29] =	ssyncadd.s32 $0xFFFFE000  }
0xb7: {  	s8 =	simm.s32 $0x1220;
	v6 =	vld [tilespmem:s2+$0x10]  }
0xb8: {  	v7 =	vld [tilespmem:s8+$0x10];
	_ =	sdelay $0x4  }
0xb9: {  	v8 =	vld [tilespmem:s8+$0xFFFFFFE0];
	v6 =	vadd.f32 v7, v6  }
0xba: {  	v9 =	vld [tilespmem:s2+$0xFFFFFFF0]  }
0xbb: {  	v11 =	vld [tilespmem:s8+$0xFFFFFFF0];
	v10 =	vmul.f32 $2.000000030e-01, v6  }
0xbc: {  	v12 =	vld [tilespmem:s2+$0x0];
	v7 =	vperm.xlane v7, v1  }
0xbd: {  	v6 =	vmax.f32 v6, v10;
	v10 =	vld [tilespmem:s8+$0x0]  }
0xbe: {  	v6 =	vsub.f32 v6, v7;
	v7 =	vld [tilespmem:s2+$0xFFFFFFE0];
	_ =	sdelay $0x1  }
0xbf: {  	v9 =	vadd.f32 v11, v9;
	v6 =	vmul.f32 $1.442695020e+00, v6;
	_ =	sdelay $0x1  }
0xc0: {  	(erf) = vpow2.f32 v6;
	v6 =	vadd.f32 v10, v12;
	v12 =	vmul.f32 $2.000000030e-01, v9  }
0xc1: {  	v11 =	vperm.xlane v11, v1;
	v7 =	vadd.f32 v8, v7  }
0xc2: {  	v13 =	vmul.f32 $2.000000030e-01, v6;
	v9 =	vmax.f32 v9, v12  }
0xc3: {  	v10 =	vperm.xlane v10, v1;
	v12 =	vmul.f32 $2.000000030e-01, v7;
	v9 =	vsub.f32 v9, v11  }
0xc4: {  	v8 =	vperm.xlane v8, v1;
	v6 =	vmax.f32 v6, v13  }
0xc5: {  	s15 =	simm.s32 $0x260;
	v7 =	vmax.f32 v7, v12;
	v6 =	vsub.f32 v6, v10;
	v9 =	vmul.f32 $1.442695020e+00, v9  }
0xc6: {  	s9 =	simm.s32 $0x1260;
	v11 =	vld [tilespmem:s15+$0xFFFFFFF0];
	v7 =	vsub.f32 v7, v8  }
0xc7: {  	v13 =	vld [tilespmem:s9+$0xFFFFFFF0];
	v6 =	vmul.f32 $1.442695020e+00, v6  }
0xc8: {  	v8 =	vld [tilespmem:s15+$0x10];
	(erf) = vpow2.f32 v9;
	v7 =	vmul.f32 $1.442695020e+00, v7  }
0xc9: {  	s2 =	simm.s32 $0x22A0;
	v9 =	vpop (erf);
	(erf) = vpow2.f32 v6;
	v6 =	vld [tilespmem:s9+$0x10]  }
0xca: {  	s13 =	simm.s32 $0x7280;
	[tilespmem:s2+$0x50] =	vst v9;
	(erf) = vpow2.f32 v7  }
0xcb: {  	v7 =	vld [tilespmem:s13+$0x40];
	_ =	sdelay $0x1  }
0xcc: {  	v11 =	vadd.f32 v13, v11  }
0xcd: {  	v12 =	vperm.xlane v9, v2;
	v8 =	vadd.f32 v6, v8  }
0xce: {  	v14 =	vld [tilespmem:s15+$0x0];
	v24 =	vmul.f32 $2.000000030e-01, v11  }
0xcf: {  	v16 =	vld [tilespmem:s15+$0xFFFFFFE0];
	v7 =	vmul.f32 v12, v7;
	v17 =	vmul.f32 $2.000000030e-01, v8  }
0xd0: {  	v13 =	vperm.xlane v13, v1;
	v6 =	vperm.xlane v6, v1;
	v12 =	vld [tilespmem:s9+$0x0];
	v15 =	vpop (erf)  }
0xd1: {  	v10 =	vld [tilespmem:s9+$0xFFFFFFE0];
	v11 =	vmax.f32 v11, v24;
	[tilespmem:s2+$0x60] =	vst v7;
	v18 =	vpop (erf);
	v8 =	vmax.f32 v8, v17  }
0xd2: {  	v11 =	vsub.f32 v11, v13;
	v7 =	vld [tilespmem:s13+$0x50];
	v21 =	vpop (erf);
	v6 =	vsub.f32 v8, v6  }
0xd3: {  	v22 =	vperm.xlane v9, v3;
	[tilespmem:s2+$0xFFFFFF60] =	vst v21  }
0xd4: {  	v11 =	vmul.f32 $1.442695020e+00, v11;
	[tilespmem:s2+$0xFFFFFFB0] =	vst v15;
	v8 =	vld [tilespmem:s13+$0xFFFFFF80];
	v6 =	vmul.f32 $1.442695020e+00, v6  }
0xd5: {  	v19 =	vperm.xlane v15, v2;
	v23 =	vld [tilespmem:s13+$0xFFFFFFC0];
	v20 =	vperm.xlane v18, v2;
	[tilespmem:s2+$0x0] =	vst v18;
	v14 =	vadd.f32 v12, v14  }
0xd6: {  	v16 =	vadd.f32 v10, v16;
	v17 =	vperm.xlane v21, v2;
	v25 =	vld [tilespmem:s13+$0x0];
	(erf) = vpow2.f32 v6  }
0xd7: {  	v26 =	vmul.f32 $2.000000030e-01, v14;
	v7 =	vmul.f32 v22, v7  }
0xd8: {  	s18 =	simm.s32 $0x2A0;
	v12 =	vperm.xlane v12, v1;
	v6 =	vmul.f32 $2.000000030e-01, v16  }
0xd9: {  	v27 =	vld [tilespmem:s18+$0x0];
	v13 =	vmax.f32 v14, v26;
	[tilespmem:s2+$0x70] =	vst v7;
	v7 =	vperm.xlane v10, v1;
	v8 =	vmul.f32 v17, v8  }
0xda: {  	s11 =	simm.s32 $0x12A0;
	v6 =	vmax.f32 v16, v6;
	v10 =	vsub.f32 v13, v12;
	v13 =	vmul.f32 v19, v23;
	v12 =	vld [tilespmem:s13+$0x60]  }
0xdb: {  	(erf) = vpow2.f32 v11;
	v16 =	vld [tilespmem:s11+$0x10];
	v6 =	vsub.f32 v6, v7;
	[tilespmem:s2+$0xFFFFFF70] =	vst v8;
	v7 =	vmul.f32 v20, v25  }
0xdc: {  	v11 =	vperm.xlane v9, v4;
	v8 =	vmul.f32 $1.442695020e+00, v10;
	[tilespmem:s2+$0xFFFFFFC0] =	vst v13;
	v10 =	vld [tilespmem:s13+$0xFFFFFF90]  }
0xdd: {  	v9 =	vperm.xlane v9, v5;
	v19 =	vperm.xlane v21, v4;
	v13 =	vld [tilespmem:s13+$0xFFFFFFD0];
	[tilespmem:s2+$0x10] =	vst v7  }
0xde: {  	v23 =	vperm.xlane v18, v4;
	v20 =	vperm.xlane v15, v4;
	v14 =	vld [tilespmem:s13+$0x10]  }
0xdf: {  	s9 =	simm.s32 $0x23E0;
	v6 =	vmul.f32 $1.442695020e+00, v6;
	v7 =	vmul.f32 v11, v12;
	v11 =	vld [tilespmem:s18+$0x10];
	v17 =	vpop (erf)  }
0xe0: {  	s10 =	simm.s32 $0x7380;
	v30 =	vld [tilespmem:s11+$0x0];
	(erf) = vpow2.f32 v8;
	v8 =	vperm.xlane v15, v3;
	[tilespmem:s9+$0x50] =	vst v17  }
0xe1: {  	(erf) = vpow2.f32 v6;
	v6 =	vperm.xlane v21, v3;
	[tilespmem:s2+$0x80] =	vst v7;
	v24 =	vld [tilespmem:s10+$0x40]  }
0xe2: {  	v12 =	vperm.xlane v18, v3;
	v25 =	vperm.xlane v17, v2;
	v22 =	vld [tilespmem:s13+$0x70]  }
0xe3: {  	v13 =	vmul.f32 v8, v13;
	v8 =	vperm.xlane v18, v5;
	v18 =	vld [tilespmem:s18+$0xFFFFFFF0]  }
0xe4: {  	v10 =	vmul.f32 v6, v10;
	v12 =	vmul.f32 v12, v14;
	v14 =	vld [tilespmem:s11+$0xFFFFFFF0];
	v11 =	vadd.f32 v16, v11  }
0xe5: {  	v7 =	vperm.xlane v21, v5;
	v6 =	vperm.xlane v15, v5;
	v15 =	vld [tilespmem:s11+$0xFFFFFFE0]  }
0xe6: {  	v27 =	vadd.f32 v30, v27;
	v24 =	vmul.f32 v25, v24;
	v33 =	vmul.f32 $2.000000030e-01, v11  }
0xe7: {  	s19 =	simm.s32 $0x2E0;
	v21 =	vpop (erf);
	v16 =	vperm.xlane v16, v1;
	v22 =	vmul.f32 v9, v22;
	v9 =	vld [tilespmem:s18+$0xFFFFFFE0]  }
0xe8: {  	v57 =	vld [tilespmem:s19+$0x0];
	v51 =	vmul.f32 $2.000000030e-01, v27;
	v26 =	vperm.xlane v21, v2;
	[tilespmem:s9+$0x60] =	vst v24;
	v11 =	vmax.f32 v11, v33  }
0xe9: {  	s15 =	simm.s32 $0x12E0;
	v28 =	vperm.xlane v21, v3;
	v18 =	vadd.f32 v14, v18;
	v34 =	vld [tilespmem:s10+$0x50];
	v11 =	vsub.f32 v11, v16  }
0xea: {  	v55 =	vld [tilespmem:s15+$0x10];
	[tilespmem:s9+$0xFFFFFFB0] =	vst v21;
	v29 =	vpop (erf);
	v24 =	vperm.xlane v15, v1;
	v14 =	vperm.xlane v14, v1  }
0xeb: {  	[tilespmem:s2+$0xFFFFFF80] =	vst v10;
	v10 =	vmax.f32 v27, v51;
	v31 =	vpop (erf);
	v16 =	vld [tilespmem:s10+$0xFFFFFFC0];
	v50 =	vmul.f32 $2.000000030e-01, v18;
	v11 =	vmul.f32 $1.442695020e+00, v11  }
0xec: {  	v27 =	vld [tilespmem:s13+$0xFFFFFFA0];
	[tilespmem:s9+$0xFFFFFF60] =	vst v31;
	v9 =	vadd.f32 v15, v9;
	v15 =	vperm.xlane v30, v1;
	v30 =	vperm.xlane v17, v3  }
0xed: {  	v53 =	vperm.xlane v21, v4;
	v25 =	vperm.xlane v29, v2;
	v36 =	vld [tilespmem:s10+$0xFFFFFF80];
	v18 =	vmax.f32 v18, v50  }
0xee: {  	v40 =	vld [tilespmem:s15+$0x0];
	[tilespmem:s9+$0x0] =	vst v29;
	v14 =	vsub.f32 v18, v14;
	(erf) = vpow2.f32 v11;
	v18 =	vmul.f32 v30, v34  }
0xef: {  	[tilespmem:s2+$0xFFFFFFD0] =	vst v13;
	v37 =	vld [tilespmem:s10+$0x0];
	v32 =	vperm.xlane v31, v2;
	v38 =	vmul.f32 $2.000000030e-01, v9  }
0xf0: {  	v35 =	vperm.xlane v31, v3;
	v10 =	vsub.f32 v10, v15;
	v15 =	vmul.f32 v26, v16;
	[tilespmem:s9+$0x70] =	vst v18;
	v18 =	vld [tilespmem:s13+$0xFFFFFFE0]  }
0xf1: {  	[tilespmem:s2+$0x20] =	vst v12;
	v52 =	vperm.xlane v31, v4;
	v14 =	vmul.f32 $1.442695020e+00, v14;
	v9 =	vmax.f32 v9, v38;
	v16 =	vld [tilespmem:s10+$0x60]  }
0xf2: {  	v26 =	vmul.f32 v19, v27;
	v11 =	vmul.f32 v32, v36;
	[tilespmem:s9+$0xFFFFFFC0] =	vst v15;
	v9 =	vsub.f32 v9, v24;
	v24 =	vld [tilespmem:s13+$0x20]  }
0xf3: {  	v10 =	vmul.f32 $1.442695020e+00, v10;
	(erf) = vpow2.f32 v14;
	v15 =	vld [tilespmem:s10+$0xFFFFFFD0]  }
0xf4: {  	v27 =	vld [tilespmem:s19+$0x10];
	[tilespmem:s9+$0xFFFFFF70] =	vst v11;
	v11 =	vmul.f32 v25, v37;
	v9 =	vmul.f32 $1.442695020e+00, v9  }
0xf5: {  	v12 =	vld [tilespmem:s10+$0xFFFFFF90];
	(erf) = vpow2.f32 v10;
	v10 =	vperm.xlane v17, v4  }
0xf6: {  	[tilespmem:s9+$0x10] =	vst v11;
	v11 =	vperm.xlane v31, v5;
	v31 =	vld [tilespmem:s15+$0xFFFFFFF0];
	(erf) = vpow2.f32 v9  }
0xf7: {  	s11 =	simm.s32 $0x2520;
	v25 =	vld [tilespmem:s10+$0x10];
	v30 =	vmul.f32 v20, v18;
	v9 =	vmul.f32 v10, v16;
	v18 =	vpop (erf)  }
0xf8: {  	s12 =	simm.s32 $0x7480;
	v56 =	vmul.f32 v23, v24;
	v23 =	vmul.f32 v28, v15;
	v28 =	vld [tilespmem:s19+$0xFFFFFFF0];
	[tilespmem:s11+$0x50] =	vst v18  }
0xf9: {  	v13 =	vperm.xlane v29, v3;
	v14 =	vperm.xlane v29, v4;
	[tilespmem:s9+$0x80] =	vst v9;
	v15 =	vld [tilespmem:s12+$0x40]  }
0xfa: {  	v37 =	vadd.f32 v40, v57;
	v40 =	vperm.xlane v40, v1;
	v17 =	vperm.xlane v17, v5;
	v20 =	vld [tilespmem:s10+$0x70]  }
0xfb: {  	v10 =	vperm.xlane v21, v5;
	v54 =	vmul.f32 v35, v12  }
0xfc: {  	v21 =	vperm.xlane v18, v2;
	v35 =	vperm.xlane v55, v1  }
0xfd: {  	v9 =	vperm.xlane v29, v5;
	v24 =	vmul.f32 v13, v25;
	v25 =	vld [tilespmem:s15+$0xFFFFFFE0];
	v12 =	vpop (erf)  }
0xfe: {  	[tilespmem:s2+$0x90] =	vst v22;
	v22 =	vld [tilespmem:s19+$0xFFFFFFE0];
	v29 =	vperm.xlane v12, v2;
	v19 =	vperm.xlane v12, v3;
	v28 =	vadd.f32 v31, v28  }
0xff: {  	v13 =	vpop (erf);
	v15 =	vmul.f32 v21, v15;
	v39 =	vmul.f32 v17, v20;
	v17 =	vadd.f32 v55, v27  }
0x100: {  	v31 =	vperm.xlane v31, v1;
	[tilespmem:s11+$0xFFFFFFB0] =	vst v12;
	v58 =	vperm.xlane v13, v2  }
0x101: {  	v45 =	vld [tilespmem:s12+$0xFFFFFFC0];
	v59 =	vmul.f32 $2.000000030e-01, v28;
	v16 =	vpop (erf);
	[tilespmem:s11+$0x60] =	vst v15;
	v42 =	vmul.f32 $2.000000030e-01, v17  }
0x102: {  	v41 =	vperm.xlane v25, v1;
	v20 =	vperm.xlane v13, v3;
	[tilespmem:s11+$0xFFFFFF60] =	vst v16;
	v43 =	vld [tilespmem:s12+$0x50]  }
0x103: {  	[tilespmem:s9+$0xFFFFFF80] =	vst v54;
	v25 =	vadd.f32 v25, v22;
	v22 =	vperm.xlane v18, v3;
	v44 =	vld [tilespmem:s12+$0xFFFFFF80];
	v42 =	vmax.f32 v17, v42  }
0x104: {  	v46 =	vld [tilespmem:s10+$0xFFFFFFA0];
	[tilespmem:s11+$0x0] =	vst v13;
	v27 =	vperm.xlane v16, v2;
	v21 =	vperm.xlane v16, v3;
	v35 =	vsub.f32 v42, v35  }
0x105: {  	[tilespmem:s9+$0xFFFFFFD0] =	vst v23;
	v60 =	vld [tilespmem:s12+$0x0];
	v15 =	vperm.xlane v12, v4;
	v23 =	vmax.f32 v28, v59;
	v28 =	vmul.f32 $2.000000030e-01, v37  }
0x106: {  	[tilespmem:s2+$0xFFFFFF90] =	vst v26;
	v62 =	vmul.f32 $2.000000030e-01, v25;
	v35 =	vmul.f32 $1.442695020e+00, v35  }
0x107: {  	v61 =	vld [tilespmem:s10+$0xFFFFFFE0];
	[tilespmem:s9+$0x20] =	vst v24;
	v23 =	vsub.f32 v23, v31;
	v29 =	vmul.f32 v29, v45;
	v31 =	vmul.f32 v22, v43  }
0x108: {  	[tilespmem:s2+$0xFFFFFFE0] =	vst v30;
	v24 =	vld [tilespmem:s10+$0x20];
	v26 =	vmax.f32 v37, v28;
	v27 =	vmul.f32 v27, v44;
	(erf) = vpow2.f32 v35  }
0x109: {  	v25 =	vmax.f32 v25, v62;
	v28 =	vmul.f32 $1.442695020e+00, v23;
	v26 =	vsub.f32 v26, v40;
	v23 =	vld [tilespmem:s13+$0xFFFFFFF0];
	[tilespmem:s11+$0x70] =	vst v31  }
0x10a: {  	v32 =	vmul.f32 v52, v46;
	v25 =	vsub.f32 v25, v41;
	v31 =	vmul.f32 v58, v60;
	[tilespmem:s11+$0xFFFFFF70] =	vst v27;
	v63 =	vld [tilespmem:s12+$0x60]  }
0x10b: {  	[tilespmem:s11+$0xFFFFFFC0] =	vst v29;
	v27 =	vmul.f32 $1.442695020e+00, v26;
	(erf) = vpow2.f32 v28;
	v30 =	vld [tilespmem:s12+$0xFFFFFF90]  }
0x10c: {  	v17 =	vperm.xlane v16, v4;
	v29 =	vld [tilespmem:s12+$0xFFFFFFD0];
	v28 =	vmul.f32 $1.442695020e+00, v25  }
0x10d: {  	v22 =	vld [tilespmem:s13+$0xFFFFFFB0];
	(erf) = vpow2.f32 v27;
	v27 =	vperm.xlane v18, v4;
	[tilespmem:s11+$0x10] =	vst v31  }
0x10e: {  	s8 =	simm.s32 $0x2520;
	[tilespmem:s2+$0x30] =	vst v56;
	v25 =	vperm.xlane v13, v4;
	(erf) = vpow2.f32 v28;
	v28 =	vld [tilespmem:s12+$0x10]  }
0x10f: {  	s18 =	simm.s32 $0x7480;
	s19 =	simm.s32 $0x320;
	[tilespmem:s9+$0x90] =	vst v39;
	v26 =	vld [tilespmem:s13+$0x30];
	s13 =	simm.s32 $0xC;
	v31 =	vmul.f32 v27, v63;
	v27 =	vmul.f32 v53, v61  }
.LBB2_6:
0x110: {  	v33 =	vld [tilespmem:s19+$0x10];
	s15 =	sadd.s32 $0x40, s15;
	v21 =	vmul.f32 v21, v30;
	[tilespmem:s9+$0xFFFFFF90] =	vst v32;
	v24 =	vmul.f32 v14, v24;
	v14 =	vmov v25  }
0x111: {  	v16 =	vperm.xlane v16, v5;
	v32 =	vperm.xlane v12, v5;
	s8 =	sadd.s32 $0x140, s8;
	v25 =	vld [tilespmem:s15+$0x10];
	v30 =	vpop (erf);
	[tilespmem:s11+$0x80] =	vst v31  }
0x112: {  	s18 =	sadd.s32 $0x100, s18;
	[tilespmem:s8+$0x50] =	vst v30;
	v19 =	vmul.f32 v19, v29;
	v29 =	vperm.xlane v13, v5;
	v31 =	vld [tilespmem:s12+$0x70]  }
0x113: {  	s13 =	sadd.s32 $0x4, s13;
	v22 =	vmul.f32 v7, v22;
	v7 =	vmovc v11;
	v11 =	vmov v16;
	v34 =	vld [tilespmem:s18+$0x40];
	[tilespmem:s11+$0xFFFFFF80] =	vst v21;
	v20 =	vmul.f32 v20, v28  }
0x114: {  	v23 =	vmul.f32 v6, v23;
	v6 =	vmov v10;
	p1 =	slt.u32 s13, $0x7C;
	v26 =	vmul.f32 v8, v26;
	v28 =	vld [tilespmem:s15+$0xFFFFFFE0];
	v12 =	vpop (erf);
	[tilespmem:s11+$0xFFFFFFD0] =	vst v19  }
0x115: {  	v10 =	vmovc v32;
	v21 =	vperm.xlane v18, v5;
	v18 =	vmov v30;
	v35 =	vld [tilespmem:s19+$0xFFFFFFF0];
	[tilespmem:s8+$0xFFFFFFB0] =	vst v12;
	v36 =	vperm.xlane v12, v2  }
0x116: {  	v8 =	vmov v9;
	v32 =	vperm.xlane v18, v2;
	v19 =	vperm.xlane v12, v3;
	v30 =	vld [tilespmem:s15+$0xFFFFFFF0];
	v13 =	vpop (erf);
	[tilespmem:s11+$0x20] =	vst v20  }
0x117: {  	v9 =	vmov v29;
	v37 =	vld [tilespmem:s19+$0x0];
	[tilespmem:s8+$0x0] =	vst v13;
	v38 =	vperm.xlane v13, v2;
	v16 =	vpop (erf);
	v20 =	vmul.f32 v21, v31  }
0x118: {  	v31 =	vadd.f32 v25, v33;
	v29 =	vld [tilespmem:s15+$0x0];
	[tilespmem:s8+$0xFFFFFF60] =	vst v16;
	v33 =	vperm.xlane v16, v2;
	v32 =	vmul.f32 v32, v34  }
0x119: {  	v21 =	vperm.xlane v16, v3;
	v34 =	vld [tilespmem:s19+$0xFFFFFFE0];
	v39 =	vperm.xlane v28, v1;
	[tilespmem:s11+$0x90] =	vst v20  }
0x11a: {  	v40 =	vmul.f32 $2.000000030e-01, v31;
	v20 =	vperm.xlane v13, v3;
	v41 =	vld [tilespmem:s18+$0xFFFFFF80];
	[tilespmem:s8+$0x60] =	vst v32  }
0x11b: {  	v25 =	vperm.xlane v25, v1;
	v32 =	vadd.f32 v30, v35;
	v30 =	vperm.xlane v30, v1;
	v35 =	vld [tilespmem:s18+$0x50];
	[tilespmem:s9+$0xFFFFFFE0] =	vst v27  }
0x11c: {  	v42 =	vperm.xlane v12, v4;
	v27 =	vmax.f32 v31, v40;
	v31 =	vperm.xlane v16, v4;
	v40 =	vld [tilespmem:s18+$0xFFFFFFC0];
	[tilespmem:s9+$0x30] =	vst v24  }
0x11d: {  	v25 =	vsub.f32 v27, v25;
	v24 =	vmul.f32 $2.000000030e-01, v32;
	v37 =	vadd.f32 v29, v37;
	v27 =	vld [tilespmem:s18+$0x0];
	[tilespmem:s2+$0xFFFFFFA0] =	vst v22  }
0x11e: {  	v29 =	vperm.xlane v29, v1;
	v22 =	vperm.xlane v18, v3;
	v28 =	vadd.f32 v28, v34;
	v34 =	vld [tilespmem:s12+$0xFFFFFFA0];
	[tilespmem:s2+$0xFFFFFFF0] =	vst v23  }
0x11f: {  	v25 =	vmul.f32 $1.442695020e+00, v25;
	v23 =	vmax.f32 v32, v24;
	v32 =	vmul.f32 $2.000000030e-01, v37;
	v43 =	vld [tilespmem:s12+$0xFFFFFFE0];
	[tilespmem:s2+$0x40] =	vst v26;
	s2 =	smov.u32 s9;
	s9 =	smov.u32 s11;
	s11 =	smov.u32 s8  }
0x120: {  	v26 =	vmul.f32 $2.000000030e-01, v28;
	v23 =	vsub.f32 v23, v30;
	v30 =	vmul.f32 v22, v35;
	v24 =	vld [tilespmem:s12+$0x20]  }
0x121: {  	v32 =	vmax.f32 v37, v32;
	(erf) = vpow2.f32 v25;
	v25 =	vmul.f32 v33, v41;
	v22 =	vld [tilespmem:s10+$0xFFFFFFB0]  }
0x122: {  	v26 =	vmax.f32 v28, v26;
	v28 =	vmul.f32 $1.442695020e+00, v23;
	v29 =	vsub.f32 v32, v29;
	[tilespmem:s8+$0x70] =	vst v30;
	v23 =	vld [tilespmem:s10+$0xFFFFFFF0]  }
0x123: {  	v27 =	vmul.f32 v38, v27;
	v26 =	vsub.f32 v26, v39;
	[tilespmem:s8+$0xFFFFFF70] =	vst v25;
	v25 =	vmul.f32 v36, v40;
	v33 =	vld [tilespmem:s18+$0x60]  }
.Ltmp6:
0x124: {  	v29 =	vmul.f32 $1.442695020e+00, v29;
	(erf) = vpow2.f32 v28;
	v30 =	vld [tilespmem:s18+$0xFFFFFF90];
	(pc) =	sbr.rel @p1 .LBB2_6-.Ltmp6, $4  }
0x125: {  	v28 =	vmul.f32 $1.442695020e+00, v26;
	[tilespmem:s8+$0xFFFFFFC0] =	vst v25;
	v25 =	vperm.xlane v13, v4;
	v26 =	vld [tilespmem:s10+$0x30];
	s10 =	smov.u32 s12;
	s12 =	smov.u32 s18  }
0x126: {  	(erf) = vpow2.f32 v29;
	v29 =	vld [tilespmem:s18+$0xFFFFFFD0];
	[tilespmem:s8+$0x10] =	vst v27;
	v27 =	vperm.xlane v18, v4  }
0x127: {  	v32 =	vmul.f32 v17, v34;
	v17 =	vmov v31;
	(erf) = vpow2.f32 v28;
	v28 =	vld [tilespmem:s18+$0x10]  }
0x128: {  	s19 =	sadd.s32 $0x40, s19;
	v31 =	vmul.f32 v27, v33;
	v27 =	vmul.f32 v15, v43;
	v15 =	vmov v42  }
0x129: {  	_ = 	snop  }
0x12a: {  	s8 =	sadd.s32 $0x140, s8;
	v33 =	vpop (erf)  }
0x12b: {  	s13 =	sadd.s32 $0x100, s18;
	[tilespmem:s8+$0x50] =	vst v33  }
0x12c: {  	v34 =	vld [tilespmem:s13+$0x40];
	_ =	sdelay $0x2  }
0x12d: {  	v35 =	vperm.xlane v33, v2;
	_ =	sdelay $0x1  }
0x12e: {  	v21 =	vmul.f32 v21, v30;
	[tilespmem:s9+$0xFFFFFF90] =	vst v32;
	v34 =	vmul.f32 v35, v34  }
0x12f: {  	[tilespmem:s11+$0x80] =	vst v31  }
0x130: {  	v30 =	vpop (erf);
	[tilespmem:s8+$0x60] =	vst v34  }
0x131: {  	[tilespmem:s11+$0xFFFFFF80] =	vst v21;
	v31 =	vpop (erf);
	v53 =	vld [tilespmem:s13+$0x50]  }
0x132: {  	v21 =	vpop (erf);
	[tilespmem:s8+$0x0] =	vst v31  }
0x133: {  	[tilespmem:s8+$0xFFFFFF60] =	vst v21;
	v58 =	vld [tilespmem:s13+$0x0]  }
0x134: {  	v14 =	vmul.f32 v14, v24;
	v55 =	vperm.xlane v33, v3;
	[tilespmem:s8+$0xFFFFFFB0] =	vst v30;
	v56 =	vld [tilespmem:s13+$0xFFFFFF80]  }
0x135: {  	v7 =	vmul.f32 v7, v22;
	[tilespmem:s9+$0xFFFFFFE0] =	vst v27;
	v57 =	vld [tilespmem:s13+$0xFFFFFFC0]  }
0x136: {  	[tilespmem:s9+$0x30] =	vst v14;
	v62 =	vperm.xlane v31, v2;
	v32 =	vmul.f32 v55, v53  }
0x137: {  	v6 =	vmul.f32 v6, v23;
	[tilespmem:s2+$0xFFFFFFA0] =	vst v7;
	v59 =	vperm.xlane v21, v2  }
0x138: {  	v60 =	vperm.xlane v30, v2;
	v36 =	vmul.f32 v62, v58;
	[tilespmem:s8+$0x70] =	vst v32  }
0x139: {  	[tilespmem:s2+$0xFFFFFFF0] =	vst v6;
	v63 =	vmul.f32 v59, v56;
	v61 =	vld [tilespmem:s13+$0x60]  }
0x13a: {  	v54 =	vld [tilespmem:s12+$0x70];
	v35 =	vmul.f32 v60, v57;
	[tilespmem:s8+$0x10] =	vst v36  }
0x13b: {  	v8 =	vmul.f32 v8, v26;
	[tilespmem:s8+$0xFFFFFF70] =	vst v63;
	v40 =	vld [tilespmem:s13+$0x10]  }
0x13c: {  	v19 =	vmul.f32 v19, v29;
	v37 =	vperm.xlane v33, v4;
	[tilespmem:s8+$0xFFFFFFC0] =	vst v35;
	v38 =	vld [tilespmem:s13+$0xFFFFFF90]  }
0x13d: {  	v18 =	vperm.xlane v18, v5;
	v20 =	vmul.f32 v20, v28;
	[tilespmem:s2+$0x40] =	vst v8;
	v27 =	vld [tilespmem:s13+$0xFFFFFFD0]  }
0x13e: {  	v42 =	vld [tilespmem:s12+$0xFFFFFFA0];
	[tilespmem:s11+$0xFFFFFFD0] =	vst v19;
	v44 =	vperm.xlane v31, v3;
	v39 =	vmul.f32 v37, v61  }
0x13f: {  	[tilespmem:s11+$0x20] =	vst v20;
	v6 =	vld [tilespmem:s12+$0xFFFFFFE0];
	v18 =	vmul.f32 v18, v54;
	v41 =	vperm.xlane v21, v3  }
0x140: {  	v43 =	vperm.xlane v30, v3;
	v45 =	vld [tilespmem:s12+$0x20];
	v14 =	vmul.f32 v44, v40;
	[tilespmem:s8+$0x80] =	vst v39  }
0x141: {  	[tilespmem:s11+$0x90] =	vst v18;
	v19 =	vmul.f32 v41, v38;
	v7 =	vld [tilespmem:s13+$0x70]  }
0x142: {  	v46 =	vld [tilespmem:s10+$0xFFFFFFB0];
	v18 =	vmul.f32 v43, v27;
	[tilespmem:s8+$0x20] =	vst v14  }
0x143: {  	v17 =	vmul.f32 v17, v42;
	[tilespmem:s8+$0xFFFFFF80] =	vst v19;
	v50 =	vld [tilespmem:s13+$0x20]  }
0x144: {  	v47 =	vperm.xlane v33, v5;
	v6 =	vmul.f32 v15, v6;
	[tilespmem:s8+$0xFFFFFFD0] =	vst v18;
	v48 =	vld [tilespmem:s13+$0xFFFFFFA0]  }
0x145: {  	[tilespmem:s11+$0xFFFFFF90] =	vst v17;
	v8 =	vmul.f32 v25, v45;
	v49 =	vld [tilespmem:s13+$0xFFFFFFE0]  }
0x146: {  	v52 =	vld [tilespmem:s10+$0xFFFFFFF0];
	[tilespmem:s11+$0xFFFFFFE0] =	vst v6;
	v6 =	vperm.xlane v31, v4;
	v7 =	vmul.f32 v47, v7  }
0x147: {  	v11 =	vmul.f32 v11, v46;
	v51 =	vperm.xlane v21, v4;
	v54 =	vld [tilespmem:s12+$0xFFFFFFB0];
	[tilespmem:s11+$0x30] =	vst v8  }
0x148: {  	v56 =	vld [tilespmem:s12+$0x30];
	v6 =	vmul.f32 v6, v50;
	[tilespmem:s8+$0x90] =	vst v7;
	v7 =	vperm.xlane v30, v4  }
0x149: {  	[tilespmem:s9+$0xFFFFFFA0] =	vst v11;
	v53 =	vld [tilespmem:s10+$0x30];
	v17 =	vmul.f32 v51, v48  }
0x14a: {  	v57 =	vperm.xlane v16, v5;
	v55 =	vld [tilespmem:s12+$0xFFFFFFF0];
	[tilespmem:s8+$0x30] =	vst v6;
	v7 =	vmul.f32 v7, v49  }
0x14b: {  	v13 =	vperm.xlane v13, v5;
	v10 =	vmul.f32 v10, v52;
	[tilespmem:s8+$0xFFFFFF90] =	vst v17;
	v58 =	vld [tilespmem:s13+$0x30]  }
0x14c: {  	v8 =	vmul.f32 v57, v54;
	[tilespmem:s8+$0xFFFFFFE0] =	vst v7;
	v7 =	vld [tilespmem:s13+$0xFFFFFFB0]  }
0x14d: {  	v12 =	vperm.xlane v12, v5;
	[tilespmem:s9+$0xFFFFFFF0] =	vst v10;
	v62 =	vmul.f32 v13, v56;
	v6 =	vld [tilespmem:s13+$0xFFFFFFF0]  }
0x14e: {  	v63 =	vperm.xlane v31, v5;
	[tilespmem:s11+$0xFFFFFFA0] =	vst v8;
	v9 =	vmul.f32 v9, v53  }
0x14f: {  	v59 =	vperm.xlane v21, v5;
	v60 =	vmul.f32 v12, v55;
	[tilespmem:s11+$0x40] =	vst v62  }
0x150: {  	[tilespmem:s9+$0x40] =	vst v9;
	v61 =	vperm.xlane v30, v5;
	v8 =	vmul.f32 v63, v58  }
0x151: {  	[tilespmem:s11+$0xFFFFFFF0] =	vst v60;
	v7 =	vmul.f32 v59, v7  }
0x152: {  	[tilespmem:s8+$0x40] =	vst v8;
	v6 =	vmul.f32 v61, v6  }
0x153: {  	[tilespmem:s8+$0xFFFFFFA0] =	vst v7  }
0x154: {  	[tilespmem:s8+$0xFFFFFFF0] =	vst v6  }
0x155: {  	[spmem:s3] =	stream.indirect.scatter.add.f32 [tilespmem:s21], [sflag:$0x4], $0x50, s23, s24, $0xb8;
	[tilespmem:$0x17A00] =	vst v63  }
0x156: {  	_ =	swait.ge [sflag:s30], $0x2800  }
0x157: {  	[sflag:s30] =	ssyncset.done $0x0  }
0x158: {  	[sflag:s30] =	ssyncadd.s32 $0xFFFFD800  }
.LBB2_8:
0x159: {  	s2 =	sadd.s32 s17, s28  }
0x15a: {  	p1 =	sgt.u32 s2, $0x9C3  }
0x15b: {  	s2 =	sshll.u32 @!p1 s2, $0x4  }
0x15c: {  	s9 =	simm.s32 @!p1 $0x0;
	s8 =	sadd.s32 @!p1 s1, s2  }
0x15d: {  	[tilespmem:s9], [sflag:$0x4] =	stream.linear.gather @!p1 [hbm4b:s8+s9], $0x80, $0x38;
	[tilespmem:$0x17A00] =	vst v63  }
0x15e: {  	s8 =	simm.s32 @!p1 $0x4  }
0x15f: {  	_ =	swait.ge @!p1 [sflag:s8], $0x80  }
0x160: {  	[sflag:s8] =	ssyncset.done @!p1 $0x0  }
0x161: {  	s10 =	simm.s32 @!p1 $0x100;
	s2 =	sadd.s32 @!p1 s2, s14;
	[sflag:s8] =	ssyncadd.s32 @!p1 $0xFFFFFF80  }
0x162: {  	[tilespmem:s10], [sflag:$0x4] =	stream.linear.gather @!p1 [hbm4b:s2+s9], $0x80, $0x38;
	[tilespmem:$0x17A00] =	vst v63  }
0x163: {  	_ =	swait.ge @!p1 [sflag:s8], $0x80  }
0x164: {  	[sflag:s8] =	ssyncset.done @!p1 $0x0  }
0x165: {  	s2 =	simm.s32 @!p1 $0x80;
	[sflag:s8] =	ssyncadd.s32 @!p1 $0xFFFFFF80;
	s8 =	simm.s32 @!p1 $0x200  }
0x166: {  	[tilespmem:s8], [sflag:$0x1] =	stream.indirect.gather @!p1 [hbm4b:s5+s2], $0x10, s9, s2, $0xb8;
	[tilespmem:$0x17A00] =	vst v63  }
.Ltmp7:
0x167: {  	_ = 	snop;
	(pc) =	sbr.rel @p0 .LBB2_12-.Ltmp7, $4  }
0x168: {  	s8 =	simm.s32 @!p1 $0x1200  }
0x169: {  	[tilespmem:s8], [sflag:$0x1] =	stream.indirect.gather @!p1 [hbm4b:s6+s2], $0x10, s10, s2, $0xb8;
	[tilespmem:$0x17A00] =	vst v63  }
0x16a: {  	s8 =	simm.s32 @!p1 $0x7200  }
0x16b: {  	[tilespmem:s8], [sflag:$0x1] =	stream.indirect.gather @!p1 [hbm4b:s7+s2], $0x40, s9, s2, $0xb8;
	[tilespmem:$0x17A00] =	vst v63  }
0x16c: {  	_ =	swait.ge [sflag:s31], $0x800  }
0x16d: {  	[sflag:s31] =	ssyncset.done $0x0  }
0x16e: {  	[sflag:s31] =	ssyncadd.s32 $0xFFFFF800  }
0x16f: {  	_ =	swait.ge [sflag:s31], $0x800  }
0x170: {  	[sflag:s31] =	ssyncset.done $0x0  }
0x171: {  	[sflag:s31] =	ssyncadd.s32 $0xFFFFF800  }
0x172: {  	_ =	swait.ge [sflag:s31], $0x2000  }
0x173: {  	[sflag:s31] =	ssyncset.done $0x0  }
0x174: {  	s2 =	simm.s32 $0xA30;
	[sflag:s31] =	ssyncadd.s32 $0xFFFFE000  }
0x175: {  	s8 =	simm.s32 $0x1A30;
	v6 =	vld [tilespmem:s2+$0x0]  }
0x176: {  	v7 =	vld [tilespmem:s8+$0x0];
	_ =	sdelay $0x4  }
0x177: {  	v8 =	vld [tilespmem:s8+$0xFFFFFFD0];
	v6 =	vadd.f32 v7, v6  }
0x178: {  	v9 =	vld [tilespmem:s2+$0xFFFFFFE0]  }
0x179: {  	v11 =	vld [tilespmem:s8+$0xFFFFFFE0];
	v10 =	vmul.f32 $2.000000030e-01, v6  }
0x17a: {  	v12 =	vld [tilespmem:s2+$0xFFFFFFF0];
	v7 =	vperm.xlane v7, v1  }
0x17b: {  	v6 =	vmax.f32 v6, v10;
	v10 =	vld [tilespmem:s8+$0xFFFFFFF0]  }
0x17c: {  	v6 =	vsub.f32 v6, v7;
	v7 =	vld [tilespmem:s2+$0xFFFFFFD0];
	_ =	sdelay $0x1  }
0x17d: {  	v9 =	vadd.f32 v11, v9;
	v6 =	vmul.f32 $1.442695020e+00, v6;
	_ =	sdelay $0x1  }
0x17e: {  	(erf) = vpow2.f32 v6;
	v6 =	vadd.f32 v10, v12;
	v12 =	vmul.f32 $2.000000030e-01, v9  }
0x17f: {  	v11 =	vperm.xlane v11, v1;
	v7 =	vadd.f32 v8, v7  }
0x180: {  	v13 =	vmul.f32 $2.000000030e-01, v6;
	v9 =	vmax.f32 v9, v12  }
0x181: {  	v10 =	vperm.xlane v10, v1;
	v12 =	vmul.f32 $2.000000030e-01, v7;
	v9 =	vsub.f32 v9, v11  }
0x182: {  	v8 =	vperm.xlane v8, v1;
	v6 =	vmax.f32 v6, v13  }
0x183: {  	s18 =	simm.s32 $0xA70;
	v7 =	vmax.f32 v7, v12;
	v6 =	vsub.f32 v6, v10;
	v9 =	vmul.f32 $1.442695020e+00, v9  }
0x184: {  	s9 =	simm.s32 $0x1A70;
	v11 =	vld [tilespmem:s18+$0xFFFFFFE0];
	v7 =	vsub.f32 v7, v8  }
0x185: {  	v13 =	vld [tilespmem:s9+$0xFFFFFFE0];
	v6 =	vmul.f32 $1.442695020e+00, v6  }
0x186: {  	v8 =	vld [tilespmem:s18+$0x0];
	(erf) = vpow2.f32 v9;
	v7 =	vmul.f32 $1.442695020e+00, v7  }
0x187: {  	s2 =	simm.s32 $0x4B30;
	v9 =	vpop (erf);
	(erf) = vpow2.f32 v6;
	v6 =	vld [tilespmem:s9+$0x0]  }
0x188: {  	s13 =	simm.s32 $0x92F0;
	[tilespmem:s2+$0xFFFFFFC0] =	vst v9;
	(erf) = vpow2.f32 v7  }
0x189: {  	v7 =	vld [tilespmem:s13+$0xFFFFFFD0];
	_ =	sdelay $0x1  }
0x18a: {  	v11 =	vadd.f32 v13, v11  }
0x18b: {  	v12 =	vperm.xlane v9, v2;
	v8 =	vadd.f32 v6, v8  }
0x18c: {  	v14 =	vld [tilespmem:s18+$0xFFFFFFF0];
	v24 =	vmul.f32 $2.000000030e-01, v11  }
0x18d: {  	v16 =	vld [tilespmem:s18+$0xFFFFFFD0];
	v7 =	vmul.f32 v12, v7;
	v17 =	vmul.f32 $2.000000030e-01, v8  }
0x18e: {  	v13 =	vperm.xlane v13, v1;
	v6 =	vperm.xlane v6, v1;
	v12 =	vld [tilespmem:s9+$0xFFFFFFF0];
	v15 =	vpop (erf)  }
0x18f: {  	v10 =	vld [tilespmem:s9+$0xFFFFFFD0];
	v11 =	vmax.f32 v11, v24;
	[tilespmem:s2+$0xFFFFFFD0] =	vst v7;
	v18 =	vpop (erf);
	v8 =	vmax.f32 v8, v17  }
0x190: {  	v11 =	vsub.f32 v11, v13;
	v7 =	vld [tilespmem:s13+$0xFFFFFFE0];
	v21 =	vpop (erf);
	v6 =	vsub.f32 v8, v6  }
0x191: {  	v22 =	vperm.xlane v9, v3;
	[tilespmem:s2+$0xFFFFFED0] =	vst v21  }
0x192: {  	v11 =	vmul.f32 $1.442695020e+00, v11;
	[tilespmem:s2+$0xFFFFFF20] =	vst v15;
	v8 =	vld [tilespmem:s13+$0xFFFFFF10];
	v6 =	vmul.f32 $1.442695020e+00, v6  }
0x193: {  	v19 =	vperm.xlane v15, v2;
	v23 =	vld [tilespmem:s13+$0xFFFFFF50];
	v20 =	vperm.xlane v18, v2;
	[tilespmem:s2+$0xFFFFFF70] =	vst v18;
	v14 =	vadd.f32 v12, v14  }
0x194: {  	v16 =	vadd.f32 v10, v16;
	v17 =	vperm.xlane v21, v2;
	v25 =	vld [tilespmem:s13+$0xFFFFFF90];
	(erf) = vpow2.f32 v6  }
0x195: {  	v26 =	vmul.f32 $2.000000030e-01, v14;
	v7 =	vmul.f32 v22, v7  }
0x196: {  	s19 =	simm.s32 $0xAB0;
	v12 =	vperm.xlane v12, v1;
	v6 =	vmul.f32 $2.000000030e-01, v16  }
0x197: {  	v27 =	vld [tilespmem:s19+$0xFFFFFFF0];
	v13 =	vmax.f32 v14, v26;
	[tilespmem:s2+$0xFFFFFFE0] =	vst v7;
	v7 =	vperm.xlane v10, v1;
	v8 =	vmul.f32 v17, v8  }
0x198: {  	s11 =	simm.s32 $0x1AB0;
	v6 =	vmax.f32 v16, v6;
	v10 =	vsub.f32 v13, v12;
	v13 =	vmul.f32 v19, v23;
	v12 =	vld [tilespmem:s13+$0xFFFFFFF0]  }
0x199: {  	(erf) = vpow2.f32 v11;
	v16 =	vld [tilespmem:s11+$0x0];
	v6 =	vsub.f32 v6, v7;
	[tilespmem:s2+$0xFFFFFEE0] =	vst v8;
	v7 =	vmul.f32 v20, v25  }
0x19a: {  	v11 =	vperm.xlane v9, v4;
	v8 =	vmul.f32 $1.442695020e+00, v10;
	[tilespmem:s2+$0xFFFFFF30] =	vst v13;
	v10 =	vld [tilespmem:s13+$0xFFFFFF20]  }
0x19b: {  	v9 =	vperm.xlane v9, v5;
	v19 =	vperm.xlane v21, v4;
	v13 =	vld [tilespmem:s13+$0xFFFFFF60];
	[tilespmem:s2+$0xFFFFFF80] =	vst v7  }
0x19c: {  	v23 =	vperm.xlane v18, v4;
	v20 =	vperm.xlane v15, v4;
	v14 =	vld [tilespmem:s13+$0xFFFFFFA0]  }
0x19d: {  	s9 =	simm.s32 $0x4C70;
	v6 =	vmul.f32 $1.442695020e+00, v6;
	v7 =	vmul.f32 v11, v12;
	v11 =	vld [tilespmem:s19+$0x0];
	v17 =	vpop (erf)  }
0x19e: {  	s10 =	simm.s32 $0x93F0;
	v30 =	vld [tilespmem:s11+$0xFFFFFFF0];
	(erf) = vpow2.f32 v8;
	v8 =	vperm.xlane v15, v3;
	[tilespmem:s9+$0xFFFFFFC0] =	vst v17  }
0x19f: {  	(erf) = vpow2.f32 v6;
	v6 =	vperm.xlane v21, v3;
	[tilespmem:s2+$0xFFFFFFF0] =	vst v7;
	v24 =	vld [tilespmem:s10+$0xFFFFFFD0]  }
0x1a0: {  	v12 =	vperm.xlane v18, v3;
	v25 =	vperm.xlane v17, v2;
	v22 =	vld [tilespmem:s13+$0x0]  }
0x1a1: {  	v13 =	vmul.f32 v8, v13;
	v8 =	vperm.xlane v18, v5;
	v18 =	vld [tilespmem:s19+$0xFFFFFFE0]  }
0x1a2: {  	v10 =	vmul.f32 v6, v10;
	v12 =	vmul.f32 v12, v14;
	v14 =	vld [tilespmem:s11+$0xFFFFFFE0];
	v11 =	vadd.f32 v16, v11  }
0x1a3: {  	v7 =	vperm.xlane v21, v5;
	v6 =	vperm.xlane v15, v5;
	v15 =	vld [tilespmem:s11+$0xFFFFFFD0]  }
0x1a4: {  	v27 =	vadd.f32 v30, v27;
	v24 =	vmul.f32 v25, v24;
	v33 =	vmul.f32 $2.000000030e-01, v11  }
0x1a5: {  	s15 =	simm.s32 $0x1AF0;
	v21 =	vpop (erf);
	v16 =	vperm.xlane v16, v1;
	v22 =	vmul.f32 v9, v22;
	v9 =	vld [tilespmem:s19+$0xFFFFFFD0]  }
0x1a6: {  	v55 =	vld [tilespmem:s15+$0x0];
	v51 =	vmul.f32 $2.000000030e-01, v27;
	v26 =	vperm.xlane v21, v2;
	[tilespmem:s9+$0xFFFFFFD0] =	vst v24;
	v11 =	vmax.f32 v11, v33  }
0x1a7: {  	s28 =	simm.s32 $0xAF0;
	v28 =	vperm.xlane v21, v3;
	v18 =	vadd.f32 v14, v18;
	v34 =	vld [tilespmem:s10+$0xFFFFFFE0];
	v11 =	vsub.f32 v11, v16  }
0x1a8: {  	v57 =	vld [tilespmem:s28+$0xFFFFFFF0];
	[tilespmem:s9+$0xFFFFFF20] =	vst v21;
	v29 =	vpop (erf);
	v24 =	vperm.xlane v15, v1;
	v14 =	vperm.xlane v14, v1  }
0x1a9: {  	[tilespmem:s2+$0xFFFFFEF0] =	vst v10;
	v10 =	vmax.f32 v27, v51;
	v31 =	vpop (erf);
	v16 =	vld [tilespmem:s10+$0xFFFFFF50];
	v50 =	vmul.f32 $2.000000030e-01, v18;
	v11 =	vmul.f32 $1.442695020e+00, v11  }
0x1aa: {  	v27 =	vld [tilespmem:s13+$0xFFFFFF30];
	[tilespmem:s9+$0xFFFFFED0] =	vst v31;
	v9 =	vadd.f32 v15, v9;
	v15 =	vperm.xlane v30, v1;
	v30 =	vperm.xlane v17, v3  }
0x1ab: {  	v53 =	vperm.xlane v21, v4;
	v25 =	vperm.xlane v29, v2;
	v36 =	vld [tilespmem:s10+$0xFFFFFF10];
	v18 =	vmax.f32 v18, v50  }
0x1ac: {  	v40 =	vld [tilespmem:s15+$0xFFFFFFF0];
	[tilespmem:s9+$0xFFFFFF70] =	vst v29;
	v14 =	vsub.f32 v18, v14;
	(erf) = vpow2.f32 v11;
	v18 =	vmul.f32 v30, v34  }
0x1ad: {  	[tilespmem:s2+$0xFFFFFF40] =	vst v13;
	v37 =	vld [tilespmem:s10+$0xFFFFFF90];
	v32 =	vperm.xlane v31, v2;
	v38 =	vmul.f32 $2.000000030e-01, v9  }
0x1ae: {  	v35 =	vperm.xlane v31, v3;
	v10 =	vsub.f32 v10, v15;
	v15 =	vmul.f32 v26, v16;
	[tilespmem:s9+$0xFFFFFFE0] =	vst v18;
	v18 =	vld [tilespmem:s13+$0xFFFFFF70]  }
0x1af: {  	[tilespmem:s2+$0xFFFFFF90] =	vst v12;
	v52 =	vperm.xlane v31, v4;
	v14 =	vmul.f32 $1.442695020e+00, v14;
	v9 =	vmax.f32 v9, v38;
	v16 =	vld [tilespmem:s10+$0xFFFFFFF0]  }
0x1b0: {  	v26 =	vmul.f32 v19, v27;
	v11 =	vmul.f32 v32, v36;
	[tilespmem:s9+$0xFFFFFF30] =	vst v15;
	v9 =	vsub.f32 v9, v24;
	v24 =	vld [tilespmem:s13+$0xFFFFFFB0]  }
0x1b1: {  	v10 =	vmul.f32 $1.442695020e+00, v10;
	(erf) = vpow2.f32 v14;
	v15 =	vld [tilespmem:s10+$0xFFFFFF60]  }
0x1b2: {  	v27 =	vld [tilespmem:s28+$0x0];
	[tilespmem:s9+$0xFFFFFEE0] =	vst v11;
	v11 =	vmul.f32 v25, v37;
	v9 =	vmul.f32 $1.442695020e+00, v9  }
0x1b3: {  	v12 =	vld [tilespmem:s10+$0xFFFFFF20];
	(erf) = vpow2.f32 v10;
	v10 =	vperm.xlane v17, v4  }
0x1b4: {  	[tilespmem:s9+$0xFFFFFF80] =	vst v11;
	v11 =	vperm.xlane v31, v5;
	v31 =	vld [tilespmem:s15+$0xFFFFFFE0];
	(erf) = vpow2.f32 v9  }
0x1b5: {  	s11 =	simm.s32 $0x4DB0;
	v25 =	vld [tilespmem:s10+$0xFFFFFFA0];
	v30 =	vmul.f32 v20, v18;
	v9 =	vmul.f32 v10, v16;
	v18 =	vpop (erf)  }
0x1b6: {  	s12 =	simm.s32 $0x94F0;
	v56 =	vmul.f32 v23, v24;
	v23 =	vmul.f32 v28, v15;
	v28 =	vld [tilespmem:s28+$0xFFFFFFE0];
	[tilespmem:s11+$0xFFFFFFC0] =	vst v18  }
0x1b7: {  	v13 =	vperm.xlane v29, v3;
	v14 =	vperm.xlane v29, v4;
	[tilespmem:s9+$0xFFFFFFF0] =	vst v9;
	v15 =	vld [tilespmem:s12+$0xFFFFFFD0]  }
0x1b8: {  	v37 =	vadd.f32 v40, v57;
	v40 =	vperm.xlane v40, v1;
	v17 =	vperm.xlane v17, v5;
	v20 =	vld [tilespmem:s10+$0x0]  }
0x1b9: {  	v10 =	vperm.xlane v21, v5;
	v54 =	vmul.f32 v35, v12  }
0x1ba: {  	v21 =	vperm.xlane v18, v2;
	v35 =	vperm.xlane v55, v1  }
0x1bb: {  	v9 =	vperm.xlane v29, v5;
	v24 =	vmul.f32 v13, v25;
	v25 =	vld [tilespmem:s15+$0xFFFFFFD0];
	v12 =	vpop (erf)  }
0x1bc: {  	[tilespmem:s2+$0x0] =	vst v22;
	v22 =	vld [tilespmem:s28+$0xFFFFFFD0];
	v29 =	vperm.xlane v12, v2;
	v19 =	vperm.xlane v12, v3;
	v28 =	vadd.f32 v31, v28  }
0x1bd: {  	v13 =	vpop (erf);
	v15 =	vmul.f32 v21, v15;
	v39 =	vmul.f32 v17, v20;
	v17 =	vadd.f32 v55, v27  }
0x1be: {  	v31 =	vperm.xlane v31, v1;
	[tilespmem:s11+$0xFFFFFF20] =	vst v12;
	v58 =	vperm.xlane v13, v2  }
0x1bf: {  	v45 =	vld [tilespmem:s12+$0xFFFFFF50];
	v59 =	vmul.f32 $2.000000030e-01, v28;
	v16 =	vpop (erf);
	[tilespmem:s11+$0xFFFFFFD0] =	vst v15;
	v42 =	vmul.f32 $2.000000030e-01, v17  }
0x1c0: {  	v41 =	vperm.xlane v25, v1;
	v20 =	vperm.xlane v13, v3;
	[tilespmem:s11+$0xFFFFFED0] =	vst v16;
	v43 =	vld [tilespmem:s12+$0xFFFFFFE0]  }
0x1c1: {  	[tilespmem:s9+$0xFFFFFEF0] =	vst v54;
	v25 =	vadd.f32 v25, v22;
	v22 =	vperm.xlane v18, v3;
	v44 =	vld [tilespmem:s12+$0xFFFFFF10];
	v42 =	vmax.f32 v17, v42  }
0x1c2: {  	v46 =	vld [tilespmem:s10+$0xFFFFFF30];
	[tilespmem:s11+$0xFFFFFF70] =	vst v13;
	v27 =	vperm.xlane v16, v2;
	v21 =	vperm.xlane v16, v3;
	v35 =	vsub.f32 v42, v35  }
0x1c3: {  	[tilespmem:s9+$0xFFFFFF40] =	vst v23;
	v60 =	vld [tilespmem:s12+$0xFFFFFF90];
	v15 =	vperm.xlane v12, v4;
	v23 =	vmax.f32 v28, v59;
	v28 =	vmul.f32 $2.000000030e-01, v37  }
0x1c4: {  	[tilespmem:s2+$0xFFFFFF00] =	vst v26;
	v62 =	vmul.f32 $2.000000030e-01, v25;
	v35 =	vmul.f32 $1.442695020e+00, v35  }
0x1c5: {  	v61 =	vld [tilespmem:s10+$0xFFFFFF70];
	[tilespmem:s9+$0xFFFFFF90] =	vst v24;
	v23 =	vsub.f32 v23, v31;
	v29 =	vmul.f32 v29, v45;
	v31 =	vmul.f32 v22, v43  }
0x1c6: {  	[tilespmem:s2+$0xFFFFFF50] =	vst v30;
	v24 =	vld [tilespmem:s10+$0xFFFFFFB0];
	v26 =	vmax.f32 v37, v28;
	v27 =	vmul.f32 v27, v44;
	(erf) = vpow2.f32 v35  }
0x1c7: {  	v25 =	vmax.f32 v25, v62;
	v28 =	vmul.f32 $1.442695020e+00, v23;
	v26 =	vsub.f32 v26, v40;
	v23 =	vld [tilespmem:s13+$0xFFFFFF80];
	[tilespmem:s11+$0xFFFFFFE0] =	vst v31  }
0x1c8: {  	v32 =	vmul.f32 v52, v46;
	v25 =	vsub.f32 v25, v41;
	v31 =	vmul.f32 v58, v60;
	[tilespmem:s11+$0xFFFFFEE0] =	vst v27;
	v63 =	vld [tilespmem:s12+$0xFFFFFFF0]  }
0x1c9: {  	[tilespmem:s11+$0xFFFFFF30] =	vst v29;
	v27 =	vmul.f32 $1.442695020e+00, v26;
	(erf) = vpow2.f32 v28;
	v30 =	vld [tilespmem:s12+$0xFFFFFF20]  }
0x1ca: {  	v17 =	vperm.xlane v16, v4;
	v29 =	vld [tilespmem:s12+$0xFFFFFF60];
	v28 =	vmul.f32 $1.442695020e+00, v25  }
0x1cb: {  	v22 =	vld [tilespmem:s13+$0xFFFFFF40];
	(erf) = vpow2.f32 v27;
	v27 =	vperm.xlane v18, v4;
	[tilespmem:s11+$0xFFFFFF80] =	vst v31  }
0x1cc: {  	s8 =	simm.s32 $0x4DB0;
	[tilespmem:s2+$0xFFFFFFA0] =	vst v56;
	v25 =	vperm.xlane v13, v4;
	(erf) = vpow2.f32 v28;
	v28 =	vld [tilespmem:s12+$0xFFFFFFA0]  }
0x1cd: {  	s18 =	simm.s32 $0x94F0;
	s19 =	simm.s32 $0xB30;
	[tilespmem:s9+$0x0] =	vst v39;
	v26 =	vld [tilespmem:s13+$0xFFFFFFC0];
	s13 =	simm.s32 $0xC;
	v31 =	vmul.f32 v27, v63;
	v27 =	vmul.f32 v53, v61  }
.LBB2_10:
0x1ce: {  	v33 =	vld [tilespmem:s19+$0x0];
	s15 =	sadd.s32 $0x40, s15;
	v21 =	vmul.f32 v21, v30;
	[tilespmem:s9+$0xFFFFFF00] =	vst v32;
	v24 =	vmul.f32 v14, v24;
	v14 =	vmov v25  }
0x1cf: {  	v16 =	vperm.xlane v16, v5;
	v32 =	vperm.xlane v12, v5;
	s8 =	sadd.s32 $0x140, s8;
	v25 =	vld [tilespmem:s15+$0x0];
	v30 =	vpop (erf);
	[tilespmem:s11+$0xFFFFFFF0] =	vst v31  }
0x1d0: {  	s18 =	sadd.s32 $0x100, s18;
	[tilespmem:s8+$0xFFFFFFC0] =	vst v30;
	v19 =	vmul.f32 v19, v29;
	v29 =	vperm.xlane v13, v5;
	v31 =	vld [tilespmem:s12+$0x0]  }
0x1d1: {  	s13 =	sadd.s32 $0x4, s13;
	v22 =	vmul.f32 v7, v22;
	v7 =	vmovc v11;
	v11 =	vmov v16;
	v34 =	vld [tilespmem:s18+$0xFFFFFFD0];
	[tilespmem:s11+$0xFFFFFEF0] =	vst v21;
	v20 =	vmul.f32 v20, v28  }
0x1d2: {  	v23 =	vmul.f32 v6, v23;
	v6 =	vmov v10;
	p0 =	slt.u32 s13, $0x7C;
	v26 =	vmul.f32 v8, v26;
	v28 =	vld [tilespmem:s15+$0xFFFFFFD0];
	v12 =	vpop (erf);
	[tilespmem:s11+$0xFFFFFF40] =	vst v19  }
0x1d3: {  	v10 =	vmovc v32;
	v21 =	vperm.xlane v18, v5;
	v18 =	vmov v30;
	v35 =	vld [tilespmem:s19+$0xFFFFFFE0];
	[tilespmem:s8+$0xFFFFFF20] =	vst v12;
	v36 =	vperm.xlane v12, v2  }
0x1d4: {  	v8 =	vmov v9;
	v32 =	vperm.xlane v18, v2;
	v19 =	vperm.xlane v12, v3;
	v30 =	vld [tilespmem:s15+$0xFFFFFFE0];
	v13 =	vpop (erf);
	[tilespmem:s11+$0xFFFFFF90] =	vst v20  }
0x1d5: {  	v9 =	vmov v29;
	v37 =	vld [tilespmem:s19+$0xFFFFFFF0];
	[tilespmem:s8+$0xFFFFFF70] =	vst v13;
	v38 =	vperm.xlane v13, v2;
	v16 =	vpop (erf);
	v20 =	vmul.f32 v21, v31  }
0x1d6: {  	v31 =	vadd.f32 v25, v33;
	v29 =	vld [tilespmem:s15+$0xFFFFFFF0];
	[tilespmem:s8+$0xFFFFFED0] =	vst v16;
	v33 =	vperm.xlane v16, v2;
	v32 =	vmul.f32 v32, v34  }
0x1d7: {  	v21 =	vperm.xlane v16, v3;
	v34 =	vld [tilespmem:s19+$0xFFFFFFD0];
	v39 =	vperm.xlane v28, v1;
	[tilespmem:s11+$0x0] =	vst v20  }
0x1d8: {  	v40 =	vmul.f32 $2.000000030e-01, v31;
	v20 =	vperm.xlane v13, v3;
	v41 =	vld [tilespmem:s18+$0xFFFFFF10];
	[tilespmem:s8+$0xFFFFFFD0] =	vst v32  }
0x1d9: {  	v25 =	vperm.xlane v25, v1;
	v32 =	vadd.f32 v30, v35;
	v30 =	vperm.xlane v30, v1;
	v35 =	vld [tilespmem:s18+$0xFFFFFFE0];
	[tilespmem:s9+$0xFFFFFF50] =	vst v27  }
0x1da: {  	v42 =	vperm.xlane v12, v4;
	v27 =	vmax.f32 v31, v40;
	v31 =	vperm.xlane v16, v4;
	v40 =	vld [tilespmem:s18+$0xFFFFFF50];
	[tilespmem:s9+$0xFFFFFFA0] =	vst v24  }
0x1db: {  	v25 =	vsub.f32 v27, v25;
	v24 =	vmul.f32 $2.000000030e-01, v32;
	v37 =	vadd.f32 v29, v37;
	v27 =	vld [tilespmem:s18+$0xFFFFFF90];
	[tilespmem:s2+$0xFFFFFF10] =	vst v22  }
0x1dc: {  	v29 =	vperm.xlane v29, v1;
	v22 =	vperm.xlane v18, v3;
	v28 =	vadd.f32 v28, v34;
	v34 =	vld [tilespmem:s12+$0xFFFFFF30];
	[tilespmem:s2+$0xFFFFFF60] =	vst v23  }
0x1dd: {  	v25 =	vmul.f32 $1.442695020e+00, v25;
	v23 =	vmax.f32 v32, v24;
	v32 =	vmul.f32 $2.000000030e-01, v37;
	v43 =	vld [tilespmem:s12+$0xFFFFFF70];
	[tilespmem:s2+$0xFFFFFFB0] =	vst v26;
	s2 =	smov.u32 s9;
	s9 =	smov.u32 s11;
	s11 =	smov.u32 s8  }
0x1de: {  	v26 =	vmul.f32 $2.000000030e-01, v28;
	v23 =	vsub.f32 v23, v30;
	v30 =	vmul.f32 v22, v35;
	v24 =	vld [tilespmem:s12+$0xFFFFFFB0]  }
0x1df: {  	v32 =	vmax.f32 v37, v32;
	(erf) = vpow2.f32 v25;
	v25 =	vmul.f32 v33, v41;
	v22 =	vld [tilespmem:s10+$0xFFFFFF40]  }
0x1e0: {  	v26 =	vmax.f32 v28, v26;
	v28 =	vmul.f32 $1.442695020e+00, v23;
	v29 =	vsub.f32 v32, v29;
	[tilespmem:s8+$0xFFFFFFE0] =	vst v30;
	v23 =	vld [tilespmem:s10+$0xFFFFFF80]  }
0x1e1: {  	v27 =	vmul.f32 v38, v27;
	v26 =	vsub.f32 v26, v39;
	[tilespmem:s8+$0xFFFFFEE0] =	vst v25;
	v25 =	vmul.f32 v36, v40;
	v33 =	vld [tilespmem:s18+$0xFFFFFFF0]  }
.Ltmp8:
0x1e2: {  	v29 =	vmul.f32 $1.442695020e+00, v29;
	(erf) = vpow2.f32 v28;
	v30 =	vld [tilespmem:s18+$0xFFFFFF20];
	(pc) =	sbr.rel @p0 .LBB2_10-.Ltmp8, $4  }
0x1e3: {  	v28 =	vmul.f32 $1.442695020e+00, v26;
	[tilespmem:s8+$0xFFFFFF30] =	vst v25;
	v25 =	vperm.xlane v13, v4;
	v26 =	vld [tilespmem:s10+$0xFFFFFFC0];
	s10 =	smov.u32 s12;
	s12 =	smov.u32 s18  }
0x1e4: {  	(erf) = vpow2.f32 v29;
	v29 =	vld [tilespmem:s18+$0xFFFFFF60];
	[tilespmem:s8+$0xFFFFFF80] =	vst v27;
	v27 =	vperm.xlane v18, v4  }
0x1e5: {  	v32 =	vmul.f32 v17, v34;
	v17 =	vmov v31;
	(erf) = vpow2.f32 v28;
	v28 =	vld [tilespmem:s18+$0xFFFFFFA0]  }
0x1e6: {  	s19 =	sadd.s32 $0x40, s19;
	v31 =	vmul.f32 v27, v33;
	v27 =	vmul.f32 v15, v43;
	v15 =	vmov v42  }
0x1e7: {  	_ = 	snop  }
0x1e8: {  	s8 =	sadd.s32 $0x140, s8;
	v33 =	vpop (erf)  }
0x1e9: {  	s13 =	sadd.s32 $0x100, s18;
	[tilespmem:s8+$0xFFFFFFC0] =	vst v33  }
0x1ea: {  	v34 =	vld [tilespmem:s13+$0xFFFFFFD0];
	_ =	sdelay $0x2  }
0x1eb: {  	v35 =	vperm.xlane v33, v2;
	_ =	sdelay $0x1  }
0x1ec: {  	v21 =	vmul.f32 v21, v30;
	[tilespmem:s9+$0xFFFFFF00] =	vst v32;
	v34 =	vmul.f32 v35, v34  }
0x1ed: {  	[tilespmem:s11+$0xFFFFFFF0] =	vst v31  }
0x1ee: {  	v30 =	vpop (erf);
	[tilespmem:s8+$0xFFFFFFD0] =	vst v34  }
0x1ef: {  	[tilespmem:s11+$0xFFFFFEF0] =	vst v21;
	v31 =	vpop (erf);
	v53 =	vld [tilespmem:s13+$0xFFFFFFE0]  }
0x1f0: {  	v21 =	vpop (erf);
	[tilespmem:s8+$0xFFFFFF70] =	vst v31  }
0x1f1: {  	[tilespmem:s8+$0xFFFFFED0] =	vst v21;
	v58 =	vld [tilespmem:s13+$0xFFFFFF90]  }
0x1f2: {  	v14 =	vmul.f32 v14, v24;
	v55 =	vperm.xlane v33, v3;
	[tilespmem:s8+$0xFFFFFF20] =	vst v30;
	v56 =	vld [tilespmem:s13+$0xFFFFFF10]  }
0x1f3: {  	v7 =	vmul.f32 v7, v22;
	[tilespmem:s9+$0xFFFFFF50] =	vst v27;
	v57 =	vld [tilespmem:s13+$0xFFFFFF50]  }
0x1f4: {  	[tilespmem:s9+$0xFFFFFFA0] =	vst v14;
	v62 =	vperm.xlane v31, v2;
	v32 =	vmul.f32 v55, v53  }
0x1f5: {  	v6 =	vmul.f32 v6, v23;
	[tilespmem:s2+$0xFFFFFF10] =	vst v7;
	v59 =	vperm.xlane v21, v2  }
0x1f6: {  	v60 =	vperm.xlane v30, v2;
	v36 =	vmul.f32 v62, v58;
	[tilespmem:s8+$0xFFFFFFE0] =	vst v32  }
0x1f7: {  	[tilespmem:s2+$0xFFFFFF60] =	vst v6;
	v63 =	vmul.f32 v59, v56;
	v61 =	vld [tilespmem:s13+$0xFFFFFFF0]  }
0x1f8: {  	v54 =	vld [tilespmem:s12+$0x0];
	v35 =	vmul.f32 v60, v57;
	[tilespmem:s8+$0xFFFFFF80] =	vst v36  }
0x1f9: {  	v8 =	vmul.f32 v8, v26;
	[tilespmem:s8+$0xFFFFFEE0] =	vst v63;
	v40 =	vld [tilespmem:s13+$0xFFFFFFA0]  }
0x1fa: {  	v19 =	vmul.f32 v19, v29;
	v37 =	vperm.xlane v33, v4;
	[tilespmem:s8+$0xFFFFFF30] =	vst v35;
	v38 =	vld [tilespmem:s13+$0xFFFFFF20]  }
0x1fb: {  	v18 =	vperm.xlane v18, v5;
	v20 =	vmul.f32 v20, v28;
	[tilespmem:s2+$0xFFFFFFB0] =	vst v8;
	v27 =	vld [tilespmem:s13+$0xFFFFFF60]  }
0x1fc: {  	v42 =	vld [tilespmem:s12+$0xFFFFFF30];
	[tilespmem:s11+$0xFFFFFF40] =	vst v19;
	v44 =	vperm.xlane v31, v3;
	v39 =	vmul.f32 v37, v61  }
0x1fd: {  	[tilespmem:s11+$0xFFFFFF90] =	vst v20;
	v6 =	vld [tilespmem:s12+$0xFFFFFF70];
	v18 =	vmul.f32 v18, v54;
	v41 =	vperm.xlane v21, v3  }
0x1fe: {  	v43 =	vperm.xlane v30, v3;
	v45 =	vld [tilespmem:s12+$0xFFFFFFB0];
	v14 =	vmul.f32 v44, v40;
	[tilespmem:s8+$0xFFFFFFF0] =	vst v39  }
0x1ff: {  	[tilespmem:s11+$0x0] =	vst v18;
	v19 =	vmul.f32 v41, v38;
	v7 =	vld [tilespmem:s13+$0x0]  }
0x200: {  	v46 =	vld [tilespmem:s10+$0xFFFFFF40];
	v18 =	vmul.f32 v43, v27;
	[tilespmem:s8+$0xFFFFFF90] =	vst v14  }
0x201: {  	v17 =	vmul.f32 v17, v42;
	[tilespmem:s8+$0xFFFFFEF0] =	vst v19;
	v50 =	vld [tilespmem:s13+$0xFFFFFFB0]  }
0x202: {  	v47 =	vperm.xlane v33, v5;
	v6 =	vmul.f32 v15, v6;
	[tilespmem:s8+$0xFFFFFF40] =	vst v18;
	v48 =	vld [tilespmem:s13+$0xFFFFFF30]  }
0x203: {  	[tilespmem:s11+$0xFFFFFF00] =	vst v17;
	v8 =	vmul.f32 v25, v45;
	v49 =	vld [tilespmem:s13+$0xFFFFFF70]  }
0x204: {  	v52 =	vld [tilespmem:s10+$0xFFFFFF80];
	[tilespmem:s11+$0xFFFFFF50] =	vst v6;
	v6 =	vperm.xlane v31, v4;
	v7 =	vmul.f32 v47, v7  }
0x205: {  	v11 =	vmul.f32 v11, v46;
	v51 =	vperm.xlane v21, v4;
	v54 =	vld [tilespmem:s12+$0xFFFFFF40];
	[tilespmem:s11+$0xFFFFFFA0] =	vst v8  }
0x206: {  	v56 =	vld [tilespmem:s12+$0xFFFFFFC0];
	v6 =	vmul.f32 v6, v50;
	[tilespmem:s8+$0x0] =	vst v7;
	v7 =	vperm.xlane v30, v4  }
0x207: {  	[tilespmem:s9+$0xFFFFFF10] =	vst v11;
	v53 =	vld [tilespmem:s10+$0xFFFFFFC0];
	v17 =	vmul.f32 v51, v48  }
0x208: {  	v57 =	vperm.xlane v16, v5;
	v55 =	vld [tilespmem:s12+$0xFFFFFF80];
	[tilespmem:s8+$0xFFFFFFA0] =	vst v6;
	v7 =	vmul.f32 v7, v49  }
0x209: {  	v13 =	vperm.xlane v13, v5;
	v10 =	vmul.f32 v10, v52;
	[tilespmem:s8+$0xFFFFFF00] =	vst v17;
	v58 =	vld [tilespmem:s13+$0xFFFFFFC0]  }
0x20a: {  	v8 =	vmul.f32 v57, v54;
	[tilespmem:s8+$0xFFFFFF50] =	vst v7;
	v7 =	vld [tilespmem:s13+$0xFFFFFF40]  }
0x20b: {  	v12 =	vperm.xlane v12, v5;
	[tilespmem:s9+$0xFFFFFF60] =	vst v10;
	v62 =	vmul.f32 v13, v56;
	v6 =	vld [tilespmem:s13+$0xFFFFFF80]  }
0x20c: {  	v63 =	vperm.xlane v31, v5;
	[tilespmem:s11+$0xFFFFFF10] =	vst v8;
	v9 =	vmul.f32 v9, v53  }
0x20d: {  	v59 =	vperm.xlane v21, v5;
	v60 =	vmul.f32 v12, v55;
	[tilespmem:s11+$0xFFFFFFB0] =	vst v62  }
0x20e: {  	[tilespmem:s9+$0xFFFFFFB0] =	vst v9;
	v61 =	vperm.xlane v30, v5;
	v8 =	vmul.f32 v63, v58  }
0x20f: {  	[tilespmem:s11+$0xFFFFFF60] =	vst v60;
	v7 =	vmul.f32 v59, v7  }
0x210: {  	[tilespmem:s8+$0xFFFFFFB0] =	vst v8;
	v6 =	vmul.f32 v61, v6  }
0x211: {  	[tilespmem:s8+$0xFFFFFF10] =	vst v7  }
.Ltmp9:
0x212: {  	[tilespmem:s8+$0xFFFFFF60] =	vst v6;
	(pc) =	sbr.rel .LBB2_12-.Ltmp9, $4  }
0x213: {  	[spmem:s3] =	stream.indirect.scatter.add.f32 [tilespmem:s25], [sflag:$0x3], $0x50, s0, s24, $0xb8;
	[tilespmem:$0x17A00] =	vst v63  }
0x214: {  	_ =	swait.ge [sflag:s22], $0x2800  }
0x215: {  	[sflag:s22] =	ssyncset.done $0x0  }
0x216: {  	[sflag:s22] =	ssyncadd.s32 $0xFFFFD800  }
.LBB2_14:
0x217: {  	_ =	sfence.sel $0x180000  }
0x218: {  	[bflag:$0x0] =	sbarrier.arrive $0xFFFF  }
0x219: {  	_ =	strace $0x90000047  }
0x21a: {  	s0 =	stileid.u32;
	[bflag:$0x2] =	sbarrier.arrive $0xFFFF  }
0x21b: {  	p0 =	sne.s32 s0, $0x0;
	s0 =	rddreg [dreg:$0x3]  }
0x21c: {  	s0 =	sadd.s32 @!p0 $0x100000, s0  }
0x21d: {  	[sflag:s0] =	ssyncadd.tile.s32 @!p0 $0x1;
	_ =	shalt  }
.Lfunc_end2:
_tile_overlayer_lowered:
.L_overlay_start_2:
0x21e: {  	(tag) =	ssettag $0x2  }
0x21f: {  	s0 =	rddreg [dreg:$0x0];
	s2 =	stileid.u32  }
0x220: {  	s1 =	rddreg [dreg:$0x1];
	p0 =	sne.s32 s2, $0x0  }
0x221: {  	s3 =	rddreg [dreg:$0x2];
	[bflag:$0x3] =	sbarrier.arrive $0xFFFF;
	s2 =	simm.s32 @!p0 $0x1C03  }
0x222: {  	[timem:s3], [sflag:s2] =	dma.local @!p0 [hbm:s0], s1  }
0x223: {  	s0 =	simm.s32 @!p0 $0x3  }
0x224: {  	_ =	swait.ge @!p0 [sflag:s0], s1  }
0x225: {  	s1 =	ssub.s32 @!p0 $0x0, s1;
	[sflag:s0] =	ssyncset.done @!p0 $0x0  }
0x226: {  	[sflag:s0] =	ssyncadd.s32 @!p0 s1  }
0x227: {  	[bflag:$0x3] =	sbarrier.arrive $0xFFFF  }
0x228: {  	_ =	shalt  }

</sc_bundles>
